<compile_context>
chip_gen: v7x
topology: tpu7x:2x2x1
jax: 0.10.2.dev20260603
libtpu: 0.0.44.dev20260713+nightly
codegen_flags: <defaults>
</compile_context>

<pallas_src>
import functools

import jax
import jax.numpy as jnp
from jax import lax
from jax.experimental import pallas as pl
from jax.experimental.pallas import tpu as pltpu
from jax.experimental.pallas import tpu_sc as plsc

NN = 10000
EE = 320000
DD = 128
HH = 32
GG = 64
NP = 10240
CH = 128
SB = 4
EP = 327680
ER = EP // CH
TT = 10
NWORK = 32
PERT = NP // 16

_mesh = plsc.VectorSubcoreMesh(core_axis_name="c", subcore_axis_name="s")


def _wid(c, s):
    return s * 2 + c


@functools.partial(
    pl.kernel,
    out_type=jax.ShapeDtypeStruct((2, NP), jnp.float32),
    mesh=_mesh,
    scratch_types=[
        pltpu.VMEM((2 * SB, CH), jnp.int32),
        pltpu.VMEM((CH,), jnp.float32),
        pltpu.VMEM((PERT,), jnp.float32),
        pltpu.SemaphoreType.DMA,
        pltpu.SemaphoreType.DMA,
        pltpu.VMEM_SHARED((NP,), jnp.float32),
    ],
)
def _k1_deg(dst2_hbm, z640_hbm, deg_out, idx_d, ones_v, zb, sem_i, sem_w, deg_s):
    c = lax.axis_index("c")
    s = lax.axis_index("s")
    wid = _wid(c, s)
    for i in range(CH // 16):
        ones_v[pl.ds(16 * i, 16)] = jnp.full((16,), 1.0, jnp.float32)
    pltpu.sync_copy(z640_hbm, zb)
    pltpu.sync_copy(zb, deg_s.at[pl.ds(s * PERT, PERT)])
    plsc.subcore_barrier()

    def body(t, carry):
        rowA = (wid + NWORK * (2 * t)) * SB
        rowB = (wid + NWORK * (2 * t + 1)) * SB
        d1 = pltpu.async_copy(dst2_hbm.at[pl.ds(rowA, SB)],
                              idx_d.at[pl.ds(0, SB)], sem_i)
        d2 = pltpu.async_copy(dst2_hbm.at[pl.ds(rowB, SB)],
                              idx_d.at[pl.ds(SB, SB)], sem_i)
        d1.wait()
        d2.wait()
        ws = [pltpu.async_copy(ones_v, deg_s.at[idx_d.at[q]], sem_w, add=True)
              for q in range(2 * SB)]
        for w in ws:
            w.wait()
        return carry

    lax.fori_loop(0, TT, body, 0)
    plsc.subcore_barrier()
    pltpu.sync_copy(deg_s.at[pl.ds(s * PERT, PERT)],
                    deg_out.at[c].at[pl.ds(s * PERT, PERT)])


def _k2a_body(d0_ref, d1_ref, disrepT_ref):
    deg = d0_ref[0] + d1_ref[0] + 1.0
    dis = 1.0 / jnp.sqrt(deg)
    disrepT_ref[...] = jnp.broadcast_to(dis, (HH, dis.shape[1]))


def _k2a(deg_p):
    rb = 1024
    grid = NP // rb
    deg3 = deg_p.reshape(2 * NP // rb, 1, rb)
    return pl.pallas_call(
        _k2a_body,
        grid=(grid,),
        in_specs=[
            pl.BlockSpec((1, 1, rb), lambda i: (i, 0, 0)),
            pl.BlockSpec((1, 1, rb), lambda i: (i + NP // rb, 0, 0)),
        ],
        out_specs=pl.BlockSpec((HH, rb), lambda i: (0, i)),
        out_shape=jax.ShapeDtypeStruct((HH, NP), jnp.float32),
    )(deg3, deg3)


def _k2b_body(x_ref, w1_ref, disrep_ref, hd_ref):
    h = jnp.dot(x_ref[...], w1_ref[...], preferred_element_type=jnp.float32)
    hd_ref[...] = h * disrep_ref[...]


def _k2b(x_p, w1, disrep):
    rb = 1024
    grid = NP // rb
    return pl.pallas_call(
        _k2b_body,
        grid=(grid,),
        in_specs=[
            pl.BlockSpec((rb, DD), lambda i: (i, 0)),
            pl.BlockSpec((DD, HH), lambda i: (0, 0)),
            pl.BlockSpec((rb, HH), lambda i: (i, 0)),
        ],
        out_specs=pl.BlockSpec((rb, HH), lambda i: (i, 0)),
        out_shape=jax.ShapeDtypeStruct((NP, HH), jnp.float32),
    )(x_p, w1, disrep)


@functools.partial(
    pl.kernel,
    out_type=jax.ShapeDtypeStruct((2, NP, HH), jnp.float32),
    mesh=_mesh,
    scratch_types=[
        pltpu.VMEM((2 * SB, CH), jnp.int32),
        pltpu.VMEM((2 * SB, CH), jnp.int32),
        pltpu.VMEM((2 * SB * CH, HH), jnp.float32),
        pltpu.VMEM((CH, HH), jnp.float32),
        pltpu.SemaphoreType.DMA,
        pltpu.SemaphoreType.DMA,
        pltpu.SemaphoreType.DMA,
        pltpu.VMEM_SHARED((NP, HH), jnp.float32),
    ],
    compiler_params=pltpu.CompilerParams(use_tc_tiling_on_sc=False),
)
def _k3_msg(hd_hbm, src2_hbm, dst2_hbm, zrow_hbm, acc_out,
            idx_s, idx_d, rows, zb, sem_i, sem_g, sem_w, acc_s):
    c = lax.axis_index("c")
    s = lax.axis_index("s")
    wid = _wid(c, s)
    pltpu.sync_copy(zrow_hbm, zb)
    for j in range(PERT // CH):
        pltpu.sync_copy(zb, acc_s.at[pl.ds(s * PERT + j * CH, CH)])
    plsc.subcore_barrier()

    def body(t, carry):
        rowA = (wid + NWORK * (2 * t)) * SB
        rowB = (wid + NWORK * (2 * t + 1)) * SB
        ds_ = [
            pltpu.async_copy(src2_hbm.at[pl.ds(rowA, SB)],
                             idx_s.at[pl.ds(0, SB)], sem_i),
            pltpu.async_copy(dst2_hbm.at[pl.ds(rowA, SB)],
                             idx_d.at[pl.ds(0, SB)], sem_i),
            pltpu.async_copy(src2_hbm.at[pl.ds(rowB, SB)],
                             idx_s.at[pl.ds(SB, SB)], sem_i),
            pltpu.async_copy(dst2_hbm.at[pl.ds(rowB, SB)],
                             idx_d.at[pl.ds(SB, SB)], sem_i),
        ]
        for d in ds_:
            d.wait()
        gs = [pltpu.async_copy(hd_hbm.at[idx_s.at[q]],
                               rows.at[pl.ds(CH * q, CH)], sem_g)
              for q in range(2 * SB)]
        for g in gs:
            g.wait()
        ws = [pltpu.async_copy(rows.at[pl.ds(CH * q, CH)],
                               acc_s.at[idx_d.at[q]], sem_w, add=True)
              for q in range(2 * SB)]
        for w in ws:
            w.wait()
        return carry

    lax.fori_loop(0, TT, body, 0)
    plsc.subcore_barrier()
    pltpu.sync_copy(acc_s.at[pl.ds(s * PERT, PERT)],
                    acc_out.at[c].at[pl.ds(s * PERT, PERT)])


def _k4_body(acc_ref, hd_ref, disrep_ref, b1_ref, w2_ref, zd_ref):
    disrep = disrep_ref[...]
    pre = (acc_ref[0] + acc_ref[1] + hd_ref[...]) * disrep + b1_ref[...]
    a1 = jnp.maximum(pre, 0.0)
    z = jnp.dot(a1, w2_ref[...], preferred_element_type=jnp.float32)
    zd_ref[...] = z * disrep


def _k4(acc_p, hd, disrep, b1r, w2):
    rb = 1024
    grid = NP // rb
    return pl.pallas_call(
        _k4_body,
        grid=(grid,),
        in_specs=[
            pl.BlockSpec((2, rb, HH), lambda i: (0, i, 0)),
            pl.BlockSpec((rb, HH), lambda i: (i, 0)),
            pl.BlockSpec((rb, HH), lambda i: (i, 0)),
            pl.BlockSpec((1, HH), lambda i: (0, 0)),
            pl.BlockSpec((HH, HH), lambda i: (0, 0)),
        ],
        out_specs=pl.BlockSpec((rb, HH), lambda i: (i, 0)),
        out_shape=jax.ShapeDtypeStruct((NP, HH), jnp.float32),
    )(acc_p, hd, disrep, b1r, w2)


@functools.partial(
    pl.kernel,
    out_type=(jax.ShapeDtypeStruct((2, CH, HH), jnp.float32),
              jax.ShapeDtypeStruct((2, CH, HH), jnp.float32)),
    mesh=_mesh,
    scratch_types=[
        pltpu.VMEM((2 * SB, CH), jnp.int32),
        pltpu.VMEM((2 * SB, CH), jnp.int32),
        pltpu.VMEM((2 * SB * CH, HH), jnp.float32),
        pltpu.VMEM((CH, HH), jnp.float32),
        pltpu.VMEM((CH, HH), jnp.float32),
        pltpu.VMEM((CH, HH), jnp.float32),
        pltpu.VMEM((CH, HH), jnp.float32),
        pltpu.VMEM((CH,), jnp.float32),
        pltpu.VMEM((CH,), jnp.int32),
        pltpu.VMEM((CH, HH), jnp.float32),
        pltpu.SemaphoreType.DMA,
        pltpu.SemaphoreType.DMA,
        pltpu.SemaphoreType.DMA,
        pltpu.VMEM_SHARED((NP, HH), jnp.float32),
        pltpu.VMEM_SHARED((CH, HH), jnp.float32),
        pltpu.VMEM_SHARED((CH, HH), jnp.float32),
    ],
    compiler_params=pltpu.CompilerParams(
        use_tc_tiling_on_sc=False, needs_layout_passes=False),
)
def _k5_pool(zd_hbm, dis_hbm, batch_hbm, src2_hbm, dst2_hbm, zrow_hbm,
             bins_out, cnt_out,
             idx_s, idx_d, rows, rbuf2, zbuf2, qbuf2, cbuf2, dbuf, bbuf, zb,
             sem_i, sem_g, sem_w, racc_s, bins_s, cbin_s):
    c = lax.axis_index("c")
    s = lax.axis_index("s")
    wid = _wid(c, s)
    pltpu.sync_copy(zrow_hbm, zb)
    for j in range(PERT // CH):
        pltpu.sync_copy(zb, racc_s.at[pl.ds(s * PERT + j * CH, CH)])

    @pl.when(s == 0)
    def _():
        pltpu.sync_copy(zb, bins_s)

    @pl.when(s == 1)
    def _():
        pltpu.sync_copy(zb, cbin_s)

    plsc.subcore_barrier()

    def body(t, carry):
        rowA = (wid + NWORK * (2 * t)) * SB
        rowB = (wid + NWORK * (2 * t + 1)) * SB
        ds_ = [
            pltpu.async_copy(src2_hbm.at[pl.ds(rowA, SB)],
                             idx_s.at[pl.ds(0, SB)], sem_i),
            pltpu.async_copy(dst2_hbm.at[pl.ds(rowA, SB)],
                             idx_d.at[pl.ds(0, SB)], sem_i),
            pltpu.async_copy(src2_hbm.at[pl.ds(rowB, SB)],
                             idx_s.at[pl.ds(SB, SB)], sem_i),
            pltpu.async_copy(dst2_hbm.at[pl.ds(rowB, SB)],
                             idx_d.at[pl.ds(SB, SB)], sem_i),
        ]
        for d in ds_:
            d.wait()
        gs = [pltpu.async_copy(zd_hbm.at[idx_s.at[q]],
                               rows.at[pl.ds(CH * q, CH)], sem_g)
              for q in range(2 * SB)]
        for g in gs:
            g.wait()
        ws = [pltpu.async_copy(rows.at[pl.ds(CH * q, CH)],
                               racc_s.at[idx_d.at[q]], sem_w, add=True)
              for q in range(2 * SB)]
        for w in ws:
            w.wait()
        return carry

    lax.fori_loop(0, TT, body, 0)
    plsc.subcore_barrier()

    coef = jnp.where(c == 0, 1.0, 0.0).astype(jnp.float32)

    def cfill(v, carry):
        for half in range(HH // 16):
            cbuf2[v, pl.ds(16 * half, 16)] = jnp.zeros((16,), jnp.float32) + coef
        return carry

    lax.fori_loop(0, CH, cfill, 0)

    for k in range(PERT // CH):
        off = s * PERT + k * CH
        pltpu.sync_copy(racc_s.at[pl.ds(off, CH)], rbuf2)
        pltpu.sync_copy(zd_hbm.at[pl.ds(off, CH)], zbuf2)
        pltpu.sync_copy(dis_hbm.at[pl.ds(off, CH)], dbuf)
        pltpu.sync_copy(batch_hbm.at[pl.ds(off, CH)], bbuf)

        def nbody(v, carry):
            dv = plsc.load_gather(dbuf, [jnp.zeros((16,), jnp.int32) + v])
            for half in range(HH // 16):
                sl = pl.ds(16 * half, 16)
                qbuf2[v, sl] = dv * (rbuf2[v, sl] + coef * zbuf2[v, sl])
            return carry

        lax.fori_loop(0, CH, nbody, 0)
        pltpu.sync_copy(qbuf2, bins_s.at[bbuf], add=True)
        pltpu.sync_copy(cbuf2, cbin_s.at[bbuf], add=True)
    plsc.subcore_barrier()

    @pl.when(s == 0)
    def _():
        pltpu.sync_copy(bins_s, bins_out.at[c])

    @pl.when(s == 1)
    def _():
        pltpu.sync_copy(cbin_s, cnt_out.at[c])


def _k6_body(bins_ref, cnt_ref, b2_ref, wl_ref, bl_ref, out_ref):
    b = bins_ref[0, :GG] + bins_ref[1, :GG]
    cn = cnt_ref[0, :GG] + cnt_ref[1, :GG]
    pooled = b / jnp.maximum(cn, 1.0) + jnp.where(cn > 0.0, b2_ref[...], 0.0)
    out = jnp.dot(pooled, wl_ref[...], preferred_element_type=jnp.float32)
    out_ref[...] = out + bl_ref[...]


def _k6(bins_p, cnt_p, b2r, wl, blr):
    return pl.pallas_call(
        _k6_body,
        in_specs=[
            pl.BlockSpec((2, CH, HH), lambda: (0, 0, 0)),
            pl.BlockSpec((2, CH, HH), lambda: (0, 0, 0)),
            pl.BlockSpec((1, HH), lambda: (0, 0)),
            pl.BlockSpec((HH, 1), lambda: (0, 0)),
            pl.BlockSpec((1, 1), lambda: (0, 0)),
        ],
        out_specs=pl.BlockSpec((GG, 1), lambda: (0, 0)),
        out_shape=jax.ShapeDtypeStruct((GG, 1), jnp.float32),
    )(bins_p, cnt_p, b2r, wl, blr)


def kernel(x, edge_index, batch, W1, b1, W2, b2, Wl, bl):
    src2 = jnp.pad(edge_index[0], (0, EP - EE), constant_values=NN).reshape(ER, CH)
    dst2 = jnp.pad(edge_index[1], (0, EP - EE), constant_values=NN).reshape(ER, CH)
    x_p = jnp.pad(x, ((0, NP - NN), (0, 0)))
    batch_p = jnp.pad(batch, (0, NP - NN), constant_values=GG)
    z640 = jnp.zeros((PERT,), jnp.float32)
    zrow = jnp.zeros((CH, HH), jnp.float32)
    b1r = b1.reshape(1, HH)
    b2r = b2.reshape(1, HH)
    blr = bl.reshape(1, 1)

    deg_p = _k1_deg(dst2, z640)
    disrep = _k2a(deg_p).T
    hd = _k2b(x_p, W1, disrep)
    acc_p = _k3_msg(hd, src2, dst2, zrow)
    zdrep = _k4(acc_p, hd, disrep, b1r, W2)
    bins_p, cnt_p = _k5_pool(zdrep, disrep[:, 0], batch_p, src2, dst2, zrow)
    return _k6(bins_p, cnt_p, b2r, Wl, blr)

# --- scband reference (transcript-rebuilt; emitter-appended) ---
"""Pipeline reference for scband-gcn-40140764349028 (READ-ONLY COPY).

The authoritative reference and input builder live on the scoring server;
editing this copy changes nothing except your own understanding.
"""

import jax, jax.numpy as jnp
import numpy as np

N = 10000
E = 320000
D = 128
H = 32
G = 64


def setup_inputs(seed: int = 0) -> dict:
    key = jax.random.key(seed)
    ks = jax.random.split(key, 10)
    x = jax.random.normal(ks[0], (N, D), dtype=jnp.float32)
    edge_index = jax.random.randint(ks[1], (2, E), 0, N, dtype=jnp.int32)
    batch = jnp.sort(jax.random.randint(ks[2], (N,), 0, G, dtype=jnp.int32))
    W1 = jax.random.normal(ks[3], (D, H), dtype=jnp.float32) * 0.05
    b1 = jnp.zeros((H,), dtype=jnp.float32)
    W2 = jax.random.normal(ks[4], (H, H), dtype=jnp.float32) * 0.05
    b2 = jnp.zeros((H,), dtype=jnp.float32)
    Wl = jax.random.normal(ks[5], (H, 1), dtype=jnp.float32) * 0.05
    bl = jnp.zeros((1,), dtype=jnp.float32)
    return {"x": x, "edge_index": edge_index, "batch": batch,
            "W1": W1, "b1": b1, "W2": W2, "b2": b2, "Wl": Wl, "bl": bl}


def _gcn_conv(x, src, dst, W, b, num_nodes):
    # PyG GCNConv: add self-loops, symmetric normalization deg^{-1/2} A_hat deg^{-1/2}
    loop = jnp.arange(num_nodes, dtype=src.dtype)
    s = jnp.concatenate([src, loop])
    d = jnp.concatenate([dst, loop])
    h = x @ W
    ones = jnp.ones(s.shape[0], dtype=x.dtype)
    deg = jax.ops.segment_sum(ones, d, num_segments=num_nodes)
    deg_inv_sqrt = jnp.where(deg > 0, 1.0 / jnp.sqrt(deg), 0.0)
    norm = deg_inv_sqrt[s] * deg_inv_sqrt[d]
    msg = norm[:, None] * h[s]
    out = jax.ops.segment_sum(msg, d, num_segments=num_nodes)
    return out + b


def reference(x, edge_index, batch, W1, b1, W2, b2, Wl, bl):
    src = edge_index[0]
    dst = edge_index[1]
    # dropout_rate=0.0 -> dropouts are identity
    h = _gcn_conv(x, src, dst, W1, b1, N)
    h = jax.nn.relu(h)
    h = _gcn_conv(h, src, dst, W2, b2, N)
    # global_mean_pool over batch assignment
    summed = jax.ops.segment_sum(h, batch, num_segments=G)
    counts = jax.ops.segment_sum(jnp.ones((N,), dtype=h.dtype), batch, num_segments=G)
    pooled = summed / jnp.clip(counts, 1.0, None)[:, None]
    out = pooled @ Wl + bl
    return out

if __name__ == "__main__":
    import jax
    _d = setup_inputs()
    print(jax.jit(kernel)(*tuple(_d.values())))

</pallas_src>

<mosaic_0001>
#map = affine_map<(d0, d1) -> (0, 0)>
#map1 = affine_map<(d0, d1) -> (0, 0, 0)>
module attributes {stable_mosaic.version = 14 : i64} {
  func.func @_k3_msg(%arg0: i32, %arg1: i32, %arg2: memref<10240x32xf32, #tpu.memory_space<hbm>>, %arg3: memref<2560x128xi32, #tpu.memory_space<hbm>>, %arg4: memref<2560x128xi32, #tpu.memory_space<hbm>>, %arg5: memref<128x32xf32, #tpu.memory_space<hbm>>, %arg6: memref<2x10240x32xf32, #tpu.memory_space<hbm>>, %arg7: memref<8x128xi32, #tpu.memory_space<vmem>>, %arg8: memref<8x128xi32, #tpu.memory_space<vmem>>, %arg9: memref<1024x32xf32, #tpu.memory_space<vmem>>, %arg10: memref<128x32xf32, #tpu.memory_space<vmem>>, %arg11: memref<!tpu.dma_semaphore, #tpu.memory_space<semaphore_mem>>, %arg12: memref<!tpu.dma_semaphore, #tpu.memory_space<semaphore_mem>>, %arg13: memref<!tpu.dma_semaphore, #tpu.memory_space<semaphore_mem>>, %arg14: memref<10240x32xf32, #tpu.memory_space<vmem_shared>>) attributes {dimension_semantics = [#tpu.dimension_semantics<core_parallel>, #tpu.dimension_semantics<subcore_parallel>], iteration_bounds = array<i64: 2, 16>, scalar_prefetch = 0 : i64, scratch_operands = 8 : i64, tpu.core_type = #tpu.core_type<sc_vector_subcore>, window_params = [{transform_indices = #map}, {transform_indices = #map}, {transform_indices = #map}, {transform_indices = #map}, {transform_indices = #map1}]} {
    %mul3A = arith.constant 2 : i32
    %mul3A_0 = arith.muli %arg1, %mul3A : i32
    %add3A = arith.addi %mul3A_0, %arg0 : i32
    "tpu.region"() ({
      %run_scoped3A = tpu.sem_alloc : memref<!tpu.dma_semaphore, #tpu.memory_space<semaphore_mem>>
      tpu.enqueue_dma source(%arg5 : memref<128x32xf32, #tpu.memory_space<hbm>>) target(%arg10 : memref<128x32xf32, #tpu.memory_space<vmem>>) target_semaphore(%run_scoped3A : memref<!tpu.dma_semaphore, #tpu.memory_space<semaphore_mem>>)
      tpu.wait_dma2 semaphore(%run_scoped3A : memref<!tpu.dma_semaphore, #tpu.memory_space<semaphore_mem>>) src(%arg5 : memref<128x32xf32, #tpu.memory_space<hbm>>) dst(%arg10 : memref<128x32xf32, #tpu.memory_space<vmem>>)
      tpu.yield
    }) : () -> ()
    %mul3A_1 = arith.constant 640 : i32
    %mul3A_2 = arith.muli %arg1, %mul3A_1 : i32
    %add3A_3 = arith.constant 0 : i32
    %add3A_4 = arith.addi %mul3A_2, %add3A_3 : i32
    "tpu.region"() ({
      %run_scoped3A = tpu.sem_alloc : memref<!tpu.dma_semaphore, #tpu.memory_space<semaphore_mem>>
      %dma_start3A = arith.constant 0 : i32
      %dma_start3A_31 = tpu.memref_slice %arg14[%add3A_4, %dma_start3A] : memref<10240x32xf32, #tpu.memory_space<vmem_shared>> -> memref<128x32xf32, #tpu.memory_space<vmem_shared>>
      %dma_start3A_32 = arith.constant 0 : i32
      %dma_start3A_33 = tpu.memref_slice %arg14[%add3A_4, %dma_start3A_32] : memref<10240x32xf32, #tpu.memory_space<vmem_shared>> -> memref<128x32xf32, #tpu.memory_space<vmem_shared>>
      tpu.enqueue_dma source(%arg10 : memref<128x32xf32, #tpu.memory_space<vmem>>) target(%dma_start3A_33 : memref<128x32xf32, #tpu.memory_space<vmem_shared>>) target_semaphore(%run_scoped3A : memref<!tpu.dma_semaphore, #tpu.memory_space<semaphore_mem>>)
      %dma_wait3A = arith.constant 0 : i32
      %dma_wait3A_34 = tpu.memref_slice %arg14[%add3A_4, %dma_wait3A] : memref<10240x32xf32, #tpu.memory_space<vmem_shared>> -> memref<128x32xf32, #tpu.memory_space<vmem_shared>>
      %dma_wait3A_35 = arith.constant 0 : i32
      %dma_wait3A_36 = tpu.memref_slice %arg14[%add3A_4, %dma_wait3A_35] : memref<10240x32xf32, #tpu.memory_space<vmem_shared>> -> memref<128x32xf32, #tpu.memory_space<vmem_shared>>
      tpu.wait_dma2 semaphore(%run_scoped3A : memref<!tpu.dma_semaphore, #tpu.memory_space<semaphore_mem>>) src(%arg10 : memref<128x32xf32, #tpu.memory_space<vmem>>) dst(%dma_wait3A_36 : memref<128x32xf32, #tpu.memory_space<vmem_shared>>)
      tpu.yield
    }) : () -> ()
    %mul3A_5 = arith.constant 640 : i32
    %mul3A_6 = arith.muli %arg1, %mul3A_5 : i32
    %add3A_7 = arith.constant 128 : i32
    %add3A_8 = arith.addi %mul3A_6, %add3A_7 : i32
    "tpu.region"() ({
      %run_scoped3A = tpu.sem_alloc : memref<!tpu.dma_semaphore, #tpu.memory_space<semaphore_mem>>
      %dma_start3A = arith.constant 0 : i32
      %dma_start3A_31 = tpu.memref_slice %arg14[%add3A_8, %dma_start3A] : memref<10240x32xf32, #tpu.memory_space<vmem_shared>> -> memref<128x32xf32, #tpu.memory_space<vmem_shared>>
      %dma_start3A_32 = arith.constant 0 : i32
      %dma_start3A_33 = tpu.memref_slice %arg14[%add3A_8, %dma_start3A_32] : memref<10240x32xf32, #tpu.memory_space<vmem_shared>> -> memref<128x32xf32, #tpu.memory_space<vmem_shared>>
      tpu.enqueue_dma source(%arg10 : memref<128x32xf32, #tpu.memory_space<vmem>>) target(%dma_start3A_33 : memref<128x32xf32, #tpu.memory_space<vmem_shared>>) target_semaphore(%run_scoped3A : memref<!tpu.dma_semaphore, #tpu.memory_space<semaphore_mem>>)
      %dma_wait3A = arith.constant 0 : i32
      %dma_wait3A_34 = tpu.memref_slice %arg14[%add3A_8, %dma_wait3A] : memref<10240x32xf32, #tpu.memory_space<vmem_shared>> -> memref<128x32xf32, #tpu.memory_space<vmem_shared>>
      %dma_wait3A_35 = arith.constant 0 : i32
      %dma_wait3A_36 = tpu.memref_slice %arg14[%add3A_8, %dma_wait3A_35] : memref<10240x32xf32, #tpu.memory_space<vmem_shared>> -> memref<128x32xf32, #tpu.memory_space<vmem_shared>>
      tpu.wait_dma2 semaphore(%run_scoped3A : memref<!tpu.dma_semaphore, #tpu.memory_space<semaphore_mem>>) src(%arg10 : memref<128x32xf32, #tpu.memory_space<vmem>>) dst(%dma_wait3A_36 : memref<128x32xf32, #tpu.memory_space<vmem_shared>>)
      tpu.yield
    }) : () -> ()
    %mul3A_9 = arith.constant 640 : i32
    %mul3A_10 = arith.muli %arg1, %mul3A_9 : i32
    %add3A_11 = arith.constant 256 : i32
    %add3A_12 = arith.addi %mul3A_10, %add3A_11 : i32
    "tpu.region"() ({
      %run_scoped3A = tpu.sem_alloc : memref<!tpu.dma_semaphore, #tpu.memory_space<semaphore_mem>>
      %dma_start3A = arith.constant 0 : i32
      %dma_start3A_31 = tpu.memref_slice %arg14[%add3A_12, %dma_start3A] : memref<10240x32xf32, #tpu.memory_space<vmem_shared>> -> memref<128x32xf32, #tpu.memory_space<vmem_shared>>
      %dma_start3A_32 = arith.constant 0 : i32
      %dma_start3A_33 = tpu.memref_slice %arg14[%add3A_12, %dma_start3A_32] : memref<10240x32xf32, #tpu.memory_space<vmem_shared>> -> memref<128x32xf32, #tpu.memory_space<vmem_shared>>
      tpu.enqueue_dma source(%arg10 : memref<128x32xf32, #tpu.memory_space<vmem>>) target(%dma_start3A_33 : memref<128x32xf32, #tpu.memory_space<vmem_shared>>) target_semaphore(%run_scoped3A : memref<!tpu.dma_semaphore, #tpu.memory_space<semaphore_mem>>)
      %dma_wait3A = arith.constant 0 : i32
      %dma_wait3A_34 = tpu.memref_slice %arg14[%add3A_12, %dma_wait3A] : memref<10240x32xf32, #tpu.memory_space<vmem_shared>> -> memref<128x32xf32, #tpu.memory_space<vmem_shared>>
      %dma_wait3A_35 = arith.constant 0 : i32
      %dma_wait3A_36 = tpu.memref_slice %arg14[%add3A_12, %dma_wait3A_35] : memref<10240x32xf32, #tpu.memory_space<vmem_shared>> -> memref<128x32xf32, #tpu.memory_space<vmem_shared>>
      tpu.wait_dma2 semaphore(%run_scoped3A : memref<!tpu.dma_semaphore, #tpu.memory_space<semaphore_mem>>) src(%arg10 : memref<128x32xf32, #tpu.memory_space<vmem>>) dst(%dma_wait3A_36 : memref<128x32xf32, #tpu.memory_space<vmem_shared>>)
      tpu.yield
    }) : () -> ()
    %mul3A_13 = arith.constant 640 : i32
    %mul3A_14 = arith.muli %arg1, %mul3A_13 : i32
    %add3A_15 = arith.constant 384 : i32
    %add3A_16 = arith.addi %mul3A_14, %add3A_15 : i32
    "tpu.region"() ({
      %run_scoped3A = tpu.sem_alloc : memref<!tpu.dma_semaphore, #tpu.memory_space<semaphore_mem>>
      %dma_start3A = arith.constant 0 : i32
      %dma_start3A_31 = tpu.memref_slice %arg14[%add3A_16, %dma_start3A] : memref<10240x32xf32, #tpu.memory_space<vmem_shared>> -> memref<128x32xf32, #tpu.memory_space<vmem_shared>>
      %dma_start3A_32 = arith.constant 0 : i32
      %dma_start3A_33 = tpu.memref_slice %arg14[%add3A_16, %dma_start3A_32] : memref<10240x32xf32, #tpu.memory_space<vmem_shared>> -> memref<128x32xf32, #tpu.memory_space<vmem_shared>>
      tpu.enqueue_dma source(%arg10 : memref<128x32xf32, #tpu.memory_space<vmem>>) target(%dma_start3A_33 : memref<128x32xf32, #tpu.memory_space<vmem_shared>>) target_semaphore(%run_scoped3A : memref<!tpu.dma_semaphore, #tpu.memory_space<semaphore_mem>>)
      %dma_wait3A = arith.constant 0 : i32
      %dma_wait3A_34 = tpu.memref_slice %arg14[%add3A_16, %dma_wait3A] : memref<10240x32xf32, #tpu.memory_space<vmem_shared>> -> memref<128x32xf32, #tpu.memory_space<vmem_shared>>
      %dma_wait3A_35 = arith.constant 0 : i32
      %dma_wait3A_36 = tpu.memref_slice %arg14[%add3A_16, %dma_wait3A_35] : memref<10240x32xf32, #tpu.memory_space<vmem_shared>> -> memref<128x32xf32, #tpu.memory_space<vmem_shared>>
      tpu.wait_dma2 semaphore(%run_scoped3A : memref<!tpu.dma_semaphore, #tpu.memory_space<semaphore_mem>>) src(%arg10 : memref<128x32xf32, #tpu.memory_space<vmem>>) dst(%dma_wait3A_36 : memref<128x32xf32, #tpu.memory_space<vmem_shared>>)
      tpu.yield
    }) : () -> ()
    %mul3A_17 = arith.constant 640 : i32
    %mul3A_18 = arith.muli %arg1, %mul3A_17 : i32
    %add3A_19 = arith.constant 512 : i32
    %add3A_20 = arith.addi %mul3A_18, %add3A_19 : i32
    "tpu.region"() ({
      %run_scoped3A = tpu.sem_alloc : memref<!tpu.dma_semaphore, #tpu.memory_space<semaphore_mem>>
      %dma_start3A = arith.constant 0 : i32
      %dma_start3A_31 = tpu.memref_slice %arg14[%add3A_20, %dma_start3A] : memref<10240x32xf32, #tpu.memory_space<vmem_shared>> -> memref<128x32xf32, #tpu.memory_space<vmem_shared>>
      %dma_start3A_32 = arith.constant 0 : i32
      %dma_start3A_33 = tpu.memref_slice %arg14[%add3A_20, %dma_start3A_32] : memref<10240x32xf32, #tpu.memory_space<vmem_shared>> -> memref<128x32xf32, #tpu.memory_space<vmem_shared>>
      tpu.enqueue_dma source(%arg10 : memref<128x32xf32, #tpu.memory_space<vmem>>) target(%dma_start3A_33 : memref<128x32xf32, #tpu.memory_space<vmem_shared>>) target_semaphore(%run_scoped3A : memref<!tpu.dma_semaphore, #tpu.memory_space<semaphore_mem>>)
      %dma_wait3A = arith.constant 0 : i32
      %dma_wait3A_34 = tpu.memref_slice %arg14[%add3A_20, %dma_wait3A] : memref<10240x32xf32, #tpu.memory_space<vmem_shared>> -> memref<128x32xf32, #tpu.memory_space<vmem_shared>>
      %dma_wait3A_35 = arith.constant 0 : i32
      %dma_wait3A_36 = tpu.memref_slice %arg14[%add3A_20, %dma_wait3A_35] : memref<10240x32xf32, #tpu.memory_space<vmem_shared>> -> memref<128x32xf32, #tpu.memory_space<vmem_shared>>
      tpu.wait_dma2 semaphore(%run_scoped3A : memref<!tpu.dma_semaphore, #tpu.memory_space<semaphore_mem>>) src(%arg10 : memref<128x32xf32, #tpu.memory_space<vmem>>) dst(%dma_wait3A_36 : memref<128x32xf32, #tpu.memory_space<vmem_shared>>)
      tpu.yield
    }) : () -> ()
    %barrier3A = arith.constant 0 : index
    tpu.barrier barrier_id(%barrier3A)
    %scan3A = arith.constant 0 : i32
    %scan3A_21 = arith.constant 0 : i32
    %scan3A_22 = arith.constant 10 : i32
    %scan3A_23 = arith.addi %scan3A_21, %scan3A_22 : i32
    %scan3A_24 = arith.constant 1 : i32
    scf.for %scan3A_31 = %scan3A_21 to %scan3A_23 step %scan3A_24  : i32 {
      %mul3A_32 = arith.constant 2 : i32
      %mul3A_33 = arith.muli %mul3A_32, %scan3A_31 : i32
      %mul3A_34 = arith.constant 32 : i32
      %mul3A_35 = arith.muli %mul3A_34, %mul3A_33 : i32
      %add3A_36 = arith.addi %add3A, %mul3A_35 : i32
      %mul3A_37 = arith.constant 4 : i32
      %mul3A_38 = arith.muli %add3A_36, %mul3A_37 : i32
      %mul3A_39 = arith.constant 2 : i32
      %mul3A_40 = arith.muli %mul3A_39, %scan3A_31 : i32
      %add3A_41 = arith.constant 1 : i32
      %add3A_42 = arith.addi %mul3A_40, %add3A_41 : i32
      %mul3A_43 = arith.constant 32 : i32
      %mul3A_44 = arith.muli %mul3A_43, %add3A_42 : i32
      %add3A_45 = arith.addi %add3A, %mul3A_44 : i32
      %mul3A_46 = arith.constant 4 : i32
      %mul3A_47 = arith.muli %add3A_45, %mul3A_46 : i32
      %dma_start3A = arith.constant 0 : i32
      %dma_start3A_48 = arith.constant 0 : i32
      %dma_start3A_49 = tpu.memref_slice %arg7[%dma_start3A, %dma_start3A_48] : memref<8x128xi32, #tpu.memory_space<vmem>> -> memref<4x128xi32, #tpu.memory_space<vmem>>
      %dma_start3A_50 = arith.constant 0 : i32
      %dma_start3A_51 = tpu.memref_slice %arg3[%mul3A_38, %dma_start3A_50] : memref<2560x128xi32, #tpu.memory_space<hbm>> -> memref<4x128xi32, #tpu.memory_space<hbm>>
      %dma_start3A_52 = arith.constant 0 : i32
      %dma_start3A_53 = arith.constant 0 : i32
      %dma_start3A_54 = tpu.memref_slice %arg7[%dma_start3A_52, %dma_start3A_53] : memref<8x128xi32, #tpu.memory_space<vmem>> -> memref<4x128xi32, #tpu.memory_space<vmem>>
      %dma_start3A_55 = arith.constant 0 : i32
      %dma_start3A_56 = tpu.memref_slice %arg3[%mul3A_38, %dma_start3A_55] : memref<2560x128xi32, #tpu.memory_space<hbm>> -> memref<4x128xi32, #tpu.memory_space<hbm>>
      tpu.enqueue_dma source(%dma_start3A_56 : memref<4x128xi32, #tpu.memory_space<hbm>>) target(%dma_start3A_54 : memref<4x128xi32, #tpu.memory_space<vmem>>) target_semaphore(%arg11 : memref<!tpu.dma_semaphore, #tpu.memory_space<semaphore_mem>>)
      %dma_start3A_57 = arith.constant 0 : i32
      %dma_start3A_58 = arith.constant 0 : i32
      %dma_start3A_59 = tpu.memref_slice %arg8[%dma_start3A_57, %dma_start3A_58] : memref<8x128xi32, #tpu.memory_space<vmem>> -> memref<4x128xi32, #tpu.memory_space<vmem>>
      %dma_start3A_60 = arith.constant 0 : i32
      %dma_start3A_61 = tpu.memref_slice %arg4[%mul3A_38, %dma_start3A_60] : memref<2560x128xi32, #tpu.memory_space<hbm>> -> memref<4x128xi32, #tpu.memory_space<hbm>>
      %dma_start3A_62 = arith.constant 0 : i32
      %dma_start3A_63 = arith.constant 0 : i32
      %dma_start3A_64 = tpu.memref_slice %arg8[%dma_start3A_62, %dma_start3A_63] : memref<8x128xi32, #tpu.memory_space<vmem>> -> memref<4x128xi32, #tpu.memory_space<vmem>>
      %dma_start3A_65 = arith.constant 0 : i32
      %dma_start3A_66 = tpu.memref_slice %arg4[%mul3A_38, %dma_start3A_65] : memref<2560x128xi32, #tpu.memory_space<hbm>> -> memref<4x128xi32, #tpu.memory_space<hbm>>
      tpu.enqueue_dma source(%dma_start3A_66 : memref<4x128xi32, #tpu.memory_space<hbm>>) target(%dma_start3A_64 : memref<4x128xi32, #tpu.memory_space<vmem>>) target_semaphore(%arg11 : memref<!tpu.dma_semaphore, #tpu.memory_space<semaphore_mem>>)
      %dma_start3A_67 = arith.constant 4 : i32
      %dma_start3A_68 = arith.constant 0 : i32
      %dma_start3A_69 = tpu.memref_slice %arg7[%dma_start3A_67, %dma_start3A_68] : memref<8x128xi32, #tpu.memory_space<vmem>> -> memref<4x128xi32, #tpu.memory_space<vmem>>
      %dma_start3A_70 = arith.constant 0 : i32
      %dma_start3A_71 = tpu.memref_slice %arg3[%mul3A_47, %dma_start3A_70] : memref<2560x128xi32, #tpu.memory_space<hbm>> -> memref<4x128xi32, #tpu.memory_space<hbm>>
      %dma_start3A_72 = arith.constant 4 : i32
      %dma_start3A_73 = arith.constant 0 : i32
      %dma_start3A_74 = tpu.memref_slice %arg7[%dma_start3A_72, %dma_start3A_73] : memref<8x128xi32, #tpu.memory_space<vmem>> -> memref<4x128xi32, #tpu.memory_space<vmem>>
      %dma_start3A_75 = arith.constant 0 : i32
      %dma_start3A_76 = tpu.memref_slice %arg3[%mul3A_47, %dma_start3A_75] : memref<2560x128xi32, #tpu.memory_space<hbm>> -> memref<4x128xi32, #tpu.memory_space<hbm>>
      tpu.enqueue_dma source(%dma_start3A_76 : memref<4x128xi32, #tpu.memory_space<hbm>>) target(%dma_start3A_74 : memref<4x128xi32, #tpu.memory_space<vmem>>) target_semaphore(%arg11 : memref<!tpu.dma_semaphore, #tpu.memory_space<semaphore_mem>>)
      %dma_start3A_77 = arith.constant 4 : i32
      %dma_start3A_78 = arith.constant 0 : i32
      %dma_start3A_79 = tpu.memref_slice %arg8[%dma_start3A_77, %dma_start3A_78] : memref<8x128xi32, #tpu.memory_space<vmem>> -> memref<4x128xi32, #tpu.memory_space<vmem>>
      %dma_start3A_80 = arith.constant 0 : i32
      %dma_start3A_81 = tpu.memref_slice %arg4[%mul3A_47, %dma_start3A_80] : memref<2560x128xi32, #tpu.memory_space<hbm>> -> memref<4x128xi32, #tpu.memory_space<hbm>>
      %dma_start3A_82 = arith.constant 4 : i32
      %dma_start3A_83 = arith.constant 0 : i32
      %dma_start3A_84 = tpu.memref_slice %arg8[%dma_start3A_82, %dma_start3A_83] : memref<8x128xi32, #tpu.memory_space<vmem>> -> memref<4x128xi32, #tpu.memory_space<vmem>>
      %dma_start3A_85 = arith.constant 0 : i32
      %dma_start3A_86 = tpu.memref_slice %arg4[%mul3A_47, %dma_start3A_85] : memref<2560x128xi32, #tpu.memory_space<hbm>> -> memref<4x128xi32, #tpu.memory_space<hbm>>
      tpu.enqueue_dma source(%dma_start3A_86 : memref<4x128xi32, #tpu.memory_space<hbm>>) target(%dma_start3A_84 : memref<4x128xi32, #tpu.memory_space<vmem>>) target_semaphore(%arg11 : memref<!tpu.dma_semaphore, #tpu.memory_space<semaphore_mem>>)
      %dma_wait3A = arith.constant 0 : i32
      %dma_wait3A_87 = arith.constant 0 : i32
      %dma_wait3A_88 = tpu.memref_slice %arg7[%dma_wait3A, %dma_wait3A_87] : memref<8x128xi32, #tpu.memory_space<vmem>> -> memref<4x128xi32, #tpu.memory_space<vmem>>
      %dma_wait3A_89 = arith.constant 0 : i32
      %dma_wait3A_90 = tpu.memref_slice %arg3[%mul3A_38, %dma_wait3A_89] : memref<2560x128xi32, #tpu.memory_space<hbm>> -> memref<4x128xi32, #tpu.memory_space<hbm>>
      %dma_wait3A_91 = arith.constant 0 : i32
      %dma_wait3A_92 = arith.constant 0 : i32
      %dma_wait3A_93 = tpu.memref_slice %arg7[%dma_wait3A_91, %dma_wait3A_92] : memref<8x128xi32, #tpu.memory_space<vmem>> -> memref<4x128xi32, #tpu.memory_space<vmem>>
      %dma_wait3A_94 = arith.constant 0 : i32
      %dma_wait3A_95 = tpu.memref_slice %arg3[%mul3A_38, %dma_wait3A_94] : memref<2560x128xi32, #tpu.memory_space<hbm>> -> memref<4x128xi32, #tpu.memory_space<hbm>>
      tpu.wait_dma2 semaphore(%arg11 : memref<!tpu.dma_semaphore, #tpu.memory_space<semaphore_mem>>) src(%dma_wait3A_95 : memref<4x128xi32, #tpu.memory_space<hbm>>) dst(%dma_wait3A_93 : memref<4x128xi32, #tpu.memory_space<vmem>>)
      %dma_wait3A_96 = arith.constant 0 : i32
      %dma_wait3A_97 = arith.constant 0 : i32
      %dma_wait3A_98 = tpu.memref_slice %arg8[%dma_wait3A_96, %dma_wait3A_97] : memref<8x128xi32, #tpu.memory_space<vmem>> -> memref<4x128xi32, #tpu.memory_space<vmem>>
      %dma_wait3A_99 = arith.constant 0 : i32
      %dma_wait3A_100 = tpu.memref_slice %arg4[%mul3A_38, %dma_wait3A_99] : memref<2560x128xi32, #tpu.memory_space<hbm>> -> memref<4x128xi32, #tpu.memory_space<hbm>>
      %dma_wait3A_101 = arith.constant 0 : i32
      %dma_wait3A_102 = arith.constant 0 : i32
      %dma_wait3A_103 = tpu.memref_slice %arg8[%dma_wait3A_101, %dma_wait3A_102] : memref<8x128xi32, #tpu.memory_space<vmem>> -> memref<4x128xi32, #tpu.memory_space<vmem>>
      %dma_wait3A_104 = arith.constant 0 : i32
      %dma_wait3A_105 = tpu.memref_slice %arg4[%mul3A_38, %dma_wait3A_104] : memref<2560x128xi32, #tpu.memory_space<hbm>> -> memref<4x128xi32, #tpu.memory_space<hbm>>
      tpu.wait_dma2 semaphore(%arg11 : memref<!tpu.dma_semaphore, #tpu.memory_space<semaphore_mem>>) src(%dma_wait3A_105 : memref<4x128xi32, #tpu.memory_space<hbm>>) dst(%dma_wait3A_103 : memref<4x128xi32, #tpu.memory_space<vmem>>)
      %dma_wait3A_106 = arith.constant 4 : i32
      %dma_wait3A_107 = arith.constant 0 : i32
      %dma_wait3A_108 = tpu.memref_slice %arg7[%dma_wait3A_106, %dma_wait3A_107] : memref<8x128xi32, #tpu.memory_space<vmem>> -> memref<4x128xi32, #tpu.memory_space<vmem>>
      %dma_wait3A_109 = arith.constant 0 : i32
      %dma_wait3A_110 = tpu.memref_slice %arg3[%mul3A_47, %dma_wait3A_109] : memref<2560x128xi32, #tpu.memory_space<hbm>> -> memref<4x128xi32, #tpu.memory_space<hbm>>
      %dma_wait3A_111 = arith.constant 4 : i32
      %dma_wait3A_112 = arith.constant 0 : i32
      %dma_wait3A_113 = tpu.memref_slice %arg7[%dma_wait3A_111, %dma_wait3A_112] : memref<8x128xi32, #tpu.memory_space<vmem>> -> memref<4x128xi32, #tpu.memory_space<vmem>>
      %dma_wait3A_114 = arith.constant 0 : i32
      %dma_wait3A_115 = tpu.memref_slice %arg3[%mul3A_47, %dma_wait3A_114] : memref<2560x128xi32, #tpu.memory_space<hbm>> -> memref<4x128xi32, #tpu.memory_space<hbm>>
      tpu.wait_dma2 semaphore(%arg11 : memref<!tpu.dma_semaphore, #tpu.memory_space<semaphore_mem>>) src(%dma_wait3A_115 : memref<4x128xi32, #tpu.memory_space<hbm>>) dst(%dma_wait3A_113 : memref<4x128xi32, #tpu.memory_space<vmem>>)
      %dma_wait3A_116 = arith.constant 4 : i32
      %dma_wait3A_117 = arith.constant 0 : i32
      %dma_wait3A_118 = tpu.memref_slice %arg8[%dma_wait3A_116, %dma_wait3A_117] : memref<8x128xi32, #tpu.memory_space<vmem>> -> memref<4x128xi32, #tpu.memory_space<vmem>>
      %dma_wait3A_119 = arith.constant 0 : i32
      %dma_wait3A_120 = tpu.memref_slice %arg4[%mul3A_47, %dma_wait3A_119] : memref<2560x128xi32, #tpu.memory_space<hbm>> -> memref<4x128xi32, #tpu.memory_space<hbm>>
      %dma_wait3A_121 = arith.constant 4 : i32
      %dma_wait3A_122 = arith.constant 0 : i32
      %dma_wait3A_123 = tpu.memref_slice %arg8[%dma_wait3A_121, %dma_wait3A_122] : memref<8x128xi32, #tpu.memory_space<vmem>> -> memref<4x128xi32, #tpu.memory_space<vmem>>
      %dma_wait3A_124 = arith.constant 0 : i32
      %dma_wait3A_125 = tpu.memref_slice %arg4[%mul3A_47, %dma_wait3A_124] : memref<2560x128xi32, #tpu.memory_space<hbm>> -> memref<4x128xi32, #tpu.memory_space<hbm>>
      tpu.wait_dma2 semaphore(%arg11 : memref<!tpu.dma_semaphore, #tpu.memory_space<semaphore_mem>>) src(%dma_wait3A_125 : memref<4x128xi32, #tpu.memory_space<hbm>>) dst(%dma_wait3A_123 : memref<4x128xi32, #tpu.memory_space<vmem>>)
      %dma_start3A_126 = arith.constant 0 : i32
      %dma_start3A_127 = arith.constant 0 : i32
      %dma_start3A_128 = arith.constant 0 : i32
      %dma_start3A_129 = tpu.memref_slice %arg9[%dma_start3A_127, %dma_start3A_128] : memref<1024x32xf32, #tpu.memory_space<vmem>> -> memref<128x32xf32, #tpu.memory_space<vmem>>
      %dma_start3A_130 = arith.constant 0 : i32
      %dma_start3A_131 = tpu.memref_slice %arg7[%dma_start3A_126, %dma_start3A_130] : memref<8x128xi32, #tpu.memory_space<vmem>> -> memref<1x128xi32, #tpu.memory_space<vmem>>
      %dma_start3A_132 = tpu.memref_squeeze %dma_start3A_131 : memref<1x128xi32, #tpu.memory_space<vmem>> -> memref<128xi32, #tpu.memory_space<vmem>>
      %dma_start3A_133 = arith.constant 0 : i32
      %dma_start3A_134 = arith.constant 0 : i32
      %dma_start3A_135 = tpu.memref_slice %arg2[%dma_start3A_133, %dma_start3A_134] : memref<10240x32xf32, #tpu.memory_space<hbm>> -> memref<10240x32xf32, #tpu.memory_space<hbm>>
      tpu.enqueue_indirect_dma source(%dma_start3A_135 : memref<10240x32xf32, #tpu.memory_space<hbm>>) target(%dma_start3A_129 : memref<128x32xf32, #tpu.memory_space<vmem>>) offsets(%dma_start3A_132 : memref<128xi32, #tpu.memory_space<vmem>>) semaphore(%arg12 : memref<!tpu.dma_semaphore, #tpu.memory_space<semaphore_mem>>)
      %dma_start3A_136 = arith.constant 1 : i32
      %dma_start3A_137 = arith.constant 128 : i32
      %dma_start3A_138 = arith.constant 0 : i32
      %dma_start3A_139 = tpu.memref_slice %arg9[%dma_start3A_137, %dma_start3A_138] : memref<1024x32xf32, #tpu.memory_space<vmem>> -> memref<128x32xf32, #tpu.memory_space<vmem>>
      %dma_start3A_140 = arith.constant 0 : i32
      %dma_start3A_141 = tpu.memref_slice %arg7[%dma_start3A_136, %dma_start3A_140] : memref<8x128xi32, #tpu.memory_space<vmem>> -> memref<1x128xi32, #tpu.memory_space<vmem>>
      %dma_start3A_142 = tpu.memref_squeeze %dma_start3A_141 : memref<1x128xi32, #tpu.memory_space<vmem>> -> memref<128xi32, #tpu.memory_space<vmem>>
      %dma_start3A_143 = arith.constant 0 : i32
      %dma_start3A_144 = arith.constant 0 : i32
      %dma_start3A_145 = tpu.memref_slice %arg2[%dma_start3A_143, %dma_start3A_144] : memref<10240x32xf32, #tpu.memory_space<hbm>> -> memref<10240x32xf32, #tpu.memory_space<hbm>>
      tpu.enqueue_indirect_dma source(%dma_start3A_145 : memref<10240x32xf32, #tpu.memory_space<hbm>>) target(%dma_start3A_139 : memref<128x32xf32, #tpu.memory_space<vmem>>) offsets(%dma_start3A_142 : memref<128xi32, #tpu.memory_space<vmem>>) semaphore(%arg12 : memref<!tpu.dma_semaphore, #tpu.memory_space<semaphore_mem>>)
      %dma_start3A_146 = arith.constant 2 : i32
      %dma_start3A_147 = arith.constant 256 : i32
      %dma_start3A_148 = arith.constant 0 : i32
      %dma_start3A_149 = tpu.memref_slice %arg9[%dma_start3A_147, %dma_start3A_148] : memref<1024x32xf32, #tpu.memory_space<vmem>> -> memref<128x32xf32, #tpu.memory_space<vmem>>
      %dma_start3A_150 = arith.constant 0 : i32
      %dma_start3A_151 = tpu.memref_slice %arg7[%dma_start3A_146, %dma_start3A_150] : memref<8x128xi32, #tpu.memory_space<vmem>> -> memref<1x128xi32, #tpu.memory_space<vmem>>
      %dma_start3A_152 = tpu.memref_squeeze %dma_start3A_151 : memref<1x128xi32, #tpu.memory_space<vmem>> -> memref<128xi32, #tpu.memory_space<vmem>>
      %dma_start3A_153 = arith.constant 0 : i32
      %dma_start3A_154 = arith.constant 0 : i32
      %dma_start3A_155 = tpu.memref_slice %arg2[%dma_start3A_153, %dma_start3A_154] : memref<10240x32xf32, #tpu.memory_space<hbm>> -> memref<10240x32xf32, #tpu.memory_space<hbm>>
      tpu.enqueue_indirect_dma source(%dma_start3A_155 : memref<10240x32xf32, #tpu.memory_space<hbm>>) target(%dma_start3A_149 : memref<128x32xf32, #tpu.memory_space<vmem>>) offsets(%dma_start3A_152 : memref<128xi32, #tpu.memory_space<vmem>>) semaphore(%arg12 : memref<!tpu.dma_semaphore, #tpu.memory_space<semaphore_mem>>)
      %dma_start3A_156 = arith.constant 3 : i32
      %dma_start3A_157 = arith.constant 384 : i32
      %dma_start3A_158 = arith.constant 0 : i32
      %dma_start3A_159 = tpu.memref_slice %arg9[%dma_start3A_157, %dma_start3A_158] : memref<1024x32xf32, #tpu.memory_space<vmem>> -> memref<128x32xf32, #tpu.memory_space<vmem>>
      %dma_start3A_160 = arith.constant 0 : i32
      %dma_start3A_161 = tpu.memref_slice %arg7[%dma_start3A_156, %dma_start3A_160] : memref<8x128xi32, #tpu.memory_space<vmem>> -> memref<1x128xi32, #tpu.memory_space<vmem>>
      %dma_start3A_162 = tpu.memref_squeeze %dma_start3A_161 : memref<1x128xi32, #tpu.memory_space<vmem>> -> memref<128xi32, #tpu.memory_space<vmem>>
      %dma_start3A_163 = arith.constant 0 : i32
      %dma_start3A_164 = arith.constant 0 : i32
      %dma_start3A_165 = tpu.memref_slice %arg2[%dma_start3A_163, %dma_start3A_164] : memref<10240x32xf32, #tpu.memory_space<hbm>> -> memref<10240x32xf32, #tpu.memory_space<hbm>>
      tpu.enqueue_indirect_dma source(%dma_start3A_165 : memref<10240x32xf32, #tpu.memory_space<hbm>>) target(%dma_start3A_159 : memref<128x32xf32, #tpu.memory_space<vmem>>) offsets(%dma_start3A_162 : memref<128xi32, #tpu.memory_space<vmem>>) semaphore(%arg12 : memref<!tpu.dma_semaphore, #tpu.memory_space<semaphore_mem>>)
      %dma_start3A_166 = arith.constant 4 : i32
      %dma_start3A_167 = arith.constant 512 : i32
      %dma_start3A_168 = arith.constant 0 : i32
      %dma_start3A_169 = tpu.memref_slice %arg9[%dma_start3A_167, %dma_start3A_168] : memref<1024x32xf32, #tpu.memory_space<vmem>> -> memref<128x32xf32, #tpu.memory_space<vmem>>
      %dma_start3A_170 = arith.constant 0 : i32
      %dma_start3A_171 = tpu.memref_slice %arg7[%dma_start3A_166, %dma_start3A_170] : memref<8x128xi32, #tpu.memory_space<vmem>> -> memref<1x128xi32, #tpu.memory_space<vmem>>
      %dma_start3A_172 = tpu.memref_squeeze %dma_start3A_171 : memref<1x128xi32, #tpu.memory_space<vmem>> -> memref<128xi32, #tpu.memory_space<vmem>>
      %dma_start3A_173 = arith.constant 0 : i32
      %dma_start3A_174 = arith.constant 0 : i32
      %dma_start3A_175 = tpu.memref_slice %arg2[%dma_start3A_173, %dma_start3A_174] : memref<10240x32xf32, #tpu.memory_space<hbm>> -> memref<10240x32xf32, #tpu.memory_space<hbm>>
      tpu.enqueue_indirect_dma source(%dma_start3A_175 : memref<10240x32xf32, #tpu.memory_space<hbm>>) target(%dma_start3A_169 : memref<128x32xf32, #tpu.memory_space<vmem>>) offsets(%dma_start3A_172 : memref<128xi32, #tpu.memory_space<vmem>>) semaphore(%arg12 : memref<!tpu.dma_semaphore, #tpu.memory_space<semaphore_mem>>)
      %dma_start3A_176 = arith.constant 5 : i32
      %dma_start3A_177 = arith.constant 640 : i32
      %dma_start3A_178 = arith.constant 0 : i32
      %dma_start3A_179 = tpu.memref_slice %arg9[%dma_start3A_177, %dma_start3A_178] : memref<1024x32xf32, #tpu.memory_space<vmem>> -> memref<128x32xf32, #tpu.memory_space<vmem>>
      %dma_start3A_180 = arith.constant 0 : i32
      %dma_start3A_181 = tpu.memref_slice %arg7[%dma_start3A_176, %dma_start3A_180] : memref<8x128xi32, #tpu.memory_space<vmem>> -> memref<1x128xi32, #tpu.memory_space<vmem>>
      %dma_start3A_182 = tpu.memref_squeeze %dma_start3A_181 : memref<1x128xi32, #tpu.memory_space<vmem>> -> memref<128xi32, #tpu.memory_space<vmem>>
      %dma_start3A_183 = arith.constant 0 : i32
      %dma_start3A_184 = arith.constant 0 : i32
      %dma_start3A_185 = tpu.memref_slice %arg2[%dma_start3A_183, %dma_start3A_184] : memref<10240x32xf32, #tpu.memory_space<hbm>> -> memref<10240x32xf32, #tpu.memory_space<hbm>>
      tpu.enqueue_indirect_dma source(%dma_start3A_185 : memref<10240x32xf32, #tpu.memory_space<hbm>>) target(%dma_start3A_179 : memref<128x32xf32, #tpu.memory_space<vmem>>) offsets(%dma_start3A_182 : memref<128xi32, #tpu.memory_space<vmem>>) semaphore(%arg12 : memref<!tpu.dma_semaphore, #tpu.memory_space<semaphore_mem>>)
      %dma_start3A_186 = arith.constant 6 : i32
      %dma_start3A_187 = arith.constant 768 : i32
      %dma_start3A_188 = arith.constant 0 : i32
      %dma_start3A_189 = tpu.memref_slice %arg9[%dma_start3A_187, %dma_start3A_188] : memref<1024x32xf32, #tpu.memory_space<vmem>> -> memref<128x32xf32, #tpu.memory_space<vmem>>
      %dma_start3A_190 = arith.constant 0 : i32
      %dma_start3A_191 = tpu.memref_slice %arg7[%dma_start3A_186, %dma_start3A_190] : memref<8x128xi32, #tpu.memory_space<vmem>> -> memref<1x128xi32, #tpu.memory_space<vmem>>
      %dma_start3A_192 = tpu.memref_squeeze %dma_start3A_191 : memref<1x128xi32, #tpu.memory_space<vmem>> -> memref<128xi32, #tpu.memory_space<vmem>>
      %dma_start3A_193 = arith.constant 0 : i32
      %dma_start3A_194 = arith.constant 0 : i32
      %dma_start3A_195 = tpu.memref_slice %arg2[%dma_start3A_193, %dma_start3A_194] : memref<10240x32xf32, #tpu.memory_space<hbm>> -> memref<10240x32xf32, #tpu.memory_space<hbm>>
      tpu.enqueue_indirect_dma source(%dma_start3A_195 : memref<10240x32xf32, #tpu.memory_space<hbm>>) target(%dma_start3A_189 : memref<128x32xf32, #tpu.memory_space<vmem>>) offsets(%dma_start3A_192 : memref<128xi32, #tpu.memory_space<vmem>>) semaphore(%arg12 : memref<!tpu.dma_semaphore, #tpu.memory_space<semaphore_mem>>)
      %dma_start3A_196 = arith.constant 7 : i32
      %dma_start3A_197 = arith.constant 896 : i32
      %dma_start3A_198 = arith.constant 0 : i32
      %dma_start3A_199 = tpu.memref_slice %arg9[%dma_start3A_197, %dma_start3A_198] : memref<1024x32xf32, #tpu.memory_space<vmem>> -> memref<128x32xf32, #tpu.memory_space<vmem>>
      %dma_start3A_200 = arith.constant 0 : i32
      %dma_start3A_201 = tpu.memref_slice %arg7[%dma_start3A_196, %dma_start3A_200] : memref<8x128xi32, #tpu.memory_space<vmem>> -> memref<1x128xi32, #tpu.memory_space<vmem>>
      %dma_start3A_202 = tpu.memref_squeeze %dma_start3A_201 : memref<1x128xi32, #tpu.memory_space<vmem>> -> memref<128xi32, #tpu.memory_space<vmem>>
      %dma_start3A_203 = arith.constant 0 : i32
      %dma_start3A_204 = arith.constant 0 : i32
      %dma_start3A_205 = tpu.memref_slice %arg2[%dma_start3A_203, %dma_start3A_204] : memref<10240x32xf32, #tpu.memory_space<hbm>> -> memref<10240x32xf32, #tpu.memory_space<hbm>>
      tpu.enqueue_indirect_dma source(%dma_start3A_205 : memref<10240x32xf32, #tpu.memory_space<hbm>>) target(%dma_start3A_199 : memref<128x32xf32, #tpu.memory_space<vmem>>) offsets(%dma_start3A_202 : memref<128xi32, #tpu.memory_space<vmem>>) semaphore(%arg12 : memref<!tpu.dma_semaphore, #tpu.memory_space<semaphore_mem>>)
      %dma_wait3A_206 = arith.constant 0 : i32
      %dma_wait3A_207 = arith.constant 0 : i32
      %dma_wait3A_208 = arith.constant 0 : i32
      %dma_wait3A_209 = tpu.memref_slice %arg9[%dma_wait3A_207, %dma_wait3A_208] : memref<1024x32xf32, #tpu.memory_space<vmem>> -> memref<128x32xf32, #tpu.memory_space<vmem>>
      %dma_wait3A_210 = arith.constant 0 : i32
      %dma_wait3A_211 = tpu.memref_slice %arg7[%dma_wait3A_206, %dma_wait3A_210] : memref<8x128xi32, #tpu.memory_space<vmem>> -> memref<1x128xi32, #tpu.memory_space<vmem>>
      %dma_wait3A_212 = tpu.memref_squeeze %dma_wait3A_211 : memref<1x128xi32, #tpu.memory_space<vmem>> -> memref<128xi32, #tpu.memory_space<vmem>>
      %dma_wait3A_213 = arith.constant 0 : i32
      %dma_wait3A_214 = arith.constant 0 : i32
      %dma_wait3A_215 = tpu.memref_slice %arg2[%dma_wait3A_213, %dma_wait3A_214] : memref<10240x32xf32, #tpu.memory_space<hbm>> -> memref<10240x32xf32, #tpu.memory_space<hbm>>
      tpu.wait_indirect_dma semaphore(%arg12 : memref<!tpu.dma_semaphore, #tpu.memory_space<semaphore_mem>>) src(%dma_wait3A_215 : memref<10240x32xf32, #tpu.memory_space<hbm>>) dst(%dma_wait3A_209 : memref<128x32xf32, #tpu.memory_space<vmem>>)
      %dma_wait3A_216 = arith.constant 1 : i32
      %dma_wait3A_217 = arith.constant 128 : i32
      %dma_wait3A_218 = arith.constant 0 : i32
      %dma_wait3A_219 = tpu.memref_slice %arg9[%dma_wait3A_217, %dma_wait3A_218] : memref<1024x32xf32, #tpu.memory_space<vmem>> -> memref<128x32xf32, #tpu.memory_space<vmem>>
      %dma_wait3A_220 = arith.constant 0 : i32
      %dma_wait3A_221 = tpu.memref_slice %arg7[%dma_wait3A_216, %dma_wait3A_220] : memref<8x128xi32, #tpu.memory_space<vmem>> -> memref<1x128xi32, #tpu.memory_space<vmem>>
      %dma_wait3A_222 = tpu.memref_squeeze %dma_wait3A_221 : memref<1x128xi32, #tpu.memory_space<vmem>> -> memref<128xi32, #tpu.memory_space<vmem>>
      %dma_wait3A_223 = arith.constant 0 : i32
      %dma_wait3A_224 = arith.constant 0 : i32
      %dma_wait3A_225 = tpu.memref_slice %arg2[%dma_wait3A_223, %dma_wait3A_224] : memref<10240x32xf32, #tpu.memory_space<hbm>> -> memref<10240x32xf32, #tpu.memory_space<hbm>>
      tpu.wait_indirect_dma semaphore(%arg12 : memref<!tpu.dma_semaphore, #tpu.memory_space<semaphore_mem>>) src(%dma_wait3A_225 : memref<10240x32xf32, #tpu.memory_space<hbm>>) dst(%dma_wait3A_219 : memref<128x32xf32, #tpu.memory_space<vmem>>)
      %dma_wait3A_226 = arith.constant 2 : i32
      %dma_wait3A_227 = arith.constant 256 : i32
      %dma_wait3A_228 = arith.constant 0 : i32
      %dma_wait3A_229 = tpu.memref_slice %arg9[%dma_wait3A_227, %dma_wait3A_228] : memref<1024x32xf32, #tpu.memory_space<vmem>> -> memref<128x32xf32, #tpu.memory_space<vmem>>
      %dma_wait3A_230 = arith.constant 0 : i32
      %dma_wait3A_231 = tpu.memref_slice %arg7[%dma_wait3A_226, %dma_wait3A_230] : memref<8x128xi32, #tpu.memory_space<vmem>> -> memref<1x128xi32, #tpu.memory_space<vmem>>
      %dma_wait3A_232 = tpu.memref_squeeze %dma_wait3A_231 : memref<1x128xi32, #tpu.memory_space<vmem>> -> memref<128xi32, #tpu.memory_space<vmem>>
      %dma_wait3A_233 = arith.constant 0 : i32
      %dma_wait3A_234 = arith.constant 0 : i32
      %dma_wait3A_235 = tpu.memref_slice %arg2[%dma_wait3A_233, %dma_wait3A_234] : memref<10240x32xf32, #tpu.memory_space<hbm>> -> memref<10240x32xf32, #tpu.memory_space<hbm>>
      tpu.wait_indirect_dma semaphore(%arg12 : memref<!tpu.dma_semaphore, #tpu.memory_space<semaphore_mem>>) src(%dma_wait3A_235 : memref<10240x32xf32, #tpu.memory_space<hbm>>) dst(%dma_wait3A_229 : memref<128x32xf32, #tpu.memory_space<vmem>>)
      %dma_wait3A_236 = arith.constant 3 : i32
      %dma_wait3A_237 = arith.constant 384 : i32
      %dma_wait3A_238 = arith.constant 0 : i32
      %dma_wait3A_239 = tpu.memref_slice %arg9[%dma_wait3A_237, %dma_wait3A_238] : memref<1024x32xf32, #tpu.memory_space<vmem>> -> memref<128x32xf32, #tpu.memory_space<vmem>>
      %dma_wait3A_240 = arith.constant 0 : i32
      %dma_wait3A_241 = tpu.memref_slice %arg7[%dma_wait3A_236, %dma_wait3A_240] : memref<8x128xi32, #tpu.memory_space<vmem>> -> memref<1x128xi32, #tpu.memory_space<vmem>>
      %dma_wait3A_242 = tpu.memref_squeeze %dma_wait3A_241 : memref<1x128xi32, #tpu.memory_space<vmem>> -> memref<128xi32, #tpu.memory_space<vmem>>
      %dma_wait3A_243 = arith.constant 0 : i32
      %dma_wait3A_244 = arith.constant 0 : i32
      %dma_wait3A_245 = tpu.memref_slice %arg2[%dma_wait3A_243, %dma_wait3A_244] : memref<10240x32xf32, #tpu.memory_space<hbm>> -> memref<10240x32xf32, #tpu.memory_space<hbm>>
      tpu.wait_indirect_dma semaphore(%arg12 : memref<!tpu.dma_semaphore, #tpu.memory_space<semaphore_mem>>) src(%dma_wait3A_245 : memref<10240x32xf32, #tpu.memory_space<hbm>>) dst(%dma_wait3A_239 : memref<128x32xf32, #tpu.memory_space<vmem>>)
      %dma_wait3A_246 = arith.constant 4 : i32
      %dma_wait3A_247 = arith.constant 512 : i32
      %dma_wait3A_248 = arith.constant 0 : i32
      %dma_wait3A_249 = tpu.memref_slice %arg9[%dma_wait3A_247, %dma_wait3A_248] : memref<1024x32xf32, #tpu.memory_space<vmem>> -> memref<128x32xf32, #tpu.memory_space<vmem>>
      %dma_wait3A_250 = arith.constant 0 : i32
      %dma_wait3A_251 = tpu.memref_slice %arg7[%dma_wait3A_246, %dma_wait3A_250] : memref<8x128xi32, #tpu.memory_space<vmem>> -> memref<1x128xi32, #tpu.memory_space<vmem>>
      %dma_wait3A_252 = tpu.memref_squeeze %dma_wait3A_251 : memref<1x128xi32, #tpu.memory_space<vmem>> -> memref<128xi32, #tpu.memory_space<vmem>>
      %dma_wait3A_253 = arith.constant 0 : i32
      %dma_wait3A_254 = arith.constant 0 : i32
      %dma_wait3A_255 = tpu.memref_slice %arg2[%dma_wait3A_253, %dma_wait3A_254] : memref<10240x32xf32, #tpu.memory_space<hbm>> -> memref<10240x32xf32, #tpu.memory_space<hbm>>
      tpu.wait_indirect_dma semaphore(%arg12 : memref<!tpu.dma_semaphore, #tpu.memory_space<semaphore_mem>>) src(%dma_wait3A_255 : memref<10240x32xf32, #tpu.memory_space<hbm>>) dst(%dma_wait3A_249 : memref<128x32xf32, #tpu.memory_space<vmem>>)
      %dma_wait3A_256 = arith.constant 5 : i32
      %dma_wait3A_257 = arith.constant 640 : i32
      %dma_wait3A_258 = arith.constant 0 : i32
      %dma_wait3A_259 = tpu.memref_slice %arg9[%dma_wait3A_257, %dma_wait3A_258] : memref<1024x32xf32, #tpu.memory_space<vmem>> -> memref<128x32xf32, #tpu.memory_space<vmem>>
      %dma_wait3A_260 = arith.constant 0 : i32
      %dma_wait3A_261 = tpu.memref_slice %arg7[%dma_wait3A_256, %dma_wait3A_260] : memref<8x128xi32, #tpu.memory_space<vmem>> -> memref<1x128xi32, #tpu.memory_space<vmem>>
      %dma_wait3A_262 = tpu.memref_squeeze %dma_wait3A_261 : memref<1x128xi32, #tpu.memory_space<vmem>> -> memref<128xi32, #tpu.memory_space<vmem>>
      %dma_wait3A_263 = arith.constant 0 : i32
      %dma_wait3A_264 = arith.constant 0 : i32
      %dma_wait3A_265 = tpu.memref_slice %arg2[%dma_wait3A_263, %dma_wait3A_264] : memref<10240x32xf32, #tpu.memory_space<hbm>> -> memref<10240x32xf32, #tpu.memory_space<hbm>>
      tpu.wait_indirect_dma semaphore(%arg12 : memref<!tpu.dma_semaphore, #tpu.memory_space<semaphore_mem>>) src(%dma_wait3A_265 : memref<10240x32xf32, #tpu.memory_space<hbm>>) dst(%dma_wait3A_259 : memref<128x32xf32, #tpu.memory_space<vmem>>)
      %dma_wait3A_266 = arith.constant 6 : i32
      %dma_wait3A_267 = arith.constant 768 : i32
      %dma_wait3A_268 = arith.constant 0 : i32
      %dma_wait3A_269 = tpu.memref_slice %arg9[%dma_wait3A_267, %dma_wait3A_268] : memref<1024x32xf32, #tpu.memory_space<vmem>> -> memref<128x32xf32, #tpu.memory_space<vmem>>
      %dma_wait3A_270 = arith.constant 0 : i32
      %dma_wait3A_271 = tpu.memref_slice %arg7[%dma_wait3A_266, %dma_wait3A_270] : memref<8x128xi32, #tpu.memory_space<vmem>> -> memref<1x128xi32, #tpu.memory_space<vmem>>
      %dma_wait3A_272 = tpu.memref_squeeze %dma_wait3A_271 : memref<1x128xi32, #tpu.memory_space<vmem>> -> memref<128xi32, #tpu.memory_space<vmem>>
      %dma_wait3A_273 = arith.constant 0 : i32
      %dma_wait3A_274 = arith.constant 0 : i32
      %dma_wait3A_275 = tpu.memref_slice %arg2[%dma_wait3A_273, %dma_wait3A_274] : memref<10240x32xf32, #tpu.memory_space<hbm>> -> memref<10240x32xf32, #tpu.memory_space<hbm>>
      tpu.wait_indirect_dma semaphore(%arg12 : memref<!tpu.dma_semaphore, #tpu.memory_space<semaphore_mem>>) src(%dma_wait3A_275 : memref<10240x32xf32, #tpu.memory_space<hbm>>) dst(%dma_wait3A_269 : memref<128x32xf32, #tpu.memory_space<vmem>>)
      %dma_wait3A_276 = arith.constant 7 : i32
      %dma_wait3A_277 = arith.constant 896 : i32
      %dma_wait3A_278 = arith.constant 0 : i32
      %dma_wait3A_279 = tpu.memref_slice %arg9[%dma_wait3A_277, %dma_wait3A_278] : memref<1024x32xf32, #tpu.memory_space<vmem>> -> memref<128x32xf32, #tpu.memory_space<vmem>>
      %dma_wait3A_280 = arith.constant 0 : i32
      %dma_wait3A_281 = tpu.memref_slice %arg7[%dma_wait3A_276, %dma_wait3A_280] : memref<8x128xi32, #tpu.memory_space<vmem>> -> memref<1x128xi32, #tpu.memory_space<vmem>>
      %dma_wait3A_282 = tpu.memref_squeeze %dma_wait3A_281 : memref<1x128xi32, #tpu.memory_space<vmem>> -> memref<128xi32, #tpu.memory_space<vmem>>
      %dma_wait3A_283 = arith.constant 0 : i32
      %dma_wait3A_284 = arith.constant 0 : i32
      %dma_wait3A_285 = tpu.memref_slice %arg2[%dma_wait3A_283, %dma_wait3A_284] : memref<10240x32xf32, #tpu.memory_space<hbm>> -> memref<10240x32xf32, #tpu.memory_space<hbm>>
      tpu.wait_indirect_dma semaphore(%arg12 : memref<!tpu.dma_semaphore, #tpu.memory_space<semaphore_mem>>) src(%dma_wait3A_285 : memref<10240x32xf32, #tpu.memory_space<hbm>>) dst(%dma_wait3A_279 : memref<128x32xf32, #tpu.memory_space<vmem>>)
      %dma_start3A_286 = arith.constant 0 : i32
      %dma_start3A_287 = arith.constant 0 : i32
      %dma_start3A_288 = arith.constant 0 : i32
      %dma_start3A_289 = tpu.memref_slice %arg9[%dma_start3A_287, %dma_start3A_288] : memref<1024x32xf32, #tpu.memory_space<vmem>> -> memref<128x32xf32, #tpu.memory_space<vmem>>
      %dma_start3A_290 = arith.constant 0 : i32
      %dma_start3A_291 = tpu.memref_slice %arg8[%dma_start3A_286, %dma_start3A_290] : memref<8x128xi32, #tpu.memory_space<vmem>> -> memref<1x128xi32, #tpu.memory_space<vmem>>
      %dma_start3A_292 = tpu.memref_squeeze %dma_start3A_291 : memref<1x128xi32, #tpu.memory_space<vmem>> -> memref<128xi32, #tpu.memory_space<vmem>>
      %dma_start3A_293 = arith.constant 0 : i32
      %dma_start3A_294 = arith.constant 0 : i32
      %dma_start3A_295 = tpu.memref_slice %arg14[%dma_start3A_293, %dma_start3A_294] : memref<10240x32xf32, #tpu.memory_space<vmem_shared>> -> memref<10240x32xf32, #tpu.memory_space<vmem_shared>>
      tpu.enqueue_indirect_dma source(%dma_start3A_289 : memref<128x32xf32, #tpu.memory_space<vmem>>) target(%dma_start3A_295 : memref<10240x32xf32, #tpu.memory_space<vmem_shared>>) offsets(%dma_start3A_292 : memref<128xi32, #tpu.memory_space<vmem>>) semaphore(%arg13 : memref<!tpu.dma_semaphore, #tpu.memory_space<semaphore_mem>>) {add = true}
      %dma_start3A_296 = arith.constant 1 : i32
      %dma_start3A_297 = arith.constant 128 : i32
      %dma_start3A_298 = arith.constant 0 : i32
      %dma_start3A_299 = tpu.memref_slice %arg9[%dma_start3A_297, %dma_start3A_298] : memref<1024x32xf32, #tpu.memory_space<vmem>> -> memref<128x32xf32, #tpu.memory_space<vmem>>
      %dma_start3A_300 = arith.constant 0 : i32
      %dma_start3A_301 = tpu.memref_slice %arg8[%dma_start3A_296, %dma_start3A_300] : memref<8x128xi32, #tpu.memory_space<vmem>> -> memref<1x128xi32, #tpu.memory_space<vmem>>
      %dma_start3A_302 = tpu.memref_squeeze %dma_start3A_301 : memref<1x128xi32, #tpu.memory_space<vmem>> -> memref<128xi32, #tpu.memory_space<vmem>>
      %dma_start3A_303 = arith.constant 0 : i32
      %dma_start3A_304 = arith.constant 0 : i32
      %dma_start3A_305 = tpu.memref_slice %arg14[%dma_start3A_303, %dma_start3A_304] : memref<10240x32xf32, #tpu.memory_space<vmem_shared>> -> memref<10240x32xf32, #tpu.memory_space<vmem_shared>>
      tpu.enqueue_indirect_dma source(%dma_start3A_299 : memref<128x32xf32, #tpu.memory_space<vmem>>) target(%dma_start3A_305 : memref<10240x32xf32, #tpu.memory_space<vmem_shared>>) offsets(%dma_start3A_302 : memref<128xi32, #tpu.memory_space<vmem>>) semaphore(%arg13 : memref<!tpu.dma_semaphore, #tpu.memory_space<semaphore_mem>>) {add = true}
      %dma_start3A_306 = arith.constant 2 : i32
      %dma_start3A_307 = arith.constant 256 : i32
      %dma_start3A_308 = arith.constant 0 : i32
      %dma_start3A_309 = tpu.memref_slice %arg9[%dma_start3A_307, %dma_start3A_308] : memref<1024x32xf32, #tpu.memory_space<vmem>> -> memref<128x32xf32, #tpu.memory_space<vmem>>
      %dma_start3A_310 = arith.constant 0 : i32
      %dma_start3A_311 = tpu.memref_slice %arg8[%dma_start3A_306, %dma_start3A_310] : memref<8x128xi32, #tpu.memory_space<vmem>> -> memref<1x128xi32, #tpu.memory_space<vmem>>
      %dma_start3A_312 = tpu.memref_squeeze %dma_start3A_311 : memref<1x128xi32, #tpu.memory_space<vmem>> -> memref<128xi32, #tpu.memory_space<vmem>>
      %dma_start3A_313 = arith.constant 0 : i32
      %dma_start3A_314 = arith.constant 0 : i32
      %dma_start3A_315 = tpu.memref_slice %arg14[%dma_start3A_313, %dma_start3A_314] : memref<10240x32xf32, #tpu.memory_space<vmem_shared>> -> memref<10240x32xf32, #tpu.memory_space<vmem_shared>>
      tpu.enqueue_indirect_dma source(%dma_start3A_309 : memref<128x32xf32, #tpu.memory_space<vmem>>) target(%dma_start3A_315 : memref<10240x32xf32, #tpu.memory_space<vmem_shared>>) offsets(%dma_start3A_312 : memref<128xi32, #tpu.memory_space<vmem>>) semaphore(%arg13 : memref<!tpu.dma_semaphore, #tpu.memory_space<semaphore_mem>>) {add = true}
      %dma_start3A_316 = arith.constant 3 : i32
      %dma_start3A_317 = arith.constant 384 : i32
      %dma_start3A_318 = arith.constant 0 : i32
      %dma_start3A_319 = tpu.memref_slice %arg9[%dma_start3A_317, %dma_start3A_318] : memref<1024x32xf32, #tpu.memory_space<vmem>> -> memref<128x32xf32, #tpu.memory_space<vmem>>
      %dma_start3A_320 = arith.constant 0 : i32
      %dma_start3A_321 = tpu.memref_slice %arg8[%dma_start3A_316, %dma_start3A_320] : memref<8x128xi32, #tpu.memory_space<vmem>> -> memref<1x128xi32, #tpu.memory_space<vmem>>
      %dma_start3A_322 = tpu.memref_squeeze %dma_start3A_321 : memref<1x128xi32, #tpu.memory_space<vmem>> -> memref<128xi32, #tpu.memory_space<vmem>>
      %dma_start3A_323 = arith.constant 0 : i32
      %dma_start3A_324 = arith.constant 0 : i32
      %dma_start3A_325 = tpu.memref_slice %arg14[%dma_start3A_323, %dma_start3A_324] : memref<10240x32xf32, #tpu.memory_space<vmem_shared>> -> memref<10240x32xf32, #tpu.memory_space<vmem_shared>>
      tpu.enqueue_indirect_dma source(%dma_start3A_319 : memref<128x32xf32, #tpu.memory_space<vmem>>) target(%dma_start3A_325 : memref<10240x32xf32, #tpu.memory_space<vmem_shared>>) offsets(%dma_start3A_322 : memref<128xi32, #tpu.memory_space<vmem>>) semaphore(%arg13 : memref<!tpu.dma_semaphore, #tpu.memory_space<semaphore_mem>>) {add = true}
      %dma_start3A_326 = arith.constant 4 : i32
      %dma_start3A_327 = arith.constant 512 : i32
      %dma_start3A_328 = arith.constant 0 : i32
      %dma_start3A_329 = tpu.memref_slice %arg9[%dma_start3A_327, %dma_start3A_328] : memref<1024x32xf32, #tpu.memory_space<vmem>> -> memref<128x32xf32, #tpu.memory_space<vmem>>
      %dma_start3A_330 = arith.constant 0 : i32
      %dma_start3A_331 = tpu.memref_slice %arg8[%dma_start3A_326, %dma_start3A_330] : memref<8x128xi32, #tpu.memory_space<vmem>> -> memref<1x128xi32, #tpu.memory_space<vmem>>
      %dma_start3A_332 = tpu.memref_squeeze %dma_start3A_331 : memref<1x128xi32, #tpu.memory_space<vmem>> -> memref<128xi32, #tpu.memory_space<vmem>>
      %dma_start3A_333 = arith.constant 0 : i32
      %dma_start3A_334 = arith.constant 0 : i32
      %dma_start3A_335 = tpu.memref_slice %arg14[%dma_start3A_333, %dma_start3A_334] : memref<10240x32xf32, #tpu.memory_space<vmem_shared>> -> memref<10240x32xf32, #tpu.memory_space<vmem_shared>>
      tpu.enqueue_indirect_dma source(%dma_start3A_329 : memref<128x32xf32, #tpu.memory_space<vmem>>) target(%dma_start3A_335 : memref<10240x32xf32, #tpu.memory_space<vmem_shared>>) offsets(%dma_start3A_332 : memref<128xi32, #tpu.memory_space<vmem>>) semaphore(%arg13 : memref<!tpu.dma_semaphore, #tpu.memory_space<semaphore_mem>>) {add = true}
      %dma_start3A_336 = arith.constant 5 : i32
      %dma_start3A_337 = arith.constant 640 : i32
      %dma_start3A_338 = arith.constant 0 : i32
      %dma_start3A_339 = tpu.memref_slice %arg9[%dma_start3A_337, %dma_start3A_338] : memref<1024x32xf32, #tpu.memory_space<vmem>> -> memref<128x32xf32, #tpu.memory_space<vmem>>
      %dma_start3A_340 = arith.constant 0 : i32
      %dma_start3A_341 = tpu.memref_slice %arg8[%dma_start3A_336, %dma_start3A_340] : memref<8x128xi32, #tpu.memory_space<vmem>> -> memref<1x128xi32, #tpu.memory_space<vmem>>
      %dma_start3A_342 = tpu.memref_squeeze %dma_start3A_341 : memref<1x128xi32, #tpu.memory_space<vmem>> -> memref<128xi32, #tpu.memory_space<vmem>>
      %dma_start3A_343 = arith.constant 0 : i32
      %dma_start3A_344 = arith.constant 0 : i32
      %dma_start3A_345 = tpu.memref_slice %arg14[%dma_start3A_343, %dma_start3A_344] : memref<10240x32xf32, #tpu.memory_space<vmem_shared>> -> memref<10240x32xf32, #tpu.memory_space<vmem_shared>>
      tpu.enqueue_indirect_dma source(%dma_start3A_339 : memref<128x32xf32, #tpu.memory_space<vmem>>) target(%dma_start3A_345 : memref<10240x32xf32, #tpu.memory_space<vmem_shared>>) offsets(%dma_start3A_342 : memref<128xi32, #tpu.memory_space<vmem>>) semaphore(%arg13 : memref<!tpu.dma_semaphore, #tpu.memory_space<semaphore_mem>>) {add = true}
      %dma_start3A_346 = arith.constant 6 : i32
      %dma_start3A_347 = arith.constant 768 : i32
      %dma_start3A_348 = arith.constant 0 : i32
      %dma_start3A_349 = tpu.memref_slice %arg9[%dma_start3A_347, %dma_start3A_348] : memref<1024x32xf32, #tpu.memory_space<vmem>> -> memref<128x32xf32, #tpu.memory_space<vmem>>
      %dma_start3A_350 = arith.constant 0 : i32
      %dma_start3A_351 = tpu.memref_slice %arg8[%dma_start3A_346, %dma_start3A_350] : memref<8x128xi32, #tpu.memory_space<vmem>> -> memref<1x128xi32, #tpu.memory_space<vmem>>
      %dma_start3A_352 = tpu.memref_squeeze %dma_start3A_351 : memref<1x128xi32, #tpu.memory_space<vmem>> -> memref<128xi32, #tpu.memory_space<vmem>>
      %dma_start3A_353 = arith.constant 0 : i32
      %dma_start3A_354 = arith.constant 0 : i32
      %dma_start3A_355 = tpu.memref_slice %arg14[%dma_start3A_353, %dma_start3A_354] : memref<10240x32xf32, #tpu.memory_space<vmem_shared>> -> memref<10240x32xf32, #tpu.memory_space<vmem_shared>>
      tpu.enqueue_indirect_dma source(%dma_start3A_349 : memref<128x32xf32, #tpu.memory_space<vmem>>) target(%dma_start3A_355 : memref<10240x32xf32, #tpu.memory_space<vmem_shared>>) offsets(%dma_start3A_352 : memref<128xi32, #tpu.memory_space<vmem>>) semaphore(%arg13 : memref<!tpu.dma_semaphore, #tpu.memory_space<semaphore_mem>>) {add = true}
      %dma_start3A_356 = arith.constant 7 : i32
      %dma_start3A_357 = arith.constant 896 : i32
      %dma_start3A_358 = arith.constant 0 : i32
      %dma_start3A_359 = tpu.memref_slice %arg9[%dma_start3A_357, %dma_start3A_358] : memref<1024x32xf32, #tpu.memory_space<vmem>> -> memref<128x32xf32, #tpu.memory_space<vmem>>
      %dma_start3A_360 = arith.constant 0 : i32
      %dma_start3A_361 = tpu.memref_slice %arg8[%dma_start3A_356, %dma_start3A_360] : memref<8x128xi32, #tpu.memory_space<vmem>> -> memref<1x128xi32, #tpu.memory_space<vmem>>
      %dma_start3A_362 = tpu.memref_squeeze %dma_start3A_361 : memref<1x128xi32, #tpu.memory_space<vmem>> -> memref<128xi32, #tpu.memory_space<vmem>>
      %dma_start3A_363 = arith.constant 0 : i32
      %dma_start3A_364 = arith.constant 0 : i32
      %dma_start3A_365 = tpu.memref_slice %arg14[%dma_start3A_363, %dma_start3A_364] : memref<10240x32xf32, #tpu.memory_space<vmem_shared>> -> memref<10240x32xf32, #tpu.memory_space<vmem_shared>>
      tpu.enqueue_indirect_dma source(%dma_start3A_359 : memref<128x32xf32, #tpu.memory_space<vmem>>) target(%dma_start3A_365 : memref<10240x32xf32, #tpu.memory_space<vmem_shared>>) offsets(%dma_start3A_362 : memref<128xi32, #tpu.memory_space<vmem>>) semaphore(%arg13 : memref<!tpu.dma_semaphore, #tpu.memory_space<semaphore_mem>>) {add = true}
      %dma_wait3A_366 = arith.constant 0 : i32
      %dma_wait3A_367 = arith.constant 0 : i32
      %dma_wait3A_368 = arith.constant 0 : i32
      %dma_wait3A_369 = tpu.memref_slice %arg9[%dma_wait3A_367, %dma_wait3A_368] : memref<1024x32xf32, #tpu.memory_space<vmem>> -> memref<128x32xf32, #tpu.memory_space<vmem>>
      %dma_wait3A_370 = arith.constant 0 : i32
      %dma_wait3A_371 = tpu.memref_slice %arg8[%dma_wait3A_366, %dma_wait3A_370] : memref<8x128xi32, #tpu.memory_space<vmem>> -> memref<1x128xi32, #tpu.memory_space<vmem>>
      %dma_wait3A_372 = tpu.memref_squeeze %dma_wait3A_371 : memref<1x128xi32, #tpu.memory_space<vmem>> -> memref<128xi32, #tpu.memory_space<vmem>>
      %dma_wait3A_373 = arith.constant 0 : i32
      %dma_wait3A_374 = arith.constant 0 : i32
      %dma_wait3A_375 = tpu.memref_slice %arg14[%dma_wait3A_373, %dma_wait3A_374] : memref<10240x32xf32, #tpu.memory_space<vmem_shared>> -> memref<10240x32xf32, #tpu.memory_space<vmem_shared>>
      tpu.wait_indirect_dma semaphore(%arg13 : memref<!tpu.dma_semaphore, #tpu.memory_space<semaphore_mem>>) src(%dma_wait3A_369 : memref<128x32xf32, #tpu.memory_space<vmem>>) dst(%dma_wait3A_375 : memref<10240x32xf32, #tpu.memory_space<vmem_shared>>)
      %dma_wait3A_376 = arith.constant 1 : i32
      %dma_wait3A_377 = arith.constant 128 : i32
      %dma_wait3A_378 = arith.constant 0 : i32
      %dma_wait3A_379 = tpu.memref_slice %arg9[%dma_wait3A_377, %dma_wait3A_378] : memref<1024x32xf32, #tpu.memory_space<vmem>> -> memref<128x32xf32, #tpu.memory_space<vmem>>
      %dma_wait3A_380 = arith.constant 0 : i32
      %dma_wait3A_381 = tpu.memref_slice %arg8[%dma_wait3A_376, %dma_wait3A_380] : memref<8x128xi32, #tpu.memory_space<vmem>> -> memref<1x128xi32, #tpu.memory_space<vmem>>
      %dma_wait3A_382 = tpu.memref_squeeze %dma_wait3A_381 : memref<1x128xi32, #tpu.memory_space<vmem>> -> memref<128xi32, #tpu.memory_space<vmem>>
      %dma_wait3A_383 = arith.constant 0 : i32
      %dma_wait3A_384 = arith.constant 0 : i32
      %dma_wait3A_385 = tpu.memref_slice %arg14[%dma_wait3A_383, %dma_wait3A_384] : memref<10240x32xf32, #tpu.memory_space<vmem_shared>> -> memref<10240x32xf32, #tpu.memory_space<vmem_shared>>
      tpu.wait_indirect_dma semaphore(%arg13 : memref<!tpu.dma_semaphore, #tpu.memory_space<semaphore_mem>>) src(%dma_wait3A_379 : memref<128x32xf32, #tpu.memory_space<vmem>>) dst(%dma_wait3A_385 : memref<10240x32xf32, #tpu.memory_space<vmem_shared>>)
      %dma_wait3A_386 = arith.constant 2 : i32
      %dma_wait3A_387 = arith.constant 256 : i32
      %dma_wait3A_388 = arith.constant 0 : i32
      %dma_wait3A_389 = tpu.memref_slice %arg9[%dma_wait3A_387, %dma_wait3A_388] : memref<1024x32xf32, #tpu.memory_space<vmem>> -> memref<128x32xf32, #tpu.memory_space<vmem>>
      %dma_wait3A_390 = arith.constant 0 : i32
      %dma_wait3A_391 = tpu.memref_slice %arg8[%dma_wait3A_386, %dma_wait3A_390] : memref<8x128xi32, #tpu.memory_space<vmem>> -> memref<1x128xi32, #tpu.memory_space<vmem>>
      %dma_wait3A_392 = tpu.memref_squeeze %dma_wait3A_391 : memref<1x128xi32, #tpu.memory_space<vmem>> -> memref<128xi32, #tpu.memory_space<vmem>>
      %dma_wait3A_393 = arith.constant 0 : i32
      %dma_wait3A_394 = arith.constant 0 : i32
      %dma_wait3A_395 = tpu.memref_slice %arg14[%dma_wait3A_393, %dma_wait3A_394] : memref<10240x32xf32, #tpu.memory_space<vmem_shared>> -> memref<10240x32xf32, #tpu.memory_space<vmem_shared>>
      tpu.wait_indirect_dma semaphore(%arg13 : memref<!tpu.dma_semaphore, #tpu.memory_space<semaphore_mem>>) src(%dma_wait3A_389 : memref<128x32xf32, #tpu.memory_space<vmem>>) dst(%dma_wait3A_395 : memref<10240x32xf32, #tpu.memory_space<vmem_shared>>)
      %dma_wait3A_396 = arith.constant 3 : i32
      %dma_wait3A_397 = arith.constant 384 : i32
      %dma_wait3A_398 = arith.constant 0 : i32
      %dma_wait3A_399 = tpu.memref_slice %arg9[%dma_wait3A_397, %dma_wait3A_398] : memref<1024x32xf32, #tpu.memory_space<vmem>> -> memref<128x32xf32, #tpu.memory_space<vmem>>
      %dma_wait3A_400 = arith.constant 0 : i32
      %dma_wait3A_401 = tpu.memref_slice %arg8[%dma_wait3A_396, %dma_wait3A_400] : memref<8x128xi32, #tpu.memory_space<vmem>> -> memref<1x128xi32, #tpu.memory_space<vmem>>
      %dma_wait3A_402 = tpu.memref_squeeze %dma_wait3A_401 : memref<1x128xi32, #tpu.memory_space<vmem>> -> memref<128xi32, #tpu.memory_space<vmem>>
      %dma_wait3A_403 = arith.constant 0 : i32
      %dma_wait3A_404 = arith.constant 0 : i32
      %dma_wait3A_405 = tpu.memref_slice %arg14[%dma_wait3A_403, %dma_wait3A_404] : memref<10240x32xf32, #tpu.memory_space<vmem_shared>> -> memref<10240x32xf32, #tpu.memory_space<vmem_shared>>
      tpu.wait_indirect_dma semaphore(%arg13 : memref<!tpu.dma_semaphore, #tpu.memory_space<semaphore_mem>>) src(%dma_wait3A_399 : memref<128x32xf32, #tpu.memory_space<vmem>>) dst(%dma_wait3A_405 : memref<10240x32xf32, #tpu.memory_space<vmem_shared>>)
      %dma_wait3A_406 = arith.constant 4 : i32
      %dma_wait3A_407 = arith.constant 512 : i32
      %dma_wait3A_408 = arith.constant 0 : i32
      %dma_wait3A_409 = tpu.memref_slice %arg9[%dma_wait3A_407, %dma_wait3A_408] : memref<1024x32xf32, #tpu.memory_space<vmem>> -> memref<128x32xf32, #tpu.memory_space<vmem>>
      %dma_wait3A_410 = arith.constant 0 : i32
      %dma_wait3A_411 = tpu.memref_slice %arg8[%dma_wait3A_406, %dma_wait3A_410] : memref<8x128xi32, #tpu.memory_space<vmem>> -> memref<1x128xi32, #tpu.memory_space<vmem>>
      %dma_wait3A_412 = tpu.memref_squeeze %dma_wait3A_411 : memref<1x128xi32, #tpu.memory_space<vmem>> -> memref<128xi32, #tpu.memory_space<vmem>>
      %dma_wait3A_413 = arith.constant 0 : i32
      %dma_wait3A_414 = arith.constant 0 : i32
      %dma_wait3A_415 = tpu.memref_slice %arg14[%dma_wait3A_413, %dma_wait3A_414] : memref<10240x32xf32, #tpu.memory_space<vmem_shared>> -> memref<10240x32xf32, #tpu.memory_space<vmem_shared>>
      tpu.wait_indirect_dma semaphore(%arg13 : memref<!tpu.dma_semaphore, #tpu.memory_space<semaphore_mem>>) src(%dma_wait3A_409 : memref<128x32xf32, #tpu.memory_space<vmem>>) dst(%dma_wait3A_415 : memref<10240x32xf32, #tpu.memory_space<vmem_shared>>)
      %dma_wait3A_416 = arith.constant 5 : i32
      %dma_wait3A_417 = arith.constant 640 : i32
      %dma_wait3A_418 = arith.constant 0 : i32
      %dma_wait3A_419 = tpu.memref_slice %arg9[%dma_wait3A_417, %dma_wait3A_418] : memref<1024x32xf32, #tpu.memory_space<vmem>> -> memref<128x32xf32, #tpu.memory_space<vmem>>
      %dma_wait3A_420 = arith.constant 0 : i32
      %dma_wait3A_421 = tpu.memref_slice %arg8[%dma_wait3A_416, %dma_wait3A_420] : memref<8x128xi32, #tpu.memory_space<vmem>> -> memref<1x128xi32, #tpu.memory_space<vmem>>
      %dma_wait3A_422 = tpu.memref_squeeze %dma_wait3A_421 : memref<1x128xi32, #tpu.memory_space<vmem>> -> memref<128xi32, #tpu.memory_space<vmem>>
      %dma_wait3A_423 = arith.constant 0 : i32
      %dma_wait3A_424 = arith.constant 0 : i32
      %dma_wait3A_425 = tpu.memref_slice %arg14[%dma_wait3A_423, %dma_wait3A_424] : memref<10240x32xf32, #tpu.memory_space<vmem_shared>> -> memref<10240x32xf32, #tpu.memory_space<vmem_shared>>
      tpu.wait_indirect_dma semaphore(%arg13 : memref<!tpu.dma_semaphore, #tpu.memory_space<semaphore_mem>>) src(%dma_wait3A_419 : memref<128x32xf32, #tpu.memory_space<vmem>>) dst(%dma_wait3A_425 : memref<10240x32xf32, #tpu.memory_space<vmem_shared>>)
      %dma_wait3A_426 = arith.constant 6 : i32
      %dma_wait3A_427 = arith.constant 768 : i32
      %dma_wait3A_428 = arith.constant 0 : i32
      %dma_wait3A_429 = tpu.memref_slice %arg9[%dma_wait3A_427, %dma_wait3A_428] : memref<1024x32xf32, #tpu.memory_space<vmem>> -> memref<128x32xf32, #tpu.memory_space<vmem>>
      %dma_wait3A_430 = arith.constant 0 : i32
      %dma_wait3A_431 = tpu.memref_slice %arg8[%dma_wait3A_426, %dma_wait3A_430] : memref<8x128xi32, #tpu.memory_space<vmem>> -> memref<1x128xi32, #tpu.memory_space<vmem>>
      %dma_wait3A_432 = tpu.memref_squeeze %dma_wait3A_431 : memref<1x128xi32, #tpu.memory_space<vmem>> -> memref<128xi32, #tpu.memory_space<vmem>>
      %dma_wait3A_433 = arith.constant 0 : i32
      %dma_wait3A_434 = arith.constant 0 : i32
      %dma_wait3A_435 = tpu.memref_slice %arg14[%dma_wait3A_433, %dma_wait3A_434] : memref<10240x32xf32, #tpu.memory_space<vmem_shared>> -> memref<10240x32xf32, #tpu.memory_space<vmem_shared>>
      tpu.wait_indirect_dma semaphore(%arg13 : memref<!tpu.dma_semaphore, #tpu.memory_space<semaphore_mem>>) src(%dma_wait3A_429 : memref<128x32xf32, #tpu.memory_space<vmem>>) dst(%dma_wait3A_435 : memref<10240x32xf32, #tpu.memory_space<vmem_shared>>)
      %dma_wait3A_436 = arith.constant 7 : i32
      %dma_wait3A_437 = arith.constant 896 : i32
      %dma_wait3A_438 = arith.constant 0 : i32
      %dma_wait3A_439 = tpu.memref_slice %arg9[%dma_wait3A_437, %dma_wait3A_438] : memref<1024x32xf32, #tpu.memory_space<vmem>> -> memref<128x32xf32, #tpu.memory_space<vmem>>
      %dma_wait3A_440 = arith.constant 0 : i32
      %dma_wait3A_441 = tpu.memref_slice %arg8[%dma_wait3A_436, %dma_wait3A_440] : memref<8x128xi32, #tpu.memory_space<vmem>> -> memref<1x128xi32, #tpu.memory_space<vmem>>
      %dma_wait3A_442 = tpu.memref_squeeze %dma_wait3A_441 : memref<1x128xi32, #tpu.memory_space<vmem>> -> memref<128xi32, #tpu.memory_space<vmem>>
      %dma_wait3A_443 = arith.constant 0 : i32
      %dma_wait3A_444 = arith.constant 0 : i32
      %dma_wait3A_445 = tpu.memref_slice %arg14[%dma_wait3A_443, %dma_wait3A_444] : memref<10240x32xf32, #tpu.memory_space<vmem_shared>> -> memref<10240x32xf32, #tpu.memory_space<vmem_shared>>
      tpu.wait_indirect_dma semaphore(%arg13 : memref<!tpu.dma_semaphore, #tpu.memory_space<semaphore_mem>>) src(%dma_wait3A_439 : memref<128x32xf32, #tpu.memory_space<vmem>>) dst(%dma_wait3A_445 : memref<10240x32xf32, #tpu.memory_space<vmem_shared>>)
    }
    %scan3A_25 = arith.constant 10 : i32
    %barrier3A_26 = arith.constant 0 : index
    tpu.barrier barrier_id(%barrier3A_26)
    %mul3A_27 = arith.constant 640 : i32
    %mul3A_28 = arith.muli %arg1, %mul3A_27 : i32
    %mul3A_29 = arith.constant 640 : i32
    %mul3A_30 = arith.muli %arg1, %mul3A_29 : i32
    "tpu.region"() ({
      %run_scoped3A = tpu.sem_alloc : memref<!tpu.dma_semaphore, #tpu.memory_space<semaphore_mem>>
      %dma_start3A = arith.constant 0 : i32
      %dma_start3A_31 = arith.constant 0 : i32
      %dma_start3A_32 = tpu.memref_slice %arg6[%arg0, %dma_start3A, %dma_start3A_31] : memref<2x10240x32xf32, #tpu.memory_space<hbm>> -> memref<1x10240x32xf32, #tpu.memory_space<hbm>>
      %dma_start3A_33 = tpu.memref_squeeze %dma_start3A_32 : memref<1x10240x32xf32, #tpu.memory_space<hbm>> -> memref<10240x32xf32, #tpu.memory_space<hbm>>
      %dma_start3A_34 = arith.constant 0 : i32
      %dma_start3A_35 = tpu.memref_slice %dma_start3A_33[%mul3A_30, %dma_start3A_34] : memref<10240x32xf32, #tpu.memory_space<hbm>> -> memref<640x32xf32, #tpu.memory_space<hbm>>
      %dma_start3A_36 = arith.constant 0 : i32
      %dma_start3A_37 = tpu.memref_slice %arg14[%mul3A_28, %dma_start3A_36] : memref<10240x32xf32, #tpu.memory_space<vmem_shared>> -> memref<640x32xf32, #tpu.memory_space<vmem_shared>>
      tpu.enqueue_dma source(%dma_start3A_37 : memref<640x32xf32, #tpu.memory_space<vmem_shared>>) target(%dma_start3A_35 : memref<640x32xf32, #tpu.memory_space<hbm>>) target_semaphore(%run_scoped3A : memref<!tpu.dma_semaphore, #tpu.memory_space<semaphore_mem>>)
      %dma_wait3A = arith.constant 0 : i32
      %dma_wait3A_38 = arith.constant 0 : i32
      %dma_wait3A_39 = tpu.memref_slice %arg6[%arg0, %dma_wait3A, %dma_wait3A_38] : memref<2x10240x32xf32, #tpu.memory_space<hbm>> -> memref<1x10240x32xf32, #tpu.memory_space<hbm>>
      %dma_wait3A_40 = tpu.memref_squeeze %dma_wait3A_39 : memref<1x10240x32xf32, #tpu.memory_space<hbm>> -> memref<10240x32xf32, #tpu.memory_space<hbm>>
      %dma_wait3A_41 = arith.constant 0 : i32
      %dma_wait3A_42 = tpu.memref_slice %dma_wait3A_40[%mul3A_30, %dma_wait3A_41] : memref<10240x32xf32, #tpu.memory_space<hbm>> -> memref<640x32xf32, #tpu.memory_space<hbm>>
      %dma_wait3A_43 = arith.constant 0 : i32
      %dma_wait3A_44 = tpu.memref_slice %arg14[%mul3A_28, %dma_wait3A_43] : memref<10240x32xf32, #tpu.memory_space<vmem_shared>> -> memref<640x32xf32, #tpu.memory_space<vmem_shared>>
      tpu.wait_dma2 semaphore(%run_scoped3A : memref<!tpu.dma_semaphore, #tpu.memory_space<semaphore_mem>>) src(%dma_wait3A_44 : memref<640x32xf32, #tpu.memory_space<vmem_shared>>) dst(%dma_wait3A_42 : memref<640x32xf32, #tpu.memory_space<hbm>>)
      tpu.yield
    }) : () -> ()
    return
  }
}

#map = affine_map<(d0, d1) -> (0, 0)>
#map1 = affine_map<(d0, d1) -> (0)>
module attributes {stable_mosaic.version = 14 : i64} {
  func.func @_k1_deg(%arg0: i32, %arg1: i32, %arg2: memref<2560x128xi32, #tpu.memory_space<hbm>>, %arg3: memref<640xf32, #tpu.memory_space<hbm>>, %arg4: memref<2x10240xf32, #tpu.memory_space<hbm>>, %arg5: memref<8x128xi32, #tpu.memory_space<vmem>>, %arg6: memref<128xf32, #tpu.memory_space<vmem>>, %arg7: memref<640xf32, #tpu.memory_space<vmem>>, %arg8: memref<!tpu.dma_semaphore, #tpu.memory_space<semaphore_mem>>, %arg9: memref<!tpu.dma_semaphore, #tpu.memory_space<semaphore_mem>>, %arg10: memref<10240xf32, #tpu.memory_space<vmem_shared>>) attributes {dimension_semantics = [#tpu.dimension_semantics<core_parallel>, #tpu.dimension_semantics<subcore_parallel>], iteration_bounds = array<i64: 2, 16>, scalar_prefetch = 0 : i64, scratch_operands = 6 : i64, tpu.core_type = #tpu.core_type<sc_vector_subcore>, window_params = [{transform_indices = #map}, {transform_indices = #map1}, {transform_indices = #map}]} {
    %mul3A = arith.constant 2 : i32
    %mul3A_0 = arith.muli %arg1, %mul3A : i32
    %add3A = arith.addi %mul3A_0, %arg0 : i32
    %broadcast_in_dim3A = arith.constant 1.000000e+00 : f32
    %broadcast_in_dim3A_1 = vector.broadcast %broadcast_in_dim3A : f32 to vector<16xf32>
    %swap3A = arith.constant 0 : index
    %swap3A_2 = tpu.vector_load %arg6[%swap3A] {strides = array<i32>} : memref<128xf32, #tpu.memory_space<vmem>>, vector<16xf32>,
    %swap3A_3 = vector.shape_cast %swap3A_2 : vector<16xf32> to vector<16xf32>
    %swap3A_4 = vector.shape_cast %broadcast_in_dim3A_1 : vector<16xf32> to vector<16xf32>
    tpu.vector_store %arg6[%swap3A], %swap3A_4 {strides = array<i32>} : memref<128xf32, #tpu.memory_space<vmem>>, vector<16xf32>,
    %broadcast_in_dim3A_5 = arith.constant 1.000000e+00 : f32
    %broadcast_in_dim3A_6 = vector.broadcast %broadcast_in_dim3A_5 : f32 to vector<16xf32>
    %swap3A_7 = arith.constant 16 : index
    %swap3A_8 = tpu.vector_load %arg6[%swap3A_7] {strides = array<i32>} : memref<128xf32, #tpu.memory_space<vmem>>, vector<16xf32>,
    %swap3A_9 = vector.shape_cast %swap3A_8 : vector<16xf32> to vector<16xf32>
    %swap3A_10 = vector.shape_cast %broadcast_in_dim3A_6 : vector<16xf32> to vector<16xf32>
    tpu.vector_store %arg6[%swap3A_7], %swap3A_10 {strides = array<i32>} : memref<128xf32, #tpu.memory_space<vmem>>, vector<16xf32>,
    %broadcast_in_dim3A_11 = arith.constant 1.000000e+00 : f32
    %broadcast_in_dim3A_12 = vector.broadcast %broadcast_in_dim3A_11 : f32 to vector<16xf32>
    %swap3A_13 = arith.constant 32 : index
    %swap3A_14 = tpu.vector_load %arg6[%swap3A_13] {strides = array<i32>} : memref<128xf32, #tpu.memory_space<vmem>>, vector<16xf32>,
    %swap3A_15 = vector.shape_cast %swap3A_14 : vector<16xf32> to vector<16xf32>
    %swap3A_16 = vector.shape_cast %broadcast_in_dim3A_12 : vector<16xf32> to vector<16xf32>
    tpu.vector_store %arg6[%swap3A_13], %swap3A_16 {strides = array<i32>} : memref<128xf32, #tpu.memory_space<vmem>>, vector<16xf32>,
    %broadcast_in_dim3A_17 = arith.constant 1.000000e+00 : f32
    %broadcast_in_dim3A_18 = vector.broadcast %broadcast_in_dim3A_17 : f32 to vector<16xf32>
    %swap3A_19 = arith.constant 48 : index
    %swap3A_20 = tpu.vector_load %arg6[%swap3A_19] {strides = array<i32>} : memref<128xf32, #tpu.memory_space<vmem>>, vector<16xf32>,
    %swap3A_21 = vector.shape_cast %swap3A_20 : vector<16xf32> to vector<16xf32>
    %swap3A_22 = vector.shape_cast %broadcast_in_dim3A_18 : vector<16xf32> to vector<16xf32>
    tpu.vector_store %arg6[%swap3A_19], %swap3A_22 {strides = array<i32>} : memref<128xf32, #tpu.memory_space<vmem>>, vector<16xf32>,
    %broadcast_in_dim3A_23 = arith.constant 1.000000e+00 : f32
    %broadcast_in_dim3A_24 = vector.broadcast %broadcast_in_dim3A_23 : f32 to vector<16xf32>
    %swap3A_25 = arith.constant 64 : index
    %swap3A_26 = tpu.vector_load %arg6[%swap3A_25] {strides = array<i32>} : memref<128xf32, #tpu.memory_space<vmem>>, vector<16xf32>,
    %swap3A_27 = vector.shape_cast %swap3A_26 : vector<16xf32> to vector<16xf32>
    %swap3A_28 = vector.shape_cast %broadcast_in_dim3A_24 : vector<16xf32> to vector<16xf32>
    tpu.vector_store %arg6[%swap3A_25], %swap3A_28 {strides = array<i32>} : memref<128xf32, #tpu.memory_space<vmem>>, vector<16xf32>,
    %broadcast_in_dim3A_29 = arith.constant 1.000000e+00 : f32
    %broadcast_in_dim3A_30 = vector.broadcast %broadcast_in_dim3A_29 : f32 to vector<16xf32>
    %swap3A_31 = arith.constant 80 : index
    %swap3A_32 = tpu.vector_load %arg6[%swap3A_31] {strides = array<i32>} : memref<128xf32, #tpu.memory_space<vmem>>, vector<16xf32>,
    %swap3A_33 = vector.shape_cast %swap3A_32 : vector<16xf32> to vector<16xf32>
    %swap3A_34 = vector.shape_cast %broadcast_in_dim3A_30 : vector<16xf32> to vector<16xf32>
    tpu.vector_store %arg6[%swap3A_31], %swap3A_34 {strides = array<i32>} : memref<128xf32, #tpu.memory_space<vmem>>, vector<16xf32>,
    %broadcast_in_dim3A_35 = arith.constant 1.000000e+00 : f32
    %broadcast_in_dim3A_36 = vector.broadcast %broadcast_in_dim3A_35 : f32 to vector<16xf32>
    %swap3A_37 = arith.constant 96 : index
    %swap3A_38 = tpu.vector_load %arg6[%swap3A_37] {strides = array<i32>} : memref<128xf32, #tpu.memory_space<vmem>>, vector<16xf32>,
    %swap3A_39 = vector.shape_cast %swap3A_38 : vector<16xf32> to vector<16xf32>
    %swap3A_40 = vector.shape_cast %broadcast_in_dim3A_36 : vector<16xf32> to vector<16xf32>
    tpu.vector_store %arg6[%swap3A_37], %swap3A_40 {strides = array<i32>} : memref<128xf32, #tpu.memory_space<vmem>>, vector<16xf32>,
    %broadcast_in_dim3A_41 = arith.constant 1.000000e+00 : f32
    %broadcast_in_dim3A_42 = vector.broadcast %broadcast_in_dim3A_41 : f32 to vector<16xf32>
    %swap3A_43 = arith.constant 112 : index
    %swap3A_44 = tpu.vector_load %arg6[%swap3A_43] {strides = array<i32>} : memref<128xf32, #tpu.memory_space<vmem>>, vector<16xf32>,
    %swap3A_45 = vector.shape_cast %swap3A_44 : vector<16xf32> to vector<16xf32>
    %swap3A_46 = vector.shape_cast %broadcast_in_dim3A_42 : vector<16xf32> to vector<16xf32>
    tpu.vector_store %arg6[%swap3A_43], %swap3A_46 {strides = array<i32>} : memref<128xf32, #tpu.memory_space<vmem>>, vector<16xf32>,
    "tpu.region"() ({
      %run_scoped3A = tpu.sem_alloc : memref<!tpu.dma_semaphore, #tpu.memory_space<semaphore_mem>>
      tpu.enqueue_dma source(%arg3 : memref<640xf32, #tpu.memory_space<hbm>>) target(%arg7 : memref<640xf32, #tpu.memory_space<vmem>>) target_semaphore(%run_scoped3A : memref<!tpu.dma_semaphore, #tpu.memory_space<semaphore_mem>>)
      tpu.wait_dma2 semaphore(%run_scoped3A : memref<!tpu.dma_semaphore, #tpu.memory_space<semaphore_mem>>) src(%arg3 : memref<640xf32, #tpu.memory_space<hbm>>) dst(%arg7 : memref<640xf32, #tpu.memory_space<vmem>>)
      tpu.yield
    }) : () -> ()
    %mul3A_47 = arith.constant 640 : i32
    %mul3A_48 = arith.muli %arg1, %mul3A_47 : i32
    "tpu.region"() ({
      %run_scoped3A = tpu.sem_alloc : memref<!tpu.dma_semaphore, #tpu.memory_space<semaphore_mem>>
      %dma_start3A = tpu.memref_slice %arg10[%mul3A_48] : memref<10240xf32, #tpu.memory_space<vmem_shared>> -> memref<640xf32, #tpu.memory_space<vmem_shared>>
      %dma_start3A_59 = tpu.memref_slice %arg10[%mul3A_48] : memref<10240xf32, #tpu.memory_space<vmem_shared>> -> memref<640xf32, #tpu.memory_space<vmem_shared>>
      tpu.enqueue_dma source(%arg7 : memref<640xf32, #tpu.memory_space<vmem>>) target(%dma_start3A_59 : memref<640xf32, #tpu.memory_space<vmem_shared>>) target_semaphore(%run_scoped3A : memref<!tpu.dma_semaphore, #tpu.memory_space<semaphore_mem>>)
      %dma_wait3A = tpu.memref_slice %arg10[%mul3A_48] : memref<10240xf32, #tpu.memory_space<vmem_shared>> -> memref<640xf32, #tpu.memory_space<vmem_shared>>
      %dma_wait3A_60 = tpu.memref_slice %arg10[%mul3A_48] : memref<10240xf32, #tpu.memory_space<vmem_shared>> -> memref<640xf32, #tpu.memory_space<vmem_shared>>
      tpu.wait_dma2 semaphore(%run_scoped3A : memref<!tpu.dma_semaphore, #tpu.memory_space<semaphore_mem>>) src(%arg7 : memref<640xf32, #tpu.memory_space<vmem>>) dst(%dma_wait3A_60 : memref<640xf32, #tpu.memory_space<vmem_shared>>)
      tpu.yield
    }) : () -> ()
    %barrier3A = arith.constant 0 : index
    tpu.barrier barrier_id(%barrier3A)
    %scan3A = arith.constant 0 : i32
    %scan3A_49 = arith.constant 0 : i32
    %scan3A_50 = arith.constant 10 : i32
    %scan3A_51 = arith.addi %scan3A_49, %scan3A_50 : i32
    %scan3A_52 = arith.constant 1 : i32
    scf.for %scan3A_59 = %scan3A_49 to %scan3A_51 step %scan3A_52  : i32 {
      %mul3A_60 = arith.constant 2 : i32
      %mul3A_61 = arith.muli %mul3A_60, %scan3A_59 : i32
      %mul3A_62 = arith.constant 32 : i32
      %mul3A_63 = arith.muli %mul3A_62, %mul3A_61 : i32
      %add3A_64 = arith.addi %add3A, %mul3A_63 : i32
      %mul3A_65 = arith.constant 4 : i32
      %mul3A_66 = arith.muli %add3A_64, %mul3A_65 : i32
      %mul3A_67 = arith.constant 2 : i32
      %mul3A_68 = arith.muli %mul3A_67, %scan3A_59 : i32
      %add3A_69 = arith.constant 1 : i32
      %add3A_70 = arith.addi %mul3A_68, %add3A_69 : i32
      %mul3A_71 = arith.constant 32 : i32
      %mul3A_72 = arith.muli %mul3A_71, %add3A_70 : i32
      %add3A_73 = arith.addi %add3A, %mul3A_72 : i32
      %mul3A_74 = arith.constant 4 : i32
      %mul3A_75 = arith.muli %add3A_73, %mul3A_74 : i32
      %dma_start3A = arith.constant 0 : i32
      %dma_start3A_76 = arith.constant 0 : i32
      %dma_start3A_77 = tpu.memref_slice %arg5[%dma_start3A, %dma_start3A_76] : memref<8x128xi32, #tpu.memory_space<vmem>> -> memref<4x128xi32, #tpu.memory_space<vmem>>
      %dma_start3A_78 = arith.constant 0 : i32
      %dma_start3A_79 = tpu.memref_slice %arg2[%mul3A_66, %dma_start3A_78] : memref<2560x128xi32, #tpu.memory_space<hbm>> -> memref<4x128xi32, #tpu.memory_space<hbm>>
      %dma_start3A_80 = arith.constant 0 : i32
      %dma_start3A_81 = arith.constant 0 : i32
      %dma_start3A_82 = tpu.memref_slice %arg5[%dma_start3A_80, %dma_start3A_81] : memref<8x128xi32, #tpu.memory_space<vmem>> -> memref<4x128xi32, #tpu.memory_space<vmem>>
      %dma_start3A_83 = arith.constant 0 : i32
      %dma_start3A_84 = tpu.memref_slice %arg2[%mul3A_66, %dma_start3A_83] : memref<2560x128xi32, #tpu.memory_space<hbm>> -> memref<4x128xi32, #tpu.memory_space<hbm>>
      tpu.enqueue_dma source(%dma_start3A_84 : memref<4x128xi32, #tpu.memory_space<hbm>>) target(%dma_start3A_82 : memref<4x128xi32, #tpu.memory_space<vmem>>) target_semaphore(%arg8 : memref<!tpu.dma_semaphore, #tpu.memory_space<semaphore_mem>>)
      %dma_start3A_85 = arith.constant 4 : i32
      %dma_start3A_86 = arith.constant 0 : i32
      %dma_start3A_87 = tpu.memref_slice %arg5[%dma_start3A_85, %dma_start3A_86] : memref<8x128xi32, #tpu.memory_space<vmem>> -> memref<4x128xi32, #tpu.memory_space<vmem>>
      %dma_start3A_88 = arith.constant 0 : i32
      %dma_start3A_89 = tpu.memref_slice %arg2[%mul3A_75, %dma_start3A_88] : memref<2560x128xi32, #tpu.memory_space<hbm>> -> memref<4x128xi32, #tpu.memory_space<hbm>>
      %dma_start3A_90 = arith.constant 4 : i32
      %dma_start3A_91 = arith.constant 0 : i32
      %dma_start3A_92 = tpu.memref_slice %arg5[%dma_start3A_90, %dma_start3A_91] : memref<8x128xi32, #tpu.memory_space<vmem>> -> memref<4x128xi32, #tpu.memory_space<vmem>>
      %dma_start3A_93 = arith.constant 0 : i32
      %dma_start3A_94 = tpu.memref_slice %arg2[%mul3A_75, %dma_start3A_93] : memref<2560x128xi32, #tpu.memory_space<hbm>> -> memref<4x128xi32, #tpu.memory_space<hbm>>
      tpu.enqueue_dma source(%dma_start3A_94 : memref<4x128xi32, #tpu.memory_space<hbm>>) target(%dma_start3A_92 : memref<4x128xi32, #tpu.memory_space<vmem>>) target_semaphore(%arg8 : memref<!tpu.dma_semaphore, #tpu.memory_space<semaphore_mem>>)
      %dma_wait3A = arith.constant 0 : i32
      %dma_wait3A_95 = arith.constant 0 : i32
      %dma_wait3A_96 = tpu.memref_slice %arg5[%dma_wait3A, %dma_wait3A_95] : memref<8x128xi32, #tpu.memory_space<vmem>> -> memref<4x128xi32, #tpu.memory_space<vmem>>
      %dma_wait3A_97 = arith.constant 0 : i32
      %dma_wait3A_98 = tpu.memref_slice %arg2[%mul3A_66, %dma_wait3A_97] : memref<2560x128xi32, #tpu.memory_space<hbm>> -> memref<4x128xi32, #tpu.memory_space<hbm>>
      %dma_wait3A_99 = arith.constant 0 : i32
      %dma_wait3A_100 = arith.constant 0 : i32
      %dma_wait3A_101 = tpu.memref_slice %arg5[%dma_wait3A_99, %dma_wait3A_100] : memref<8x128xi32, #tpu.memory_space<vmem>> -> memref<4x128xi32, #tpu.memory_space<vmem>>
      %dma_wait3A_102 = arith.constant 0 : i32
      %dma_wait3A_103 = tpu.memref_slice %arg2[%mul3A_66, %dma_wait3A_102] : memref<2560x128xi32, #tpu.memory_space<hbm>> -> memref<4x128xi32, #tpu.memory_space<hbm>>
      tpu.wait_dma2 semaphore(%arg8 : memref<!tpu.dma_semaphore, #tpu.memory_space<semaphore_mem>>) src(%dma_wait3A_103 : memref<4x128xi32, #tpu.memory_space<hbm>>) dst(%dma_wait3A_101 : memref<4x128xi32, #tpu.memory_space<vmem>>)
      %dma_wait3A_104 = arith.constant 4 : i32
      %dma_wait3A_105 = arith.constant 0 : i32
      %dma_wait3A_106 = tpu.memref_slice %arg5[%dma_wait3A_104, %dma_wait3A_105] : memref<8x128xi32, #tpu.memory_space<vmem>> -> memref<4x128xi32, #tpu.memory_space<vmem>>
      %dma_wait3A_107 = arith.constant 0 : i32
      %dma_wait3A_108 = tpu.memref_slice %arg2[%mul3A_75, %dma_wait3A_107] : memref<2560x128xi32, #tpu.memory_space<hbm>> -> memref<4x128xi32, #tpu.memory_space<hbm>>
      %dma_wait3A_109 = arith.constant 4 : i32
      %dma_wait3A_110 = arith.constant 0 : i32
      %dma_wait3A_111 = tpu.memref_slice %arg5[%dma_wait3A_109, %dma_wait3A_110] : memref<8x128xi32, #tpu.memory_space<vmem>> -> memref<4x128xi32, #tpu.memory_space<vmem>>
      %dma_wait3A_112 = arith.constant 0 : i32
      %dma_wait3A_113 = tpu.memref_slice %arg2[%mul3A_75, %dma_wait3A_112] : memref<2560x128xi32, #tpu.memory_space<hbm>> -> memref<4x128xi32, #tpu.memory_space<hbm>>
      tpu.wait_dma2 semaphore(%arg8 : memref<!tpu.dma_semaphore, #tpu.memory_space<semaphore_mem>>) src(%dma_wait3A_113 : memref<4x128xi32, #tpu.memory_space<hbm>>) dst(%dma_wait3A_111 : memref<4x128xi32, #tpu.memory_space<vmem>>)
      %dma_start3A_114 = arith.constant 0 : i32
      %dma_start3A_115 = arith.constant 0 : i32
      %dma_start3A_116 = tpu.memref_slice %arg5[%dma_start3A_114, %dma_start3A_115] : memref<8x128xi32, #tpu.memory_space<vmem>> -> memref<1x128xi32, #tpu.memory_space<vmem>>
      %dma_start3A_117 = tpu.memref_squeeze %dma_start3A_116 : memref<1x128xi32, #tpu.memory_space<vmem>> -> memref<128xi32, #tpu.memory_space<vmem>>
      %dma_start3A_118 = arith.constant 0 : i32
      %dma_start3A_119 = tpu.memref_slice %arg10[%dma_start3A_118] : memref<10240xf32, #tpu.memory_space<vmem_shared>> -> memref<10240xf32, #tpu.memory_space<vmem_shared>>
      tpu.enqueue_indirect_dma source(%arg6 : memref<128xf32, #tpu.memory_space<vmem>>) target(%dma_start3A_119 : memref<10240xf32, #tpu.memory_space<vmem_shared>>) offsets(%dma_start3A_117 : memref<128xi32, #tpu.memory_space<vmem>>) semaphore(%arg9 : memref<!tpu.dma_semaphore, #tpu.memory_space<semaphore_mem>>) {add = true}
      %dma_start3A_120 = arith.constant 1 : i32
      %dma_start3A_121 = arith.constant 0 : i32
      %dma_start3A_122 = tpu.memref_slice %arg5[%dma_start3A_120, %dma_start3A_121] : memref<8x128xi32, #tpu.memory_space<vmem>> -> memref<1x128xi32, #tpu.memory_space<vmem>>
      %dma_start3A_123 = tpu.memref_squeeze %dma_start3A_122 : memref<1x128xi32, #tpu.memory_space<vmem>> -> memref<128xi32, #tpu.memory_space<vmem>>
      %dma_start3A_124 = arith.constant 0 : i32
      %dma_start3A_125 = tpu.memref_slice %arg10[%dma_start3A_124] : memref<10240xf32, #tpu.memory_space<vmem_shared>> -> memref<10240xf32, #tpu.memory_space<vmem_shared>>
      tpu.enqueue_indirect_dma source(%arg6 : memref<128xf32, #tpu.memory_space<vmem>>) target(%dma_start3A_125 : memref<10240xf32, #tpu.memory_space<vmem_shared>>) offsets(%dma_start3A_123 : memref<128xi32, #tpu.memory_space<vmem>>) semaphore(%arg9 : memref<!tpu.dma_semaphore, #tpu.memory_space<semaphore_mem>>) {add = true}
      %dma_start3A_126 = arith.constant 2 : i32
      %dma_start3A_127 = arith.constant 0 : i32
      %dma_start3A_128 = tpu.memref_slice %arg5[%dma_start3A_126, %dma_start3A_127] : memref<8x128xi32, #tpu.memory_space<vmem>> -> memref<1x128xi32, #tpu.memory_space<vmem>>
      %dma_start3A_129 = tpu.memref_squeeze %dma_start3A_128 : memref<1x128xi32, #tpu.memory_space<vmem>> -> memref<128xi32, #tpu.memory_space<vmem>>
      %dma_start3A_130 = arith.constant 0 : i32
      %dma_start3A_131 = tpu.memref_slice %arg10[%dma_start3A_130] : memref<10240xf32, #tpu.memory_space<vmem_shared>> -> memref<10240xf32, #tpu.memory_space<vmem_shared>>
      tpu.enqueue_indirect_dma source(%arg6 : memref<128xf32, #tpu.memory_space<vmem>>) target(%dma_start3A_131 : memref<10240xf32, #tpu.memory_space<vmem_shared>>) offsets(%dma_start3A_129 : memref<128xi32, #tpu.memory_space<vmem>>) semaphore(%arg9 : memref<!tpu.dma_semaphore, #tpu.memory_space<semaphore_mem>>) {add = true}
      %dma_start3A_132 = arith.constant 3 : i32
      %dma_start3A_133 = arith.constant 0 : i32
      %dma_start3A_134 = tpu.memref_slice %arg5[%dma_start3A_132, %dma_start3A_133] : memref<8x128xi32, #tpu.memory_space<vmem>> -> memref<1x128xi32, #tpu.memory_space<vmem>>
      %dma_start3A_135 = tpu.memref_squeeze %dma_start3A_134 : memref<1x128xi32, #tpu.memory_space<vmem>> -> memref<128xi32, #tpu.memory_space<vmem>>
      %dma_start3A_136 = arith.constant 0 : i32
      %dma_start3A_137 = tpu.memref_slice %arg10[%dma_start3A_136] : memref<10240xf32, #tpu.memory_space<vmem_shared>> -> memref<10240xf32, #tpu.memory_space<vmem_shared>>
      tpu.enqueue_indirect_dma source(%arg6 : memref<128xf32, #tpu.memory_space<vmem>>) target(%dma_start3A_137 : memref<10240xf32, #tpu.memory_space<vmem_shared>>) offsets(%dma_start3A_135 : memref<128xi32, #tpu.memory_space<vmem>>) semaphore(%arg9 : memref<!tpu.dma_semaphore, #tpu.memory_space<semaphore_mem>>) {add = true}
      %dma_start3A_138 = arith.constant 4 : i32
      %dma_start3A_139 = arith.constant 0 : i32
      %dma_start3A_140 = tpu.memref_slice %arg5[%dma_start3A_138, %dma_start3A_139] : memref<8x128xi32, #tpu.memory_space<vmem>> -> memref<1x128xi32, #tpu.memory_space<vmem>>
      %dma_start3A_141 = tpu.memref_squeeze %dma_start3A_140 : memref<1x128xi32, #tpu.memory_space<vmem>> -> memref<128xi32, #tpu.memory_space<vmem>>
      %dma_start3A_142 = arith.constant 0 : i32
      %dma_start3A_143 = tpu.memref_slice %arg10[%dma_start3A_142] : memref<10240xf32, #tpu.memory_space<vmem_shared>> -> memref<10240xf32, #tpu.memory_space<vmem_shared>>
      tpu.enqueue_indirect_dma source(%arg6 : memref<128xf32, #tpu.memory_space<vmem>>) target(%dma_start3A_143 : memref<10240xf32, #tpu.memory_space<vmem_shared>>) offsets(%dma_start3A_141 : memref<128xi32, #tpu.memory_space<vmem>>) semaphore(%arg9 : memref<!tpu.dma_semaphore, #tpu.memory_space<semaphore_mem>>) {add = true}
      %dma_start3A_144 = arith.constant 5 : i32
      %dma_start3A_145 = arith.constant 0 : i32
      %dma_start3A_146 = tpu.memref_slice %arg5[%dma_start3A_144, %dma_start3A_145] : memref<8x128xi32, #tpu.memory_space<vmem>> -> memref<1x128xi32, #tpu.memory_space<vmem>>
      %dma_start3A_147 = tpu.memref_squeeze %dma_start3A_146 : memref<1x128xi32, #tpu.memory_space<vmem>> -> memref<128xi32, #tpu.memory_space<vmem>>
      %dma_start3A_148 = arith.constant 0 : i32
      %dma_start3A_149 = tpu.memref_slice %arg10[%dma_start3A_148] : memref<10240xf32, #tpu.memory_space<vmem_shared>> -> memref<10240xf32, #tpu.memory_space<vmem_shared>>
      tpu.enqueue_indirect_dma source(%arg6 : memref<128xf32, #tpu.memory_space<vmem>>) target(%dma_start3A_149 : memref<10240xf32, #tpu.memory_space<vmem_shared>>) offsets(%dma_start3A_147 : memref<128xi32, #tpu.memory_space<vmem>>) semaphore(%arg9 : memref<!tpu.dma_semaphore, #tpu.memory_space<semaphore_mem>>) {add = true}
      %dma_start3A_150 = arith.constant 6 : i32
      %dma_start3A_151 = arith.constant 0 : i32
      %dma_start3A_152 = tpu.memref_slice %arg5[%dma_start3A_150, %dma_start3A_151] : memref<8x128xi32, #tpu.memory_space<vmem>> -> memref<1x128xi32, #tpu.memory_space<vmem>>
      %dma_start3A_153 = tpu.memref_squeeze %dma_start3A_152 : memref<1x128xi32, #tpu.memory_space<vmem>> -> memref<128xi32, #tpu.memory_space<vmem>>
      %dma_start3A_154 = arith.constant 0 : i32
      %dma_start3A_155 = tpu.memref_slice %arg10[%dma_start3A_154] : memref<10240xf32, #tpu.memory_space<vmem_shared>> -> memref<10240xf32, #tpu.memory_space<vmem_shared>>
      tpu.enqueue_indirect_dma source(%arg6 : memref<128xf32, #tpu.memory_space<vmem>>) target(%dma_start3A_155 : memref<10240xf32, #tpu.memory_space<vmem_shared>>) offsets(%dma_start3A_153 : memref<128xi32, #tpu.memory_space<vmem>>) semaphore(%arg9 : memref<!tpu.dma_semaphore, #tpu.memory_space<semaphore_mem>>) {add = true}
      %dma_start3A_156 = arith.constant 7 : i32
      %dma_start3A_157 = arith.constant 0 : i32
      %dma_start3A_158 = tpu.memref_slice %arg5[%dma_start3A_156, %dma_start3A_157] : memref<8x128xi32, #tpu.memory_space<vmem>> -> memref<1x128xi32, #tpu.memory_space<vmem>>
      %dma_start3A_159 = tpu.memref_squeeze %dma_start3A_158 : memref<1x128xi32, #tpu.memory_space<vmem>> -> memref<128xi32, #tpu.memory_space<vmem>>
      %dma_start3A_160 = arith.constant 0 : i32
      %dma_start3A_161 = tpu.memref_slice %arg10[%dma_start3A_160] : memref<10240xf32, #tpu.memory_space<vmem_shared>> -> memref<10240xf32, #tpu.memory_space<vmem_shared>>
      tpu.enqueue_indirect_dma source(%arg6 : memref<128xf32, #tpu.memory_space<vmem>>) target(%dma_start3A_161 : memref<10240xf32, #tpu.memory_space<vmem_shared>>) offsets(%dma_start3A_159 : memref<128xi32, #tpu.memory_space<vmem>>) semaphore(%arg9 : memref<!tpu.dma_semaphore, #tpu.memory_space<semaphore_mem>>) {add = true}
      %dma_wait3A_162 = arith.constant 0 : i32
      %dma_wait3A_163 = arith.constant 0 : i32
      %dma_wait3A_164 = tpu.memref_slice %arg5[%dma_wait3A_162, %dma_wait3A_163] : memref<8x128xi32, #tpu.memory_space<vmem>> -> memref<1x128xi32, #tpu.memory_space<vmem>>
      %dma_wait3A_165 = tpu.memref_squeeze %dma_wait3A_164 : memref<1x128xi32, #tpu.memory_space<vmem>> -> memref<128xi32, #tpu.memory_space<vmem>>
      %dma_wait3A_166 = arith.constant 0 : i32
      %dma_wait3A_167 = tpu.memref_slice %arg10[%dma_wait3A_166] : memref<10240xf32, #tpu.memory_space<vmem_shared>> -> memref<10240xf32, #tpu.memory_space<vmem_shared>>
      tpu.wait_indirect_dma semaphore(%arg9 : memref<!tpu.dma_semaphore, #tpu.memory_space<semaphore_mem>>) src(%arg6 : memref<128xf32, #tpu.memory_space<vmem>>) dst(%dma_wait3A_167 : memref<10240xf32, #tpu.memory_space<vmem_shared>>)
      %dma_wait3A_168 = arith.constant 1 : i32
      %dma_wait3A_169 = arith.constant 0 : i32
      %dma_wait3A_170 = tpu.memref_slice %arg5[%dma_wait3A_168, %dma_wait3A_169] : memref<8x128xi32, #tpu.memory_space<vmem>> -> memref<1x128xi32, #tpu.memory_space<vmem>>
      %dma_wait3A_171 = tpu.memref_squeeze %dma_wait3A_170 : memref<1x128xi32, #tpu.memory_space<vmem>> -> memref<128xi32, #tpu.memory_space<vmem>>
      %dma_wait3A_172 = arith.constant 0 : i32
      %dma_wait3A_173 = tpu.memref_slice %arg10[%dma_wait3A_172] : memref<10240xf32, #tpu.memory_space<vmem_shared>> -> memref<10240xf32, #tpu.memory_space<vmem_shared>>
      tpu.wait_indirect_dma semaphore(%arg9 : memref<!tpu.dma_semaphore, #tpu.memory_space<semaphore_mem>>) src(%arg6 : memref<128xf32, #tpu.memory_space<vmem>>) dst(%dma_wait3A_173 : memref<10240xf32, #tpu.memory_space<vmem_shared>>)
      %dma_wait3A_174 = arith.constant 2 : i32
      %dma_wait3A_175 = arith.constant 0 : i32
      %dma_wait3A_176 = tpu.memref_slice %arg5[%dma_wait3A_174, %dma_wait3A_175] : memref<8x128xi32, #tpu.memory_space<vmem>> -> memref<1x128xi32, #tpu.memory_space<vmem>>
      %dma_wait3A_177 = tpu.memref_squeeze %dma_wait3A_176 : memref<1x128xi32, #tpu.memory_space<vmem>> -> memref<128xi32, #tpu.memory_space<vmem>>
      %dma_wait3A_178 = arith.constant 0 : i32
      %dma_wait3A_179 = tpu.memref_slice %arg10[%dma_wait3A_178] : memref<10240xf32, #tpu.memory_space<vmem_shared>> -> memref<10240xf32, #tpu.memory_space<vmem_shared>>
      tpu.wait_indirect_dma semaphore(%arg9 : memref<!tpu.dma_semaphore, #tpu.memory_space<semaphore_mem>>) src(%arg6 : memref<128xf32, #tpu.memory_space<vmem>>) dst(%dma_wait3A_179 : memref<10240xf32, #tpu.memory_space<vmem_shared>>)
      %dma_wait3A_180 = arith.constant 3 : i32
      %dma_wait3A_181 = arith.constant 0 : i32
      %dma_wait3A_182 = tpu.memref_slice %arg5[%dma_wait3A_180, %dma_wait3A_181] : memref<8x128xi32, #tpu.memory_space<vmem>> -> memref<1x128xi32, #tpu.memory_space<vmem>>
      %dma_wait3A_183 = tpu.memref_squeeze %dma_wait3A_182 : memref<1x128xi32, #tpu.memory_space<vmem>> -> memref<128xi32, #tpu.memory_space<vmem>>
      %dma_wait3A_184 = arith.constant 0 : i32
      %dma_wait3A_185 = tpu.memref_slice %arg10[%dma_wait3A_184] : memref<10240xf32, #tpu.memory_space<vmem_shared>> -> memref<10240xf32, #tpu.memory_space<vmem_shared>>
      tpu.wait_indirect_dma semaphore(%arg9 : memref<!tpu.dma_semaphore, #tpu.memory_space<semaphore_mem>>) src(%arg6 : memref<128xf32, #tpu.memory_space<vmem>>) dst(%dma_wait3A_185 : memref<10240xf32, #tpu.memory_space<vmem_shared>>)
      %dma_wait3A_186 = arith.constant 4 : i32
      %dma_wait3A_187 = arith.constant 0 : i32
      %dma_wait3A_188 = tpu.memref_slice %arg5[%dma_wait3A_186, %dma_wait3A_187] : memref<8x128xi32, #tpu.memory_space<vmem>> -> memref<1x128xi32, #tpu.memory_space<vmem>>
      %dma_wait3A_189 = tpu.memref_squeeze %dma_wait3A_188 : memref<1x128xi32, #tpu.memory_space<vmem>> -> memref<128xi32, #tpu.memory_space<vmem>>
      %dma_wait3A_190 = arith.constant 0 : i32
      %dma_wait3A_191 = tpu.memref_slice %arg10[%dma_wait3A_190] : memref<10240xf32, #tpu.memory_space<vmem_shared>> -> memref<10240xf32, #tpu.memory_space<vmem_shared>>
      tpu.wait_indirect_dma semaphore(%arg9 : memref<!tpu.dma_semaphore, #tpu.memory_space<semaphore_mem>>) src(%arg6 : memref<128xf32, #tpu.memory_space<vmem>>) dst(%dma_wait3A_191 : memref<10240xf32, #tpu.memory_space<vmem_shared>>)
      %dma_wait3A_192 = arith.constant 5 : i32
      %dma_wait3A_193 = arith.constant 0 : i32
      %dma_wait3A_194 = tpu.memref_slice %arg5[%dma_wait3A_192, %dma_wait3A_193] : memref<8x128xi32, #tpu.memory_space<vmem>> -> memref<1x128xi32, #tpu.memory_space<vmem>>
      %dma_wait3A_195 = tpu.memref_squeeze %dma_wait3A_194 : memref<1x128xi32, #tpu.memory_space<vmem>> -> memref<128xi32, #tpu.memory_space<vmem>>
      %dma_wait3A_196 = arith.constant 0 : i32
      %dma_wait3A_197 = tpu.memref_slice %arg10[%dma_wait3A_196] : memref<10240xf32, #tpu.memory_space<vmem_shared>> -> memref<10240xf32, #tpu.memory_space<vmem_shared>>
      tpu.wait_indirect_dma semaphore(%arg9 : memref<!tpu.dma_semaphore, #tpu.memory_space<semaphore_mem>>) src(%arg6 : memref<128xf32, #tpu.memory_space<vmem>>) dst(%dma_wait3A_197 : memref<10240xf32, #tpu.memory_space<vmem_shared>>)
      %dma_wait3A_198 = arith.constant 6 : i32
      %dma_wait3A_199 = arith.constant 0 : i32
      %dma_wait3A_200 = tpu.memref_slice %arg5[%dma_wait3A_198, %dma_wait3A_199] : memref<8x128xi32, #tpu.memory_space<vmem>> -> memref<1x128xi32, #tpu.memory_space<vmem>>
      %dma_wait3A_201 = tpu.memref_squeeze %dma_wait3A_200 : memref<1x128xi32, #tpu.memory_space<vmem>> -> memref<128xi32, #tpu.memory_space<vmem>>
      %dma_wait3A_202 = arith.constant 0 : i32
      %dma_wait3A_203 = tpu.memref_slice %arg10[%dma_wait3A_202] : memref<10240xf32, #tpu.memory_space<vmem_shared>> -> memref<10240xf32, #tpu.memory_space<vmem_shared>>
      tpu.wait_indirect_dma semaphore(%arg9 : memref<!tpu.dma_semaphore, #tpu.memory_space<semaphore_mem>>) src(%arg6 : memref<128xf32, #tpu.memory_space<vmem>>) dst(%dma_wait3A_203 : memref<10240xf32, #tpu.memory_space<vmem_shared>>)
      %dma_wait3A_204 = arith.constant 7 : i32
      %dma_wait3A_205 = arith.constant 0 : i32
      %dma_wait3A_206 = tpu.memref_slice %arg5[%dma_wait3A_204, %dma_wait3A_205] : memref<8x128xi32, #tpu.memory_space<vmem>> -> memref<1x128xi32, #tpu.memory_space<vmem>>
      %dma_wait3A_207 = tpu.memref_squeeze %dma_wait3A_206 : memref<1x128xi32, #tpu.memory_space<vmem>> -> memref<128xi32, #tpu.memory_space<vmem>>
      %dma_wait3A_208 = arith.constant 0 : i32
      %dma_wait3A_209 = tpu.memref_slice %arg10[%dma_wait3A_208] : memref<10240xf32, #tpu.memory_space<vmem_shared>> -> memref<10240xf32, #tpu.memory_space<vmem_shared>>
      tpu.wait_indirect_dma semaphore(%arg9 : memref<!tpu.dma_semaphore, #tpu.memory_space<semaphore_mem>>) src(%arg6 : memref<128xf32, #tpu.memory_space<vmem>>) dst(%dma_wait3A_209 : memref<10240xf32, #tpu.memory_space<vmem_shared>>)
    }
    %scan3A_53 = arith.constant 10 : i32
    %barrier3A_54 = arith.constant 0 : index
    tpu.barrier barrier_id(%barrier3A_54)
    %mul3A_55 = arith.constant 640 : i32
    %mul3A_56 = arith.muli %arg1, %mul3A_55 : i32
    %mul3A_57 = arith.constant 640 : i32
    %mul3A_58 = arith.muli %arg1, %mul3A_57 : i32
    "tpu.region"() ({
      %run_scoped3A = tpu.sem_alloc : memref<!tpu.dma_semaphore, #tpu.memory_space<semaphore_mem>>
      %dma_start3A = arith.constant 0 : i32
      %dma_start3A_59 = tpu.memref_slice %arg4[%arg0, %dma_start3A] : memref<2x10240xf32, #tpu.memory_space<hbm>> -> memref<1x10240xf32, #tpu.memory_space<hbm>>
      %dma_start3A_60 = tpu.memref_squeeze %dma_start3A_59 : memref<1x10240xf32, #tpu.memory_space<hbm>> -> memref<10240xf32, #tpu.memory_space<hbm>>
      %dma_start3A_61 = tpu.memref_slice %dma_start3A_60[%mul3A_58] : memref<10240xf32, #tpu.memory_space<hbm>> -> memref<640xf32, #tpu.memory_space<hbm>>
      %dma_start3A_62 = tpu.memref_slice %arg10[%mul3A_56] : memref<10240xf32, #tpu.memory_space<vmem_shared>> -> memref<640xf32, #tpu.memory_space<vmem_shared>>
      tpu.enqueue_dma source(%dma_start3A_62 : memref<640xf32, #tpu.memory_space<vmem_shared>>) target(%dma_start3A_61 : memref<640xf32, #tpu.memory_space<hbm>>) target_semaphore(%run_scoped3A : memref<!tpu.dma_semaphore, #tpu.memory_space<semaphore_mem>>)
      %dma_wait3A = arith.constant 0 : i32
      %dma_wait3A_63 = tpu.memref_slice %arg4[%arg0, %dma_wait3A] : memref<2x10240xf32, #tpu.memory_space<hbm>> -> memref<1x10240xf32, #tpu.memory_space<hbm>>
      %dma_wait3A_64 = tpu.memref_squeeze %dma_wait3A_63 : memref<1x10240xf32, #tpu.memory_space<hbm>> -> memref<10240xf32, #tpu.memory_space<hbm>>
      %dma_wait3A_65 = tpu.memref_slice %dma_wait3A_64[%mul3A_58] : memref<10240xf32, #tpu.memory_space<hbm>> -> memref<640xf32, #tpu.memory_space<hbm>>
      %dma_wait3A_66 = tpu.memref_slice %arg10[%mul3A_56] : memref<10240xf32, #tpu.memory_space<vmem_shared>> -> memref<640xf32, #tpu.memory_space<vmem_shared>>
      tpu.wait_dma2 semaphore(%run_scoped3A : memref<!tpu.dma_semaphore, #tpu.memory_space<semaphore_mem>>) src(%dma_wait3A_66 : memref<640xf32, #tpu.memory_space<vmem_shared>>) dst(%dma_wait3A_65 : memref<640xf32, #tpu.memory_space<hbm>>)
      tpu.yield
    }) : () -> ()
    return
  }
}

#map = affine_map<(d0, d1) -> (0, 0)>
#map1 = affine_map<(d0, d1) -> (0)>
#map2 = affine_map<(d0, d1) -> (0, 0, 0)>
module attributes {stable_mosaic.version = 14 : i64} {
  func.func @_k5_pool(%arg0: i32, %arg1: i32, %arg2: memref<10240x32xf32, #tpu.memory_space<hbm>>, %arg3: memref<10240xf32, #tpu.memory_space<hbm>>, %arg4: memref<10240xi32, #tpu.memory_space<hbm>>, %arg5: memref<2560x128xi32, #tpu.memory_space<hbm>>, %arg6: memref<2560x128xi32, #tpu.memory_space<hbm>>, %arg7: memref<128x32xf32, #tpu.memory_space<hbm>>, %arg8: memref<2x128x32xf32, #tpu.memory_space<hbm>>, %arg9: memref<2x128x32xf32, #tpu.memory_space<hbm>>, %arg10: memref<8x128xi32, #tpu.memory_space<vmem>>, %arg11: memref<8x128xi32, #tpu.memory_space<vmem>>, %arg12: memref<1024x32xf32, #tpu.memory_space<vmem>>, %arg13: memref<128x32xf32, #tpu.memory_space<vmem>>, %arg14: memref<128x32xf32, #tpu.memory_space<vmem>>, %arg15: memref<128x32xf32, #tpu.memory_space<vmem>>, %arg16: memref<128x32xf32, #tpu.memory_space<vmem>>, %arg17: memref<128xf32, #tpu.memory_space<vmem>>, %arg18: memref<128xi32, #tpu.memory_space<vmem>>, %arg19: memref<128x32xf32, #tpu.memory_space<vmem>>, %arg20: memref<!tpu.dma_semaphore, #tpu.memory_space<semaphore_mem>>, %arg21: memref<!tpu.dma_semaphore, #tpu.memory_space<semaphore_mem>>, %arg22: memref<!tpu.dma_semaphore, #tpu.memory_space<semaphore_mem>>, %arg23: memref<10240x32xf32, #tpu.memory_space<vmem_shared>>, %arg24: memref<128x32xf32, #tpu.memory_space<vmem_shared>>, %arg25: memref<128x32xf32, #tpu.memory_space<vmem_shared>>) attributes {dimension_semantics = [#tpu.dimension_semantics<core_parallel>, #tpu.dimension_semantics<subcore_parallel>], iteration_bounds = array<i64: 2, 16>, scalar_prefetch = 0 : i64, scratch_operands = 16 : i64, tpu.core_type = #tpu.core_type<sc_vector_subcore>, window_params = [{transform_indices = #map}, {transform_indices = #map1}, {transform_indices = #map1}, {transform_indices = #map}, {transform_indices = #map}, {transform_indices = #map}, {transform_indices = #map2}, {transform_indices = #map2}]} {
    %mul3A = arith.constant 2 : i32
    %mul3A_0 = arith.muli %arg1, %mul3A : i32
    %add3A = arith.addi %mul3A_0, %arg0 : i32
    "tpu.region"() ({
      %run_scoped3A = tpu.sem_alloc : memref<!tpu.dma_semaphore, #tpu.memory_space<semaphore_mem>>
      tpu.enqueue_dma source(%arg7 : memref<128x32xf32, #tpu.memory_space<hbm>>) target(%arg19 : memref<128x32xf32, #tpu.memory_space<vmem>>) target_semaphore(%run_scoped3A : memref<!tpu.dma_semaphore, #tpu.memory_space<semaphore_mem>>)
      tpu.wait_dma2 semaphore(%run_scoped3A : memref<!tpu.dma_semaphore, #tpu.memory_space<semaphore_mem>>) src(%arg7 : memref<128x32xf32, #tpu.memory_space<hbm>>) dst(%arg19 : memref<128x32xf32, #tpu.memory_space<vmem>>)
      tpu.yield
    }) : () -> ()
    %mul3A_1 = arith.constant 640 : i32
    %mul3A_2 = arith.muli %arg1, %mul3A_1 : i32
    %add3A_3 = arith.constant 0 : i32
    %add3A_4 = arith.addi %mul3A_2, %add3A_3 : i32
    "tpu.region"() ({
      %run_scoped3A = tpu.sem_alloc : memref<!tpu.dma_semaphore, #tpu.memory_space<semaphore_mem>>
      %dma_start3A = arith.constant 0 : i32
      %dma_start3A_104 = tpu.memref_slice %arg23[%add3A_4, %dma_start3A] : memref<10240x32xf32, #tpu.memory_space<vmem_shared>> -> memref<128x32xf32, #tpu.memory_space<vmem_shared>>
      %dma_start3A_105 = arith.constant 0 : i32
      %dma_start3A_106 = tpu.memref_slice %arg23[%add3A_4, %dma_start3A_105] : memref<10240x32xf32, #tpu.memory_space<vmem_shared>> -> memref<128x32xf32, #tpu.memory_space<vmem_shared>>
      tpu.enqueue_dma source(%arg19 : memref<128x32xf32, #tpu.memory_space<vmem>>) target(%dma_start3A_106 : memref<128x32xf32, #tpu.memory_space<vmem_shared>>) target_semaphore(%run_scoped3A : memref<!tpu.dma_semaphore, #tpu.memory_space<semaphore_mem>>)
      %dma_wait3A = arith.constant 0 : i32
      %dma_wait3A_107 = tpu.memref_slice %arg23[%add3A_4, %dma_wait3A] : memref<10240x32xf32, #tpu.memory_space<vmem_shared>> -> memref<128x32xf32, #tpu.memory_space<vmem_shared>>
      %dma_wait3A_108 = arith.constant 0 : i32
      %dma_wait3A_109 = tpu.memref_slice %arg23[%add3A_4, %dma_wait3A_108] : memref<10240x32xf32, #tpu.memory_space<vmem_shared>> -> memref<128x32xf32, #tpu.memory_space<vmem_shared>>
      tpu.wait_dma2 semaphore(%run_scoped3A : memref<!tpu.dma_semaphore, #tpu.memory_space<semaphore_mem>>) src(%arg19 : memref<128x32xf32, #tpu.memory_space<vmem>>) dst(%dma_wait3A_109 : memref<128x32xf32, #tpu.memory_space<vmem_shared>>)
      tpu.yield
    }) : () -> ()
    %mul3A_5 = arith.constant 640 : i32
    %mul3A_6 = arith.muli %arg1, %mul3A_5 : i32
    %add3A_7 = arith.constant 128 : i32
    %add3A_8 = arith.addi %mul3A_6, %add3A_7 : i32
    "tpu.region"() ({
      %run_scoped3A = tpu.sem_alloc : memref<!tpu.dma_semaphore, #tpu.memory_space<semaphore_mem>>
      %dma_start3A = arith.constant 0 : i32
      %dma_start3A_104 = tpu.memref_slice %arg23[%add3A_8, %dma_start3A] : memref<10240x32xf32, #tpu.memory_space<vmem_shared>> -> memref<128x32xf32, #tpu.memory_space<vmem_shared>>
      %dma_start3A_105 = arith.constant 0 : i32
      %dma_start3A_106 = tpu.memref_slice %arg23[%add3A_8, %dma_start3A_105] : memref<10240x32xf32, #tpu.memory_space<vmem_shared>> -> memref<128x32xf32, #tpu.memory_space<vmem_shared>>
      tpu.enqueue_dma source(%arg19 : memref<128x32xf32, #tpu.memory_space<vmem>>) target(%dma_start3A_106 : memref<128x32xf32, #tpu.memory_space<vmem_shared>>) target_semaphore(%run_scoped3A : memref<!tpu.dma_semaphore, #tpu.memory_space<semaphore_mem>>)
      %dma_wait3A = arith.constant 0 : i32
      %dma_wait3A_107 = tpu.memref_slice %arg23[%add3A_8, %dma_wait3A] : memref<10240x32xf32, #tpu.memory_space<vmem_shared>> -> memref<128x32xf32, #tpu.memory_space<vmem_shared>>
      %dma_wait3A_108 = arith.constant 0 : i32
      %dma_wait3A_109 = tpu.memref_slice %arg23[%add3A_8, %dma_wait3A_108] : memref<10240x32xf32, #tpu.memory_space<vmem_shared>> -> memref<128x32xf32, #tpu.memory_space<vmem_shared>>
      tpu.wait_dma2 semaphore(%run_scoped3A : memref<!tpu.dma_semaphore, #tpu.memory_space<semaphore_mem>>) src(%arg19 : memref<128x32xf32, #tpu.memory_space<vmem>>) dst(%dma_wait3A_109 : memref<128x32xf32, #tpu.memory_space<vmem_shared>>)
      tpu.yield
    }) : () -> ()
    %mul3A_9 = arith.constant 640 : i32
    %mul3A_10 = arith.muli %arg1, %mul3A_9 : i32
    %add3A_11 = arith.constant 256 : i32
    %add3A_12 = arith.addi %mul3A_10, %add3A_11 : i32
    "tpu.region"() ({
      %run_scoped3A = tpu.sem_alloc : memref<!tpu.dma_semaphore, #tpu.memory_space<semaphore_mem>>
      %dma_start3A = arith.constant 0 : i32
      %dma_start3A_104 = tpu.memref_slice %arg23[%add3A_12, %dma_start3A] : memref<10240x32xf32, #tpu.memory_space<vmem_shared>> -> memref<128x32xf32, #tpu.memory_space<vmem_shared>>
      %dma_start3A_105 = arith.constant 0 : i32
      %dma_start3A_106 = tpu.memref_slice %arg23[%add3A_12, %dma_start3A_105] : memref<10240x32xf32, #tpu.memory_space<vmem_shared>> -> memref<128x32xf32, #tpu.memory_space<vmem_shared>>
      tpu.enqueue_dma source(%arg19 : memref<128x32xf32, #tpu.memory_space<vmem>>) target(%dma_start3A_106 : memref<128x32xf32, #tpu.memory_space<vmem_shared>>) target_semaphore(%run_scoped3A : memref<!tpu.dma_semaphore, #tpu.memory_space<semaphore_mem>>)
      %dma_wait3A = arith.constant 0 : i32
      %dma_wait3A_107 = tpu.memref_slice %arg23[%add3A_12, %dma_wait3A] : memref<10240x32xf32, #tpu.memory_space<vmem_shared>> -> memref<128x32xf32, #tpu.memory_space<vmem_shared>>
      %dma_wait3A_108 = arith.constant 0 : i32
      %dma_wait3A_109 = tpu.memref_slice %arg23[%add3A_12, %dma_wait3A_108] : memref<10240x32xf32, #tpu.memory_space<vmem_shared>> -> memref<128x32xf32, #tpu.memory_space<vmem_shared>>
      tpu.wait_dma2 semaphore(%run_scoped3A : memref<!tpu.dma_semaphore, #tpu.memory_space<semaphore_mem>>) src(%arg19 : memref<128x32xf32, #tpu.memory_space<vmem>>) dst(%dma_wait3A_109 : memref<128x32xf32, #tpu.memory_space<vmem_shared>>)
      tpu.yield
    }) : () -> ()
    %mul3A_13 = arith.constant 640 : i32
    %mul3A_14 = arith.muli %arg1, %mul3A_13 : i32
    %add3A_15 = arith.constant 384 : i32
    %add3A_16 = arith.addi %mul3A_14, %add3A_15 : i32
    "tpu.region"() ({
      %run_scoped3A = tpu.sem_alloc : memref<!tpu.dma_semaphore, #tpu.memory_space<semaphore_mem>>
      %dma_start3A = arith.constant 0 : i32
      %dma_start3A_104 = tpu.memref_slice %arg23[%add3A_16, %dma_start3A] : memref<10240x32xf32, #tpu.memory_space<vmem_shared>> -> memref<128x32xf32, #tpu.memory_space<vmem_shared>>
      %dma_start3A_105 = arith.constant 0 : i32
      %dma_start3A_106 = tpu.memref_slice %arg23[%add3A_16, %dma_start3A_105] : memref<10240x32xf32, #tpu.memory_space<vmem_shared>> -> memref<128x32xf32, #tpu.memory_space<vmem_shared>>
      tpu.enqueue_dma source(%arg19 : memref<128x32xf32, #tpu.memory_space<vmem>>) target(%dma_start3A_106 : memref<128x32xf32, #tpu.memory_space<vmem_shared>>) target_semaphore(%run_scoped3A : memref<!tpu.dma_semaphore, #tpu.memory_space<semaphore_mem>>)
      %dma_wait3A = arith.constant 0 : i32
      %dma_wait3A_107 = tpu.memref_slice %arg23[%add3A_16, %dma_wait3A] : memref<10240x32xf32, #tpu.memory_space<vmem_shared>> -> memref<128x32xf32, #tpu.memory_space<vmem_shared>>
      %dma_wait3A_108 = arith.constant 0 : i32
      %dma_wait3A_109 = tpu.memref_slice %arg23[%add3A_16, %dma_wait3A_108] : memref<10240x32xf32, #tpu.memory_space<vmem_shared>> -> memref<128x32xf32, #tpu.memory_space<vmem_shared>>
      tpu.wait_dma2 semaphore(%run_scoped3A : memref<!tpu.dma_semaphore, #tpu.memory_space<semaphore_mem>>) src(%arg19 : memref<128x32xf32, #tpu.memory_space<vmem>>) dst(%dma_wait3A_109 : memref<128x32xf32, #tpu.memory_space<vmem_shared>>)
      tpu.yield
    }) : () -> ()
    %mul3A_17 = arith.constant 640 : i32
    %mul3A_18 = arith.muli %arg1, %mul3A_17 : i32
    %add3A_19 = arith.constant 512 : i32
    %add3A_20 = arith.addi %mul3A_18, %add3A_19 : i32
    "tpu.region"() ({
      %run_scoped3A = tpu.sem_alloc : memref<!tpu.dma_semaphore, #tpu.memory_space<semaphore_mem>>
      %dma_start3A = arith.constant 0 : i32
      %dma_start3A_104 = tpu.memref_slice %arg23[%add3A_20, %dma_start3A] : memref<10240x32xf32, #tpu.memory_space<vmem_shared>> -> memref<128x32xf32, #tpu.memory_space<vmem_shared>>
      %dma_start3A_105 = arith.constant 0 : i32
      %dma_start3A_106 = tpu.memref_slice %arg23[%add3A_20, %dma_start3A_105] : memref<10240x32xf32, #tpu.memory_space<vmem_shared>> -> memref<128x32xf32, #tpu.memory_space<vmem_shared>>
      tpu.enqueue_dma source(%arg19 : memref<128x32xf32, #tpu.memory_space<vmem>>) target(%dma_start3A_106 : memref<128x32xf32, #tpu.memory_space<vmem_shared>>) target_semaphore(%run_scoped3A : memref<!tpu.dma_semaphore, #tpu.memory_space<semaphore_mem>>)
      %dma_wait3A = arith.constant 0 : i32
      %dma_wait3A_107 = tpu.memref_slice %arg23[%add3A_20, %dma_wait3A] : memref<10240x32xf32, #tpu.memory_space<vmem_shared>> -> memref<128x32xf32, #tpu.memory_space<vmem_shared>>
      %dma_wait3A_108 = arith.constant 0 : i32
      %dma_wait3A_109 = tpu.memref_slice %arg23[%add3A_20, %dma_wait3A_108] : memref<10240x32xf32, #tpu.memory_space<vmem_shared>> -> memref<128x32xf32, #tpu.memory_space<vmem_shared>>
      tpu.wait_dma2 semaphore(%run_scoped3A : memref<!tpu.dma_semaphore, #tpu.memory_space<semaphore_mem>>) src(%arg19 : memref<128x32xf32, #tpu.memory_space<vmem>>) dst(%dma_wait3A_109 : memref<128x32xf32, #tpu.memory_space<vmem_shared>>)
      tpu.yield
    }) : () -> ()
    %eq3A = arith.constant 0 : i32
    %eq3A_21 = arith.cmpi eq, %arg1, %eq3A : i32
    %convert_element_type3A = arith.extui %eq3A_21 : i1 to i32
    %cond3A = arith.constant 0 : i32
    %cond3A_22 = arith.cmpi ne, %convert_element_type3A, %cond3A : i32
    scf.if %cond3A_22 {
      "tpu.region"() ({
        %run_scoped3A = tpu.sem_alloc : memref<!tpu.dma_semaphore, #tpu.memory_space<semaphore_mem>>
        tpu.enqueue_dma source(%arg19 : memref<128x32xf32, #tpu.memory_space<vmem>>) target(%arg24 : memref<128x32xf32, #tpu.memory_space<vmem_shared>>) target_semaphore(%run_scoped3A : memref<!tpu.dma_semaphore, #tpu.memory_space<semaphore_mem>>)
        tpu.wait_dma2 semaphore(%run_scoped3A : memref<!tpu.dma_semaphore, #tpu.memory_space<semaphore_mem>>) src(%arg19 : memref<128x32xf32, #tpu.memory_space<vmem>>) dst(%arg24 : memref<128x32xf32, #tpu.memory_space<vmem_shared>>)
        tpu.yield
      }) : () -> ()
    } else {
    }
    %eq3A_23 = arith.constant 1 : i32
    %eq3A_24 = arith.cmpi eq, %arg1, %eq3A_23 : i32
    %convert_element_type3A_25 = arith.extui %eq3A_24 : i1 to i32
    %cond3A_26 = arith.constant 0 : i32
    %cond3A_27 = arith.cmpi ne, %convert_element_type3A_25, %cond3A_26 : i32
    scf.if %cond3A_27 {
      "tpu.region"() ({
        %run_scoped3A = tpu.sem_alloc : memref<!tpu.dma_semaphore, #tpu.memory_space<semaphore_mem>>
        tpu.enqueue_dma source(%arg19 : memref<128x32xf32, #tpu.memory_space<vmem>>) target(%arg25 : memref<128x32xf32, #tpu.memory_space<vmem_shared>>) target_semaphore(%run_scoped3A : memref<!tpu.dma_semaphore, #tpu.memory_space<semaphore_mem>>)
        tpu.wait_dma2 semaphore(%run_scoped3A : memref<!tpu.dma_semaphore, #tpu.memory_space<semaphore_mem>>) src(%arg19 : memref<128x32xf32, #tpu.memory_space<vmem>>) dst(%arg25 : memref<128x32xf32, #tpu.memory_space<vmem_shared>>)
        tpu.yield
      }) : () -> ()
    } else {
    }
    %barrier3A = arith.constant 0 : index
    tpu.barrier barrier_id(%barrier3A)
    %scan3A = arith.constant 0 : i32
    %scan3A_28 = arith.constant 0 : i32
    %scan3A_29 = arith.constant 10 : i32
    %scan3A_30 = arith.addi %scan3A_28, %scan3A_29 : i32
    %scan3A_31 = arith.constant 1 : i32
    scf.for %scan3A_104 = %scan3A_28 to %scan3A_30 step %scan3A_31  : i32 {
      %mul3A_105 = arith.constant 2 : i32
      %mul3A_106 = arith.muli %mul3A_105, %scan3A_104 : i32
      %mul3A_107 = arith.constant 32 : i32
      %mul3A_108 = arith.muli %mul3A_107, %mul3A_106 : i32
      %add3A_109 = arith.addi %add3A, %mul3A_108 : i32
      %mul3A_110 = arith.constant 4 : i32
      %mul3A_111 = arith.muli %add3A_109, %mul3A_110 : i32
      %mul3A_112 = arith.constant 2 : i32
      %mul3A_113 = arith.muli %mul3A_112, %scan3A_104 : i32
      %add3A_114 = arith.constant 1 : i32
      %add3A_115 = arith.addi %mul3A_113, %add3A_114 : i32
      %mul3A_116 = arith.constant 32 : i32
      %mul3A_117 = arith.muli %mul3A_116, %add3A_115 : i32
      %add3A_118 = arith.addi %add3A, %mul3A_117 : i32
      %mul3A_119 = arith.constant 4 : i32
      %mul3A_120 = arith.muli %add3A_118, %mul3A_119 : i32
      %dma_start3A = arith.constant 0 : i32
      %dma_start3A_121 = arith.constant 0 : i32
      %dma_start3A_122 = tpu.memref_slice %arg10[%dma_start3A, %dma_start3A_121] : memref<8x128xi32, #tpu.memory_space<vmem>> -> memref<4x128xi32, #tpu.memory_space<vmem>>
      %dma_start3A_123 = arith.constant 0 : i32
      %dma_start3A_124 = tpu.memref_slice %arg5[%mul3A_111, %dma_start3A_123] : memref<2560x128xi32, #tpu.memory_space<hbm>> -> memref<4x128xi32, #tpu.memory_space<hbm>>
      %dma_start3A_125 = arith.constant 0 : i32
      %dma_start3A_126 = arith.constant 0 : i32
      %dma_start3A_127 = tpu.memref_slice %arg10[%dma_start3A_125, %dma_start3A_126] : memref<8x128xi32, #tpu.memory_space<vmem>> -> memref<4x128xi32, #tpu.memory_space<vmem>>
      %dma_start3A_128 = arith.constant 0 : i32
      %dma_start3A_129 = tpu.memref_slice %arg5[%mul3A_111, %dma_start3A_128] : memref<2560x128xi32, #tpu.memory_space<hbm>> -> memref<4x128xi32, #tpu.memory_space<hbm>>
      tpu.enqueue_dma source(%dma_start3A_129 : memref<4x128xi32, #tpu.memory_space<hbm>>) target(%dma_start3A_127 : memref<4x128xi32, #tpu.memory_space<vmem>>) target_semaphore(%arg20 : memref<!tpu.dma_semaphore, #tpu.memory_space<semaphore_mem>>)
      %dma_start3A_130 = arith.constant 0 : i32
      %dma_start3A_131 = arith.constant 0 : i32
      %dma_start3A_132 = tpu.memref_slice %arg11[%dma_start3A_130, %dma_start3A_131] : memref<8x128xi32, #tpu.memory_space<vmem>> -> memref<4x128xi32, #tpu.memory_space<vmem>>
      %dma_start3A_133 = arith.constant 0 : i32
      %dma_start3A_134 = tpu.memref_slice %arg6[%mul3A_111, %dma_start3A_133] : memref<2560x128xi32, #tpu.memory_space<hbm>> -> memref<4x128xi32, #tpu.memory_space<hbm>>
      %dma_start3A_135 = arith.constant 0 : i32
      %dma_start3A_136 = arith.constant 0 : i32
      %dma_start3A_137 = tpu.memref_slice %arg11[%dma_start3A_135, %dma_start3A_136] : memref<8x128xi32, #tpu.memory_space<vmem>> -> memref<4x128xi32, #tpu.memory_space<vmem>>
      %dma_start3A_138 = arith.constant 0 : i32
      %dma_start3A_139 = tpu.memref_slice %arg6[%mul3A_111, %dma_start3A_138] : memref<2560x128xi32, #tpu.memory_space<hbm>> -> memref<4x128xi32, #tpu.memory_space<hbm>>
      tpu.enqueue_dma source(%dma_start3A_139 : memref<4x128xi32, #tpu.memory_space<hbm>>) target(%dma_start3A_137 : memref<4x128xi32, #tpu.memory_space<vmem>>) target_semaphore(%arg20 : memref<!tpu.dma_semaphore, #tpu.memory_space<semaphore_mem>>)
      %dma_start3A_140 = arith.constant 4 : i32
      %dma_start3A_141 = arith.constant 0 : i32
      %dma_start3A_142 = tpu.memref_slice %arg10[%dma_start3A_140, %dma_start3A_141] : memref<8x128xi32, #tpu.memory_space<vmem>> -> memref<4x128xi32, #tpu.memory_space<vmem>>
      %dma_start3A_143 = arith.constant 0 : i32
      %dma_start3A_144 = tpu.memref_slice %arg5[%mul3A_120, %dma_start3A_143] : memref<2560x128xi32, #tpu.memory_space<hbm>> -> memref<4x128xi32, #tpu.memory_space<hbm>>
      %dma_start3A_145 = arith.constant 4 : i32
      %dma_start3A_146 = arith.constant 0 : i32
      %dma_start3A_147 = tpu.memref_slice %arg10[%dma_start3A_145, %dma_start3A_146] : memref<8x128xi32, #tpu.memory_space<vmem>> -> memref<4x128xi32, #tpu.memory_space<vmem>>
      %dma_start3A_148 = arith.constant 0 : i32
      %dma_start3A_149 = tpu.memref_slice %arg5[%mul3A_120, %dma_start3A_148] : memref<2560x128xi32, #tpu.memory_space<hbm>> -> memref<4x128xi32, #tpu.memory_space<hbm>>
      tpu.enqueue_dma source(%dma_start3A_149 : memref<4x128xi32, #tpu.memory_space<hbm>>) target(%dma_start3A_147 : memref<4x128xi32, #tpu.memory_space<vmem>>) target_semaphore(%arg20 : memref<!tpu.dma_semaphore, #tpu.memory_space<semaphore_mem>>)
      %dma_start3A_150 = arith.constant 4 : i32
      %dma_start3A_151 = arith.constant 0 : i32
      %dma_start3A_152 = tpu.memref_slice %arg11[%dma_start3A_150, %dma_start3A_151] : memref<8x128xi32, #tpu.memory_space<vmem>> -> memref<4x128xi32, #tpu.memory_space<vmem>>
      %dma_start3A_153 = arith.constant 0 : i32
      %dma_start3A_154 = tpu.memref_slice %arg6[%mul3A_120, %dma_start3A_153] : memref<2560x128xi32, #tpu.memory_space<hbm>> -> memref<4x128xi32, #tpu.memory_space<hbm>>
      %dma_start3A_155 = arith.constant 4 : i32
      %dma_start3A_156 = arith.constant 0 : i32
      %dma_start3A_157 = tpu.memref_slice %arg11[%dma_start3A_155, %dma_start3A_156] : memref<8x128xi32, #tpu.memory_space<vmem>> -> memref<4x128xi32, #tpu.memory_space<vmem>>
      %dma_start3A_158 = arith.constant 0 : i32
      %dma_start3A_159 = tpu.memref_slice %arg6[%mul3A_120, %dma_start3A_158] : memref<2560x128xi32, #tpu.memory_space<hbm>> -> memref<4x128xi32, #tpu.memory_space<hbm>>
      tpu.enqueue_dma source(%dma_start3A_159 : memref<4x128xi32, #tpu.memory_space<hbm>>) target(%dma_start3A_157 : memref<4x128xi32, #tpu.memory_space<vmem>>) target_semaphore(%arg20 : memref<!tpu.dma_semaphore, #tpu.memory_space<semaphore_mem>>)
      %dma_wait3A = arith.constant 0 : i32
      %dma_wait3A_160 = arith.constant 0 : i32
      %dma_wait3A_161 = tpu.memref_slice %arg10[%dma_wait3A, %dma_wait3A_160] : memref<8x128xi32, #tpu.memory_space<vmem>> -> memref<4x128xi32, #tpu.memory_space<vmem>>
      %dma_wait3A_162 = arith.constant 0 : i32
      %dma_wait3A_163 = tpu.memref_slice %arg5[%mul3A_111, %dma_wait3A_162] : memref<2560x128xi32, #tpu.memory_space<hbm>> -> memref<4x128xi32, #tpu.memory_space<hbm>>
      %dma_wait3A_164 = arith.constant 0 : i32
      %dma_wait3A_165 = arith.constant 0 : i32
      %dma_wait3A_166 = tpu.memref_slice %arg10[%dma_wait3A_164, %dma_wait3A_165] : memref<8x128xi32, #tpu.memory_space<vmem>> -> memref<4x128xi32, #tpu.memory_space<vmem>>
      %dma_wait3A_167 = arith.constant 0 : i32
      %dma_wait3A_168 = tpu.memref_slice %arg5[%mul3A_111, %dma_wait3A_167] : memref<2560x128xi32, #tpu.memory_space<hbm>> -> memref<4x128xi32, #tpu.memory_space<hbm>>
      tpu.wait_dma2 semaphore(%arg20 : memref<!tpu.dma_semaphore, #tpu.memory_space<semaphore_mem>>) src(%dma_wait3A_168 : memref<4x128xi32, #tpu.memory_space<hbm>>) dst(%dma_wait3A_166 : memref<4x128xi32, #tpu.memory_space<vmem>>)
      %dma_wait3A_169 = arith.constant 0 : i32
      %dma_wait3A_170 = arith.constant 0 : i32
      %dma_wait3A_171 = tpu.memref_slice %arg11[%dma_wait3A_169, %dma_wait3A_170] : memref<8x128xi32, #tpu.memory_space<vmem>> -> memref<4x128xi32, #tpu.memory_space<vmem>>
      %dma_wait3A_172 = arith.constant 0 : i32
      %dma_wait3A_173 = tpu.memref_slice %arg6[%mul3A_111, %dma_wait3A_172] : memref<2560x128xi32, #tpu.memory_space<hbm>> -> memref<4x128xi32, #tpu.memory_space<hbm>>
      %dma_wait3A_174 = arith.constant 0 : i32
      %dma_wait3A_175 = arith.constant 0 : i32
      %dma_wait3A_176 = tpu.memref_slice %arg11[%dma_wait3A_174, %dma_wait3A_175] : memref<8x128xi32, #tpu.memory_space<vmem>> -> memref<4x128xi32, #tpu.memory_space<vmem>>
      %dma_wait3A_177 = arith.constant 0 : i32
      %dma_wait3A_178 = tpu.memref_slice %arg6[%mul3A_111, %dma_wait3A_177] : memref<2560x128xi32, #tpu.memory_space<hbm>> -> memref<4x128xi32, #tpu.memory_space<hbm>>
      tpu.wait_dma2 semaphore(%arg20 : memref<!tpu.dma_semaphore, #tpu.memory_space<semaphore_mem>>) src(%dma_wait3A_178 : memref<4x128xi32, #tpu.memory_space<hbm>>) dst(%dma_wait3A_176 : memref<4x128xi32, #tpu.memory_space<vmem>>)
      %dma_wait3A_179 = arith.constant 4 : i32
      %dma_wait3A_180 = arith.constant 0 : i32
      %dma_wait3A_181 = tpu.memref_slice %arg10[%dma_wait3A_179, %dma_wait3A_180] : memref<8x128xi32, #tpu.memory_space<vmem>> -> memref<4x128xi32, #tpu.memory_space<vmem>>
      %dma_wait3A_182 = arith.constant 0 : i32
      %dma_wait3A_183 = tpu.memref_slice %arg5[%mul3A_120, %dma_wait3A_182] : memref<2560x128xi32, #tpu.memory_space<hbm>> -> memref<4x128xi32, #tpu.memory_space<hbm>>
      %dma_wait3A_184 = arith.constant 4 : i32
      %dma_wait3A_185 = arith.constant 0 : i32
      %dma_wait3A_186 = tpu.memref_slice %arg10[%dma_wait3A_184, %dma_wait3A_185] : memref<8x128xi32, #tpu.memory_space<vmem>> -> memref<4x128xi32, #tpu.memory_space<vmem>>
      %dma_wait3A_187 = arith.constant 0 : i32
      %dma_wait3A_188 = tpu.memref_slice %arg5[%mul3A_120, %dma_wait3A_187] : memref<2560x128xi32, #tpu.memory_space<hbm>> -> memref<4x128xi32, #tpu.memory_space<hbm>>
      tpu.wait_dma2 semaphore(%arg20 : memref<!tpu.dma_semaphore, #tpu.memory_space<semaphore_mem>>) src(%dma_wait3A_188 : memref<4x128xi32, #tpu.memory_space<hbm>>) dst(%dma_wait3A_186 : memref<4x128xi32, #tpu.memory_space<vmem>>)
      %dma_wait3A_189 = arith.constant 4 : i32
      %dma_wait3A_190 = arith.constant 0 : i32
      %dma_wait3A_191 = tpu.memref_slice %arg11[%dma_wait3A_189, %dma_wait3A_190] : memref<8x128xi32, #tpu.memory_space<vmem>> -> memref<4x128xi32, #tpu.memory_space<vmem>>
      %dma_wait3A_192 = arith.constant 0 : i32
      %dma_wait3A_193 = tpu.memref_slice %arg6[%mul3A_120, %dma_wait3A_192] : memref<2560x128xi32, #tpu.memory_space<hbm>> -> memref<4x128xi32, #tpu.memory_space<hbm>>
      %dma_wait3A_194 = arith.constant 4 : i32
      %dma_wait3A_195 = arith.constant 0 : i32
      %dma_wait3A_196 = tpu.memref_slice %arg11[%dma_wait3A_194, %dma_wait3A_195] : memref<8x128xi32, #tpu.memory_space<vmem>> -> memref<4x128xi32, #tpu.memory_space<vmem>>
      %dma_wait3A_197 = arith.constant 0 : i32
      %dma_wait3A_198 = tpu.memref_slice %arg6[%mul3A_120, %dma_wait3A_197] : memref<2560x128xi32, #tpu.memory_space<hbm>> -> memref<4x128xi32, #tpu.memory_space<hbm>>
      tpu.wait_dma2 semaphore(%arg20 : memref<!tpu.dma_semaphore, #tpu.memory_space<semaphore_mem>>) src(%dma_wait3A_198 : memref<4x128xi32, #tpu.memory_space<hbm>>) dst(%dma_wait3A_196 : memref<4x128xi32, #tpu.memory_space<vmem>>)
      %dma_start3A_199 = arith.constant 0 : i32
      %dma_start3A_200 = arith.constant 0 : i32
      %dma_start3A_201 = arith.constant 0 : i32
      %dma_start3A_202 = tpu.memref_slice %arg12[%dma_start3A_200, %dma_start3A_201] : memref<1024x32xf32, #tpu.memory_space<vmem>> -> memref<128x32xf32, #tpu.memory_space<vmem>>
      %dma_start3A_203 = arith.constant 0 : i32
      %dma_start3A_204 = tpu.memref_slice %arg10[%dma_start3A_199, %dma_start3A_203] : memref<8x128xi32, #tpu.memory_space<vmem>> -> memref<1x128xi32, #tpu.memory_space<vmem>>
      %dma_start3A_205 = tpu.memref_squeeze %dma_start3A_204 : memref<1x128xi32, #tpu.memory_space<vmem>> -> memref<128xi32, #tpu.memory_space<vmem>>
      %dma_start3A_206 = arith.constant 0 : i32
      %dma_start3A_207 = arith.constant 0 : i32
      %dma_start3A_208 = tpu.memref_slice %arg2[%dma_start3A_206, %dma_start3A_207] : memref<10240x32xf32, #tpu.memory_space<hbm>> -> memref<10240x32xf32, #tpu.memory_space<hbm>>
      tpu.enqueue_indirect_dma source(%dma_start3A_208 : memref<10240x32xf32, #tpu.memory_space<hbm>>) target(%dma_start3A_202 : memref<128x32xf32, #tpu.memory_space<vmem>>) offsets(%dma_start3A_205 : memref<128xi32, #tpu.memory_space<vmem>>) semaphore(%arg21 : memref<!tpu.dma_semaphore, #tpu.memory_space<semaphore_mem>>)
      %dma_start3A_209 = arith.constant 1 : i32
      %dma_start3A_210 = arith.constant 128 : i32
      %dma_start3A_211 = arith.constant 0 : i32
      %dma_start3A_212 = tpu.memref_slice %arg12[%dma_start3A_210, %dma_start3A_211] : memref<1024x32xf32, #tpu.memory_space<vmem>> -> memref<128x32xf32, #tpu.memory_space<vmem>>
      %dma_start3A_213 = arith.constant 0 : i32
      %dma_start3A_214 = tpu.memref_slice %arg10[%dma_start3A_209, %dma_start3A_213] : memref<8x128xi32, #tpu.memory_space<vmem>> -> memref<1x128xi32, #tpu.memory_space<vmem>>
      %dma_start3A_215 = tpu.memref_squeeze %dma_start3A_214 : memref<1x128xi32, #tpu.memory_space<vmem>> -> memref<128xi32, #tpu.memory_space<vmem>>
      %dma_start3A_216 = arith.constant 0 : i32
      %dma_start3A_217 = arith.constant 0 : i32
      %dma_start3A_218 = tpu.memref_slice %arg2[%dma_start3A_216, %dma_start3A_217] : memref<10240x32xf32, #tpu.memory_space<hbm>> -> memref<10240x32xf32, #tpu.memory_space<hbm>>
      tpu.enqueue_indirect_dma source(%dma_start3A_218 : memref<10240x32xf32, #tpu.memory_space<hbm>>) target(%dma_start3A_212 : memref<128x32xf32, #tpu.memory_space<vmem>>) offsets(%dma_start3A_215 : memref<128xi32, #tpu.memory_space<vmem>>) semaphore(%arg21 : memref<!tpu.dma_semaphore, #tpu.memory_space<semaphore_mem>>)
      %dma_start3A_219 = arith.constant 2 : i32
      %dma_start3A_220 = arith.constant 256 : i32
      %dma_start3A_221 = arith.constant 0 : i32
      %dma_start3A_222 = tpu.memref_slice %arg12[%dma_start3A_220, %dma_start3A_221] : memref<1024x32xf32, #tpu.memory_space<vmem>> -> memref<128x32xf32, #tpu.memory_space<vmem>>
      %dma_start3A_223 = arith.constant 0 : i32
      %dma_start3A_224 = tpu.memref_slice %arg10[%dma_start3A_219, %dma_start3A_223] : memref<8x128xi32, #tpu.memory_space<vmem>> -> memref<1x128xi32, #tpu.memory_space<vmem>>
      %dma_start3A_225 = tpu.memref_squeeze %dma_start3A_224 : memref<1x128xi32, #tpu.memory_space<vmem>> -> memref<128xi32, #tpu.memory_space<vmem>>
      %dma_start3A_226 = arith.constant 0 : i32
      %dma_start3A_227 = arith.constant 0 : i32
      %dma_start3A_228 = tpu.memref_slice %arg2[%dma_start3A_226, %dma_start3A_227] : memref<10240x32xf32, #tpu.memory_space<hbm>> -> memref<10240x32xf32, #tpu.memory_space<hbm>>
      tpu.enqueue_indirect_dma source(%dma_start3A_228 : memref<10240x32xf32, #tpu.memory_space<hbm>>) target(%dma_start3A_222 : memref<128x32xf32, #tpu.memory_space<vmem>>) offsets(%dma_start3A_225 : memref<128xi32, #tpu.memory_space<vmem>>) semaphore(%arg21 : memref<!tpu.dma_semaphore, #tpu.memory_space<semaphore_mem>>)
      %dma_start3A_229 = arith.constant 3 : i32
      %dma_start3A_230 = arith.constant 384 : i32
      %dma_start3A_231 = arith.constant 0 : i32
      %dma_start3A_232 = tpu.memref_slice %arg12[%dma_start3A_230, %dma_start3A_231] : memref<1024x32xf32, #tpu.memory_space<vmem>> -> memref<128x32xf32, #tpu.memory_space<vmem>>
      %dma_start3A_233 = arith.constant 0 : i32
      %dma_start3A_234 = tpu.memref_slice %arg10[%dma_start3A_229, %dma_start3A_233] : memref<8x128xi32, #tpu.memory_space<vmem>> -> memref<1x128xi32, #tpu.memory_space<vmem>>
      %dma_start3A_235 = tpu.memref_squeeze %dma_start3A_234 : memref<1x128xi32, #tpu.memory_space<vmem>> -> memref<128xi32, #tpu.memory_space<vmem>>
      %dma_start3A_236 = arith.constant 0 : i32
      %dma_start3A_237 = arith.constant 0 : i32
      %dma_start3A_238 = tpu.memref_slice %arg2[%dma_start3A_236, %dma_start3A_237] : memref<10240x32xf32, #tpu.memory_space<hbm>> -> memref<10240x32xf32, #tpu.memory_space<hbm>>
      tpu.enqueue_indirect_dma source(%dma_start3A_238 : memref<10240x32xf32, #tpu.memory_space<hbm>>) target(%dma_start3A_232 : memref<128x32xf32, #tpu.memory_space<vmem>>) offsets(%dma_start3A_235 : memref<128xi32, #tpu.memory_space<vmem>>) semaphore(%arg21 : memref<!tpu.dma_semaphore, #tpu.memory_space<semaphore_mem>>)
      %dma_start3A_239 = arith.constant 4 : i32
      %dma_start3A_240 = arith.constant 512 : i32
      %dma_start3A_241 = arith.constant 0 : i32
      %dma_start3A_242 = tpu.memref_slice %arg12[%dma_start3A_240, %dma_start3A_241] : memref<1024x32xf32, #tpu.memory_space<vmem>> -> memref<128x32xf32, #tpu.memory_space<vmem>>
      %dma_start3A_243 = arith.constant 0 : i32
      %dma_start3A_244 = tpu.memref_slice %arg10[%dma_start3A_239, %dma_start3A_243] : memref<8x128xi32, #tpu.memory_space<vmem>> -> memref<1x128xi32, #tpu.memory_space<vmem>>
      %dma_start3A_245 = tpu.memref_squeeze %dma_start3A_244 : memref<1x128xi32, #tpu.memory_space<vmem>> -> memref<128xi32, #tpu.memory_space<vmem>>
      %dma_start3A_246 = arith.constant 0 : i32
      %dma_start3A_247 = arith.constant 0 : i32
      %dma_start3A_248 = tpu.memref_slice %arg2[%dma_start3A_246, %dma_start3A_247] : memref<10240x32xf32, #tpu.memory_space<hbm>> -> memref<10240x32xf32, #tpu.memory_space<hbm>>
      tpu.enqueue_indirect_dma source(%dma_start3A_248 : memref<10240x32xf32, #tpu.memory_space<hbm>>) target(%dma_start3A_242 : memref<128x32xf32, #tpu.memory_space<vmem>>) offsets(%dma_start3A_245 : memref<128xi32, #tpu.memory_space<vmem>>) semaphore(%arg21 : memref<!tpu.dma_semaphore, #tpu.memory_space<semaphore_mem>>)
      %dma_start3A_249 = arith.constant 5 : i32
      %dma_start3A_250 = arith.constant 640 : i32
      %dma_start3A_251 = arith.constant 0 : i32
      %dma_start3A_252 = tpu.memref_slice %arg12[%dma_start3A_250, %dma_start3A_251] : memref<1024x32xf32, #tpu.memory_space<vmem>> -> memref<128x32xf32, #tpu.memory_space<vmem>>
      %dma_start3A_253 = arith.constant 0 : i32
      %dma_start3A_254 = tpu.memref_slice %arg10[%dma_start3A_249, %dma_start3A_253] : memref<8x128xi32, #tpu.memory_space<vmem>> -> memref<1x128xi32, #tpu.memory_space<vmem>>
      %dma_start3A_255 = tpu.memref_squeeze %dma_start3A_254 : memref<1x128xi32, #tpu.memory_space<vmem>> -> memref<128xi32, #tpu.memory_space<vmem>>
      %dma_start3A_256 = arith.constant 0 : i32
      %dma_start3A_257 = arith.constant 0 : i32
      %dma_start3A_258 = tpu.memref_slice %arg2[%dma_start3A_256, %dma_start3A_257] : memref<10240x32xf32, #tpu.memory_space<hbm>> -> memref<10240x32xf32, #tpu.memory_space<hbm>>
      tpu.enqueue_indirect_dma source(%dma_start3A_258 : memref<10240x32xf32, #tpu.memory_space<hbm>>) target(%dma_start3A_252 : memref<128x32xf32, #tpu.memory_space<vmem>>) offsets(%dma_start3A_255 : memref<128xi32, #tpu.memory_space<vmem>>) semaphore(%arg21 : memref<!tpu.dma_semaphore, #tpu.memory_space<semaphore_mem>>)
      %dma_start3A_259 = arith.constant 6 : i32
      %dma_start3A_260 = arith.constant 768 : i32
      %dma_start3A_261 = arith.constant 0 : i32
      %dma_start3A_262 = tpu.memref_slice %arg12[%dma_start3A_260, %dma_start3A_261] : memref<1024x32xf32, #tpu.memory_space<vmem>> -> memref<128x32xf32, #tpu.memory_space<vmem>>
      %dma_start3A_263 = arith.constant 0 : i32
      %dma_start3A_264 = tpu.memref_slice %arg10[%dma_start3A_259, %dma_start3A_263] : memref<8x128xi32, #tpu.memory_space<vmem>> -> memref<1x128xi32, #tpu.memory_space<vmem>>
      %dma_start3A_265 = tpu.memref_squeeze %dma_start3A_264 : memref<1x128xi32, #tpu.memory_space<vmem>> -> memref<128xi32, #tpu.memory_space<vmem>>
      %dma_start3A_266 = arith.constant 0 : i32
      %dma_start3A_267 = arith.constant 0 : i32
      %dma_start3A_268 = tpu.memref_slice %arg2[%dma_start3A_266, %dma_start3A_267] : memref<10240x32xf32, #tpu.memory_space<hbm>> -> memref<10240x32xf32, #tpu.memory_space<hbm>>
      tpu.enqueue_indirect_dma source(%dma_start3A_268 : memref<10240x32xf32, #tpu.memory_space<hbm>>) target(%dma_start3A_262 : memref<128x32xf32, #tpu.memory_space<vmem>>) offsets(%dma_start3A_265 : memref<128xi32, #tpu.memory_space<vmem>>) semaphore(%arg21 : memref<!tpu.dma_semaphore, #tpu.memory_space<semaphore_mem>>)
      %dma_start3A_269 = arith.constant 7 : i32
      %dma_start3A_270 = arith.constant 896 : i32
      %dma_start3A_271 = arith.constant 0 : i32
      %dma_start3A_272 = tpu.memref_slice %arg12[%dma_start3A_270, %dma_start3A_271] : memref<1024x32xf32, #tpu.memory_space<vmem>> -> memref<128x32xf32, #tpu.memory_space<vmem>>
      %dma_start3A_273 = arith.constant 0 : i32
      %dma_start3A_274 = tpu.memref_slice %arg10[%dma_start3A_269, %dma_start3A_273] : memref<8x128xi32, #tpu.memory_space<vmem>> -> memref<1x128xi32, #tpu.memory_space<vmem>>
      %dma_start3A_275 = tpu.memref_squeeze %dma_start3A_274 : memref<1x128xi32, #tpu.memory_space<vmem>> -> memref<128xi32, #tpu.memory_space<vmem>>
      %dma_start3A_276 = arith.constant 0 : i32
      %dma_start3A_277 = arith.constant 0 : i32
      %dma_start3A_278 = tpu.memref_slice %arg2[%dma_start3A_276, %dma_start3A_277] : memref<10240x32xf32, #tpu.memory_space<hbm>> -> memref<10240x32xf32, #tpu.memory_space<hbm>>
      tpu.enqueue_indirect_dma source(%dma_start3A_278 : memref<10240x32xf32, #tpu.memory_space<hbm>>) target(%dma_start3A_272 : memref<128x32xf32, #tpu.memory_space<vmem>>) offsets(%dma_start3A_275 : memref<128xi32, #tpu.memory_space<vmem>>) semaphore(%arg21 : memref<!tpu.dma_semaphore, #tpu.memory_space<semaphore_mem>>)
      %dma_wait3A_279 = arith.constant 0 : i32
      %dma_wait3A_280 = arith.constant 0 : i32
      %dma_wait3A_281 = arith.constant 0 : i32
      %dma_wait3A_282 = tpu.memref_slice %arg12[%dma_wait3A_280, %dma_wait3A_281] : memref<1024x32xf32, #tpu.memory_space<vmem>> -> memref<128x32xf32, #tpu.memory_space<vmem>>
      %dma_wait3A_283 = arith.constant 0 : i32
      %dma_wait3A_284 = tpu.memref_slice %arg10[%dma_wait3A_279, %dma_wait3A_283] : memref<8x128xi32, #tpu.memory_space<vmem>> -> memref<1x128xi32, #tpu.memory_space<vmem>>
      %dma_wait3A_285 = tpu.memref_squeeze %dma_wait3A_284 : memref<1x128xi32, #tpu.memory_space<vmem>> -> memref<128xi32, #tpu.memory_space<vmem>>
      %dma_wait3A_286 = arith.constant 0 : i32
      %dma_wait3A_287 = arith.constant 0 : i32
      %dma_wait3A_288 = tpu.memref_slice %arg2[%dma_wait3A_286, %dma_wait3A_287] : memref<10240x32xf32, #tpu.memory_space<hbm>> -> memref<10240x32xf32, #tpu.memory_space<hbm>>
      tpu.wait_indirect_dma semaphore(%arg21 : memref<!tpu.dma_semaphore, #tpu.memory_space<semaphore_mem>>) src(%dma_wait3A_288 : memref<10240x32xf32, #tpu.memory_space<hbm>>) dst(%dma_wait3A_282 : memref<128x32xf32, #tpu.memory_space<vmem>>)
      %dma_wait3A_289 = arith.constant 1 : i32
      %dma_wait3A_290 = arith.constant 128 : i32
      %dma_wait3A_291 = arith.constant 0 : i32
      %dma_wait3A_292 = tpu.memref_slice %arg12[%dma_wait3A_290, %dma_wait3A_291] : memref<1024x32xf32, #tpu.memory_space<vmem>> -> memref<128x32xf32, #tpu.memory_space<vmem>>
      %dma_wait3A_293 = arith.constant 0 : i32
      %dma_wait3A_294 = tpu.memref_slice %arg10[%dma_wait3A_289, %dma_wait3A_293] : memref<8x128xi32, #tpu.memory_space<vmem>> -> memref<1x128xi32, #tpu.memory_space<vmem>>
      %dma_wait3A_295 = tpu.memref_squeeze %dma_wait3A_294 : memref<1x128xi32, #tpu.memory_space<vmem>> -> memref<128xi32, #tpu.memory_space<vmem>>
      %dma_wait3A_296 = arith.constant 0 : i32
      %dma_wait3A_297 = arith.constant 0 : i32
      %dma_wait3A_298 = tpu.memref_slice %arg2[%dma_wait3A_296, %dma_wait3A_297] : memref<10240x32xf32, #tpu.memory_space<hbm>> -> memref<10240x32xf32, #tpu.memory_space<hbm>>
      tpu.wait_indirect_dma semaphore(%arg21 : memref<!tpu.dma_semaphore, #tpu.memory_space<semaphore_mem>>) src(%dma_wait3A_298 : memref<10240x32xf32, #tpu.memory_space<hbm>>) dst(%dma_wait3A_292 : memref<128x32xf32, #tpu.memory_space<vmem>>)
      %dma_wait3A_299 = arith.constant 2 : i32
      %dma_wait3A_300 = arith.constant 256 : i32
      %dma_wait3A_301 = arith.constant 0 : i32
      %dma_wait3A_302 = tpu.memref_slice %arg12[%dma_wait3A_300, %dma_wait3A_301] : memref<1024x32xf32, #tpu.memory_space<vmem>> -> memref<128x32xf32, #tpu.memory_space<vmem>>
      %dma_wait3A_303 = arith.constant 0 : i32
      %dma_wait3A_304 = tpu.memref_slice %arg10[%dma_wait3A_299, %dma_wait3A_303] : memref<8x128xi32, #tpu.memory_space<vmem>> -> memref<1x128xi32, #tpu.memory_space<vmem>>
      %dma_wait3A_305 = tpu.memref_squeeze %dma_wait3A_304 : memref<1x128xi32, #tpu.memory_space<vmem>> -> memref<128xi32, #tpu.memory_space<vmem>>
      %dma_wait3A_306 = arith.constant 0 : i32
      %dma_wait3A_307 = arith.constant 0 : i32
      %dma_wait3A_308 = tpu.memref_slice %arg2[%dma_wait3A_306, %dma_wait3A_307] : memref<10240x32xf32, #tpu.memory_space<hbm>> -> memref<10240x32xf32, #tpu.memory_space<hbm>>
      tpu.wait_indirect_dma semaphore(%arg21 : memref<!tpu.dma_semaphore, #tpu.memory_space<semaphore_mem>>) src(%dma_wait3A_308 : memref<10240x32xf32, #tpu.memory_space<hbm>>) dst(%dma_wait3A_302 : memref<128x32xf32, #tpu.memory_space<vmem>>)
      %dma_wait3A_309 = arith.constant 3 : i32
      %dma_wait3A_310 = arith.constant 384 : i32
      %dma_wait3A_311 = arith.constant 0 : i32
      %dma_wait3A_312 = tpu.memref_slice %arg12[%dma_wait3A_310, %dma_wait3A_311] : memref<1024x32xf32, #tpu.memory_space<vmem>> -> memref<128x32xf32, #tpu.memory_space<vmem>>
      %dma_wait3A_313 = arith.constant 0 : i32
      %dma_wait3A_314 = tpu.memref_slice %arg10[%dma_wait3A_309, %dma_wait3A_313] : memref<8x128xi32, #tpu.memory_space<vmem>> -> memref<1x128xi32, #tpu.memory_space<vmem>>
      %dma_wait3A_315 = tpu.memref_squeeze %dma_wait3A_314 : memref<1x128xi32, #tpu.memory_space<vmem>> -> memref<128xi32, #tpu.memory_space<vmem>>
      %dma_wait3A_316 = arith.constant 0 : i32
      %dma_wait3A_317 = arith.constant 0 : i32
      %dma_wait3A_318 = tpu.memref_slice %arg2[%dma_wait3A_316, %dma_wait3A_317] : memref<10240x32xf32, #tpu.memory_space<hbm>> -> memref<10240x32xf32, #tpu.memory_space<hbm>>
      tpu.wait_indirect_dma semaphore(%arg21 : memref<!tpu.dma_semaphore, #tpu.memory_space<semaphore_mem>>) src(%dma_wait3A_318 : memref<10240x32xf32, #tpu.memory_space<hbm>>) dst(%dma_wait3A_312 : memref<128x32xf32, #tpu.memory_space<vmem>>)
      %dma_wait3A_319 = arith.constant 4 : i32
      %dma_wait3A_320 = arith.constant 512 : i32
      %dma_wait3A_321 = arith.constant 0 : i32
      %dma_wait3A_322 = tpu.memref_slice %arg12[%dma_wait3A_320, %dma_wait3A_321] : memref<1024x32xf32, #tpu.memory_space<vmem>> -> memref<128x32xf32, #tpu.memory_space<vmem>>
      %dma_wait3A_323 = arith.constant 0 : i32
      %dma_wait3A_324 = tpu.memref_slice %arg10[%dma_wait3A_319, %dma_wait3A_323] : memref<8x128xi32, #tpu.memory_space<vmem>> -> memref<1x128xi32, #tpu.memory_space<vmem>>
      %dma_wait3A_325 = tpu.memref_squeeze %dma_wait3A_324 : memref<1x128xi32, #tpu.memory_space<vmem>> -> memref<128xi32, #tpu.memory_space<vmem>>
      %dma_wait3A_326 = arith.constant 0 : i32
      %dma_wait3A_327 = arith.constant 0 : i32
      %dma_wait3A_328 = tpu.memref_slice %arg2[%dma_wait3A_326, %dma_wait3A_327] : memref<10240x32xf32, #tpu.memory_space<hbm>> -> memref<10240x32xf32, #tpu.memory_space<hbm>>
      tpu.wait_indirect_dma semaphore(%arg21 : memref<!tpu.dma_semaphore, #tpu.memory_space<semaphore_mem>>) src(%dma_wait3A_328 : memref<10240x32xf32, #tpu.memory_space<hbm>>) dst(%dma_wait3A_322 : memref<128x32xf32, #tpu.memory_space<vmem>>)
      %dma_wait3A_329 = arith.constant 5 : i32
      %dma_wait3A_330 = arith.constant 640 : i32
      %dma_wait3A_331 = arith.constant 0 : i32
      %dma_wait3A_332 = tpu.memref_slice %arg12[%dma_wait3A_330, %dma_wait3A_331] : memref<1024x32xf32, #tpu.memory_space<vmem>> -> memref<128x32xf32, #tpu.memory_space<vmem>>
      %dma_wait3A_333 = arith.constant 0 : i32
      %dma_wait3A_334 = tpu.memref_slice %arg10[%dma_wait3A_329, %dma_wait3A_333] : memref<8x128xi32, #tpu.memory_space<vmem>> -> memref<1x128xi32, #tpu.memory_space<vmem>>
      %dma_wait3A_335 = tpu.memref_squeeze %dma_wait3A_334 : memref<1x128xi32, #tpu.memory_space<vmem>> -> memref<128xi32, #tpu.memory_space<vmem>>
      %dma_wait3A_336 = arith.constant 0 : i32
      %dma_wait3A_337 = arith.constant 0 : i32
      %dma_wait3A_338 = tpu.memref_slice %arg2[%dma_wait3A_336, %dma_wait3A_337] : memref<10240x32xf32, #tpu.memory_space<hbm>> -> memref<10240x32xf32, #tpu.memory_space<hbm>>
      tpu.wait_indirect_dma semaphore(%arg21 : memref<!tpu.dma_semaphore, #tpu.memory_space<semaphore_mem>>) src(%dma_wait3A_338 : memref<10240x32xf32, #tpu.memory_space<hbm>>) dst(%dma_wait3A_332 : memref<128x32xf32, #tpu.memory_space<vmem>>)
      %dma_wait3A_339 = arith.constant 6 : i32
      %dma_wait3A_340 = arith.constant 768 : i32
      %dma_wait3A_341 = arith.constant 0 : i32
      %dma_wait3A_342 = tpu.memref_slice %arg12[%dma_wait3A_340, %dma_wait3A_341] : memref<1024x32xf32, #tpu.memory_space<vmem>> -> memref<128x32xf32, #tpu.memory_space<vmem>>
      %dma_wait3A_343 = arith.constant 0 : i32
      %dma_wait3A_344 = tpu.memref_slice %arg10[%dma_wait3A_339, %dma_wait3A_343] : memref<8x128xi32, #tpu.memory_space<vmem>> -> memref<1x128xi32, #tpu.memory_space<vmem>>
      %dma_wait3A_345 = tpu.memref_squeeze %dma_wait3A_344 : memref<1x128xi32, #tpu.memory_space<vmem>> -> memref<128xi32, #tpu.memory_space<vmem>>
      %dma_wait3A_346 = arith.constant 0 : i32
      %dma_wait3A_347 = arith.constant 0 : i32
      %dma_wait3A_348 = tpu.memref_slice %arg2[%dma_wait3A_346, %dma_wait3A_347] : memref<10240x32xf32, #tpu.memory_space<hbm>> -> memref<10240x32xf32, #tpu.memory_space<hbm>>
      tpu.wait_indirect_dma semaphore(%arg21 : memref<!tpu.dma_semaphore, #tpu.memory_space<semaphore_mem>>) src(%dma_wait3A_348 : memref<10240x32xf32, #tpu.memory_space<hbm>>) dst(%dma_wait3A_342 : memref<128x32xf32, #tpu.memory_space<vmem>>)
      %dma_wait3A_349 = arith.constant 7 : i32
      %dma_wait3A_350 = arith.constant 896 : i32
      %dma_wait3A_351 = arith.constant 0 : i32
      %dma_wait3A_352 = tpu.memref_slice %arg12[%dma_wait3A_350, %dma_wait3A_351] : memref<1024x32xf32, #tpu.memory_space<vmem>> -> memref<128x32xf32, #tpu.memory_space<vmem>>
      %dma_wait3A_353 = arith.constant 0 : i32
      %dma_wait3A_354 = tpu.memref_slice %arg10[%dma_wait3A_349, %dma_wait3A_353] : memref<8x128xi32, #tpu.memory_space<vmem>> -> memref<1x128xi32, #tpu.memory_space<vmem>>
      %dma_wait3A_355 = tpu.memref_squeeze %dma_wait3A_354 : memref<1x128xi32, #tpu.memory_space<vmem>> -> memref<128xi32, #tpu.memory_space<vmem>>
      %dma_wait3A_356 = arith.constant 0 : i32
      %dma_wait3A_357 = arith.constant 0 : i32
      %dma_wait3A_358 = tpu.memref_slice %arg2[%dma_wait3A_356, %dma_wait3A_357] : memref<10240x32xf32, #tpu.memory_space<hbm>> -> memref<10240x32xf32, #tpu.memory_space<hbm>>
      tpu.wait_indirect_dma semaphore(%arg21 : memref<!tpu.dma_semaphore, #tpu.memory_space<semaphore_mem>>) src(%dma_wait3A_358 : memref<10240x32xf32, #tpu.memory_space<hbm>>) dst(%dma_wait3A_352 : memref<128x32xf32, #tpu.memory_space<vmem>>)
      %dma_start3A_359 = arith.constant 0 : i32
      %dma_start3A_360 = arith.constant 0 : i32
      %dma_start3A_361 = arith.constant 0 : i32
      %dma_start3A_362 = tpu.memref_slice %arg12[%dma_start3A_360, %dma_start3A_361] : memref<1024x32xf32, #tpu.memory_space<vmem>> -> memref<128x32xf32, #tpu.memory_space<vmem>>
      %dma_start3A_363 = arith.constant 0 : i32
      %dma_start3A_364 = tpu.memref_slice %arg11[%dma_start3A_359, %dma_start3A_363] : memref<8x128xi32, #tpu.memory_space<vmem>> -> memref<1x128xi32, #tpu.memory_space<vmem>>
      %dma_start3A_365 = tpu.memref_squeeze %dma_start3A_364 : memref<1x128xi32, #tpu.memory_space<vmem>> -> memref<128xi32, #tpu.memory_space<vmem>>
      %dma_start3A_366 = arith.constant 0 : i32
      %dma_start3A_367 = arith.constant 0 : i32
      %dma_start3A_368 = tpu.memref_slice %arg23[%dma_start3A_366, %dma_start3A_367] : memref<10240x32xf32, #tpu.memory_space<vmem_shared>> -> memref<10240x32xf32, #tpu.memory_space<vmem_shared>>
      tpu.enqueue_indirect_dma source(%dma_start3A_362 : memref<128x32xf32, #tpu.memory_space<vmem>>) target(%dma_start3A_368 : memref<10240x32xf32, #tpu.memory_space<vmem_shared>>) offsets(%dma_start3A_365 : memref<128xi32, #tpu.memory_space<vmem>>) semaphore(%arg22 : memref<!tpu.dma_semaphore, #tpu.memory_space<semaphore_mem>>) {add = true}
      %dma_start3A_369 = arith.constant 1 : i32
      %dma_start3A_370 = arith.constant 128 : i32
      %dma_start3A_371 = arith.constant 0 : i32
      %dma_start3A_372 = tpu.memref_slice %arg12[%dma_start3A_370, %dma_start3A_371] : memref<1024x32xf32, #tpu.memory_space<vmem>> -> memref<128x32xf32, #tpu.memory_space<vmem>>
      %dma_start3A_373 = arith.constant 0 : i32
      %dma_start3A_374 = tpu.memref_slice %arg11[%dma_start3A_369, %dma_start3A_373] : memref<8x128xi32, #tpu.memory_space<vmem>> -> memref<1x128xi32, #tpu.memory_space<vmem>>
      %dma_start3A_375 = tpu.memref_squeeze %dma_start3A_374 : memref<1x128xi32, #tpu.memory_space<vmem>> -> memref<128xi32, #tpu.memory_space<vmem>>
      %dma_start3A_376 = arith.constant 0 : i32
      %dma_start3A_377 = arith.constant 0 : i32
      %dma_start3A_378 = tpu.memref_slice %arg23[%dma_start3A_376, %dma_start3A_377] : memref<10240x32xf32, #tpu.memory_space<vmem_shared>> -> memref<10240x32xf32, #tpu.memory_space<vmem_shared>>
      tpu.enqueue_indirect_dma source(%dma_start3A_372 : memref<128x32xf32, #tpu.memory_space<vmem>>) target(%dma_start3A_378 : memref<10240x32xf32, #tpu.memory_space<vmem_shared>>) offsets(%dma_start3A_375 : memref<128xi32, #tpu.memory_space<vmem>>) semaphore(%arg22 : memref<!tpu.dma_semaphore, #tpu.memory_space<semaphore_mem>>) {add = true}
      %dma_start3A_379 = arith.constant 2 : i32
      %dma_start3A_380 = arith.constant 256 : i32
      %dma_start3A_381 = arith.constant 0 : i32
      %dma_start3A_382 = tpu.memref_slice %arg12[%dma_start3A_380, %dma_start3A_381] : memref<1024x32xf32, #tpu.memory_space<vmem>> -> memref<128x32xf32, #tpu.memory_space<vmem>>
      %dma_start3A_383 = arith.constant 0 : i32
      %dma_start3A_384 = tpu.memref_slice %arg11[%dma_start3A_379, %dma_start3A_383] : memref<8x128xi32, #tpu.memory_space<vmem>> -> memref<1x128xi32, #tpu.memory_space<vmem>>
      %dma_start3A_385 = tpu.memref_squeeze %dma_start3A_384 : memref<1x128xi32, #tpu.memory_space<vmem>> -> memref<128xi32, #tpu.memory_space<vmem>>
      %dma_start3A_386 = arith.constant 0 : i32
      %dma_start3A_387 = arith.constant 0 : i32
      %dma_start3A_388 = tpu.memref_slice %arg23[%dma_start3A_386, %dma_start3A_387] : memref<10240x32xf32, #tpu.memory_space<vmem_shared>> -> memref<10240x32xf32, #tpu.memory_space<vmem_shared>>
      tpu.enqueue_indirect_dma source(%dma_start3A_382 : memref<128x32xf32, #tpu.memory_space<vmem>>) target(%dma_start3A_388 : memref<10240x32xf32, #tpu.memory_space<vmem_shared>>) offsets(%dma_start3A_385 : memref<128xi32, #tpu.memory_space<vmem>>) semaphore(%arg22 : memref<!tpu.dma_semaphore, #tpu.memory_space<semaphore_mem>>) {add = true}
      %dma_start3A_389 = arith.constant 3 : i32
      %dma_start3A_390 = arith.constant 384 : i32
      %dma_start3A_391 = arith.constant 0 : i32
      %dma_start3A_392 = tpu.memref_slice %arg12[%dma_start3A_390, %dma_start3A_391] : memref<1024x32xf32, #tpu.memory_space<vmem>> -> memref<128x32xf32, #tpu.memory_space<vmem>>
      %dma_start3A_393 = arith.constant 0 : i32
      %dma_start3A_394 = tpu.memref_slice %arg11[%dma_start3A_389, %dma_start3A_393] : memref<8x128xi32, #tpu.memory_space<vmem>> -> memref<1x128xi32, #tpu.memory_space<vmem>>
      %dma_start3A_395 = tpu.memref_squeeze %dma_start3A_394 : memref<1x128xi32, #tpu.memory_space<vmem>> -> memref<128xi32, #tpu.memory_space<vmem>>
      %dma_start3A_396 = arith.constant 0 : i32
      %dma_start3A_397 = arith.constant 0 : i32
      %dma_start3A_398 = tpu.memref_slice %arg23[%dma_start3A_396, %dma_start3A_397] : memref<10240x32xf32, #tpu.memory_space<vmem_shared>> -> memref<10240x32xf32, #tpu.memory_space<vmem_shared>>
      tpu.enqueue_indirect_dma source(%dma_start3A_392 : memref<128x32xf32, #tpu.memory_space<vmem>>) target(%dma_start3A_398 : memref<10240x32xf32, #tpu.memory_space<vmem_shared>>) offsets(%dma_start3A_395 : memref<128xi32, #tpu.memory_space<vmem>>) semaphore(%arg22 : memref<!tpu.dma_semaphore, #tpu.memory_space<semaphore_mem>>) {add = true}
      %dma_start3A_399 = arith.constant 4 : i32
      %dma_start3A_400 = arith.constant 512 : i32
      %dma_start3A_401 = arith.constant 0 : i32
      %dma_start3A_402 = tpu.memref_slice %arg12[%dma_start3A_400, %dma_start3A_401] : memref<1024x32xf32, #tpu.memory_space<vmem>> -> memref<128x32xf32, #tpu.memory_space<vmem>>
      %dma_start3A_403 = arith.constant 0 : i32
      %dma_start3A_404 = tpu.memref_slice %arg11[%dma_start3A_399, %dma_start3A_403] : memref<8x128xi32, #tpu.memory_space<vmem>> -> memref<1x128xi32, #tpu.memory_space<vmem>>
      %dma_start3A_405 = tpu.memref_squeeze %dma_start3A_404 : memref<1x128xi32, #tpu.memory_space<vmem>> -> memref<128xi32, #tpu.memory_space<vmem>>
      %dma_start3A_406 = arith.constant 0 : i32
      %dma_start3A_407 = arith.constant 0 : i32
      %dma_start3A_408 = tpu.memref_slice %arg23[%dma_start3A_406, %dma_start3A_407] : memref<10240x32xf32, #tpu.memory_space<vmem_shared>> -> memref<10240x32xf32, #tpu.memory_space<vmem_shared>>
      tpu.enqueue_indirect_dma source(%dma_start3A_402 : memref<128x32xf32, #tpu.memory_space<vmem>>) target(%dma_start3A_408 : memref<10240x32xf32, #tpu.memory_space<vmem_shared>>) offsets(%dma_start3A_405 : memref<128xi32, #tpu.memory_space<vmem>>) semaphore(%arg22 : memref<!tpu.dma_semaphore, #tpu.memory_space<semaphore_mem>>) {add = true}
      %dma_start3A_409 = arith.constant 5 : i32
      %dma_start3A_410 = arith.constant 640 : i32
      %dma_start3A_411 = arith.constant 0 : i32
      %dma_start3A_412 = tpu.memref_slice %arg12[%dma_start3A_410, %dma_start3A_411] : memref<1024x32xf32, #tpu.memory_space<vmem>> -> memref<128x32xf32, #tpu.memory_space<vmem>>
      %dma_start3A_413 = arith.constant 0 : i32
      %dma_start3A_414 = tpu.memref_slice %arg11[%dma_start3A_409, %dma_start3A_413] : memref<8x128xi32, #tpu.memory_space<vmem>> -> memref<1x128xi32, #tpu.memory_space<vmem>>
      %dma_start3A_415 = tpu.memref_squeeze %dma_start3A_414 : memref<1x128xi32, #tpu.memory_space<vmem>> -> memref<128xi32, #tpu.memory_space<vmem>>
      %dma_start3A_416 = arith.constant 0 : i32
      %dma_start3A_417 = arith.constant 0 : i32
      %dma_start3A_418 = tpu.memref_slice %arg23[%dma_start3A_416, %dma_start3A_417] : memref<10240x32xf32, #tpu.memory_space<vmem_shared>> -> memref<10240x32xf32, #tpu.memory_space<vmem_shared>>
      tpu.enqueue_indirect_dma source(%dma_start3A_412 : memref<128x32xf32, #tpu.memory_space<vmem>>) target(%dma_start3A_418 : memref<10240x32xf32, #tpu.memory_space<vmem_shared>>) offsets(%dma_start3A_415 : memref<128xi32, #tpu.memory_space<vmem>>) semaphore(%arg22 : memref<!tpu.dma_semaphore, #tpu.memory_space<semaphore_mem>>) {add = true}
      %dma_start3A_419 = arith.constant 6 : i32
      %dma_start3A_420 = arith.constant 768 : i32
      %dma_start3A_421 = arith.constant 0 : i32
      %dma_start3A_422 = tpu.memref_slice %arg12[%dma_start3A_420, %dma_start3A_421] : memref<1024x32xf32, #tpu.memory_space<vmem>> -> memref<128x32xf32, #tpu.memory_space<vmem>>
      %dma_start3A_423 = arith.constant 0 : i32
      %dma_start3A_424 = tpu.memref_slice %arg11[%dma_start3A_419, %dma_start3A_423] : memref<8x128xi32, #tpu.memory_space<vmem>> -> memref<1x128xi32, #tpu.memory_space<vmem>>
      %dma_start3A_425 = tpu.memref_squeeze %dma_start3A_424 : memref<1x128xi32, #tpu.memory_space<vmem>> -> memref<128xi32, #tpu.memory_space<vmem>>
      %dma_start3A_426 = arith.constant 0 : i32
      %dma_start3A_427 = arith.constant 0 : i32
      %dma_start3A_428 = tpu.memref_slice %arg23[%dma_start3A_426, %dma_start3A_427] : memref<10240x32xf32, #tpu.memory_space<vmem_shared>> -> memref<10240x32xf32, #tpu.memory_space<vmem_shared>>
      tpu.enqueue_indirect_dma source(%dma_start3A_422 : memref<128x32xf32, #tpu.memory_space<vmem>>) target(%dma_start3A_428 : memref<10240x32xf32, #tpu.memory_space<vmem_shared>>) offsets(%dma_start3A_425 : memref<128xi32, #tpu.memory_space<vmem>>) semaphore(%arg22 : memref<!tpu.dma_semaphore, #tpu.memory_space<semaphore_mem>>) {add = true}
      %dma_start3A_429 = arith.constant 7 : i32
      %dma_start3A_430 = arith.constant 896 : i32
      %dma_start3A_431 = arith.constant 0 : i32
      %dma_start3A_432 = tpu.memref_slice %arg12[%dma_start3A_430, %dma_start3A_431] : memref<1024x32xf32, #tpu.memory_space<vmem>> -> memref<128x32xf32, #tpu.memory_space<vmem>>
      %dma_start3A_433 = arith.constant 0 : i32
      %dma_start3A_434 = tpu.memref_slice %arg11[%dma_start3A_429, %dma_start3A_433] : memref<8x128xi32, #tpu.memory_space<vmem>> -> memref<1x128xi32, #tpu.memory_space<vmem>>
      %dma_start3A_435 = tpu.memref_squeeze %dma_start3A_434 : memref<1x128xi32, #tpu.memory_space<vmem>> -> memref<128xi32, #tpu.memory_space<vmem>>
      %dma_start3A_436 = arith.constant 0 : i32
      %dma_start3A_437 = arith.constant 0 : i32
      %dma_start3A_438 = tpu.memref_slice %arg23[%dma_start3A_436, %dma_start3A_437] : memref<10240x32xf32, #tpu.memory_space<vmem_shared>> -> memref<10240x32xf32, #tpu.memory_space<vmem_shared>>
      tpu.enqueue_indirect_dma source(%dma_start3A_432 : memref<128x32xf32, #tpu.memory_space<vmem>>) target(%dma_start3A_438 : memref<10240x32xf32, #tpu.memory_space<vmem_shared>>) offsets(%dma_start3A_435 : memref<128xi32, #tpu.memory_space<vmem>>) semaphore(%arg22 : memref<!tpu.dma_semaphore, #tpu.memory_space<semaphore_mem>>) {add = true}
      %dma_wait3A_439 = arith.constant 0 : i32
      %dma_wait3A_440 = arith.constant 0 : i32
      %dma_wait3A_441 = arith.constant 0 : i32
      %dma_wait3A_442 = tpu.memref_slice %arg12[%dma_wait3A_440, %dma_wait3A_441] : memref<1024x32xf32, #tpu.memory_space<vmem>> -> memref<128x32xf32, #tpu.memory_space<vmem>>
      %dma_wait3A_443 = arith.constant 0 : i32
      %dma_wait3A_444 = tpu.memref_slice %arg11[%dma_wait3A_439, %dma_wait3A_443] : memref<8x128xi32, #tpu.memory_space<vmem>> -> memref<1x128xi32, #tpu.memory_space<vmem>>
      %dma_wait3A_445 = tpu.memref_squeeze %dma_wait3A_444 : memref<1x128xi32, #tpu.memory_space<vmem>> -> memref<128xi32, #tpu.memory_space<vmem>>
      %dma_wait3A_446 = arith.constant 0 : i32
      %dma_wait3A_447 = arith.constant 0 : i32
      %dma_wait3A_448 = tpu.memref_slice %arg23[%dma_wait3A_446, %dma_wait3A_447] : memref<10240x32xf32, #tpu.memory_space<vmem_shared>> -> memref<10240x32xf32, #tpu.memory_space<vmem_shared>>
      tpu.wait_indirect_dma semaphore(%arg22 : memref<!tpu.dma_semaphore, #tpu.memory_space<semaphore_mem>>) src(%dma_wait3A_442 : memref<128x32xf32, #tpu.memory_space<vmem>>) dst(%dma_wait3A_448 : memref<10240x32xf32, #tpu.memory_space<vmem_shared>>)
      %dma_wait3A_449 = arith.constant 1 : i32
      %dma_wait3A_450 = arith.constant 128 : i32
      %dma_wait3A_451 = arith.constant 0 : i32
      %dma_wait3A_452 = tpu.memref_slice %arg12[%dma_wait3A_450, %dma_wait3A_451] : memref<1024x32xf32, #tpu.memory_space<vmem>> -> memref<128x32xf32, #tpu.memory_space<vmem>>
      %dma_wait3A_453 = arith.constant 0 : i32
      %dma_wait3A_454 = tpu.memref_slice %arg11[%dma_wait3A_449, %dma_wait3A_453] : memref<8x128xi32, #tpu.memory_space<vmem>> -> memref<1x128xi32, #tpu.memory_space<vmem>>
      %dma_wait3A_455 = tpu.memref_squeeze %dma_wait3A_454 : memref<1x128xi32, #tpu.memory_space<vmem>> -> memref<128xi32, #tpu.memory_space<vmem>>
      %dma_wait3A_456 = arith.constant 0 : i32
      %dma_wait3A_457 = arith.constant 0 : i32
      %dma_wait3A_458 = tpu.memref_slice %arg23[%dma_wait3A_456, %dma_wait3A_457] : memref<10240x32xf32, #tpu.memory_space<vmem_shared>> -> memref<10240x32xf32, #tpu.memory_space<vmem_shared>>
      tpu.wait_indirect_dma semaphore(%arg22 : memref<!tpu.dma_semaphore, #tpu.memory_space<semaphore_mem>>) src(%dma_wait3A_452 : memref<128x32xf32, #tpu.memory_space<vmem>>) dst(%dma_wait3A_458 : memref<10240x32xf32, #tpu.memory_space<vmem_shared>>)
      %dma_wait3A_459 = arith.constant 2 : i32
      %dma_wait3A_460 = arith.constant 256 : i32
      %dma_wait3A_461 = arith.constant 0 : i32
      %dma_wait3A_462 = tpu.memref_slice %arg12[%dma_wait3A_460, %dma_wait3A_461] : memref<1024x32xf32, #tpu.memory_space<vmem>> -> memref<128x32xf32, #tpu.memory_space<vmem>>
      %dma_wait3A_463 = arith.constant 0 : i32
      %dma_wait3A_464 = tpu.memref_slice %arg11[%dma_wait3A_459, %dma_wait3A_463] : memref<8x128xi32, #tpu.memory_space<vmem>> -> memref<1x128xi32, #tpu.memory_space<vmem>>
      %dma_wait3A_465 = tpu.memref_squeeze %dma_wait3A_464 : memref<1x128xi32, #tpu.memory_space<vmem>> -> memref<128xi32, #tpu.memory_space<vmem>>
      %dma_wait3A_466 = arith.constant 0 : i32
      %dma_wait3A_467 = arith.constant 0 : i32
      %dma_wait3A_468 = tpu.memref_slice %arg23[%dma_wait3A_466, %dma_wait3A_467] : memref<10240x32xf32, #tpu.memory_space<vmem_shared>> -> memref<10240x32xf32, #tpu.memory_space<vmem_shared>>
      tpu.wait_indirect_dma semaphore(%arg22 : memref<!tpu.dma_semaphore, #tpu.memory_space<semaphore_mem>>) src(%dma_wait3A_462 : memref<128x32xf32, #tpu.memory_space<vmem>>) dst(%dma_wait3A_468 : memref<10240x32xf32, #tpu.memory_space<vmem_shared>>)
      %dma_wait3A_469 = arith.constant 3 : i32
      %dma_wait3A_470 = arith.constant 384 : i32
      %dma_wait3A_471 = arith.constant 0 : i32
      %dma_wait3A_472 = tpu.memref_slice %arg12[%dma_wait3A_470, %dma_wait3A_471] : memref<1024x32xf32, #tpu.memory_space<vmem>> -> memref<128x32xf32, #tpu.memory_space<vmem>>
      %dma_wait3A_473 = arith.constant 0 : i32
      %dma_wait3A_474 = tpu.memref_slice %arg11[%dma_wait3A_469, %dma_wait3A_473] : memref<8x128xi32, #tpu.memory_space<vmem>> -> memref<1x128xi32, #tpu.memory_space<vmem>>
      %dma_wait3A_475 = tpu.memref_squeeze %dma_wait3A_474 : memref<1x128xi32, #tpu.memory_space<vmem>> -> memref<128xi32, #tpu.memory_space<vmem>>
      %dma_wait3A_476 = arith.constant 0 : i32
      %dma_wait3A_477 = arith.constant 0 : i32
      %dma_wait3A_478 = tpu.memref_slice %arg23[%dma_wait3A_476, %dma_wait3A_477] : memref<10240x32xf32, #tpu.memory_space<vmem_shared>> -> memref<10240x32xf32, #tpu.memory_space<vmem_shared>>
      tpu.wait_indirect_dma semaphore(%arg22 : memref<!tpu.dma_semaphore, #tpu.memory_space<semaphore_mem>>) src(%dma_wait3A_472 : memref<128x32xf32, #tpu.memory_space<vmem>>) dst(%dma_wait3A_478 : memref<10240x32xf32, #tpu.memory_space<vmem_shared>>)
      %dma_wait3A_479 = arith.constant 4 : i32
      %dma_wait3A_480 = arith.constant 512 : i32
      %dma_wait3A_481 = arith.constant 0 : i32
      %dma_wait3A_482 = tpu.memref_slice %arg12[%dma_wait3A_480, %dma_wait3A_481] : memref<1024x32xf32, #tpu.memory_space<vmem>> -> memref<128x32xf32, #tpu.memory_space<vmem>>
      %dma_wait3A_483 = arith.constant 0 : i32
      %dma_wait3A_484 = tpu.memref_slice %arg11[%dma_wait3A_479, %dma_wait3A_483] : memref<8x128xi32, #tpu.memory_space<vmem>> -> memref<1x128xi32, #tpu.memory_space<vmem>>
      %dma_wait3A_485 = tpu.memref_squeeze %dma_wait3A_484 : memref<1x128xi32, #tpu.memory_space<vmem>> -> memref<128xi32, #tpu.memory_space<vmem>>
      %dma_wait3A_486 = arith.constant 0 : i32
      %dma_wait3A_487 = arith.constant 0 : i32
      %dma_wait3A_488 = tpu.memref_slice %arg23[%dma_wait3A_486, %dma_wait3A_487] : memref<10240x32xf32, #tpu.memory_space<vmem_shared>> -> memref<10240x32xf32, #tpu.memory_space<vmem_shared>>
      tpu.wait_indirect_dma semaphore(%arg22 : memref<!tpu.dma_semaphore, #tpu.memory_space<semaphore_mem>>) src(%dma_wait3A_482 : memref<128x32xf32, #tpu.memory_space<vmem>>) dst(%dma_wait3A_488 : memref<10240x32xf32, #tpu.memory_space<vmem_shared>>)
      %dma_wait3A_489 = arith.constant 5 : i32
      %dma_wait3A_490 = arith.constant 640 : i32
      %dma_wait3A_491 = arith.constant 0 : i32
      %dma_wait3A_492 = tpu.memref_slice %arg12[%dma_wait3A_490, %dma_wait3A_491] : memref<1024x32xf32, #tpu.memory_space<vmem>> -> memref<128x32xf32, #tpu.memory_space<vmem>>
      %dma_wait3A_493 = arith.constant 0 : i32
      %dma_wait3A_494 = tpu.memref_slice %arg11[%dma_wait3A_489, %dma_wait3A_493] : memref<8x128xi32, #tpu.memory_space<vmem>> -> memref<1x128xi32, #tpu.memory_space<vmem>>
      %dma_wait3A_495 = tpu.memref_squeeze %dma_wait3A_494 : memref<1x128xi32, #tpu.memory_space<vmem>> -> memref<128xi32, #tpu.memory_space<vmem>>
      %dma_wait3A_496 = arith.constant 0 : i32
      %dma_wait3A_497 = arith.constant 0 : i32
      %dma_wait3A_498 = tpu.memref_slice %arg23[%dma_wait3A_496, %dma_wait3A_497] : memref<10240x32xf32, #tpu.memory_space<vmem_shared>> -> memref<10240x32xf32, #tpu.memory_space<vmem_shared>>
      tpu.wait_indirect_dma semaphore(%arg22 : memref<!tpu.dma_semaphore, #tpu.memory_space<semaphore_mem>>) src(%dma_wait3A_492 : memref<128x32xf32, #tpu.memory_space<vmem>>) dst(%dma_wait3A_498 : memref<10240x32xf32, #tpu.memory_space<vmem_shared>>)
      %dma_wait3A_499 = arith.constant 6 : i32
      %dma_wait3A_500 = arith.constant 768 : i32
      %dma_wait3A_501 = arith.constant 0 : i32
      %dma_wait3A_502 = tpu.memref_slice %arg12[%dma_wait3A_500, %dma_wait3A_501] : memref<1024x32xf32, #tpu.memory_space<vmem>> -> memref<128x32xf32, #tpu.memory_space<vmem>>
      %dma_wait3A_503 = arith.constant 0 : i32
      %dma_wait3A_504 = tpu.memref_slice %arg11[%dma_wait3A_499, %dma_wait3A_503] : memref<8x128xi32, #tpu.memory_space<vmem>> -> memref<1x128xi32, #tpu.memory_space<vmem>>
      %dma_wait3A_505 = tpu.memref_squeeze %dma_wait3A_504 : memref<1x128xi32, #tpu.memory_space<vmem>> -> memref<128xi32, #tpu.memory_space<vmem>>
      %dma_wait3A_506 = arith.constant 0 : i32
      %dma_wait3A_507 = arith.constant 0 : i32
      %dma_wait3A_508 = tpu.memref_slice %arg23[%dma_wait3A_506, %dma_wait3A_507] : memref<10240x32xf32, #tpu.memory_space<vmem_shared>> -> memref<10240x32xf32, #tpu.memory_space<vmem_shared>>
      tpu.wait_indirect_dma semaphore(%arg22 : memref<!tpu.dma_semaphore, #tpu.memory_space<semaphore_mem>>) src(%dma_wait3A_502 : memref<128x32xf32, #tpu.memory_space<vmem>>) dst(%dma_wait3A_508 : memref<10240x32xf32, #tpu.memory_space<vmem_shared>>)
      %dma_wait3A_509 = arith.constant 7 : i32
      %dma_wait3A_510 = arith.constant 896 : i32
      %dma_wait3A_511 = arith.constant 0 : i32
      %dma_wait3A_512 = tpu.memref_slice %arg12[%dma_wait3A_510, %dma_wait3A_511] : memref<1024x32xf32, #tpu.memory_space<vmem>> -> memref<128x32xf32, #tpu.memory_space<vmem>>
      %dma_wait3A_513 = arith.constant 0 : i32
      %dma_wait3A_514 = tpu.memref_slice %arg11[%dma_wait3A_509, %dma_wait3A_513] : memref<8x128xi32, #tpu.memory_space<vmem>> -> memref<1x128xi32, #tpu.memory_space<vmem>>
      %dma_wait3A_515 = tpu.memref_squeeze %dma_wait3A_514 : memref<1x128xi32, #tpu.memory_space<vmem>> -> memref<128xi32, #tpu.memory_space<vmem>>
      %dma_wait3A_516 = arith.constant 0 : i32
      %dma_wait3A_517 = arith.constant 0 : i32
      %dma_wait3A_518 = tpu.memref_slice %arg23[%dma_wait3A_516, %dma_wait3A_517] : memref<10240x32xf32, #tpu.memory_space<vmem_shared>> -> memref<10240x32xf32, #tpu.memory_space<vmem_shared>>
      tpu.wait_indirect_dma semaphore(%arg22 : memref<!tpu.dma_semaphore, #tpu.memory_space<semaphore_mem>>) src(%dma_wait3A_512 : memref<128x32xf32, #tpu.memory_space<vmem>>) dst(%dma_wait3A_518 : memref<10240x32xf32, #tpu.memory_space<vmem_shared>>)
    }
    %scan3A_32 = arith.constant 10 : i32
    %barrier3A_33 = arith.constant 0 : index
    tpu.barrier barrier_id(%barrier3A_33)
    %eq3A_34 = arith.constant 0 : i32
    %eq3A_35 = arith.cmpi eq, %arg0, %eq3A_34 : i32
    %jit3A = arith.constant 1.000000e+00 : f32
    %jit3A_36 = arith.constant 0.000000e+00 : f32
    %select_n3A = arith.select %eq3A_35, %jit3A, %jit3A_36 : f32
    %scan3A_37 = arith.constant 0 : i32
    %scan3A_38 = arith.constant 0 : i32
    %scan3A_39 = arith.constant 128 : i32
    %scan3A_40 = arith.addi %scan3A_38, %scan3A_39 : i32
    %scan3A_41 = arith.constant 1 : i32
    scf.for %scan3A_104 = %scan3A_38 to %scan3A_40 step %scan3A_41  : i32 {
      %broadcast_in_dim3A = arith.constant 0.000000e+00 : f32
      %broadcast_in_dim3A_105 = vector.broadcast %broadcast_in_dim3A : f32 to vector<16xf32>
      %add3A_106 = vector.broadcast %select_n3A : f32 to vector<16xf32>
      %add3A_107 = arith.addf %broadcast_in_dim3A_105, %add3A_106 : vector<16xf32>
      %swap3A = arith.index_cast %scan3A_104 : i32 to index
      %swap3A_108 = arith.constant 0 : index
      %swap3A_109 = tpu.vector_load %arg16[%swap3A, %swap3A_108] {strides = array<i32>} : memref<128x32xf32, #tpu.memory_space<vmem>>, vector<16xf32>,
      tpu.vector_store %arg16[%swap3A, %swap3A_108], %add3A_107 {strides = array<i32>} : memref<128x32xf32, #tpu.memory_space<vmem>>, vector<16xf32>,
      %broadcast_in_dim3A_110 = arith.constant 0.000000e+00 : f32
      %broadcast_in_dim3A_111 = vector.broadcast %broadcast_in_dim3A_110 : f32 to vector<16xf32>
      %add3A_112 = vector.broadcast %select_n3A : f32 to vector<16xf32>
      %add3A_113 = arith.addf %broadcast_in_dim3A_111, %add3A_112 : vector<16xf32>
      %swap3A_114 = arith.index_cast %scan3A_104 : i32 to index
      %swap3A_115 = arith.constant 16 : index
      %swap3A_116 = tpu.vector_load %arg16[%swap3A_114, %swap3A_115] {strides = array<i32>} : memref<128x32xf32, #tpu.memory_space<vmem>>, vector<16xf32>,
      tpu.vector_store %arg16[%swap3A_114, %swap3A_115], %add3A_113 {strides = array<i32>} : memref<128x32xf32, #tpu.memory_space<vmem>>, vector<16xf32>,
    }
    %scan3A_42 = arith.constant 128 : i32
    %mul3A_43 = arith.constant 640 : i32
    %mul3A_44 = arith.muli %arg1, %mul3A_43 : i32
    %add3A_45 = arith.constant 0 : i32
    %add3A_46 = arith.addi %mul3A_44, %add3A_45 : i32
    "tpu.region"() ({
      %run_scoped3A = tpu.sem_alloc : memref<!tpu.dma_semaphore, #tpu.memory_space<semaphore_mem>>
      %dma_start3A = arith.constant 0 : i32
      %dma_start3A_104 = tpu.memref_slice %arg23[%add3A_46, %dma_start3A] : memref<10240x32xf32, #tpu.memory_space<vmem_shared>> -> memref<128x32xf32, #tpu.memory_space<vmem_shared>>
      %dma_start3A_105 = arith.constant 0 : i32
      %dma_start3A_106 = tpu.memref_slice %arg23[%add3A_46, %dma_start3A_105] : memref<10240x32xf32, #tpu.memory_space<vmem_shared>> -> memref<128x32xf32, #tpu.memory_space<vmem_shared>>
      tpu.enqueue_dma source(%dma_start3A_106 : memref<128x32xf32, #tpu.memory_space<vmem_shared>>) target(%arg13 : memref<128x32xf32, #tpu.memory_space<vmem>>) target_semaphore(%run_scoped3A : memref<!tpu.dma_semaphore, #tpu.memory_space<semaphore_mem>>)
      %dma_wait3A = arith.constant 0 : i32
      %dma_wait3A_107 = tpu.memref_slice %arg23[%add3A_46, %dma_wait3A] : memref<10240x32xf32, #tpu.memory_space<vmem_shared>> -> memref<128x32xf32, #tpu.memory_space<vmem_shared>>
      %dma_wait3A_108 = arith.constant 0 : i32
      %dma_wait3A_109 = tpu.memref_slice %arg23[%add3A_46, %dma_wait3A_108] : memref<10240x32xf32, #tpu.memory_space<vmem_shared>> -> memref<128x32xf32, #tpu.memory_space<vmem_shared>>
      tpu.wait_dma2 semaphore(%run_scoped3A : memref<!tpu.dma_semaphore, #tpu.memory_space<semaphore_mem>>) src(%dma_wait3A_109 : memref<128x32xf32, #tpu.memory_space<vmem_shared>>) dst(%arg13 : memref<128x32xf32, #tpu.memory_space<vmem>>)
      tpu.yield
    }) : () -> ()
    "tpu.region"() ({
      %run_scoped3A = tpu.sem_alloc : memref<!tpu.dma_semaphore, #tpu.memory_space<semaphore_mem>>
      %dma_start3A = arith.constant 0 : i32
      %dma_start3A_104 = tpu.memref_slice %arg2[%add3A_46, %dma_start3A] : memref<10240x32xf32, #tpu.memory_space<hbm>> -> memref<128x32xf32, #tpu.memory_space<hbm>>
      %dma_start3A_105 = arith.constant 0 : i32
      %dma_start3A_106 = tpu.memref_slice %arg2[%add3A_46, %dma_start3A_105] : memref<10240x32xf32, #tpu.memory_space<hbm>> -> memref<128x32xf32, #tpu.memory_space<hbm>>
      tpu.enqueue_dma source(%dma_start3A_106 : memref<128x32xf32, #tpu.memory_space<hbm>>) target(%arg14 : memref<128x32xf32, #tpu.memory_space<vmem>>) target_semaphore(%run_scoped3A : memref<!tpu.dma_semaphore, #tpu.memory_space<semaphore_mem>>)
      %dma_wait3A = arith.constant 0 : i32
      %dma_wait3A_107 = tpu.memref_slice %arg2[%add3A_46, %dma_wait3A] : memref<10240x32xf32, #tpu.memory_space<hbm>> -> memref<128x32xf32, #tpu.memory_space<hbm>>
      %dma_wait3A_108 = arith.constant 0 : i32
      %dma_wait3A_109 = tpu.memref_slice %arg2[%add3A_46, %dma_wait3A_108] : memref<10240x32xf32, #tpu.memory_space<hbm>> -> memref<128x32xf32, #tpu.memory_space<hbm>>
      tpu.wait_dma2 semaphore(%run_scoped3A : memref<!tpu.dma_semaphore, #tpu.memory_space<semaphore_mem>>) src(%dma_wait3A_109 : memref<128x32xf32, #tpu.memory_space<hbm>>) dst(%arg14 : memref<128x32xf32, #tpu.memory_space<vmem>>)
      tpu.yield
    }) : () -> ()
    "tpu.region"() ({
      %run_scoped3A = tpu.sem_alloc : memref<!tpu.dma_semaphore, #tpu.memory_space<semaphore_mem>>
      %dma_start3A = tpu.memref_slice %arg3[%add3A_46] : memref<10240xf32, #tpu.memory_space<hbm>> -> memref<128xf32, #tpu.memory_space<hbm>>
      %dma_start3A_104 = tpu.memref_slice %arg3[%add3A_46] : memref<10240xf32, #tpu.memory_space<hbm>> -> memref<128xf32, #tpu.memory_space<hbm>>
      tpu.enqueue_dma source(%dma_start3A_104 : memref<128xf32, #tpu.memory_space<hbm>>) target(%arg17 : memref<128xf32, #tpu.memory_space<vmem>>) target_semaphore(%run_scoped3A : memref<!tpu.dma_semaphore, #tpu.memory_space<semaphore_mem>>)
      %dma_wait3A = tpu.memref_slice %arg3[%add3A_46] : memref<10240xf32, #tpu.memory_space<hbm>> -> memref<128xf32, #tpu.memory_space<hbm>>
      %dma_wait3A_105 = tpu.memref_slice %arg3[%add3A_46] : memref<10240xf32, #tpu.memory_space<hbm>> -> memref<128xf32, #tpu.memory_space<hbm>>
      tpu.wait_dma2 semaphore(%run_scoped3A : memref<!tpu.dma_semaphore, #tpu.memory_space<semaphore_mem>>) src(%dma_wait3A_105 : memref<128xf32, #tpu.memory_space<hbm>>) dst(%arg17 : memref<128xf32, #tpu.memory_space<vmem>>)
      tpu.yield
    }) : () -> ()
    "tpu.region"() ({
      %run_scoped3A = tpu.sem_alloc : memref<!tpu.dma_semaphore, #tpu.memory_space<semaphore_mem>>
      %dma_start3A = tpu.memref_slice %arg4[%add3A_46] : memref<10240xi32, #tpu.memory_space<hbm>> -> memref<128xi32, #tpu.memory_space<hbm>>
      %dma_start3A_104 = tpu.memref_slice %arg4[%add3A_46] : memref<10240xi32, #tpu.memory_space<hbm>> -> memref<128xi32, #tpu.memory_space<hbm>>
      tpu.enqueue_dma source(%dma_start3A_104 : memref<128xi32, #tpu.memory_space<hbm>>) target(%arg18 : memref<128xi32, #tpu.memory_space<vmem>>) target_semaphore(%run_scoped3A : memref<!tpu.dma_semaphore, #tpu.memory_space<semaphore_mem>>)
      %dma_wait3A = tpu.memref_slice %arg4[%add3A_46] : memref<10240xi32, #tpu.memory_space<hbm>> -> memref<128xi32, #tpu.memory_space<hbm>>
      %dma_wait3A_105 = tpu.memref_slice %arg4[%add3A_46] : memref<10240xi32, #tpu.memory_space<hbm>> -> memref<128xi32, #tpu.memory_space<hbm>>
      tpu.wait_dma2 semaphore(%run_scoped3A : memref<!tpu.dma_semaphore, #tpu.memory_space<semaphore_mem>>) src(%dma_wait3A_105 : memref<128xi32, #tpu.memory_space<hbm>>) dst(%arg18 : memref<128xi32, #tpu.memory_space<vmem>>)
      tpu.yield
    }) : () -> ()
    %scan3A_47 = arith.constant 0 : i32
    %scan3A_48 = arith.constant 0 : i32
    %scan3A_49 = arith.constant 128 : i32
    %scan3A_50 = arith.addi %scan3A_48, %scan3A_49 : i32
    %scan3A_51 = arith.constant 1 : i32
    scf.for %scan3A_104 = %scan3A_48 to %scan3A_50 step %scan3A_51  : i32 {
      %broadcast_in_dim3A = arith.constant 0 : i32
      %broadcast_in_dim3A_105 = vector.broadcast %broadcast_in_dim3A : i32 to vector<16xi32>
      %add3A_106 = vector.broadcast %scan3A_104 : i32 to vector<16xi32>
      %add3A_107 = arith.addi %broadcast_in_dim3A_105, %add3A_106 : vector<16xi32>
      %gather3A = tpu.vector_load_idx %arg17[%add3A_107] : memref<128xf32, #tpu.memory_space<vmem>>[vector<16xi32>], vector<16xf32>,
      %get3A = arith.index_cast %scan3A_104 : i32 to index
      %get3A_108 = arith.constant 0 : index
      %get3A_109 = tpu.vector_load %arg13[%get3A, %get3A_108] {strides = array<i32>} : memref<128x32xf32, #tpu.memory_space<vmem>>, vector<16xf32>,
      %get3A_110 = arith.index_cast %scan3A_104 : i32 to index
      %get3A_111 = arith.constant 0 : index
      %get3A_112 = tpu.vector_load %arg14[%get3A_110, %get3A_111] {strides = array<i32>} : memref<128x32xf32, #tpu.memory_space<vmem>>, vector<16xf32>,
      %mul3A_113 = vector.broadcast %select_n3A : f32 to vector<16xf32>
      %mul3A_114 = arith.mulf %mul3A_113, %get3A_112 : vector<16xf32>
      %add3A_115 = arith.addf %get3A_109, %mul3A_114 : vector<16xf32>
      %mul3A_116 = arith.mulf %gather3A, %add3A_115 : vector<16xf32>
      %swap3A = arith.index_cast %scan3A_104 : i32 to index
      %swap3A_117 = arith.constant 0 : index
      %swap3A_118 = tpu.vector_load %arg15[%swap3A, %swap3A_117] {strides = array<i32>} : memref<128x32xf32, #tpu.memory_space<vmem>>, vector<16xf32>,
      tpu.vector_store %arg15[%swap3A, %swap3A_117], %mul3A_116 {strides = array<i32>} : memref<128x32xf32, #tpu.memory_space<vmem>>, vector<16xf32>,
      %get3A_119 = arith.index_cast %scan3A_104 : i32 to index
      %get3A_120 = arith.constant 16 : index
      %get3A_121 = tpu.vector_load %arg13[%get3A_119, %get3A_120] {strides = array<i32>} : memref<128x32xf32, #tpu.memory_space<vmem>>, vector<16xf32>,
      %get3A_122 = arith.index_cast %scan3A_104 : i32 to index
      %get3A_123 = arith.constant 16 : index
      %get3A_124 = tpu.vector_load %arg14[%get3A_122, %get3A_123] {strides = array<i32>} : memref<128x32xf32, #tpu.memory_space<vmem>>, vector<16xf32>,
      %mul3A_125 = vector.broadcast %select_n3A : f32 to vector<16xf32>
      %mul3A_126 = arith.mulf %mul3A_125, %get3A_124 : vector<16xf32>
      %add3A_127 = arith.addf %get3A_121, %mul3A_126 : vector<16xf32>
      %mul3A_128 = arith.mulf %gather3A, %add3A_127 : vector<16xf32>
      %swap3A_129 = arith.index_cast %scan3A_104 : i32 to index
      %swap3A_130 = arith.constant 16 : index
      %swap3A_131 = tpu.vector_load %arg15[%swap3A_129, %swap3A_130] {strides = array<i32>} : memref<128x32xf32, #tpu.memory_space<vmem>>, vector<16xf32>,
      tpu.vector_store %arg15[%swap3A_129, %swap3A_130], %mul3A_128 {strides = array<i32>} : memref<128x32xf32, #tpu.memory_space<vmem>>, vector<16xf32>,
    }
    %scan3A_52 = arith.constant 128 : i32
    "tpu.region"() ({
      %run_scoped3A = tpu.sem_alloc : memref<!tpu.dma_semaphore, #tpu.memory_space<semaphore_mem>>
      %dma_start3A = arith.constant 0 : i32
      %dma_start3A_104 = arith.constant 0 : i32
      %dma_start3A_105 = tpu.memref_slice %arg24[%dma_start3A, %dma_start3A_104] : memref<128x32xf32, #tpu.memory_space<vmem_shared>> -> memref<128x32xf32, #tpu.memory_space<vmem_shared>>
      tpu.enqueue_indirect_dma source(%arg15 : memref<128x32xf32, #tpu.memory_space<vmem>>) target(%dma_start3A_105 : memref<128x32xf32, #tpu.memory_space<vmem_shared>>) offsets(%arg18 : memref<128xi32, #tpu.memory_space<vmem>>) semaphore(%run_scoped3A : memref<!tpu.dma_semaphore, #tpu.memory_space<semaphore_mem>>) {add = true}
      %dma_wait3A = arith.constant 0 : i32
      %dma_wait3A_106 = arith.constant 0 : i32
      %dma_wait3A_107 = tpu.memref_slice %arg24[%dma_wait3A, %dma_wait3A_106] : memref<128x32xf32, #tpu.memory_space<vmem_shared>> -> memref<128x32xf32, #tpu.memory_space<vmem_shared>>
      tpu.wait_indirect_dma semaphore(%run_scoped3A : memref<!tpu.dma_semaphore, #tpu.memory_space<semaphore_mem>>) src(%arg15 : memref<128x32xf32, #tpu.memory_space<vmem>>) dst(%dma_wait3A_107 : memref<128x32xf32, #tpu.memory_space<vmem_shared>>)
      tpu.yield
    }) : () -> ()
    "tpu.region"() ({
      %run_scoped3A = tpu.sem_alloc : memref<!tpu.dma_semaphore, #tpu.memory_space<semaphore_mem>>
      %dma_start3A = arith.constant 0 : i32
      %dma_start3A_104 = arith.constant 0 : i32
      %dma_start3A_105 = tpu.memref_slice %arg25[%dma_start3A, %dma_start3A_104] : memref<128x32xf32, #tpu.memory_space<vmem_shared>> -> memref<128x32xf32, #tpu.memory_space<vmem_shared>>
      tpu.enqueue_indirect_dma source(%arg16 : memref<128x32xf32, #tpu.memory_space<vmem>>) target(%dma_start3A_105 : memref<128x32xf32, #tpu.memory_space<vmem_shared>>) offsets(%arg18 : memref<128xi32, #tpu.memory_space<vmem>>) semaphore(%run_scoped3A : memref<!tpu.dma_semaphore, #tpu.memory_space<semaphore_mem>>) {add = true}
      %dma_wait3A = arith.constant 0 : i32
      %dma_wait3A_106 = arith.constant 0 : i32
      %dma_wait3A_107 = tpu.memref_slice %arg25[%dma_wait3A, %dma_wait3A_106] : memref<128x32xf32, #tpu.memory_space<vmem_shared>> -> memref<128x32xf32, #tpu.memory_space<vmem_shared>>
      tpu.wait_indirect_dma semaphore(%run_scoped3A : memref<!tpu.dma_semaphore, #tpu.memory_space<semaphore_mem>>) src(%arg16 : memref<128x32xf32, #tpu.memory_space<vmem>>) dst(%dma_wait3A_107 : memref<128x32xf32, #tpu.memory_space<vmem_shared>>)
      tpu.yield
    }) : () -> ()
    %mul3A_53 = arith.constant 640 : i32
    %mul3A_54 = arith.muli %arg1, %mul3A_53 : i32
    %add3A_55 = arith.constant 128 : i32
    %add3A_56 = arith.addi %mul3A_54, %add3A_55 : i32
    "tpu.region"() ({
      %run_scoped3A = tpu.sem_alloc : memref<!tpu.dma_semaphore, #tpu.memory_space<semaphore_mem>>
      %dma_start3A = arith.constant 0 : i32
      %dma_start3A_104 = tpu.memref_slice %arg23[%add3A_56, %dma_start3A] : memref<10240x32xf32, #tpu.memory_space<vmem_shared>> -> memref<128x32xf32, #tpu.memory_space<vmem_shared>>
      %dma_start3A_105 = arith.constant 0 : i32
      %dma_start3A_106 = tpu.memref_slice %arg23[%add3A_56, %dma_start3A_105] : memref<10240x32xf32, #tpu.memory_space<vmem_shared>> -> memref<128x32xf32, #tpu.memory_space<vmem_shared>>
      tpu.enqueue_dma source(%dma_start3A_106 : memref<128x32xf32, #tpu.memory_space<vmem_shared>>) target(%arg13 : memref<128x32xf32, #tpu.memory_space<vmem>>) target_semaphore(%run_scoped3A : memref<!tpu.dma_semaphore, #tpu.memory_space<semaphore_mem>>)
      %dma_wait3A = arith.constant 0 : i32
      %dma_wait3A_107 = tpu.memref_slice %arg23[%add3A_56, %dma_wait3A] : memref<10240x32xf32, #tpu.memory_space<vmem_shared>> -> memref<128x32xf32, #tpu.memory_space<vmem_shared>>
      %dma_wait3A_108 = arith.constant 0 : i32
      %dma_wait3A_109 = tpu.memref_slice %arg23[%add3A_56, %dma_wait3A_108] : memref<10240x32xf32, #tpu.memory_space<vmem_shared>> -> memref<128x32xf32, #tpu.memory_space<vmem_shared>>
      tpu.wait_dma2 semaphore(%run_scoped3A : memref<!tpu.dma_semaphore, #tpu.memory_space<semaphore_mem>>) src(%dma_wait3A_109 : memref<128x32xf32, #tpu.memory_space<vmem_shared>>) dst(%arg13 : memref<128x32xf32, #tpu.memory_space<vmem>>)
      tpu.yield
    }) : () -> ()
    "tpu.region"() ({
      %run_scoped3A = tpu.sem_alloc : memref<!tpu.dma_semaphore, #tpu.memory_space<semaphore_mem>>
      %dma_start3A = arith.constant 0 : i32
      %dma_start3A_104 = tpu.memref_slice %arg2[%add3A_56, %dma_start3A] : memref<10240x32xf32, #tpu.memory_space<hbm>> -> memref<128x32xf32, #tpu.memory_space<hbm>>
      %dma_start3A_105 = arith.constant 0 : i32
      %dma_start3A_106 = tpu.memref_slice %arg2[%add3A_56, %dma_start3A_105] : memref<10240x32xf32, #tpu.memory_space<hbm>> -> memref<128x32xf32, #tpu.memory_space<hbm>>
      tpu.enqueue_dma source(%dma_start3A_106 : memref<128x32xf32, #tpu.memory_space<hbm>>) target(%arg14 : memref<128x32xf32, #tpu.memory_space<vmem>>) target_semaphore(%run_scoped3A : memref<!tpu.dma_semaphore, #tpu.memory_space<semaphore_mem>>)
      %dma_wait3A = arith.constant 0 : i32
      %dma_wait3A_107 = tpu.memref_slice %arg2[%add3A_56, %dma_wait3A] : memref<10240x32xf32, #tpu.memory_space<hbm>> -> memref<128x32xf32, #tpu.memory_space<hbm>>
      %dma_wait3A_108 = arith.constant 0 : i32
      %dma_wait3A_109 = tpu.memref_slice %arg2[%add3A_56, %dma_wait3A_108] : memref<10240x32xf32, #tpu.memory_space<hbm>> -> memref<128x32xf32, #tpu.memory_space<hbm>>
      tpu.wait_dma2 semaphore(%run_scoped3A : memref<!tpu.dma_semaphore, #tpu.memory_space<semaphore_mem>>) src(%dma_wait3A_109 : memref<128x32xf32, #tpu.memory_space<hbm>>) dst(%arg14 : memref<128x32xf32, #tpu.memory_space<vmem>>)
      tpu.yield
    }) : () -> ()
    "tpu.region"() ({
      %run_scoped3A = tpu.sem_alloc : memref<!tpu.dma_semaphore, #tpu.memory_space<semaphore_mem>>
      %dma_start3A = tpu.memref_slice %arg3[%add3A_56] : memref<10240xf32, #tpu.memory_space<hbm>> -> memref<128xf32, #tpu.memory_space<hbm>>
      %dma_start3A_104 = tpu.memref_slice %arg3[%add3A_56] : memref<10240xf32, #tpu.memory_space<hbm>> -> memref<128xf32, #tpu.memory_space<hbm>>
      tpu.enqueue_dma source(%dma_start3A_104 : memref<128xf32, #tpu.memory_space<hbm>>) target(%arg17 : memref<128xf32, #tpu.memory_space<vmem>>) target_semaphore(%run_scoped3A : memref<!tpu.dma_semaphore, #tpu.memory_space<semaphore_mem>>)
      %dma_wait3A = tpu.memref_slice %arg3[%add3A_56] : memref<10240xf32, #tpu.memory_space<hbm>> -> memref<128xf32, #tpu.memory_space<hbm>>
      %dma_wait3A_105 = tpu.memref_slice %arg3[%add3A_56] : memref<10240xf32, #tpu.memory_space<hbm>> -> memref<128xf32, #tpu.memory_space<hbm>>
      tpu.wait_dma2 semaphore(%run_scoped3A : memref<!tpu.dma_semaphore, #tpu.memory_space<semaphore_mem>>) src(%dma_wait3A_105 : memref<128xf32, #tpu.memory_space<hbm>>) dst(%arg17 : memref<128xf32, #tpu.memory_space<vmem>>)
      tpu.yield
    }) : () -> ()
    "tpu.region"() ({
      %run_scoped3A = tpu.sem_alloc : memref<!tpu.dma_semaphore, #tpu.memory_space<semaphore_mem>>
      %dma_start3A = tpu.memref_slice %arg4[%add3A_56] : memref<10240xi32, #tpu.memory_space<hbm>> -> memref<128xi32, #tpu.memory_space<hbm>>
      %dma_start3A_104 = tpu.memref_slice %arg4[%add3A_56] : memref<10240xi32, #tpu.memory_space<hbm>> -> memref<128xi32, #tpu.memory_space<hbm>>
      tpu.enqueue_dma source(%dma_start3A_104 : memref<128xi32, #tpu.memory_space<hbm>>) target(%arg18 : memref<128xi32, #tpu.memory_space<vmem>>) target_semaphore(%run_scoped3A : memref<!tpu.dma_semaphore, #tpu.memory_space<semaphore_mem>>)
      %dma_wait3A = tpu.memref_slice %arg4[%add3A_56] : memref<10240xi32, #tpu.memory_space<hbm>> -> memref<128xi32, #tpu.memory_space<hbm>>
      %dma_wait3A_105 = tpu.memref_slice %arg4[%add3A_56] : memref<10240xi32, #tpu.memory_space<hbm>> -> memref<128xi32, #tpu.memory_space<hbm>>
      tpu.wait_dma2 semaphore(%run_scoped3A : memref<!tpu.dma_semaphore, #tpu.memory_space<semaphore_mem>>) src(%dma_wait3A_105 : memref<128xi32, #tpu.memory_space<hbm>>) dst(%arg18 : memref<128xi32, #tpu.memory_space<vmem>>)
      tpu.yield
    }) : () -> ()
    %scan3A_57 = arith.constant 0 : i32
    %scan3A_58 = arith.constant 0 : i32
    %scan3A_59 = arith.constant 128 : i32
    %scan3A_60 = arith.addi %scan3A_58, %scan3A_59 : i32
    %scan3A_61 = arith.constant 1 : i32
    scf.for %scan3A_104 = %scan3A_58 to %scan3A_60 step %scan3A_61  : i32 {
      %broadcast_in_dim3A = arith.constant 0 : i32
      %broadcast_in_dim3A_105 = vector.broadcast %broadcast_in_dim3A : i32 to vector<16xi32>
      %add3A_106 = vector.broadcast %scan3A_104 : i32 to vector<16xi32>
      %add3A_107 = arith.addi %broadcast_in_dim3A_105, %add3A_106 : vector<16xi32>
      %gather3A = tpu.vector_load_idx %arg17[%add3A_107] : memref<128xf32, #tpu.memory_space<vmem>>[vector<16xi32>], vector<16xf32>,
      %get3A = arith.index_cast %scan3A_104 : i32 to index
      %get3A_108 = arith.constant 0 : index
      %get3A_109 = tpu.vector_load %arg13[%get3A, %get3A_108] {strides = array<i32>} : memref<128x32xf32, #tpu.memory_space<vmem>>, vector<16xf32>,
      %get3A_110 = arith.index_cast %scan3A_104 : i32 to index
      %get3A_111 = arith.constant 0 : index
      %get3A_112 = tpu.vector_load %arg14[%get3A_110, %get3A_111] {strides = array<i32>} : memref<128x32xf32, #tpu.memory_space<vmem>>, vector<16xf32>,
      %mul3A_113 = vector.broadcast %select_n3A : f32 to vector<16xf32>
      %mul3A_114 = arith.mulf %mul3A_113, %get3A_112 : vector<16xf32>
      %add3A_115 = arith.addf %get3A_109, %mul3A_114 : vector<16xf32>
      %mul3A_116 = arith.mulf %gather3A, %add3A_115 : vector<16xf32>
      %swap3A = arith.index_cast %scan3A_104 : i32 to index
      %swap3A_117 = arith.constant 0 : index
      %swap3A_118 = tpu.vector_load %arg15[%swap3A, %swap3A_117] {strides = array<i32>} : memref<128x32xf32, #tpu.memory_space<vmem>>, vector<16xf32>,
      tpu.vector_store %arg15[%swap3A, %swap3A_117], %mul3A_116 {strides = array<i32>} : memref<128x32xf32, #tpu.memory_space<vmem>>, vector<16xf32>,
      %get3A_119 = arith.index_cast %scan3A_104 : i32 to index
      %get3A_120 = arith.constant 16 : index
      %get3A_121 = tpu.vector_load %arg13[%get3A_119, %get3A_120] {strides = array<i32>} : memref<128x32xf32, #tpu.memory_space<vmem>>, vector<16xf32>,
      %get3A_122 = arith.index_cast %scan3A_104 : i32 to index
      %get3A_123 = arith.constant 16 : index
      %get3A_124 = tpu.vector_load %arg14[%get3A_122, %get3A_123] {strides = array<i32>} : memref<128x32xf32, #tpu.memory_space<vmem>>, vector<16xf32>,
      %mul3A_125 = vector.broadcast %select_n3A : f32 to vector<16xf32>
      %mul3A_126 = arith.mulf %mul3A_125, %get3A_124 : vector<16xf32>
      %add3A_127 = arith.addf %get3A_121, %mul3A_126 : vector<16xf32>
      %mul3A_128 = arith.mulf %gather3A, %add3A_127 : vector<16xf32>
      %swap3A_129 = arith.index_cast %scan3A_104 : i32 to index
      %swap3A_130 = arith.constant 16 : index
      %swap3A_131 = tpu.vector_load %arg15[%swap3A_129, %swap3A_130] {strides = array<i32>} : memref<128x32xf32, #tpu.memory_space<vmem>>, vector<16xf32>,
      tpu.vector_store %arg15[%swap3A_129, %swap3A_130], %mul3A_128 {strides = array<i32>} : memref<128x32xf32, #tpu.memory_space<vmem>>, vector<16xf32>,
    }
    %scan3A_62 = arith.constant 128 : i32
    "tpu.region"() ({
      %run_scoped3A = tpu.sem_alloc : memref<!tpu.dma_semaphore, #tpu.memory_space<semaphore_mem>>
      %dma_start3A = arith.constant 0 : i32
      %dma_start3A_104 = arith.constant 0 : i32
      %dma_start3A_105 = tpu.memref_slice %arg24[%dma_start3A, %dma_start3A_104] : memref<128x32xf32, #tpu.memory_space<vmem_shared>> -> memref<128x32xf32, #tpu.memory_space<vmem_shared>>
      tpu.enqueue_indirect_dma source(%arg15 : memref<128x32xf32, #tpu.memory_space<vmem>>) target(%dma_start3A_105 : memref<128x32xf32, #tpu.memory_space<vmem_shared>>) offsets(%arg18 : memref<128xi32, #tpu.memory_space<vmem>>) semaphore(%run_scoped3A : memref<!tpu.dma_semaphore, #tpu.memory_space<semaphore_mem>>) {add = true}
      %dma_wait3A = arith.constant 0 : i32
      %dma_wait3A_106 = arith.constant 0 : i32
      %dma_wait3A_107 = tpu.memref_slice %arg24[%dma_wait3A, %dma_wait3A_106] : memref<128x32xf32, #tpu.memory_space<vmem_shared>> -> memref<128x32xf32, #tpu.memory_space<vmem_shared>>
      tpu.wait_indirect_dma semaphore(%run_scoped3A : memref<!tpu.dma_semaphore, #tpu.memory_space<semaphore_mem>>) src(%arg15 : memref<128x32xf32, #tpu.memory_space<vmem>>) dst(%dma_wait3A_107 : memref<128x32xf32, #tpu.memory_space<vmem_shared>>)
      tpu.yield
    }) : () -> ()
    "tpu.region"() ({
      %run_scoped3A = tpu.sem_alloc : memref<!tpu.dma_semaphore, #tpu.memory_space<semaphore_mem>>
      %dma_start3A = arith.constant 0 : i32
      %dma_start3A_104 = arith.constant 0 : i32
      %dma_start3A_105 = tpu.memref_slice %arg25[%dma_start3A, %dma_start3A_104] : memref<128x32xf32, #tpu.memory_space<vmem_shared>> -> memref<128x32xf32, #tpu.memory_space<vmem_shared>>
      tpu.enqueue_indirect_dma source(%arg16 : memref<128x32xf32, #tpu.memory_space<vmem>>) target(%dma_start3A_105 : memref<128x32xf32, #tpu.memory_space<vmem_shared>>) offsets(%arg18 : memref<128xi32, #tpu.memory_space<vmem>>) semaphore(%run_scoped3A : memref<!tpu.dma_semaphore, #tpu.memory_space<semaphore_mem>>) {add = true}
      %dma_wait3A = arith.constant 0 : i32
      %dma_wait3A_106 = arith.constant 0 : i32
      %dma_wait3A_107 = tpu.memref_slice %arg25[%dma_wait3A, %dma_wait3A_106] : memref<128x32xf32, #tpu.memory_space<vmem_shared>> -> memref<128x32xf32, #tpu.memory_space<vmem_shared>>
      tpu.wait_indirect_dma semaphore(%run_scoped3A : memref<!tpu.dma_semaphore, #tpu.memory_space<semaphore_mem>>) src(%arg16 : memref<128x32xf32, #tpu.memory_space<vmem>>) dst(%dma_wait3A_107 : memref<128x32xf32, #tpu.memory_space<vmem_shared>>)
      tpu.yield
    }) : () -> ()
    %mul3A_63 = arith.constant 640 : i32
    %mul3A_64 = arith.muli %arg1, %mul3A_63 : i32
    %add3A_65 = arith.constant 256 : i32
    %add3A_66 = arith.addi %mul3A_64, %add3A_65 : i32
    "tpu.region"() ({
      %run_scoped3A = tpu.sem_alloc : memref<!tpu.dma_semaphore, #tpu.memory_space<semaphore_mem>>
      %dma_start3A = arith.constant 0 : i32
      %dma_start3A_104 = tpu.memref_slice %arg23[%add3A_66, %dma_start3A] : memref<10240x32xf32, #tpu.memory_space<vmem_shared>> -> memref<128x32xf32, #tpu.memory_space<vmem_shared>>
      %dma_start3A_105 = arith.constant 0 : i32
      %dma_start3A_106 = tpu.memref_slice %arg23[%add3A_66, %dma_start3A_105] : memref<10240x32xf32, #tpu.memory_space<vmem_shared>> -> memref<128x32xf32, #tpu.memory_space<vmem_shared>>
      tpu.enqueue_dma source(%dma_start3A_106 : memref<128x32xf32, #tpu.memory_space<vmem_shared>>) target(%arg13 : memref<128x32xf32, #tpu.memory_space<vmem>>) target_semaphore(%run_scoped3A : memref<!tpu.dma_semaphore, #tpu.memory_space<semaphore_mem>>)
      %dma_wait3A = arith.constant 0 : i32
      %dma_wait3A_107 = tpu.memref_slice %arg23[%add3A_66, %dma_wait3A] : memref<10240x32xf32, #tpu.memory_space<vmem_shared>> -> memref<128x32xf32, #tpu.memory_space<vmem_shared>>
      %dma_wait3A_108 = arith.constant 0 : i32
      %dma_wait3A_109 = tpu.memref_slice %arg23[%add3A_66, %dma_wait3A_108] : memref<10240x32xf32, #tpu.memory_space<vmem_shared>> -> memref<128x32xf32, #tpu.memory_space<vmem_shared>>
      tpu.wait_dma2 semaphore(%run_scoped3A : memref<!tpu.dma_semaphore, #tpu.memory_space<semaphore_mem>>) src(%dma_wait3A_109 : memref<128x32xf32, #tpu.memory_space<vmem_shared>>) dst(%arg13 : memref<128x32xf32, #tpu.memory_space<vmem>>)
      tpu.yield
    }) : () -> ()
    "tpu.region"() ({
      %run_scoped3A = tpu.sem_alloc : memref<!tpu.dma_semaphore, #tpu.memory_space<semaphore_mem>>
      %dma_start3A = arith.constant 0 : i32
      %dma_start3A_104 = tpu.memref_slice %arg2[%add3A_66, %dma_start3A] : memref<10240x32xf32, #tpu.memory_space<hbm>> -> memref<128x32xf32, #tpu.memory_space<hbm>>
      %dma_start3A_105 = arith.constant 0 : i32
      %dma_start3A_106 = tpu.memref_slice %arg2[%add3A_66, %dma_start3A_105] : memref<10240x32xf32, #tpu.memory_space<hbm>> -> memref<128x32xf32, #tpu.memory_space<hbm>>
      tpu.enqueue_dma source(%dma_start3A_106 : memref<128x32xf32, #tpu.memory_space<hbm>>) target(%arg14 : memref<128x32xf32, #tpu.memory_space<vmem>>) target_semaphore(%run_scoped3A : memref<!tpu.dma_semaphore, #tpu.memory_space<semaphore_mem>>)
      %dma_wait3A = arith.constant 0 : i32
      %dma_wait3A_107 = tpu.memref_slice %arg2[%add3A_66, %dma_wait3A] : memref<10240x32xf32, #tpu.memory_space<hbm>> -> memref<128x32xf32, #tpu.memory_space<hbm>>
      %dma_wait3A_108 = arith.constant 0 : i32
      %dma_wait3A_109 = tpu.memref_slice %arg2[%add3A_66, %dma_wait3A_108] : memref<10240x32xf32, #tpu.memory_space<hbm>> -> memref<128x32xf32, #tpu.memory_space<hbm>>
      tpu.wait_dma2 semaphore(%run_scoped3A : memref<!tpu.dma_semaphore, #tpu.memory_space<semaphore_mem>>) src(%dma_wait3A_109 : memref<128x32xf32, #tpu.memory_space<hbm>>) dst(%arg14 : memref<128x32xf32, #tpu.memory_space<vmem>>)
      tpu.yield
    }) : () -> ()
    "tpu.region"() ({
      %run_scoped3A = tpu.sem_alloc : memref<!tpu.dma_semaphore, #tpu.memory_space<semaphore_mem>>
      %dma_start3A = tpu.memref_slice %arg3[%add3A_66] : memref<10240xf32, #tpu.memory_space<hbm>> -> memref<128xf32, #tpu.memory_space<hbm>>
      %dma_start3A_104 = tpu.memref_slice %arg3[%add3A_66] : memref<10240xf32, #tpu.memory_space<hbm>> -> memref<128xf32, #tpu.memory_space<hbm>>
      tpu.enqueue_dma source(%dma_start3A_104 : memref<128xf32, #tpu.memory_space<hbm>>) target(%arg17 : memref<128xf32, #tpu.memory_space<vmem>>) target_semaphore(%run_scoped3A : memref<!tpu.dma_semaphore, #tpu.memory_space<semaphore_mem>>)
      %dma_wait3A = tpu.memref_slice %arg3[%add3A_66] : memref<10240xf32, #tpu.memory_space<hbm>> -> memref<128xf32, #tpu.memory_space<hbm>>
      %dma_wait3A_105 = tpu.memref_slice %arg3[%add3A_66] : memref<10240xf32, #tpu.memory_space<hbm>> -> memref<128xf32, #tpu.memory_space<hbm>>
      tpu.wait_dma2 semaphore(%run_scoped3A : memref<!tpu.dma_semaphore, #tpu.memory_space<semaphore_mem>>) src(%dma_wait3A_105 : memref<128xf32, #tpu.memory_space<hbm>>) dst(%arg17 : memref<128xf32, #tpu.memory_space<vmem>>)
      tpu.yield
    }) : () -> ()
    "tpu.region"() ({
      %run_scoped3A = tpu.sem_alloc : memref<!tpu.dma_semaphore, #tpu.memory_space<semaphore_mem>>
      %dma_start3A = tpu.memref_slice %arg4[%add3A_66] : memref<10240xi32, #tpu.memory_space<hbm>> -> memref<128xi32, #tpu.memory_space<hbm>>
      %dma_start3A_104 = tpu.memref_slice %arg4[%add3A_66] : memref<10240xi32, #tpu.memory_space<hbm>> -> memref<128xi32, #tpu.memory_space<hbm>>
      tpu.enqueue_dma source(%dma_start3A_104 : memref<128xi32, #tpu.memory_space<hbm>>) target(%arg18 : memref<128xi32, #tpu.memory_space<vmem>>) target_semaphore(%run_scoped3A : memref<!tpu.dma_semaphore, #tpu.memory_space<semaphore_mem>>)
      %dma_wait3A = tpu.memref_slice %arg4[%add3A_66] : memref<10240xi32, #tpu.memory_space<hbm>> -> memref<128xi32, #tpu.memory_space<hbm>>
      %dma_wait3A_105 = tpu.memref_slice %arg4[%add3A_66] : memref<10240xi32, #tpu.memory_space<hbm>> -> memref<128xi32, #tpu.memory_space<hbm>>
      tpu.wait_dma2 semaphore(%run_scoped3A : memref<!tpu.dma_semaphore, #tpu.memory_space<semaphore_mem>>) src(%dma_wait3A_105 : memref<128xi32, #tpu.memory_space<hbm>>) dst(%arg18 : memref<128xi32, #tpu.memory_space<vmem>>)
      tpu.yield
    }) : () -> ()
    %scan3A_67 = arith.constant 0 : i32
    %scan3A_68 = arith.constant 0 : i32
    %scan3A_69 = arith.constant 128 : i32
    %scan3A_70 = arith.addi %scan3A_68, %scan3A_69 : i32
    %scan3A_71 = arith.constant 1 : i32
    scf.for %scan3A_104 = %scan3A_68 to %scan3A_70 step %scan3A_71  : i32 {
      %broadcast_in_dim3A = arith.constant 0 : i32
      %broadcast_in_dim3A_105 = vector.broadcast %broadcast_in_dim3A : i32 to vector<16xi32>
      %add3A_106 = vector.broadcast %scan3A_104 : i32 to vector<16xi32>
      %add3A_107 = arith.addi %broadcast_in_dim3A_105, %add3A_106 : vector<16xi32>
      %gather3A = tpu.vector_load_idx %arg17[%add3A_107] : memref<128xf32, #tpu.memory_space<vmem>>[vector<16xi32>], vector<16xf32>,
      %get3A = arith.index_cast %scan3A_104 : i32 to index
      %get3A_108 = arith.constant 0 : index
      %get3A_109 = tpu.vector_load %arg13[%get3A, %get3A_108] {strides = array<i32>} : memref<128x32xf32, #tpu.memory_space<vmem>>, vector<16xf32>,
      %get3A_110 = arith.index_cast %scan3A_104 : i32 to index
      %get3A_111 = arith.constant 0 : index
      %get3A_112 = tpu.vector_load %arg14[%get3A_110, %get3A_111] {strides = array<i32>} : memref<128x32xf32, #tpu.memory_space<vmem>>, vector<16xf32>,
      %mul3A_113 = vector.broadcast %select_n3A : f32 to vector<16xf32>
      %mul3A_114 = arith.mulf %mul3A_113, %get3A_112 : vector<16xf32>
      %add3A_115 = arith.addf %get3A_109, %mul3A_114 : vector<16xf32>
      %mul3A_116 = arith.mulf %gather3A, %add3A_115 : vector<16xf32>
      %swap3A = arith.index_cast %scan3A_104 : i32 to index
      %swap3A_117 = arith.constant 0 : index
      %swap3A_118 = tpu.vector_load %arg15[%swap3A, %swap3A_117] {strides = array<i32>} : memref<128x32xf32, #tpu.memory_space<vmem>>, vector<16xf32>,
      tpu.vector_store %arg15[%swap3A, %swap3A_117], %mul3A_116 {strides = array<i32>} : memref<128x32xf32, #tpu.memory_space<vmem>>, vector<16xf32>,
      %get3A_119 = arith.index_cast %scan3A_104 : i32 to index
      %get3A_120 = arith.constant 16 : index
      %get3A_121 = tpu.vector_load %arg13[%get3A_119, %get3A_120] {strides = array<i32>} : memref<128x32xf32, #tpu.memory_space<vmem>>, vector<16xf32>,
      %get3A_122 = arith.index_cast %scan3A_104 : i32 to index
      %get3A_123 = arith.constant 16 : index
      %get3A_124 = tpu.vector_load %arg14[%get3A_122, %get3A_123] {strides = array<i32>} : memref<128x32xf32, #tpu.memory_space<vmem>>, vector<16xf32>,
      %mul3A_125 = vector.broadcast %select_n3A : f32 to vector<16xf32>
      %mul3A_126 = arith.mulf %mul3A_125, %get3A_124 : vector<16xf32>
      %add3A_127 = arith.addf %get3A_121, %mul3A_126 : vector<16xf32>
      %mul3A_128 = arith.mulf %gather3A, %add3A_127 : vector<16xf32>
      %swap3A_129 = arith.index_cast %scan3A_104 : i32 to index
      %swap3A_130 = arith.constant 16 : index
      %swap3A_131 = tpu.vector_load %arg15[%swap3A_129, %swap3A_130] {strides = array<i32>} : memref<128x32xf32, #tpu.memory_space<vmem>>, vector<16xf32>,
      tpu.vector_store %arg15[%swap3A_129, %swap3A_130], %mul3A_128 {strides = array<i32>} : memref<128x32xf32, #tpu.memory_space<vmem>>, vector<16xf32>,
    }
    %scan3A_72 = arith.constant 128 : i32
    "tpu.region"() ({
      %run_scoped3A = tpu.sem_alloc : memref<!tpu.dma_semaphore, #tpu.memory_space<semaphore_mem>>
      %dma_start3A = arith.constant 0 : i32
      %dma_start3A_104 = arith.constant 0 : i32
      %dma_start3A_105 = tpu.memref_slice %arg24[%dma_start3A, %dma_start3A_104] : memref<128x32xf32, #tpu.memory_space<vmem_shared>> -> memref<128x32xf32, #tpu.memory_space<vmem_shared>>
      tpu.enqueue_indirect_dma source(%arg15 : memref<128x32xf32, #tpu.memory_space<vmem>>) target(%dma_start3A_105 : memref<128x32xf32, #tpu.memory_space<vmem_shared>>) offsets(%arg18 : memref<128xi32, #tpu.memory_space<vmem>>) semaphore(%run_scoped3A : memref<!tpu.dma_semaphore, #tpu.memory_space<semaphore_mem>>) {add = true}
      %dma_wait3A = arith.constant 0 : i32
      %dma_wait3A_106 = arith.constant 0 : i32
      %dma_wait3A_107 = tpu.memref_slice %arg24[%dma_wait3A, %dma_wait3A_106] : memref<128x32xf32, #tpu.memory_space<vmem_shared>> -> memref<128x32xf32, #tpu.memory_space<vmem_shared>>
      tpu.wait_indirect_dma semaphore(%run_scoped3A : memref<!tpu.dma_semaphore, #tpu.memory_space<semaphore_mem>>) src(%arg15 : memref<128x32xf32, #tpu.memory_space<vmem>>) dst(%dma_wait3A_107 : memref<128x32xf32, #tpu.memory_space<vmem_shared>>)
      tpu.yield
    }) : () -> ()
    "tpu.region"() ({
      %run_scoped3A = tpu.sem_alloc : memref<!tpu.dma_semaphore, #tpu.memory_space<semaphore_mem>>
      %dma_start3A = arith.constant 0 : i32
      %dma_start3A_104 = arith.constant 0 : i32
      %dma_start3A_105 = tpu.memref_slice %arg25[%dma_start3A, %dma_start3A_104] : memref<128x32xf32, #tpu.memory_space<vmem_shared>> -> memref<128x32xf32, #tpu.memory_space<vmem_shared>>
      tpu.enqueue_indirect_dma source(%arg16 : memref<128x32xf32, #tpu.memory_space<vmem>>) target(%dma_start3A_105 : memref<128x32xf32, #tpu.memory_space<vmem_shared>>) offsets(%arg18 : memref<128xi32, #tpu.memory_space<vmem>>) semaphore(%run_scoped3A : memref<!tpu.dma_semaphore, #tpu.memory_space<semaphore_mem>>) {add = true}
      %dma_wait3A = arith.constant 0 : i32
      %dma_wait3A_106 = arith.constant 0 : i32
      %dma_wait3A_107 = tpu.memref_slice %arg25[%dma_wait3A, %dma_wait3A_106] : memref<128x32xf32, #tpu.memory_space<vmem_shared>> -> memref<128x32xf32, #tpu.memory_space<vmem_shared>>
      tpu.wait_indirect_dma semaphore(%run_scoped3A : memref<!tpu.dma_semaphore, #tpu.memory_space<semaphore_mem>>) src(%arg16 : memref<128x32xf32, #tpu.memory_space<vmem>>) dst(%dma_wait3A_107 : memref<128x32xf32, #tpu.memory_space<vmem_shared>>)
      tpu.yield
    }) : () -> ()
    %mul3A_73 = arith.constant 640 : i32
    %mul3A_74 = arith.muli %arg1, %mul3A_73 : i32
    %add3A_75 = arith.constant 384 : i32
    %add3A_76 = arith.addi %mul3A_74, %add3A_75 : i32
    "tpu.region"() ({
      %run_scoped3A = tpu.sem_alloc : memref<!tpu.dma_semaphore, #tpu.memory_space<semaphore_mem>>
      %dma_start3A = arith.constant 0 : i32
      %dma_start3A_104 = tpu.memref_slice %arg23[%add3A_76, %dma_start3A] : memref<10240x32xf32, #tpu.memory_space<vmem_shared>> -> memref<128x32xf32, #tpu.memory_space<vmem_shared>>
      %dma_start3A_105 = arith.constant 0 : i32
      %dma_start3A_106 = tpu.memref_slice %arg23[%add3A_76, %dma_start3A_105] : memref<10240x32xf32, #tpu.memory_space<vmem_shared>> -> memref<128x32xf32, #tpu.memory_space<vmem_shared>>
      tpu.enqueue_dma source(%dma_start3A_106 : memref<128x32xf32, #tpu.memory_space<vmem_shared>>) target(%arg13 : memref<128x32xf32, #tpu.memory_space<vmem>>) target_semaphore(%run_scoped3A : memref<!tpu.dma_semaphore, #tpu.memory_space<semaphore_mem>>)
      %dma_wait3A = arith.constant 0 : i32
      %dma_wait3A_107 = tpu.memref_slice %arg23[%add3A_76, %dma_wait3A] : memref<10240x32xf32, #tpu.memory_space<vmem_shared>> -> memref<128x32xf32, #tpu.memory_space<vmem_shared>>
      %dma_wait3A_108 = arith.constant 0 : i32
      %dma_wait3A_109 = tpu.memref_slice %arg23[%add3A_76, %dma_wait3A_108] : memref<10240x32xf32, #tpu.memory_space<vmem_shared>> -> memref<128x32xf32, #tpu.memory_space<vmem_shared>>
      tpu.wait_dma2 semaphore(%run_scoped3A : memref<!tpu.dma_semaphore, #tpu.memory_space<semaphore_mem>>) src(%dma_wait3A_109 : memref<128x32xf32, #tpu.memory_space<vmem_shared>>) dst(%arg13 : memref<128x32xf32, #tpu.memory_space<vmem>>)
      tpu.yield
    }) : () -> ()
    "tpu.region"() ({
      %run_scoped3A = tpu.sem_alloc : memref<!tpu.dma_semaphore, #tpu.memory_space<semaphore_mem>>
      %dma_start3A = arith.constant 0 : i32
      %dma_start3A_104 = tpu.memref_slice %arg2[%add3A_76, %dma_start3A] : memref<10240x32xf32, #tpu.memory_space<hbm>> -> memref<128x32xf32, #tpu.memory_space<hbm>>
      %dma_start3A_105 = arith.constant 0 : i32
      %dma_start3A_106 = tpu.memref_slice %arg2[%add3A_76, %dma_start3A_105] : memref<10240x32xf32, #tpu.memory_space<hbm>> -> memref<128x32xf32, #tpu.memory_space<hbm>>
      tpu.enqueue_dma source(%dma_start3A_106 : memref<128x32xf32, #tpu.memory_space<hbm>>) target(%arg14 : memref<128x32xf32, #tpu.memory_space<vmem>>) target_semaphore(%run_scoped3A : memref<!tpu.dma_semaphore, #tpu.memory_space<semaphore_mem>>)
      %dma_wait3A = arith.constant 0 : i32
      %dma_wait3A_107 = tpu.memref_slice %arg2[%add3A_76, %dma_wait3A] : memref<10240x32xf32, #tpu.memory_space<hbm>> -> memref<128x32xf32, #tpu.memory_space<hbm>>
      %dma_wait3A_108 = arith.constant 0 : i32
      %dma_wait3A_109 = tpu.memref_slice %arg2[%add3A_76, %dma_wait3A_108] : memref<10240x32xf32, #tpu.memory_space<hbm>> -> memref<128x32xf32, #tpu.memory_space<hbm>>
      tpu.wait_dma2 semaphore(%run_scoped3A : memref<!tpu.dma_semaphore, #tpu.memory_space<semaphore_mem>>) src(%dma_wait3A_109 : memref<128x32xf32, #tpu.memory_space<hbm>>) dst(%arg14 : memref<128x32xf32, #tpu.memory_space<vmem>>)
      tpu.yield
    }) : () -> ()
    "tpu.region"() ({
      %run_scoped3A = tpu.sem_alloc : memref<!tpu.dma_semaphore, #tpu.memory_space<semaphore_mem>>
      %dma_start3A = tpu.memref_slice %arg3[%add3A_76] : memref<10240xf32, #tpu.memory_space<hbm>> -> memref<128xf32, #tpu.memory_space<hbm>>
      %dma_start3A_104 = tpu.memref_slice %arg3[%add3A_76] : memref<10240xf32, #tpu.memory_space<hbm>> -> memref<128xf32, #tpu.memory_space<hbm>>
      tpu.enqueue_dma source(%dma_start3A_104 : memref<128xf32, #tpu.memory_space<hbm>>) target(%arg17 : memref<128xf32, #tpu.memory_space<vmem>>) target_semaphore(%run_scoped3A : memref<!tpu.dma_semaphore, #tpu.memory_space<semaphore_mem>>)
      %dma_wait3A = tpu.memref_slice %arg3[%add3A_76] : memref<10240xf32, #tpu.memory_space<hbm>> -> memref<128xf32, #tpu.memory_space<hbm>>
      %dma_wait3A_105 = tpu.memref_slice %arg3[%add3A_76] : memref<10240xf32, #tpu.memory_space<hbm>> -> memref<128xf32, #tpu.memory_space<hbm>>
      tpu.wait_dma2 semaphore(%run_scoped3A : memref<!tpu.dma_semaphore, #tpu.memory_space<semaphore_mem>>) src(%dma_wait3A_105 : memref<128xf32, #tpu.memory_space<hbm>>) dst(%arg17 : memref<128xf32, #tpu.memory_space<vmem>>)
      tpu.yield
    }) : () -> ()
    "tpu.region"() ({
      %run_scoped3A = tpu.sem_alloc : memref<!tpu.dma_semaphore, #tpu.memory_space<semaphore_mem>>
      %dma_start3A = tpu.memref_slice %arg4[%add3A_76] : memref<10240xi32, #tpu.memory_space<hbm>> -> memref<128xi32, #tpu.memory_space<hbm>>
      %dma_start3A_104 = tpu.memref_slice %arg4[%add3A_76] : memref<10240xi32, #tpu.memory_space<hbm>> -> memref<128xi32, #tpu.memory_space<hbm>>
      tpu.enqueue_dma source(%dma_start3A_104 : memref<128xi32, #tpu.memory_space<hbm>>) target(%arg18 : memref<128xi32, #tpu.memory_space<vmem>>) target_semaphore(%run_scoped3A : memref<!tpu.dma_semaphore, #tpu.memory_space<semaphore_mem>>)
      %dma_wait3A = tpu.memref_slice %arg4[%add3A_76] : memref<10240xi32, #tpu.memory_space<hbm>> -> memref<128xi32, #tpu.memory_space<hbm>>
      %dma_wait3A_105 = tpu.memref_slice %arg4[%add3A_76] : memref<10240xi32, #tpu.memory_space<hbm>> -> memref<128xi32, #tpu.memory_space<hbm>>
      tpu.wait_dma2 semaphore(%run_scoped3A : memref<!tpu.dma_semaphore, #tpu.memory_space<semaphore_mem>>) src(%dma_wait3A_105 : memref<128xi32, #tpu.memory_space<hbm>>) dst(%arg18 : memref<128xi32, #tpu.memory_space<vmem>>)
      tpu.yield
    }) : () -> ()
    %scan3A_77 = arith.constant 0 : i32
    %scan3A_78 = arith.constant 0 : i32
    %scan3A_79 = arith.constant 128 : i32
    %scan3A_80 = arith.addi %scan3A_78, %scan3A_79 : i32
    %scan3A_81 = arith.constant 1 : i32
    scf.for %scan3A_104 = %scan3A_78 to %scan3A_80 step %scan3A_81  : i32 {
      %broadcast_in_dim3A = arith.constant 0 : i32
      %broadcast_in_dim3A_105 = vector.broadcast %broadcast_in_dim3A : i32 to vector<16xi32>
      %add3A_106 = vector.broadcast %scan3A_104 : i32 to vector<16xi32>
      %add3A_107 = arith.addi %broadcast_in_dim3A_105, %add3A_106 : vector<16xi32>
      %gather3A = tpu.vector_load_idx %arg17[%add3A_107] : memref<128xf32, #tpu.memory_space<vmem>>[vector<16xi32>], vector<16xf32>,
      %get3A = arith.index_cast %scan3A_104 : i32 to index
      %get3A_108 = arith.constant 0 : index
      %get3A_109 = tpu.vector_load %arg13[%get3A, %get3A_108] {strides = array<i32>} : memref<128x32xf32, #tpu.memory_space<vmem>>, vector<16xf32>,
      %get3A_110 = arith.index_cast %scan3A_104 : i32 to index
      %get3A_111 = arith.constant 0 : index
      %get3A_112 = tpu.vector_load %arg14[%get3A_110, %get3A_111] {strides = array<i32>} : memref<128x32xf32, #tpu.memory_space<vmem>>, vector<16xf32>,
      %mul3A_113 = vector.broadcast %select_n3A : f32 to vector<16xf32>
      %mul3A_114 = arith.mulf %mul3A_113, %get3A_112 : vector<16xf32>
      %add3A_115 = arith.addf %get3A_109, %mul3A_114 : vector<16xf32>
      %mul3A_116 = arith.mulf %gather3A, %add3A_115 : vector<16xf32>
      %swap3A = arith.index_cast %scan3A_104 : i32 to index
      %swap3A_117 = arith.constant 0 : index
      %swap3A_118 = tpu.vector_load %arg15[%swap3A, %swap3A_117] {strides = array<i32>} : memref<128x32xf32, #tpu.memory_space<vmem>>, vector<16xf32>,
      tpu.vector_store %arg15[%swap3A, %swap3A_117], %mul3A_116 {strides = array<i32>} : memref<128x32xf32, #tpu.memory_space<vmem>>, vector<16xf32>,
      %get3A_119 = arith.index_cast %scan3A_104 : i32 to index
      %get3A_120 = arith.constant 16 : index
      %get3A_121 = tpu.vector_load %arg13[%get3A_119, %get3A_120] {strides = array<i32>} : memref<128x32xf32, #tpu.memory_space<vmem>>, vector<16xf32>,
      %get3A_122 = arith.index_cast %scan3A_104 : i32 to index
      %get3A_123 = arith.constant 16 : index
      %get3A_124 = tpu.vector_load %arg14[%get3A_122, %get3A_123] {strides = array<i32>} : memref<128x32xf32, #tpu.memory_space<vmem>>, vector<16xf32>,
      %mul3A_125 = vector.broadcast %select_n3A : f32 to vector<16xf32>
      %mul3A_126 = arith.mulf %mul3A_125, %get3A_124 : vector<16xf32>
      %add3A_127 = arith.addf %get3A_121, %mul3A_126 : vector<16xf32>
      %mul3A_128 = arith.mulf %gather3A, %add3A_127 : vector<16xf32>
      %swap3A_129 = arith.index_cast %scan3A_104 : i32 to index
      %swap3A_130 = arith.constant 16 : index
      %swap3A_131 = tpu.vector_load %arg15[%swap3A_129, %swap3A_130] {strides = array<i32>} : memref<128x32xf32, #tpu.memory_space<vmem>>, vector<16xf32>,
      tpu.vector_store %arg15[%swap3A_129, %swap3A_130], %mul3A_128 {strides = array<i32>} : memref<128x32xf32, #tpu.memory_space<vmem>>, vector<16xf32>,
    }
    %scan3A_82 = arith.constant 128 : i32
    "tpu.region"() ({
      %run_scoped3A = tpu.sem_alloc : memref<!tpu.dma_semaphore, #tpu.memory_space<semaphore_mem>>
      %dma_start3A = arith.constant 0 : i32
      %dma_start3A_104 = arith.constant 0 : i32
      %dma_start3A_105 = tpu.memref_slice %arg24[%dma_start3A, %dma_start3A_104] : memref<128x32xf32, #tpu.memory_space<vmem_shared>> -> memref<128x32xf32, #tpu.memory_space<vmem_shared>>
      tpu.enqueue_indirect_dma source(%arg15 : memref<128x32xf32, #tpu.memory_space<vmem>>) target(%dma_start3A_105 : memref<128x32xf32, #tpu.memory_space<vmem_shared>>) offsets(%arg18 : memref<128xi32, #tpu.memory_space<vmem>>) semaphore(%run_scoped3A : memref<!tpu.dma_semaphore, #tpu.memory_space<semaphore_mem>>) {add = true}
      %dma_wait3A = arith.constant 0 : i32
      %dma_wait3A_106 = arith.constant 0 : i32
      %dma_wait3A_107 = tpu.memref_slice %arg24[%dma_wait3A, %dma_wait3A_106] : memref<128x32xf32, #tpu.memory_space<vmem_shared>> -> memref<128x32xf32, #tpu.memory_space<vmem_shared>>
      tpu.wait_indirect_dma semaphore(%run_scoped3A : memref<!tpu.dma_semaphore, #tpu.memory_space<semaphore_mem>>) src(%arg15 : memref<128x32xf32, #tpu.memory_space<vmem>>) dst(%dma_wait3A_107 : memref<128x32xf32, #tpu.memory_space<vmem_shared>>)
      tpu.yield
    }) : () -> ()
    "tpu.region"() ({
      %run_scoped3A = tpu.sem_alloc : memref<!tpu.dma_semaphore, #tpu.memory_space<semaphore_mem>>
      %dma_start3A = arith.constant 0 : i32
      %dma_start3A_104 = arith.constant 0 : i32
      %dma_start3A_105 = tpu.memref_slice %arg25[%dma_start3A, %dma_start3A_104] : memref<128x32xf32, #tpu.memory_space<vmem_shared>> -> memref<128x32xf32, #tpu.memory_space<vmem_shared>>
      tpu.enqueue_indirect_dma source(%arg16 : memref<128x32xf32, #tpu.memory_space<vmem>>) target(%dma_start3A_105 : memref<128x32xf32, #tpu.memory_space<vmem_shared>>) offsets(%arg18 : memref<128xi32, #tpu.memory_space<vmem>>) semaphore(%run_scoped3A : memref<!tpu.dma_semaphore, #tpu.memory_space<semaphore_mem>>) {add = true}
      %dma_wait3A = arith.constant 0 : i32
      %dma_wait3A_106 = arith.constant 0 : i32
      %dma_wait3A_107 = tpu.memref_slice %arg25[%dma_wait3A, %dma_wait3A_106] : memref<128x32xf32, #tpu.memory_space<vmem_shared>> -> memref<128x32xf32, #tpu.memory_space<vmem_shared>>
      tpu.wait_indirect_dma semaphore(%run_scoped3A : memref<!tpu.dma_semaphore, #tpu.memory_space<semaphore_mem>>) src(%arg16 : memref<128x32xf32, #tpu.memory_space<vmem>>) dst(%dma_wait3A_107 : memref<128x32xf32, #tpu.memory_space<vmem_shared>>)
      tpu.yield
    }) : () -> ()
    %mul3A_83 = arith.constant 640 : i32
    %mul3A_84 = arith.muli %arg1, %mul3A_83 : i32
    %add3A_85 = arith.constant 512 : i32
    %add3A_86 = arith.addi %mul3A_84, %add3A_85 : i32
    "tpu.region"() ({
      %run_scoped3A = tpu.sem_alloc : memref<!tpu.dma_semaphore, #tpu.memory_space<semaphore_mem>>
      %dma_start3A = arith.constant 0 : i32
      %dma_start3A_104 = tpu.memref_slice %arg23[%add3A_86, %dma_start3A] : memref<10240x32xf32, #tpu.memory_space<vmem_shared>> -> memref<128x32xf32, #tpu.memory_space<vmem_shared>>
      %dma_start3A_105 = arith.constant 0 : i32
      %dma_start3A_106 = tpu.memref_slice %arg23[%add3A_86, %dma_start3A_105] : memref<10240x32xf32, #tpu.memory_space<vmem_shared>> -> memref<128x32xf32, #tpu.memory_space<vmem_shared>>
      tpu.enqueue_dma source(%dma_start3A_106 : memref<128x32xf32, #tpu.memory_space<vmem_shared>>) target(%arg13 : memref<128x32xf32, #tpu.memory_space<vmem>>) target_semaphore(%run_scoped3A : memref<!tpu.dma_semaphore, #tpu.memory_space<semaphore_mem>>)
      %dma_wait3A = arith.constant 0 : i32
      %dma_wait3A_107 = tpu.memref_slice %arg23[%add3A_86, %dma_wait3A] : memref<10240x32xf32, #tpu.memory_space<vmem_shared>> -> memref<128x32xf32, #tpu.memory_space<vmem_shared>>
      %dma_wait3A_108 = arith.constant 0 : i32
      %dma_wait3A_109 = tpu.memref_slice %arg23[%add3A_86, %dma_wait3A_108] : memref<10240x32xf32, #tpu.memory_space<vmem_shared>> -> memref<128x32xf32, #tpu.memory_space<vmem_shared>>
      tpu.wait_dma2 semaphore(%run_scoped3A : memref<!tpu.dma_semaphore, #tpu.memory_space<semaphore_mem>>) src(%dma_wait3A_109 : memref<128x32xf32, #tpu.memory_space<vmem_shared>>) dst(%arg13 : memref<128x32xf32, #tpu.memory_space<vmem>>)
      tpu.yield
    }) : () -> ()
    "tpu.region"() ({
      %run_scoped3A = tpu.sem_alloc : memref<!tpu.dma_semaphore, #tpu.memory_space<semaphore_mem>>
      %dma_start3A = arith.constant 0 : i32
      %dma_start3A_104 = tpu.memref_slice %arg2[%add3A_86, %dma_start3A] : memref<10240x32xf32, #tpu.memory_space<hbm>> -> memref<128x32xf32, #tpu.memory_space<hbm>>
      %dma_start3A_105 = arith.constant 0 : i32
      %dma_start3A_106 = tpu.memref_slice %arg2[%add3A_86, %dma_start3A_105] : memref<10240x32xf32, #tpu.memory_space<hbm>> -> memref<128x32xf32, #tpu.memory_space<hbm>>
      tpu.enqueue_dma source(%dma_start3A_106 : memref<128x32xf32, #tpu.memory_space<hbm>>) target(%arg14 : memref<128x32xf32, #tpu.memory_space<vmem>>) target_semaphore(%run_scoped3A : memref<!tpu.dma_semaphore, #tpu.memory_space<semaphore_mem>>)
      %dma_wait3A = arith.constant 0 : i32
      %dma_wait3A_107 = tpu.memref_slice %arg2[%add3A_86, %dma_wait3A] : memref<10240x32xf32, #tpu.memory_space<hbm>> -> memref<128x32xf32, #tpu.memory_space<hbm>>
      %dma_wait3A_108 = arith.constant 0 : i32
      %dma_wait3A_109 = tpu.memref_slice %arg2[%add3A_86, %dma_wait3A_108] : memref<10240x32xf32, #tpu.memory_space<hbm>> -> memref<128x32xf32, #tpu.memory_space<hbm>>
      tpu.wait_dma2 semaphore(%run_scoped3A : memref<!tpu.dma_semaphore, #tpu.memory_space<semaphore_mem>>) src(%dma_wait3A_109 : memref<128x32xf32, #tpu.memory_space<hbm>>) dst(%arg14 : memref<128x32xf32, #tpu.memory_space<vmem>>)
      tpu.yield
    }) : () -> ()
    "tpu.region"() ({
      %run_scoped3A = tpu.sem_alloc : memref<!tpu.dma_semaphore, #tpu.memory_space<semaphore_mem>>
      %dma_start3A = tpu.memref_slice %arg3[%add3A_86] : memref<10240xf32, #tpu.memory_space<hbm>> -> memref<128xf32, #tpu.memory_space<hbm>>
      %dma_start3A_104 = tpu.memref_slice %arg3[%add3A_86] : memref<10240xf32, #tpu.memory_space<hbm>> -> memref<128xf32, #tpu.memory_space<hbm>>
      tpu.enqueue_dma source(%dma_start3A_104 : memref<128xf32, #tpu.memory_space<hbm>>) target(%arg17 : memref<128xf32, #tpu.memory_space<vmem>>) target_semaphore(%run_scoped3A : memref<!tpu.dma_semaphore, #tpu.memory_space<semaphore_mem>>)
      %dma_wait3A = tpu.memref_slice %arg3[%add3A_86] : memref<10240xf32, #tpu.memory_space<hbm>> -> memref<128xf32, #tpu.memory_space<hbm>>
      %dma_wait3A_105 = tpu.memref_slice %arg3[%add3A_86] : memref<10240xf32, #tpu.memory_space<hbm>> -> memref<128xf32, #tpu.memory_space<hbm>>
      tpu.wait_dma2 semaphore(%run_scoped3A : memref<!tpu.dma_semaphore, #tpu.memory_space<semaphore_mem>>) src(%dma_wait3A_105 : memref<128xf32, #tpu.memory_space<hbm>>) dst(%arg17 : memref<128xf32, #tpu.memory_space<vmem>>)
      tpu.yield
    }) : () -> ()
    "tpu.region"() ({
      %run_scoped3A = tpu.sem_alloc : memref<!tpu.dma_semaphore, #tpu.memory_space<semaphore_mem>>
      %dma_start3A = tpu.memref_slice %arg4[%add3A_86] : memref<10240xi32, #tpu.memory_space<hbm>> -> memref<128xi32, #tpu.memory_space<hbm>>
      %dma_start3A_104 = tpu.memref_slice %arg4[%add3A_86] : memref<10240xi32, #tpu.memory_space<hbm>> -> memref<128xi32, #tpu.memory_space<hbm>>
      tpu.enqueue_dma source(%dma_start3A_104 : memref<128xi32, #tpu.memory_space<hbm>>) target(%arg18 : memref<128xi32, #tpu.memory_space<vmem>>) target_semaphore(%run_scoped3A : memref<!tpu.dma_semaphore, #tpu.memory_space<semaphore_mem>>)
      %dma_wait3A = tpu.memref_slice %arg4[%add3A_86] : memref<10240xi32, #tpu.memory_space<hbm>> -> memref<128xi32, #tpu.memory_space<hbm>>
      %dma_wait3A_105 = tpu.memref_slice %arg4[%add3A_86] : memref<10240xi32, #tpu.memory_space<hbm>> -> memref<128xi32, #tpu.memory_space<hbm>>
      tpu.wait_dma2 semaphore(%run_scoped3A : memref<!tpu.dma_semaphore, #tpu.memory_space<semaphore_mem>>) src(%dma_wait3A_105 : memref<128xi32, #tpu.memory_space<hbm>>) dst(%arg18 : memref<128xi32, #tpu.memory_space<vmem>>)
      tpu.yield
    }) : () -> ()
    %scan3A_87 = arith.constant 0 : i32
    %scan3A_88 = arith.constant 0 : i32
    %scan3A_89 = arith.constant 128 : i32
    %scan3A_90 = arith.addi %scan3A_88, %scan3A_89 : i32
    %scan3A_91 = arith.constant 1 : i32
    scf.for %scan3A_104 = %scan3A_88 to %scan3A_90 step %scan3A_91  : i32 {
      %broadcast_in_dim3A = arith.constant 0 : i32
      %broadcast_in_dim3A_105 = vector.broadcast %broadcast_in_dim3A : i32 to vector<16xi32>
      %add3A_106 = vector.broadcast %scan3A_104 : i32 to vector<16xi32>
      %add3A_107 = arith.addi %broadcast_in_dim3A_105, %add3A_106 : vector<16xi32>
      %gather3A = tpu.vector_load_idx %arg17[%add3A_107] : memref<128xf32, #tpu.memory_space<vmem>>[vector<16xi32>], vector<16xf32>,
      %get3A = arith.index_cast %scan3A_104 : i32 to index
      %get3A_108 = arith.constant 0 : index
      %get3A_109 = tpu.vector_load %arg13[%get3A, %get3A_108] {strides = array<i32>} : memref<128x32xf32, #tpu.memory_space<vmem>>, vector<16xf32>,
      %get3A_110 = arith.index_cast %scan3A_104 : i32 to index
      %get3A_111 = arith.constant 0 : index
      %get3A_112 = tpu.vector_load %arg14[%get3A_110, %get3A_111] {strides = array<i32>} : memref<128x32xf32, #tpu.memory_space<vmem>>, vector<16xf32>,
      %mul3A_113 = vector.broadcast %select_n3A : f32 to vector<16xf32>
      %mul3A_114 = arith.mulf %mul3A_113, %get3A_112 : vector<16xf32>
      %add3A_115 = arith.addf %get3A_109, %mul3A_114 : vector<16xf32>
      %mul3A_116 = arith.mulf %gather3A, %add3A_115 : vector<16xf32>
      %swap3A = arith.index_cast %scan3A_104 : i32 to index
      %swap3A_117 = arith.constant 0 : index
      %swap3A_118 = tpu.vector_load %arg15[%swap3A, %swap3A_117] {strides = array<i32>} : memref<128x32xf32, #tpu.memory_space<vmem>>, vector<16xf32>,
      tpu.vector_store %arg15[%swap3A, %swap3A_117], %mul3A_116 {strides = array<i32>} : memref<128x32xf32, #tpu.memory_space<vmem>>, vector<16xf32>,
      %get3A_119 = arith.index_cast %scan3A_104 : i32 to index
      %get3A_120 = arith.constant 16 : index
      %get3A_121 = tpu.vector_load %arg13[%get3A_119, %get3A_120] {strides = array<i32>} : memref<128x32xf32, #tpu.memory_space<vmem>>, vector<16xf32>,
      %get3A_122 = arith.index_cast %scan3A_104 : i32 to index
      %get3A_123 = arith.constant 16 : index
      %get3A_124 = tpu.vector_load %arg14[%get3A_122, %get3A_123] {strides = array<i32>} : memref<128x32xf32, #tpu.memory_space<vmem>>, vector<16xf32>,
      %mul3A_125 = vector.broadcast %select_n3A : f32 to vector<16xf32>
      %mul3A_126 = arith.mulf %mul3A_125, %get3A_124 : vector<16xf32>
      %add3A_127 = arith.addf %get3A_121, %mul3A_126 : vector<16xf32>
      %mul3A_128 = arith.mulf %gather3A, %add3A_127 : vector<16xf32>
      %swap3A_129 = arith.index_cast %scan3A_104 : i32 to index
      %swap3A_130 = arith.constant 16 : index
      %swap3A_131 = tpu.vector_load %arg15[%swap3A_129, %swap3A_130] {strides = array<i32>} : memref<128x32xf32, #tpu.memory_space<vmem>>, vector<16xf32>,
      tpu.vector_store %arg15[%swap3A_129, %swap3A_130], %mul3A_128 {strides = array<i32>} : memref<128x32xf32, #tpu.memory_space<vmem>>, vector<16xf32>,
    }
    %scan3A_92 = arith.constant 128 : i32
    "tpu.region"() ({
      %run_scoped3A = tpu.sem_alloc : memref<!tpu.dma_semaphore, #tpu.memory_space<semaphore_mem>>
      %dma_start3A = arith.constant 0 : i32
      %dma_start3A_104 = arith.constant 0 : i32
      %dma_start3A_105 = tpu.memref_slice %arg24[%dma_start3A, %dma_start3A_104] : memref<128x32xf32, #tpu.memory_space<vmem_shared>> -> memref<128x32xf32, #tpu.memory_space<vmem_shared>>
      tpu.enqueue_indirect_dma source(%arg15 : memref<128x32xf32, #tpu.memory_space<vmem>>) target(%dma_start3A_105 : memref<128x32xf32, #tpu.memory_space<vmem_shared>>) offsets(%arg18 : memref<128xi32, #tpu.memory_space<vmem>>) semaphore(%run_scoped3A : memref<!tpu.dma_semaphore, #tpu.memory_space<semaphore_mem>>) {add = true}
      %dma_wait3A = arith.constant 0 : i32
      %dma_wait3A_106 = arith.constant 0 : i32
      %dma_wait3A_107 = tpu.memref_slice %arg24[%dma_wait3A, %dma_wait3A_106] : memref<128x32xf32, #tpu.memory_space<vmem_shared>> -> memref<128x32xf32, #tpu.memory_space<vmem_shared>>
      tpu.wait_indirect_dma semaphore(%run_scoped3A : memref<!tpu.dma_semaphore, #tpu.memory_space<semaphore_mem>>) src(%arg15 : memref<128x32xf32, #tpu.memory_space<vmem>>) dst(%dma_wait3A_107 : memref<128x32xf32, #tpu.memory_space<vmem_shared>>)
      tpu.yield
    }) : () -> ()
    "tpu.region"() ({
      %run_scoped3A = tpu.sem_alloc : memref<!tpu.dma_semaphore, #tpu.memory_space<semaphore_mem>>
      %dma_start3A = arith.constant 0 : i32
      %dma_start3A_104 = arith.constant 0 : i32
      %dma_start3A_105 = tpu.memref_slice %arg25[%dma_start3A, %dma_start3A_104] : memref<128x32xf32, #tpu.memory_space<vmem_shared>> -> memref<128x32xf32, #tpu.memory_space<vmem_shared>>
      tpu.enqueue_indirect_dma source(%arg16 : memref<128x32xf32, #tpu.memory_space<vmem>>) target(%dma_start3A_105 : memref<128x32xf32, #tpu.memory_space<vmem_shared>>) offsets(%arg18 : memref<128xi32, #tpu.memory_space<vmem>>) semaphore(%run_scoped3A : memref<!tpu.dma_semaphore, #tpu.memory_space<semaphore_mem>>) {add = true}
      %dma_wait3A = arith.constant 0 : i32
      %dma_wait3A_106 = arith.constant 0 : i32
      %dma_wait3A_107 = tpu.memref_slice %arg25[%dma_wait3A, %dma_wait3A_106] : memref<128x32xf32, #tpu.memory_space<vmem_shared>> -> memref<128x32xf32, #tpu.memory_space<vmem_shared>>
      tpu.wait_indirect_dma semaphore(%run_scoped3A : memref<!tpu.dma_semaphore, #tpu.memory_space<semaphore_mem>>) src(%arg16 : memref<128x32xf32, #tpu.memory_space<vmem>>) dst(%dma_wait3A_107 : memref<128x32xf32, #tpu.memory_space<vmem_shared>>)
      tpu.yield
    }) : () -> ()
    %barrier3A_93 = arith.constant 0 : index
    tpu.barrier barrier_id(%barrier3A_93)
    %eq3A_94 = arith.constant 0 : i32
    %eq3A_95 = arith.cmpi eq, %arg1, %eq3A_94 : i32
    %convert_element_type3A_96 = arith.extui %eq3A_95 : i1 to i32
    %cond3A_97 = arith.constant 0 : i32
    %cond3A_98 = arith.cmpi ne, %convert_element_type3A_96, %cond3A_97 : i32
    scf.if %cond3A_98 {
      "tpu.region"() ({
        %run_scoped3A = tpu.sem_alloc : memref<!tpu.dma_semaphore, #tpu.memory_space<semaphore_mem>>
        %dma_start3A = arith.constant 0 : i32
        %dma_start3A_104 = arith.constant 0 : i32
        %dma_start3A_105 = tpu.memref_slice %arg8[%arg0, %dma_start3A, %dma_start3A_104] : memref<2x128x32xf32, #tpu.memory_space<hbm>> -> memref<1x128x32xf32, #tpu.memory_space<hbm>>
        %dma_start3A_106 = tpu.memref_squeeze %dma_start3A_105 : memref<1x128x32xf32, #tpu.memory_space<hbm>> -> memref<128x32xf32, #tpu.memory_space<hbm>>
        tpu.enqueue_dma source(%arg24 : memref<128x32xf32, #tpu.memory_space<vmem_shared>>) target(%dma_start3A_106 : memref<128x32xf32, #tpu.memory_space<hbm>>) target_semaphore(%run_scoped3A : memref<!tpu.dma_semaphore, #tpu.memory_space<semaphore_mem>>)
        %dma_wait3A = arith.constant 0 : i32
        %dma_wait3A_107 = arith.constant 0 : i32
        %dma_wait3A_108 = tpu.memref_slice %arg8[%arg0, %dma_wait3A, %dma_wait3A_107] : memref<2x128x32xf32, #tpu.memory_space<hbm>> -> memref<1x128x32xf32, #tpu.memory_space<hbm>>
        %dma_wait3A_109 = tpu.memref_squeeze %dma_wait3A_108 : memref<1x128x32xf32, #tpu.memory_space<hbm>> -> memref<128x32xf32, #tpu.memory_space<hbm>>
        tpu.wait_dma2 semaphore(%run_scoped3A : memref<!tpu.dma_semaphore, #tpu.memory_space<semaphore_mem>>) src(%arg24 : memref<128x32xf32, #tpu.memory_space<vmem_shared>>) dst(%dma_wait3A_109 : memref<128x32xf32, #tpu.memory_space<hbm>>)
        tpu.yield
      }) : () -> ()
    } else {
    }
    %eq3A_99 = arith.constant 1 : i32
    %eq3A_100 = arith.cmpi eq, %arg1, %eq3A_99 : i32
    %convert_element_type3A_101 = arith.extui %eq3A_100 : i1 to i32
    %cond3A_102 = arith.constant 0 : i32
    %cond3A_103 = arith.cmpi ne, %convert_element_type3A_101, %cond3A_102 : i32
    scf.if %cond3A_103 {
      "tpu.region"() ({
        %run_scoped3A = tpu.sem_alloc : memref<!tpu.dma_semaphore, #tpu.memory_space<semaphore_mem>>
        %dma_start3A = arith.constant 0 : i32
        %dma_start3A_104 = arith.constant 0 : i32
        %dma_start3A_105 = tpu.memref_slice %arg9[%arg0, %dma_start3A, %dma_start3A_104] : memref<2x128x32xf32, #tpu.memory_space<hbm>> -> memref<1x128x32xf32, #tpu.memory_space<hbm>>
        %dma_start3A_106 = tpu.memref_squeeze %dma_start3A_105 : memref<1x128x32xf32, #tpu.memory_space<hbm>> -> memref<128x32xf32, #tpu.memory_space<hbm>>
        tpu.enqueue_dma source(%arg25 : memref<128x32xf32, #tpu.memory_space<vmem_shared>>) target(%dma_start3A_106 : memref<128x32xf32, #tpu.memory_space<hbm>>) target_semaphore(%run_scoped3A : memref<!tpu.dma_semaphore, #tpu.memory_space<semaphore_mem>>)
        %dma_wait3A = arith.constant 0 : i32
        %dma_wait3A_107 = arith.constant 0 : i32
        %dma_wait3A_108 = tpu.memref_slice %arg9[%arg0, %dma_wait3A, %dma_wait3A_107] : memref<2x128x32xf32, #tpu.memory_space<hbm>> -> memref<1x128x32xf32, #tpu.memory_space<hbm>>
        %dma_wait3A_109 = tpu.memref_squeeze %dma_wait3A_108 : memref<1x128x32xf32, #tpu.memory_space<hbm>> -> memref<128x32xf32, #tpu.memory_space<hbm>>
        tpu.wait_dma2 semaphore(%run_scoped3A : memref<!tpu.dma_semaphore, #tpu.memory_space<semaphore_mem>>) src(%arg25 : memref<128x32xf32, #tpu.memory_space<vmem_shared>>) dst(%dma_wait3A_109 : memref<128x32xf32, #tpu.memory_space<hbm>>)
        tpu.yield
      }) : () -> ()
    } else {
    }
    return
  }
}

module attributes {stable_mosaic.version = 14 : i64} {
  func.func @_k2a_body(%arg0: i32, %arg1: memref<1x1x1024xf32, #tpu.memory_space<vmem>>, %arg2: memref<1x1x1024xf32, #tpu.memory_space<vmem>>, %arg3: memref<32x1024xf32, #tpu.memory_space<vmem>>) attributes {dimension_semantics = [#tpu.dimension_semantics<arbitrary>], iteration_bounds = array<i64: 10>, scalar_prefetch = 0 : i64, scratch_operands = 0 : i64, tpu.core_type = #tpu.core_type<tc>, window_params = [{transform_indices = @transform_0, window_bounds = array<i64: 1, 1, 1024>}, {transform_indices = @transform_1, window_bounds = array<i64: 1, 1, 1024>}, {transform_indices = @transform_2, window_bounds = array<i64: 32, 1024>}]} {
    %get3A = arith.constant 0 : index
    %get3A_0 = arith.constant 0 : index
    %get3A_1 = arith.constant 0 : index
    %get3A_2 = vector.load %arg1[%get3A, %get3A_0, %get3A_1] : memref<1x1x1024xf32, #tpu.memory_space<vmem>>, vector<1x1x1024xf32>
    %get3A_3 = vector.shape_cast %get3A_2 : vector<1x1x1024xf32> to vector<1x1024xf32>
    %get3A_4 = arith.constant 0 : index
    %get3A_5 = arith.constant 0 : index
    %get3A_6 = arith.constant 0 : index
    %get3A_7 = vector.load %arg2[%get3A_4, %get3A_5, %get3A_6] : memref<1x1x1024xf32, #tpu.memory_space<vmem>>, vector<1x1x1024xf32>
    %get3A_8 = vector.shape_cast %get3A_7 : vector<1x1x1024xf32> to vector<1x1024xf32>
    %add3A = arith.addf %get3A_3, %get3A_8 : vector<1x1024xf32>
    %add3A_9 = arith.constant 1.000000e+00 : f32
    %add3A_10 = vector.broadcast %add3A_9 : f32 to vector<1x1024xf32>
    %add3A_11 = arith.addf %add3A, %add3A_10 : vector<1x1024xf32>
    %sqrt3A = math.sqrt %add3A_11 : vector<1x1024xf32>
    %div3A = arith.constant 1.000000e+00 : f32
    %div3A_12 = vector.broadcast %div3A : f32 to vector<1x1024xf32>
    %div3A_13 = arith.divf %div3A_12, %sqrt3A : vector<1x1024xf32>
    %broadcast_in_dim3A = vector.shape_cast %div3A_13 : vector<1x1024xf32> to vector<1x1024xf32>
    %broadcast_in_dim3A_14 = vector.broadcast %broadcast_in_dim3A : vector<1x1024xf32> to vector<32x1024xf32>
    %swap3A = arith.constant 0 : index
    %swap3A_15 = arith.constant 0 : index
    %swap3A_16 = vector.load %arg3[%swap3A, %swap3A_15] : memref<32x1024xf32, #tpu.memory_space<vmem>>, vector<32x1024xf32>
    tpu.vector_store %arg3[%swap3A, %swap3A_15], %broadcast_in_dim3A_14 {strides = array<i32>} : memref<32x1024xf32, #tpu.memory_space<vmem>>, vector<32x1024xf32>,
    return
  }
  func.func @transform_0(%arg0: i32) -> (i32, i32, i32) {
    %c0_i32 = arith.constant 0 : i32
    %c0_i32_0 = arith.constant 0 : i32
    %c0_i32_1 = arith.constant 0 : i32
    return %arg0, %c0_i32, %c0_i32_0 : i32, i32, i32
  }
  func.func @transform_1(%arg0: i32) -> (i32, i32, i32) {
    %add3A = arith.constant 10 : i32
    %add3A_0 = arith.addi %arg0, %add3A : i32
    %c0_i32 = arith.constant 0 : i32
    %c0_i32_1 = arith.constant 0 : i32
    %c0_i32_2 = arith.constant 0 : i32
    return %add3A_0, %c0_i32, %c0_i32_1 : i32, i32, i32
  }
  func.func @transform_2(%arg0: i32) -> (i32, i32) {
    %c0_i32 = arith.constant 0 : i32
    %c0_i32_0 = arith.constant 0 : i32
    return %c0_i32, %arg0 : i32, i32
  }
}

module attributes {stable_mosaic.version = 14 : i64} {
  func.func @_k2b_body(%arg0: i32, %arg1: memref<1024x128xf32, #tpu.memory_space<vmem>>, %arg2: memref<128x32xf32, #tpu.memory_space<vmem>>, %arg3: memref<1024x32xf32, #tpu.memory_space<vmem>>, %arg4: memref<1024x32xf32, #tpu.memory_space<vmem>>) attributes {dimension_semantics = [#tpu.dimension_semantics<arbitrary>], iteration_bounds = array<i64: 10>, scalar_prefetch = 0 : i64, scratch_operands = 0 : i64, tpu.core_type = #tpu.core_type<tc>, window_params = [{transform_indices = @transform_0, window_bounds = array<i64: 1024, 128>}, {pipeline_mode = #tpu.pipeline_mode<synchronous>, transform_indices = @transform_1, window_bounds = array<i64: 128, 32>}, {transform_indices = @transform_2, window_bounds = array<i64: 1024, 32>}, {transform_indices = @transform_3, window_bounds = array<i64: 1024, 32>}]} {
    %get3A = arith.constant 0 : index
    %get3A_0 = arith.constant 0 : index
    %get3A_1 = vector.load %arg1[%get3A, %get3A_0] : memref<1024x128xf32, #tpu.memory_space<vmem>>, vector<1024x128xf32>
    %get3A_2 = arith.constant 0 : index
    %get3A_3 = arith.constant 0 : index
    %get3A_4 = vector.load %arg2[%get3A_2, %get3A_3] : memref<128x32xf32, #tpu.memory_space<vmem>>, vector<128x32xf32>
    %dot_general3A = arith.constant dense<0.000000e+00> : vector<1024x32xf32>
    %dot_general3A_5 = tpu.matmul %get3A_1, %get3A_4, %dot_general3A {dimension_numbers = #tpu.dot_dimension_numbers<[1], [0], [0], [1], [0, 0, 1, 1], [], []>, transpose_lhs_hint = false} : vector<1024x128xf32>, vector<128x32xf32>, vector<1024x32xf32> -> vector<1024x32xf32>
    %get3A_6 = arith.constant 0 : index
    %get3A_7 = arith.constant 0 : index
    %get3A_8 = vector.load %arg3[%get3A_6, %get3A_7] : memref<1024x32xf32, #tpu.memory_space<vmem>>, vector<1024x32xf32>
    %mul3A = arith.mulf %dot_general3A_5, %get3A_8 : vector<1024x32xf32>
    %swap3A = arith.constant 0 : index
    %swap3A_9 = arith.constant 0 : index
    %swap3A_10 = vector.load %arg4[%swap3A, %swap3A_9] : memref<1024x32xf32, #tpu.memory_space<vmem>>, vector<1024x32xf32>
    tpu.vector_store %arg4[%swap3A, %swap3A_9], %mul3A {strides = array<i32>} : memref<1024x32xf32, #tpu.memory_space<vmem>>, vector<1024x32xf32>,
    return
  }
  func.func @transform_0(%arg0: i32) -> (i32, i32) {
    %c0_i32 = arith.constant 0 : i32
    %c0_i32_0 = arith.constant 0 : i32
    return %arg0, %c0_i32 : i32, i32
  }
  func.func @transform_1(%arg0: i32) -> (i32, i32) {
    %c0_i32 = arith.constant 0 : i32
    %c0_i32_0 = arith.constant 0 : i32
    %c0_i32_1 = arith.constant 0 : i32
    return %c0_i32, %c0_i32_0 : i32, i32
  }
  func.func @transform_2(%arg0: i32) -> (i32, i32) {
    %c0_i32 = arith.constant 0 : i32
    %c0_i32_0 = arith.constant 0 : i32
    return %arg0, %c0_i32 : i32, i32
  }
  func.func @transform_3(%arg0: i32) -> (i32, i32) {
    %c0_i32 = arith.constant 0 : i32
    %c0_i32_0 = arith.constant 0 : i32
    return %arg0, %c0_i32 : i32, i32
  }
}

module attributes {stable_mosaic.version = 14 : i64} {
  func.func @_k4_body(%arg0: i32, %arg1: memref<2x1024x32xf32, #tpu.memory_space<vmem>>, %arg2: memref<1024x32xf32, #tpu.memory_space<vmem>>, %arg3: memref<1024x32xf32, #tpu.memory_space<vmem>>, %arg4: memref<1x32xf32, #tpu.memory_space<vmem>>, %arg5: memref<32x32xf32, #tpu.memory_space<vmem>>, %arg6: memref<1024x32xf32, #tpu.memory_space<vmem>>) attributes {dimension_semantics = [#tpu.dimension_semantics<arbitrary>], iteration_bounds = array<i64: 10>, scalar_prefetch = 0 : i64, scratch_operands = 0 : i64, tpu.core_type = #tpu.core_type<tc>, window_params = [{transform_indices = @transform_0, window_bounds = array<i64: 2, 1024, 32>}, {transform_indices = @transform_1, window_bounds = array<i64: 1024, 32>}, {transform_indices = @transform_2, window_bounds = array<i64: 1024, 32>}, {pipeline_mode = #tpu.pipeline_mode<synchronous>, transform_indices = @transform_3, window_bounds = array<i64: 1, 32>}, {pipeline_mode = #tpu.pipeline_mode<synchronous>, transform_indices = @transform_4, window_bounds = array<i64: 32, 32>}, {transform_indices = @transform_5, window_bounds = array<i64: 1024, 32>}]} {
    %get3A = arith.constant 0 : index
    %get3A_0 = arith.constant 0 : index
    %get3A_1 = vector.load %arg3[%get3A, %get3A_0] : memref<1024x32xf32, #tpu.memory_space<vmem>>, vector<1024x32xf32>
    %get3A_2 = arith.constant 0 : index
    %get3A_3 = arith.constant 0 : index
    %get3A_4 = arith.constant 0 : index
    %get3A_5 = vector.load %arg1[%get3A_2, %get3A_3, %get3A_4] : memref<2x1024x32xf32, #tpu.memory_space<vmem>>, vector<1x1024x32xf32>
    %get3A_6 = vector.shape_cast %get3A_5 : vector<1x1024x32xf32> to vector<1024x32xf32>
    %get3A_7 = arith.constant 1 : index
    %get3A_8 = arith.constant 0 : index
    %get3A_9 = arith.constant 0 : index
    %get3A_10 = vector.load %arg1[%get3A_7, %get3A_8, %get3A_9] : memref<2x1024x32xf32, #tpu.memory_space<vmem>>, vector<1x1024x32xf32>
    %get3A_11 = vector.shape_cast %get3A_10 : vector<1x1024x32xf32> to vector<1024x32xf32>
    %add3A = arith.addf %get3A_6, %get3A_11 : vector<1024x32xf32>
    %get3A_12 = arith.constant 0 : index
    %get3A_13 = arith.constant 0 : index
    %get3A_14 = vector.load %arg2[%get3A_12, %get3A_13] : memref<1024x32xf32, #tpu.memory_space<vmem>>, vector<1024x32xf32>
    %add3A_15 = arith.addf %add3A, %get3A_14 : vector<1024x32xf32>
    %mul3A = arith.mulf %add3A_15, %get3A_1 : vector<1024x32xf32>
    %get3A_16 = arith.constant 0 : index
    %get3A_17 = arith.constant 0 : index
    %get3A_18 = vector.load %arg4[%get3A_16, %get3A_17] : memref<1x32xf32, #tpu.memory_space<vmem>>, vector<1x32xf32>
    %add3A_19 = vector.broadcast %get3A_18 : vector<1x32xf32> to vector<1024x32xf32>
    %add3A_20 = arith.addf %mul3A, %add3A_19 : vector<1024x32xf32>
    %max3A = arith.constant 0.000000e+00 : f32
    %max3A_21 = vector.broadcast %max3A : f32 to vector<1024x32xf32>
    %max3A_22 = arith.maximumf %add3A_20, %max3A_21 : vector<1024x32xf32>
    %get3A_23 = arith.constant 0 : index
    %get3A_24 = arith.constant 0 : index
    %get3A_25 = vector.load %arg5[%get3A_23, %get3A_24] : memref<32x32xf32, #tpu.memory_space<vmem>>, vector<32x32xf32>
    %dot_general3A = arith.constant dense<0.000000e+00> : vector<1024x32xf32>
    %dot_general3A_26 = tpu.matmul %max3A_22, %get3A_25, %dot_general3A {dimension_numbers = #tpu.dot_dimension_numbers<[1], [0], [0], [1], [0, 0, 1, 1], [], []>, transpose_lhs_hint = false} : vector<1024x32xf32>, vector<32x32xf32>, vector<1024x32xf32> -> vector<1024x32xf32>
    %mul3A_27 = arith.mulf %dot_general3A_26, %get3A_1 : vector<1024x32xf32>
    %swap3A = arith.constant 0 : index
    %swap3A_28 = arith.constant 0 : index
    %swap3A_29 = vector.load %arg6[%swap3A, %swap3A_28] : memref<1024x32xf32, #tpu.memory_space<vmem>>, vector<1024x32xf32>
    tpu.vector_store %arg6[%swap3A, %swap3A_28], %mul3A_27 {strides = array<i32>} : memref<1024x32xf32, #tpu.memory_space<vmem>>, vector<1024x32xf32>,
    return
  }
  func.func @transform_0(%arg0: i32) -> (i32, i32, i32) {
    %c0_i32 = arith.constant 0 : i32
    %c0_i32_0 = arith.constant 0 : i32
    %c0_i32_1 = arith.constant 0 : i32
    return %c0_i32, %arg0, %c0_i32_0 : i32, i32, i32
  }
  func.func @transform_1(%arg0: i32) -> (i32, i32) {
    %c0_i32 = arith.constant 0 : i32
    %c0_i32_0 = arith.constant 0 : i32
    return %arg0, %c0_i32 : i32, i32
  }
  func.func @transform_2(%arg0: i32) -> (i32, i32) {
    %c0_i32 = arith.constant 0 : i32
    %c0_i32_0 = arith.constant 0 : i32
    return %arg0, %c0_i32 : i32, i32
  }
  func.func @transform_3(%arg0: i32) -> (i32, i32) {
    %c0_i32 = arith.constant 0 : i32
    %c0_i32_0 = arith.constant 0 : i32
    %c0_i32_1 = arith.constant 0 : i32
    return %c0_i32, %c0_i32_0 : i32, i32
  }
  func.func @transform_4(%arg0: i32) -> (i32, i32) {
    %c0_i32 = arith.constant 0 : i32
    %c0_i32_0 = arith.constant 0 : i32
    %c0_i32_1 = arith.constant 0 : i32
    return %c0_i32, %c0_i32_0 : i32, i32
  }
  func.func @transform_5(%arg0: i32) -> (i32, i32) {
    %c0_i32 = arith.constant 0 : i32
    %c0_i32_0 = arith.constant 0 : i32
    return %arg0, %c0_i32 : i32, i32
  }
}

module attributes {stable_mosaic.version = 14 : i64} {
  func.func @_k6_body(%arg0: memref<2x128x32xf32, #tpu.memory_space<vmem>>, %arg1: memref<2x128x32xf32, #tpu.memory_space<vmem>>, %arg2: memref<1x32xf32, #tpu.memory_space<vmem>>, %arg3: memref<32x1xf32, #tpu.memory_space<vmem>>, %arg4: memref<1x1xf32, #tpu.memory_space<vmem>>, %arg5: memref<64x1xf32, #tpu.memory_space<vmem>>) attributes {dimension_semantics = [], scalar_prefetch = 0 : i64, scratch_operands = 0 : i64, tpu.core_type = #tpu.core_type<tc>} {
    %get3A = arith.constant 0 : index
    %get3A_0 = arith.constant 0 : index
    %get3A_1 = arith.constant 0 : index
    %get3A_2 = vector.load %arg0[%get3A, %get3A_0, %get3A_1] : memref<2x128x32xf32, #tpu.memory_space<vmem>>, vector<1x64x32xf32>
    %get3A_3 = vector.shape_cast %get3A_2 : vector<1x64x32xf32> to vector<64x32xf32>
    %get3A_4 = arith.constant 1 : index
    %get3A_5 = arith.constant 0 : index
    %get3A_6 = arith.constant 0 : index
    %get3A_7 = vector.load %arg0[%get3A_4, %get3A_5, %get3A_6] : memref<2x128x32xf32, #tpu.memory_space<vmem>>, vector<1x64x32xf32>
    %get3A_8 = vector.shape_cast %get3A_7 : vector<1x64x32xf32> to vector<64x32xf32>
    %add3A = arith.addf %get3A_3, %get3A_8 : vector<64x32xf32>
    %get3A_9 = arith.constant 0 : index
    %get3A_10 = arith.constant 0 : index
    %get3A_11 = arith.constant 0 : index
    %get3A_12 = vector.load %arg1[%get3A_9, %get3A_10, %get3A_11] : memref<2x128x32xf32, #tpu.memory_space<vmem>>, vector<1x64x32xf32>
    %get3A_13 = vector.shape_cast %get3A_12 : vector<1x64x32xf32> to vector<64x32xf32>
    %get3A_14 = arith.constant 1 : index
    %get3A_15 = arith.constant 0 : index
    %get3A_16 = arith.constant 0 : index
    %get3A_17 = vector.load %arg1[%get3A_14, %get3A_15, %get3A_16] : memref<2x128x32xf32, #tpu.memory_space<vmem>>, vector<1x64x32xf32>
    %get3A_18 = vector.shape_cast %get3A_17 : vector<1x64x32xf32> to vector<64x32xf32>
    %add3A_19 = arith.addf %get3A_13, %get3A_18 : vector<64x32xf32>
    %max3A = arith.constant 1.000000e+00 : f32
    %max3A_20 = vector.broadcast %max3A : f32 to vector<64x32xf32>
    %max3A_21 = arith.maximumf %add3A_19, %max3A_20 : vector<64x32xf32>
    %div3A = arith.divf %add3A, %max3A_21 : vector<64x32xf32>
    %gt3A = arith.constant 0.000000e+00 : f32
    %gt3A_22 = vector.broadcast %gt3A : f32 to vector<64x32xf32>
    %gt3A_23 = arith.cmpf ogt, %add3A_19, %gt3A_22 : vector<64x32xf32>
    %get3A_24 = arith.constant 0 : index
    %get3A_25 = arith.constant 0 : index
    %get3A_26 = vector.load %arg2[%get3A_24, %get3A_25] : memref<1x32xf32, #tpu.memory_space<vmem>>, vector<1x32xf32>
    %jit3A = arith.constant 0.000000e+00 : f32
    %broadcast_in_dim3A = vector.shape_cast %get3A_26 : vector<1x32xf32> to vector<1x32xf32>
    %broadcast_in_dim3A_27 = vector.broadcast %broadcast_in_dim3A : vector<1x32xf32> to vector<64x32xf32>
    %broadcast_in_dim3A_28 = vector.broadcast %jit3A : f32 to vector<64x32xf32>
    %select_n3A = arith.select %gt3A_23, %broadcast_in_dim3A_27, %broadcast_in_dim3A_28 : vector<64x32xi1>, vector<64x32xf32>
    %add3A_29 = arith.addf %div3A, %select_n3A : vector<64x32xf32>
    %get3A_30 = arith.constant 0 : index
    %get3A_31 = arith.constant 0 : index
    %get3A_32 = vector.load %arg3[%get3A_30, %get3A_31] : memref<32x1xf32, #tpu.memory_space<vmem>>, vector<32x1xf32>
    %dot_general3A = arith.constant dense<0.000000e+00> : vector<64x1xf32>
    %dot_general3A_33 = tpu.matmul %add3A_29, %get3A_32, %dot_general3A {dimension_numbers = #tpu.dot_dimension_numbers<[1], [0], [0], [1], [0, 0, 1, 1], [], []>, transpose_lhs_hint = false} : vector<64x32xf32>, vector<32x1xf32>, vector<64x1xf32> -> vector<64x1xf32>
    %get3A_34 = arith.constant 0 : index
    %get3A_35 = arith.constant 0 : index
    %get3A_36 = vector.load %arg4[%get3A_34, %get3A_35] : memref<1x1xf32, #tpu.memory_space<vmem>>, vector<1x1xf32>
    %add3A_37 = vector.broadcast %get3A_36 : vector<1x1xf32> to vector<64x1xf32>
    %add3A_38 = arith.addf %dot_general3A_33, %add3A_37 : vector<64x1xf32>
    %swap3A = arith.constant 0 : index
    %swap3A_39 = arith.constant 0 : index
    %swap3A_40 = vector.load %arg5[%swap3A, %swap3A_39] : memref<64x1xf32, #tpu.memory_space<vmem>>, vector<64x1xf32>
    tpu.vector_store %arg5[%swap3A, %swap3A_39], %add3A_38 {strides = array<i32>} : memref<64x1xf32, #tpu.memory_space<vmem>>, vector<64x1xf32>,
    return
  }
}

</mosaic_0001>

<sc_bundles>
// kernel: kernel.12.cloned.1.call-start
scs
__scs_entry_jumppad:
0x0: {  	(pc) =	sbr.rel $0x88, $3  }
0x1: {  	(tag) =	ssettag $0x0;
	lr =	simm.s32 $0x1  }
0x2: {  	[smem:$0x3F98] =	sst lr;
	_ =	strace $0xD0000000  }
0x3: {  	_ = 	snop  }
0x4: {  	_ = 	snop  }
0x5: {  	_ = 	snop  }
0x6: {  	_ = 	snop  }
0x7: {  	_ = 	snop  }
__scs_overlays_trampoline_lowered:
0x8: {  	[smem:$0x3FA7] =	sst s0  }
0x9: {  	[smem:$0x3FA8] =	sst s1  }
0xa: {  	[smem:$0x3FA9] =	sst s2  }
0xb: {  	[smem:$0x3FAA] =	sst s3  }
0xc: {  	[smem:$0x3FAB] =	sst s4  }
0xd: {  	[smem:$0x3FAC] =	sst s5  }
0xe: {  	[smem:$0x3FAD] =	sst s6  }
0xf: {  	[smem:$0x3FAE] =	sst s7  }
0x10: {  	[smem:$0x3FAF] =	sst s8  }
0x11: {  	[smem:$0x3FB0] =	sst s9;
	s0 =	simm.s32 @!p0 $0x0  }
0x12: {  	s1 =	sld [smem:$0x3F96];
	s0 =	simm.s32 @p0 $0x1  }
0x13: {  	[smem:$0x3FB1] =	sst s0;
	s0 =	simm.s32 @!p1 $0x0  }
0x14: {  	s2 =	sld [smem:$0x3F95];
	s0 =	simm.s32 @p1 $0x1  }
0x15: {  	[smem:$0x3FB2] =	sst s0;
	s0 =	simm.s32 @!p2 $0x0  }
0x16: {  	s3 =	sld [smem:$0x3FDB];
	s0 =	simm.s32 @p2 $0x1  }
0x17: {  	s4 =	simm.s32 $0x1BF5;
	[smem:$0x3FB4] =	sst s0  }
0x18: {  	s0 =	sld [smem:$0x3F97];
	_ =	swait.ge [sflag:s4], $0x0  }
0x19: {  	s7 =	sld [smem:$0x3F98]  }
0x1a: {  	s8 =	sadd.s32 $0xFFFFE003, lr  }
0x1b: {  	s9 =	sadd.s32 $0xFFFFFEF7, lr;
	s5 =	simm.s32 $0xFFFFFFFF;
	p2 =	slt.u32 s8, $0xFFFFF086  }
0x1c: {  	p1 =	slt.u32 s9, $0xF7A;
	s5 =	simm.s32 @!p2 $0x0  }
0x1d: {  	s5 =	simm.s32 @p1 $0x1;
	p0 =	seq.s32 s7, s2  }
0x1e: {  	s7 =	smul.u32 @!p0 $0xF7A, s2;
	p2 =	seq.s32 @!p0 s5, $0x0  }
0x1f: {  	s9 =	smul.u32 $0xF7A, s1;
	s8 =	simm.s32 @!p0 $0x1BF5;
	p2 =	por !p2, p0  }
0x20: {  	[sflag:s8] =	ssyncset.s32 @!p0 $0xFFFFF086;
	s6 =	sadd.s32 @!p0 s3, s7;
	s7 =	simm.s32 @!p0 $0x108  }
0x21: {  	s3 =	sadd.s32 s3, s9;
	s6 =	sadd.s32 @!p0 $0x88, s6;
	s7 =	simm.s32 @p2 $0x1082  }
0x22: {  	[simem:s7], [sflag:s8] =	dma.local @!p0 [hbm:s6], $0xF7A  }
0x23: {  	s9 =	sor.u32 $0xD0000000, s2;
	s6 =	simm.s32 $0x108;
	_ =	swait.ge @!p0 [sflag:s8], $0x0  }
0x24: {  	s3 =	sadd.s32 $0x88, s3;
	s6 =	simm.s32 @!p1 $0x1082;
	[sflag:s4] =	ssyncset.s32 $0xFFFFF086  }
0x25: {  	[simem:s6], [sflag:s4] =	dma.local [hbm:s3], $0xF7A  }
0x26: {  	[smem:$0x3F98] =	sst s1;
	(tag) =	ssettag s2;
	_ =	strace s9  }
0x27: {  	s1 =	sld [smem:$0x3FA8]  }
0x28: {  	s2 =	sld [smem:$0x3FA9]  }
0x29: {  	s4 =	sld [smem:$0x3FAB]  }
0x2a: {  	p0 =	seq.s32 s5, $0x0;
	s5 =	sld [smem:$0x3FAC]  }
0x2b: {  	s6 =	sld [smem:$0x3FAD]  }
0x2c: {  	s7 =	sld [smem:$0x3FAE]  }
0x2d: {  	s3 =	simm.s32 $0x108;
	s8 =	sld [smem:$0x3FAF]  }
0x2e: {  	s3 =	simm.s32 @!p0 $0x1082;
	s9 =	sld [smem:$0x3FB0]  }
0x2f: {  	lr =	sadd.s32 s0, s3;
	s0 =	sld [smem:$0x3FA7]  }
0x30: {  	s3 =	sld [smem:$0x3FAA]  }
0x31: {  	[smem:$0x3FB3] =	sst s10  }
0x32: {  	s10 =	sld [smem:$0x3FB1];
	_ =	sdelay $0x3  }
0x33: {  	p0 =	seq.s32 s10, $0x1;
	s10 =	sld [smem:$0x3FB3];
	_ =	sdelay $0x3  }
0x34: {  	[smem:$0x3FB3] =	sst s10  }
0x35: {  	s10 =	sld [smem:$0x3FB2];
	_ =	sdelay $0x3  }
0x36: {  	p1 =	seq.s32 s10, $0x1;
	s10 =	sld [smem:$0x3FB3];
	_ =	sdelay $0x3  }
0x37: {  	[smem:$0x3FB3] =	sst s10  }
0x38: {  	s10 =	sld [smem:$0x3FB4]  }
0x39: {  	_ = 	snop;
	(pc) =	sbr.ind lr, $3  }
0x3a: {  	_ = 	snop  }
0x3b: {  	_ = 	snop  }
0x3c: {  	p2 =	seq.s32 s10, $0x1;
	s10 =	sld [smem:$0x3FB3]  }
0x3d: {  	_ =	shalt  }
0x3e: {  	_ =	shalt  }
0x3f: {  	_ =	shalt  }
0x40: {  	_ =	shalt  }
0x41: {  	_ =	shalt  }
0x42: {  	_ =	shalt  }
0x43: {  	_ =	shalt  }
0x44: {  	_ =	shalt  }
0x45: {  	_ =	shalt  }
0x46: {  	_ =	shalt  }
0x47: {  	_ =	shalt  }
0x48: {  	_ =	shalt  }
0x49: {  	_ =	shalt  }
0x4a: {  	_ =	shalt  }
0x4b: {  	_ =	shalt  }
0x4c: {  	_ =	shalt  }
0x4d: {  	_ =	shalt  }
0x4e: {  	_ =	shalt  }
0x4f: {  	_ =	shalt  }
0x50: {  	_ =	shalt  }
0x51: {  	_ =	shalt  }
0x52: {  	_ =	shalt  }
0x53: {  	_ =	shalt  }
0x54: {  	_ =	shalt  }
0x55: {  	_ =	shalt  }
0x56: {  	_ =	shalt  }
0x57: {  	_ =	shalt  }
0x58: {  	_ =	shalt  }
0x59: {  	_ =	shalt  }
0x5a: {  	_ =	shalt  }
0x5b: {  	_ =	shalt  }
0x5c: {  	_ =	shalt  }
0x5d: {  	_ =	shalt  }
0x5e: {  	_ =	shalt  }
0x5f: {  	_ =	shalt  }
0x60: {  	_ =	shalt  }
0x61: {  	_ =	shalt  }
0x62: {  	_ =	shalt  }
0x63: {  	_ =	shalt  }
0x64: {  	_ =	shalt  }
0x65: {  	_ =	shalt  }
0x66: {  	_ =	shalt  }
0x67: {  	_ =	shalt  }
0x68: {  	_ =	shalt  }
0x69: {  	_ =	shalt  }
0x6a: {  	_ =	shalt  }
0x6b: {  	_ =	shalt  }
0x6c: {  	_ =	shalt  }
0x6d: {  	_ =	shalt  }
0x6e: {  	_ =	shalt  }
0x6f: {  	_ =	shalt  }
0x70: {  	_ =	shalt  }
0x71: {  	_ =	shalt  }
0x72: {  	_ =	shalt  }
0x73: {  	_ =	shalt  }
0x74: {  	_ =	shalt  }
0x75: {  	_ =	shalt  }
0x76: {  	_ =	shalt  }
0x77: {  	_ =	shalt  }
0x78: {  	_ =	shalt  }
0x79: {  	_ =	shalt  }
0x7a: {  	_ =	shalt  }
0x7b: {  	_ =	shalt  }
0x7c: {  	_ =	shalt  }
0x7d: {  	_ =	shalt  }
0x7e: {  	_ =	shalt  }
0x7f: {  	_ =	shalt  }
0x80: {  	_ =	shalt  }
0x81: {  	_ =	shalt  }
0x82: {  	_ =	shalt  }
0x83: {  	_ =	shalt  }
0x84: {  	_ =	shalt  }
0x85: {  	_ =	shalt  }
0x86: {  	_ =	shalt  }
0x87: {  	_ =	shalt  }
.Lfunc_end0:
.L_simem_size_0:
called_computation.1_lowered:
.L_overlay_start_0:
0x88: {  	s2 =	sld [smem:$0x3FD9]  }
0x89: {  	s3 =	sld [smem:$0x3FFE];
	_ =	sdelay $0x1  }
0x8a: {  	s1 =	srdreg.scid  }
0x8b: {  	s0 =	sand.u32 $0x1, s1  }
0x8c: {  	s16 =	sshll.u32 s0, $0xA;
	s2 =	sadd.s32 s3, s2  }
0x8d: {  	s2 =	sadd.s32 s2, s16  }
0x8e: {  	[smem:$0x3FBF] =	sst s2  }
0x8f: {  	_ = 	snop  }
0x90: {  	(tm) =	ssettm $0x1  }
0x91: {  	s17 =	sld [smem:$0x3FFB];
	_ =	sdelay $0x3  }
0x92: {  	_ =	strace s17  }
0x93: {  	s2 =	sld [smem:$0x3FFC];
	_ =	sdelay $0x3  }
0x94: {  	_ =	strace s2  }
0x95: {  	s2 =	sld [smem:$0x3FFD];
	_ =	sdelay $0x3  }
0x96: {  	_ =	strace s2  }
0x97: {  	_ =	strace $0x8FFFFFFF  }
0x98: {  	s18 =	sld [smem:$0x3FDB];
	_ =	sdelay $0x1  }
0x99: {  	s19 =	simm.s32 $_scs_section_size  }
0x9a: {  	s4 =	simm.s32 $_size__tile_overlayer_lowered;
	s5 =	simm.s32 $_tile_overlayer_lowered  }
0x9b: {  	s22 =	simm.s32 $0x1BFF;
	s21 =	sshll.u32 s5, $0x1;
	s2 =	sadd.s32 s19, s18  }
0x9c: {  	s6 =	simm.s32 $0x0;
	s20 =	sshll.u32 s4, $0x1;
	s4 =	sadd.s32 s21, s2  }
0x9d: {  	[timem:s6], [sflag:s22] =	dma.local [hbm:s4], s20  }
0x9e: {  	_ =	swait.ge [sflag:s22], s20  }
0x9f: {  	s3 =	ssub.s32 $0x0, s20;
	[sflag:s22] =	ssyncset.done $0x0  }
0xa0: {  	[sflag:s22] =	ssyncadd.s32 s3;
	_ =	sdelay $0x1  }
0xa1: {  	s23 =	simm.s32 $0x1B8B  }
0xa2: {  	_ =	swait.ge [sflag:s23], $0x1  }
0xa3: {  	[sflag:s23] =	ssyncset.done $0x0  }
0xa4: {  	s25 =	simm.s32 $0x1B8E;
	s24 =	sld [smem:$0x3FFE];
	[sflag:s23] =	ssyncadd.s32 $0xFFFFFFFF  }
0xa5: {  	s26 =	simm.s32 $execute0_lowered;
	[smem:$0x3FD2] =	sst s25  }
0xa6: {  	s4 =	sshll.u32 s26, $0x1;
	_ =	strace $0x80000049;
	[dreg:$0x1] =	wrdreg $0xFFFFFFFF  }
0xa7: {  	s28 =	simm.s32 $_size_execute0_lowered;
	s2 =	sadd.s32 s2, s4;
	[dreg:$0x0] =	wrdreg $0x0  }
0xa8: {  	s4 =	sshll.u32 s28, $0x1;
	[dreg:$0x2] =	wrdreg s2  }
0xa9: {  	[dreg:$0x3] =	wrdreg s4  }
0xaa: {  	[dreg:$0x4] =	wrdreg $0xC0  }
0xab: {  	_ =	task [dreg:s6], $0x5FFFF  }
0xac: {  	[dreg:$0x1] =	wrdreg $0xFFFFFFFF  }
0xad: {  	[dreg:$0x0] =	wrdreg $0x60  }
0xae: {  	[dreg:$0x2] =	wrdreg s24  }
0xaf: {  	[dreg:$0x3] =	wrdreg $0x98000  }
0xb0: {  	[dreg:$0x4] =	wrdreg $0x9  }
0xb1: {  	_ =	task.clear_ibuf [dreg:s6], $0x5FFFF;
	_ =	strace $0x90000049  }
0xb2: {  	s29 =	simm.s32 $0x9;
	_ =	strace $0x8000004B  }
0xb3: {  	_ =	swait.ge [sflag:s29], $0x1  }
0xb4: {  	[sflag:s29] =	ssyncadd.s32 $0xFFFFFFFF  }
0xb5: {  	_ =	strace $0x9000004B  }
0xb6: {  	_ =	sfence  }
0xb7: {  	s30 =	sld [smem:$0x0];
	_ =	sdelay $0x2  }
0xb8: {  	s31 =	sshll.u32 s1, $0xD;
	s1 =	sshrl.u32 s1, $0x2  }
0xb9: {  	s3 =	sand.u32 $0x4000, s31;
	s1 =	sadd.s32 s1, s30  }
0xba: {  	s0 =	sor.u32 s3, s0;
	s1 =	sshll.u32 s1, $0x11  }
0xbb: {  	s0 =	sor.u32 s1, s0  }
0xbc: {  	s0 =	sadd.s32 $0x8F2B, s0  }
0xbd: {  	[sflag:s0] =	ssyncadd.remote.s32 $0x1  }
0xbe: {  	_ =	sfence.sel $0xFFFF  }
0xbf: {  	[dreg:$0x0] =	wrdreg $0xFFFFFFFF;
	(pc) =	sbr.abs _section_cstart, $3  }
0xc0: {  	[dreg:$0x1] =	wrdreg $0xFFFFFFFF  }
0xc1: {  	_ =	task.clear_ibuf [dreg:s6], $0x2FFFF;
	_ =	strace $0x9FFFFFFF  }
0xc2: {  	(tm) =	ssettm $0x7FFFFFFF  }
0xc3: {  	_ =	shalt  }
tec
execute0_lowered:
.L_overlay_start_1:
0x0: {  	(tag) =	ssettag $0x1  }
0x1: {  	s0 =	rddreg [dreg:$0x0]  }
0x2: {  	s1 =	rddreg [dreg:$0x1];
	s3 =	simm.s32 $0x0;
	s10 =	stileid.u32  }
0x3: {  	s5 =	srdreg.scid;
	s13 =	simm.s32 $0x4;
	s14 =	simm.s32 $0x400  }
0x4: {  	s15 =	simm.s32 $0x200;
	s16 =	simm.s32 $0x600;
	s17 =	simm.s32 $0x1  }
0x5: {  	s18 =	simm.s32 $0x80;
	s19 =	simm.s32 $0x800;
	s20 =	simm.s32 $0x1800  }
0x6: {  	s21 =	simm.s32 $0x2800;
	s28 =	simm.s32 $0x380;
	s29 =	simm.s32 $0x7800  }
0x7: {  	s30 =	simm.s32 $0x2;
	s31 =	simm.s32 $0x480;
	[smem:$0x7FF] =	sst s3  }
0x8: {  	s2 =	sshll.u32 s10, $0x7;
	s5 =	sand.u32 $0x1, s5;
	s6 =	smul.u32 $0x14000, s10  }
0x9: {  	s7 =	sadd.s32 $0x15800, s0;
	s10 =	smul.u32 $0x5000, s10;
	_ =	strace $0x8000004A  }
0xa: {  	s2 =	sadd.s32 s2, s0;
	[dreg:$0x9] =	wrdreg s7;
	s8 =	ssub.s32 $0x2, s5  }
0xb: {  	s22 =	smul.u32 $0xA000, s5;
	s5 =	sshll.u32 s5, $0x6;
	s9 =	sshrl.u32 s8, $0x1  }
0xc: {  	s6 =	sshrl.u32 s6, $0x2;
	s11 =	sadd.s32 s10, s1;
	s2 =	sadd.s32 s5, s2  }
0xd: {  	s23 =	ssub.s32 s8, s9;
	s9 =	sadd.s32 $0x16400, s2;
	[dreg:$0xa] =	wrdreg s11  }
0xe: {  	s6 =	sadd.s32 s6, s1;
	s2 =	sadd.s32 $0xB800, s2;
	[dreg:$0x3] =	wrdreg s9  }
0xf: {  	s4 =	sadd.s32 $0x1800, s0;
	s24 =	sadd.s32 $0x1000, s6;
	[dreg:$0x4] =	wrdreg s2  }
0x10: {  	s7 =	simm.s32 $0x700;
	s25 =	sadd.s32 $0x2000, s6;
	[dreg:$0xb] =	wrdreg s24  }
0x11: {  	s12 =	sshrl.u32 s10, $0x3;
	s26 =	sadd.s32 $0x3000, s6;
	[dreg:$0xc] =	wrdreg s25  }
0x12: {  	s5 =	simm.s32 $0x680;
	s8 =	sadd.s32 $0x4000, s6;
	[dreg:$0xd] =	wrdreg s26  }
0x13: {  	s0 =	sadd.s32 s22, s0;
	s22 =	smax.u32 s23, $0x1;
	[dreg:$0xe] =	wrdreg s8  }
0x14: {  	s10 =	simm.s32 $0x0;
	s23 =	simm.s32 $0x100;
	[dreg:$0xf] =	wrdreg s22  }
0x15: {  	s0 =	sadd.s32 $0x20400, s0;
	[dreg:$0x5] =	wrdreg s23;
	s24 =	simm.s32 $0x180  }
0x16: {  	s2 =	simm.s32 $0x580;
	s25 =	simm.s32 $0x280;
	[dreg:$0x6] =	wrdreg s24  }
0x17: {  	s9 =	simm.s32 $0x3;
	s26 =	simm.s32 $0x300;
	[dreg:$0x7] =	wrdreg s25  }
0x18: {  	s22 =	simm.s32 $0x3800;
	s0 =	sadd.s32 s12, s0;
	[dreg:$0x8] =	wrdreg s26  }
0x19: {  	s23 =	simm.s32 $0x4800;
	s8 =	simm.s32 $0x780;
	[dreg:$0x10] =	wrdreg s0  }
0x1a: {  	s25 =	simm.s32 $0x5800;
	s26 =	simm.s32 $0x6800;
	s0 =	simm.s32 $0x500  }
.LBB2_1:
0x1b: {  	[dreg:$0x11] =	wrdreg s10  }
0x1c: {  	s6 =	rddreg [dreg:$0x9];
	s10 =	simm.s32 $0x8800  }
0x1d: {  	[tilespmem:s10], [sflag:$0x4] =	stream.linear.gather [hbm4b:s6+s3], $0x1000, $0x38;
	[tilespmem:$0xE800] =	vst v63  }
0x1e: {  	_ =	swait.ge [sflag:s13], $0x1000  }
0x1f: {  	[sflag:s13] =	ssyncset.done $0x0  }
0x20: {  	[sflag:s13] =	ssyncadd.s32 $0xFFFFF000  }
0x21: {  	[spmem:s11] =	stream.linear.scatter [tilespmem:s10], [sflag:$0x4], $0x1000, $0x38;
	[tilespmem:$0xE800] =	vst v63  }
0x22: {  	_ =	swait.ge [sflag:s13], $0x1000  }
0x23: {  	[sflag:s13] =	ssyncset.done $0x0  }
0x24: {  	s12 =	rddreg [dreg:$0xb];
	[sflag:s13] =	ssyncadd.s32 $0xFFFFF000  }
0x25: {  	[spmem:s12] =	stream.linear.scatter [tilespmem:s10], [sflag:$0x4], $0x1000, $0x38;
	[tilespmem:$0xE800] =	vst v63  }
0x26: {  	_ =	swait.ge [sflag:s13], $0x1000  }
0x27: {  	[sflag:s13] =	ssyncset.done $0x0  }
0x28: {  	s24 =	rddreg [dreg:$0xc];
	[sflag:s13] =	ssyncadd.s32 $0xFFFFF000  }
0x29: {  	[spmem:s24] =	stream.linear.scatter [tilespmem:s10], [sflag:$0x4], $0x1000, $0x38;
	[tilespmem:$0xE800] =	vst v63  }
0x2a: {  	_ =	swait.ge [sflag:s13], $0x1000  }
0x2b: {  	[sflag:s13] =	ssyncset.done $0x0  }
0x2c: {  	s11 =	rddreg [dreg:$0xd];
	[sflag:s13] =	ssyncadd.s32 $0xFFFFF000  }
0x2d: {  	[spmem:s11] =	stream.linear.scatter [tilespmem:s10], [sflag:$0x4], $0x1000, $0x38;
	[tilespmem:$0xE800] =	vst v63  }
0x2e: {  	_ =	swait.ge [sflag:s13], $0x1000  }
0x2f: {  	[sflag:s13] =	ssyncset.done $0x0  }
0x30: {  	s12 =	rddreg [dreg:$0xe];
	[sflag:s13] =	ssyncadd.s32 $0xFFFFF000  }
0x31: {  	[spmem:s12] =	stream.linear.scatter [tilespmem:s10], [sflag:$0x4], $0x1000, $0x38;
	[tilespmem:$0xE800] =	vst v63  }
0x32: {  	_ =	swait.ge [sflag:s13], $0x1000  }
0x33: {  	[sflag:s13] =	ssyncset.done $0x0  }
0x34: {  	[sflag:s13] =	ssyncadd.s32 $0xFFFFF000  }
0x35: {  	[bflag:$0x0] =	sbarrier.arrive $0xFFFF  }
0x36: {  	s24 =	rddreg [dreg:$0x3]  }
0x37: {  	s10 =	rddreg [dreg:$0x4];
	s6 =	sadd.s32 $0x0, s24  }
0x38: {  	[tilespmem:s3], [sflag:$0x1] =	stream.linear.gather [hbm4b:s6+s3], $0x200, $0x38;
	[tilespmem:$0xE800] =	vst v63  }
0x39: {  	s11 =	sadd.s32 $0x0, s10  }
0x3a: {  	[tilespmem:s14], [sflag:$0x1] =	stream.linear.gather [hbm4b:s11+s3], $0x200, $0x38;
	[tilespmem:$0xE800] =	vst v63  }
0x3b: {  	s6 =	sadd.s32 $0x800, s6  }
0x3c: {  	[tilespmem:s15], [sflag:$0x1] =	stream.linear.gather [hbm4b:s6+s3], $0x200, $0x38;
	[tilespmem:$0xE800] =	vst v63  }
0x3d: {  	s12 =	sadd.s32 $0x800, s11  }
0x3e: {  	[tilespmem:s16], [sflag:$0x1] =	stream.linear.gather [hbm4b:s12+s3], $0x200, $0x38;
	[tilespmem:$0xE800] =	vst v63  }
0x3f: {  	_ =	swait.ge [sflag:s17], $0x200  }
0x40: {  	[sflag:s17] =	ssyncset.done $0x0  }
0x41: {  	[sflag:s17] =	ssyncadd.s32 $0xFFFFFE00  }
0x42: {  	_ =	swait.ge [sflag:s17], $0x200  }
0x43: {  	[sflag:s17] =	ssyncset.done $0x0  }
0x44: {  	[sflag:s17] =	ssyncadd.s32 $0xFFFFFE00  }
0x45: {  	_ =	swait.ge [sflag:s17], $0x200  }
0x46: {  	[sflag:s17] =	ssyncset.done $0x0  }
0x47: {  	[sflag:s17] =	ssyncadd.s32 $0xFFFFFE00  }
0x48: {  	_ =	swait.ge [sflag:s17], $0x200  }
0x49: {  	[sflag:s17] =	ssyncset.done $0x0  }
0x4a: {  	[sflag:s17] =	ssyncadd.s32 $0xFFFFFE00  }
0x4b: {  	[tilespmem:s19], [sflag:$0x2] =	stream.indirect.gather [hbm4b:s4+s18], $0x20, s3, s18, $0xb8;
	[tilespmem:$0xE800] =	vst v63  }
0x4c: {  	_ = 	snop  }
0x4d: {  	[tilespmem:s20], [sflag:$0x2] =	stream.indirect.gather [hbm4b:s4+s18], $0x20, s18, s18, $0xb8;
	[tilespmem:$0xE800] =	vst v63  }
0x4e: {  	s24 =	rddreg [dreg:$0x5]  }
0x4f: {  	[tilespmem:s21], [sflag:$0x2] =	stream.indirect.gather [hbm4b:s4+s18], $0x20, s24, s18, $0xb8;
	[tilespmem:$0xE800] =	vst v63  }
0x50: {  	s10 =	rddreg [dreg:$0x6]  }
0x51: {  	[tilespmem:s22], [sflag:$0x2] =	stream.indirect.gather [hbm4b:s4+s18], $0x20, s10, s18, $0xb8;
	[tilespmem:$0xE800] =	vst v63  }
0x52: {  	_ = 	snop  }
0x53: {  	[tilespmem:s23], [sflag:$0x2] =	stream.indirect.gather [hbm4b:s4+s18], $0x20, s15, s18, $0xb8;
	[tilespmem:$0xE800] =	vst v63  }
0x54: {  	s12 =	rddreg [dreg:$0x7]  }
0x55: {  	[tilespmem:s25], [sflag:$0x2] =	stream.indirect.gather [hbm4b:s4+s18], $0x20, s12, s18, $0xb8;
	[tilespmem:$0xE800] =	vst v63  }
0x56: {  	s24 =	rddreg [dreg:$0x8]  }
0x57: {  	[tilespmem:s26], [sflag:$0x2] =	stream.indirect.gather [hbm4b:s4+s18], $0x20, s24, s18, $0xb8;
	[tilespmem:$0xE800] =	vst v63  }
0x58: {  	_ = 	snop  }
0x59: {  	[tilespmem:s29], [sflag:$0x2] =	stream.indirect.gather [hbm4b:s4+s18], $0x20, s28, s18, $0xb8;
	[tilespmem:$0xE800] =	vst v63  }
0x5a: {  	_ =	swait.ge [sflag:s30], $0x1000  }
0x5b: {  	[sflag:s30] =	ssyncset.done $0x0  }
0x5c: {  	[sflag:s30] =	ssyncadd.s32 $0xFFFFF000  }
0x5d: {  	_ =	swait.ge [sflag:s30], $0x1000  }
0x5e: {  	[sflag:s30] =	ssyncset.done $0x0  }
0x5f: {  	[sflag:s30] =	ssyncadd.s32 $0xFFFFF000  }
0x60: {  	_ =	swait.ge [sflag:s30], $0x1000  }
0x61: {  	[sflag:s30] =	ssyncset.done $0x0  }
0x62: {  	[sflag:s30] =	ssyncadd.s32 $0xFFFFF000  }
0x63: {  	_ =	swait.ge [sflag:s30], $0x1000  }
0x64: {  	[sflag:s30] =	ssyncset.done $0x0  }
0x65: {  	[sflag:s30] =	ssyncadd.s32 $0xFFFFF000  }
0x66: {  	_ =	swait.ge [sflag:s30], $0x1000  }
0x67: {  	[sflag:s30] =	ssyncset.done $0x0  }
0x68: {  	[sflag:s30] =	ssyncadd.s32 $0xFFFFF000  }
0x69: {  	_ =	swait.ge [sflag:s30], $0x1000  }
0x6a: {  	[sflag:s30] =	ssyncset.done $0x0  }
0x6b: {  	[sflag:s30] =	ssyncadd.s32 $0xFFFFF000  }
0x6c: {  	_ =	swait.ge [sflag:s30], $0x1000  }
0x6d: {  	[sflag:s30] =	ssyncset.done $0x0  }
0x6e: {  	[sflag:s30] =	ssyncadd.s32 $0xFFFFF000  }
0x6f: {  	_ =	swait.ge [sflag:s30], $0x1000  }
0x70: {  	[sflag:s30] =	ssyncset.done $0x0  }
0x71: {  	[sflag:s30] =	ssyncadd.s32 $0xFFFFF000  }
0x72: {  	[spmem:s1] =	stream.indirect.scatter.add.f32 [tilespmem:s19], [sflag:$0x3], $0x20, s14, s18, $0xb8;
	[tilespmem:$0xE800] =	vst v63  }
0x73: {  	_ = 	snop  }
0x74: {  	[spmem:s1] =	stream.indirect.scatter.add.f32 [tilespmem:s20], [sflag:$0x3], $0x20, s31, s18, $0xb8;
	[tilespmem:$0xE800] =	vst v63  }
0x75: {  	_ = 	snop  }
0x76: {  	[spmem:s1] =	stream.indirect.scatter.add.f32 [tilespmem:s21], [sflag:$0x3], $0x20, s0, s18, $0xb8;
	[tilespmem:$0xE800] =	vst v63  }
0x77: {  	_ = 	snop  }
0x78: {  	[spmem:s1] =	stream.indirect.scatter.add.f32 [tilespmem:s22], [sflag:$0x3], $0x20, s2, s18, $0xb8;
	[tilespmem:$0xE800] =	vst v63  }
0x79: {  	_ = 	snop  }
0x7a: {  	[spmem:s1] =	stream.indirect.scatter.add.f32 [tilespmem:s23], [sflag:$0x3], $0x20, s16, s18, $0xb8;
	[tilespmem:$0xE800] =	vst v63  }
0x7b: {  	_ = 	snop  }
0x7c: {  	[spmem:s1] =	stream.indirect.scatter.add.f32 [tilespmem:s25], [sflag:$0x3], $0x20, s5, s18, $0xb8;
	[tilespmem:$0xE800] =	vst v63  }
0x7d: {  	_ = 	snop  }
0x7e: {  	[spmem:s1] =	stream.indirect.scatter.add.f32 [tilespmem:s26], [sflag:$0x3], $0x20, s7, s18, $0xb8;
	[tilespmem:$0xE800] =	vst v63  }
0x7f: {  	_ = 	snop  }
0x80: {  	[spmem:s1] =	stream.indirect.scatter.add.f32 [tilespmem:s29], [sflag:$0x3], $0x20, s8, s18, $0xb8;
	[tilespmem:$0xE800] =	vst v63  }
0x81: {  	_ =	swait.ge [sflag:s9], $0x1000  }
0x82: {  	[sflag:s9] =	ssyncset.done $0x0  }
0x83: {  	[sflag:s9] =	ssyncadd.s32 $0xFFFFF000  }
0x84: {  	_ =	swait.ge [sflag:s9], $0x1000  }
0x85: {  	[sflag:s9] =	ssyncset.done $0x0  }
0x86: {  	[sflag:s9] =	ssyncadd.s32 $0xFFFFF000  }
0x87: {  	_ =	swait.ge [sflag:s9], $0x1000  }
0x88: {  	[sflag:s9] =	ssyncset.done $0x0  }
0x89: {  	[sflag:s9] =	ssyncadd.s32 $0xFFFFF000  }
0x8a: {  	_ =	swait.ge [sflag:s9], $0x1000  }
0x8b: {  	[sflag:s9] =	ssyncset.done $0x0  }
0x8c: {  	[sflag:s9] =	ssyncadd.s32 $0xFFFFF000  }
0x8d: {  	_ =	swait.ge [sflag:s9], $0x1000  }
0x8e: {  	[sflag:s9] =	ssyncset.done $0x0  }
0x8f: {  	[sflag:s9] =	ssyncadd.s32 $0xFFFFF000  }
0x90: {  	_ =	swait.ge [sflag:s9], $0x1000  }
0x91: {  	[sflag:s9] =	ssyncset.done $0x0  }
0x92: {  	[sflag:s9] =	ssyncadd.s32 $0xFFFFF000  }
0x93: {  	_ =	swait.ge [sflag:s9], $0x1000  }
0x94: {  	[sflag:s9] =	ssyncset.done $0x0  }
0x95: {  	[sflag:s9] =	ssyncadd.s32 $0xFFFFF000  }
0x96: {  	s11 =	simm.s32 $0x1000;
	_ =	swait.ge [sflag:s9], $0x1000  }
0x97: {  	s24 =	simm.s32 $0x2000;
	s6 =	rddreg [dreg:$0x3];
	[sflag:s9] =	ssyncset.done $0x0  }
.LBB2_2:
0x98: {  	[sflag:s9] =	ssyncadd.s32 $0xFFFFF000;
	s10 =	rddreg [dreg:$0x4];
	s6 =	sadd.s32 s11, s6  }
0x99: {  	[tilespmem:s3], [sflag:$0x1] =	stream.linear.gather [hbm4b:s6+s3], $0x200, $0x38;
	[tilespmem:$0xE800] =	vst v63  }
0x9a: {  	s10 =	sadd.s32 s11, s10  }
0x9b: {  	[tilespmem:s14], [sflag:$0x1] =	stream.linear.gather [hbm4b:s10+s3], $0x200, $0x38;
	[tilespmem:$0xE800] =	vst v63  }
0x9c: {  	s12 =	smov.u32 s24;
	s6 =	sadd.s32 $0x800, s6  }
0x9d: {  	[tilespmem:s15], [sflag:$0x1] =	stream.linear.gather [hbm4b:s6+s3], $0x200, $0x38;
	[tilespmem:$0xE800] =	vst v63  }
0x9e: {  	s11 =	smov.u32 s12;
	s12 =	sadd.s32 $0x800, s10  }
0x9f: {  	[tilespmem:s16], [sflag:$0x1] =	stream.linear.gather [hbm4b:s12+s3], $0x200, $0x38;
	[tilespmem:$0xE800] =	vst v63  }
0xa0: {  	_ =	swait.ge [sflag:s17], $0x200  }
0xa1: {  	[sflag:s17] =	ssyncset.done $0x0  }
0xa2: {  	[sflag:s17] =	ssyncadd.s32 $0xFFFFFE00  }
0xa3: {  	_ =	swait.ge [sflag:s17], $0x200  }
0xa4: {  	[sflag:s17] =	ssyncset.done $0x0  }
0xa5: {  	[sflag:s17] =	ssyncadd.s32 $0xFFFFFE00  }
0xa6: {  	_ =	swait.ge [sflag:s17], $0x200  }
0xa7: {  	[sflag:s17] =	ssyncset.done $0x0  }
0xa8: {  	[sflag:s17] =	ssyncadd.s32 $0xFFFFFE00  }
0xa9: {  	_ =	swait.ge [sflag:s17], $0x200  }
0xaa: {  	[sflag:s17] =	ssyncset.done $0x0  }
0xab: {  	[sflag:s17] =	ssyncadd.s32 $0xFFFFFE00  }
0xac: {  	[tilespmem:s19], [sflag:$0x2] =	stream.indirect.gather [hbm4b:s4+s18], $0x20, s3, s18, $0xb8;
	[tilespmem:$0xE800] =	vst v63  }
0xad: {  	_ = 	snop  }
0xae: {  	[tilespmem:s20], [sflag:$0x2] =	stream.indirect.gather [hbm4b:s4+s18], $0x20, s18, s18, $0xb8;
	[tilespmem:$0xE800] =	vst v63  }
0xaf: {  	s10 =	rddreg [dreg:$0x5]  }
0xb0: {  	[tilespmem:s21], [sflag:$0x2] =	stream.indirect.gather [hbm4b:s4+s18], $0x20, s10, s18, $0xb8;
	[tilespmem:$0xE800] =	vst v63  }
0xb1: {  	s12 =	rddreg [dreg:$0x6]  }
0xb2: {  	[tilespmem:s22], [sflag:$0x2] =	stream.indirect.gather [hbm4b:s4+s18], $0x20, s12, s18, $0xb8;
	[tilespmem:$0xE800] =	vst v63  }
0xb3: {  	_ = 	snop  }
0xb4: {  	[tilespmem:s23], [sflag:$0x2] =	stream.indirect.gather [hbm4b:s4+s18], $0x20, s15, s18, $0xb8;
	[tilespmem:$0xE800] =	vst v63  }
0xb5: {  	s10 =	rddreg [dreg:$0x7]  }
0xb6: {  	[tilespmem:s25], [sflag:$0x2] =	stream.indirect.gather [hbm4b:s4+s18], $0x20, s10, s18, $0xb8;
	[tilespmem:$0xE800] =	vst v63  }
0xb7: {  	s12 =	rddreg [dreg:$0x8]  }
0xb8: {  	[tilespmem:s26], [sflag:$0x2] =	stream.indirect.gather [hbm4b:s4+s18], $0x20, s12, s18, $0xb8;
	[tilespmem:$0xE800] =	vst v63  }
0xb9: {  	_ = 	snop  }
0xba: {  	[tilespmem:s29], [sflag:$0x2] =	stream.indirect.gather [hbm4b:s4+s18], $0x20, s28, s18, $0xb8;
	[tilespmem:$0xE800] =	vst v63  }
0xbb: {  	_ =	swait.ge [sflag:s30], $0x1000  }
0xbc: {  	[sflag:s30] =	ssyncset.done $0x0  }
0xbd: {  	[sflag:s30] =	ssyncadd.s32 $0xFFFFF000  }
0xbe: {  	_ =	swait.ge [sflag:s30], $0x1000  }
0xbf: {  	[sflag:s30] =	ssyncset.done $0x0  }
0xc0: {  	[sflag:s30] =	ssyncadd.s32 $0xFFFFF000  }
0xc1: {  	_ =	swait.ge [sflag:s30], $0x1000  }
0xc2: {  	[sflag:s30] =	ssyncset.done $0x0  }
0xc3: {  	[sflag:s30] =	ssyncadd.s32 $0xFFFFF000  }
0xc4: {  	_ =	swait.ge [sflag:s30], $0x1000  }
0xc5: {  	[sflag:s30] =	ssyncset.done $0x0  }
0xc6: {  	[sflag:s30] =	ssyncadd.s32 $0xFFFFF000  }
0xc7: {  	_ =	swait.ge [sflag:s30], $0x1000  }
0xc8: {  	[sflag:s30] =	ssyncset.done $0x0  }
0xc9: {  	[sflag:s30] =	ssyncadd.s32 $0xFFFFF000  }
0xca: {  	_ =	swait.ge [sflag:s30], $0x1000  }
0xcb: {  	[sflag:s30] =	ssyncset.done $0x0  }
0xcc: {  	[sflag:s30] =	ssyncadd.s32 $0xFFFFF000  }
0xcd: {  	_ =	swait.ge [sflag:s30], $0x1000  }
0xce: {  	[sflag:s30] =	ssyncset.done $0x0  }
0xcf: {  	[sflag:s30] =	ssyncadd.s32 $0xFFFFF000  }
0xd0: {  	_ =	swait.ge [sflag:s30], $0x1000  }
0xd1: {  	[sflag:s30] =	ssyncset.done $0x0  }
0xd2: {  	[sflag:s30] =	ssyncadd.s32 $0xFFFFF000  }
0xd3: {  	[spmem:s1] =	stream.indirect.scatter.add.f32 [tilespmem:s19], [sflag:$0x3], $0x20, s14, s18, $0xb8;
	[tilespmem:$0xE800] =	vst v63  }
0xd4: {  	_ = 	snop  }
0xd5: {  	[spmem:s1] =	stream.indirect.scatter.add.f32 [tilespmem:s20], [sflag:$0x3], $0x20, s31, s18, $0xb8;
	[tilespmem:$0xE800] =	vst v63  }
0xd6: {  	_ = 	snop  }
0xd7: {  	[spmem:s1] =	stream.indirect.scatter.add.f32 [tilespmem:s21], [sflag:$0x3], $0x20, s0, s18, $0xb8;
	[tilespmem:$0xE800] =	vst v63  }
0xd8: {  	_ = 	snop  }
0xd9: {  	[spmem:s1] =	stream.indirect.scatter.add.f32 [tilespmem:s22], [sflag:$0x3], $0x20, s2, s18, $0xb8;
	[tilespmem:$0xE800] =	vst v63  }
0xda: {  	_ = 	snop  }
0xdb: {  	[spmem:s1] =	stream.indirect.scatter.add.f32 [tilespmem:s23], [sflag:$0x3], $0x20, s16, s18, $0xb8;
	[tilespmem:$0xE800] =	vst v63  }
0xdc: {  	_ = 	snop  }
0xdd: {  	[spmem:s1] =	stream.indirect.scatter.add.f32 [tilespmem:s25], [sflag:$0x3], $0x20, s5, s18, $0xb8;
	[tilespmem:$0xE800] =	vst v63  }
0xde: {  	_ = 	snop  }
0xdf: {  	[spmem:s1] =	stream.indirect.scatter.add.f32 [tilespmem:s26], [sflag:$0x3], $0x20, s7, s18, $0xb8;
	[tilespmem:$0xE800] =	vst v63  }
0xe0: {  	_ = 	snop  }
0xe1: {  	[spmem:s1] =	stream.indirect.scatter.add.f32 [tilespmem:s29], [sflag:$0x3], $0x20, s8, s18, $0xb8;
	[tilespmem:$0xE800] =	vst v63  }
0xe2: {  	_ =	swait.ge [sflag:s9], $0x1000  }
0xe3: {  	[sflag:s9] =	ssyncset.done $0x0  }
0xe4: {  	[sflag:s9] =	ssyncadd.s32 $0xFFFFF000  }
0xe5: {  	_ =	swait.ge [sflag:s9], $0x1000  }
0xe6: {  	[sflag:s9] =	ssyncset.done $0x0  }
0xe7: {  	[sflag:s9] =	ssyncadd.s32 $0xFFFFF000  }
0xe8: {  	_ =	swait.ge [sflag:s9], $0x1000  }
0xe9: {  	[sflag:s9] =	ssyncset.done $0x0  }
0xea: {  	[sflag:s9] =	ssyncadd.s32 $0xFFFFF000  }
0xeb: {  	_ =	swait.ge [sflag:s9], $0x1000  }
0xec: {  	[sflag:s9] =	ssyncset.done $0x0  }
0xed: {  	[sflag:s9] =	ssyncadd.s32 $0xFFFFF000  }
0xee: {  	_ =	swait.ge [sflag:s9], $0x1000  }
0xef: {  	[sflag:s9] =	ssyncset.done $0x0  }
0xf0: {  	[sflag:s9] =	ssyncadd.s32 $0xFFFFF000  }
0xf1: {  	_ =	swait.ge [sflag:s9], $0x1000  }
0xf2: {  	[sflag:s9] =	ssyncset.done $0x0  }
0xf3: {  	p0 =	sne.s32 s24, $0x9000;
	[sflag:s9] =	ssyncadd.s32 $0xFFFFF000  }
.Ltmp0:
0xf4: {  	_ =	swait.ge [sflag:s9], $0x1000;
	(pc) =	sbr.rel @p0 .LBB2_2-.Ltmp0, $4  }
0xf5: {  	[sflag:s9] =	ssyncset.done $0x0  }
0xf6: {  	[sflag:s9] =	ssyncadd.s32 $0xFFFFF000  }
0xf7: {  	_ =	swait.ge [sflag:s9], $0x1000  }
0xf8: {  	s24 =	sadd.s32 $0x1000, s24;
	s6 =	rddreg [dreg:$0x3];
	[sflag:s9] =	ssyncset.done $0x0  }
0xf9: {  	s10 =	rddreg [dreg:$0x4];
	[sflag:s9] =	ssyncadd.s32 $0xFFFFF000;
	s6 =	sadd.s32 s11, s6  }
0xfa: {  	[tilespmem:s3], [sflag:$0x1] =	stream.linear.gather [hbm4b:s6+s3], $0x200, $0x38;
	[tilespmem:$0xE800] =	vst v63  }
0xfb: {  	s10 =	sadd.s32 s11, s10  }
0xfc: {  	[tilespmem:s14], [sflag:$0x1] =	stream.linear.gather [hbm4b:s10+s3], $0x200, $0x38;
	[tilespmem:$0xE800] =	vst v63  }
0xfd: {  	s6 =	sadd.s32 $0x800, s6  }
0xfe: {  	[tilespmem:s15], [sflag:$0x1] =	stream.linear.gather [hbm4b:s6+s3], $0x200, $0x38;
	[tilespmem:$0xE800] =	vst v63  }
0xff: {  	s11 =	sadd.s32 $0x800, s10  }
0x100: {  	[tilespmem:s16], [sflag:$0x1] =	stream.linear.gather [hbm4b:s11+s3], $0x200, $0x38;
	[tilespmem:$0xE800] =	vst v63  }
0x101: {  	_ =	swait.ge [sflag:s17], $0x200  }
0x102: {  	[sflag:s17] =	ssyncset.done $0x0  }
0x103: {  	[sflag:s17] =	ssyncadd.s32 $0xFFFFFE00  }
0x104: {  	_ =	swait.ge [sflag:s17], $0x200  }
0x105: {  	[sflag:s17] =	ssyncset.done $0x0  }
0x106: {  	[sflag:s17] =	ssyncadd.s32 $0xFFFFFE00  }
0x107: {  	_ =	swait.ge [sflag:s17], $0x200  }
0x108: {  	[sflag:s17] =	ssyncset.done $0x0  }
0x109: {  	[sflag:s17] =	ssyncadd.s32 $0xFFFFFE00  }
0x10a: {  	_ =	swait.ge [sflag:s17], $0x200  }
0x10b: {  	[sflag:s17] =	ssyncset.done $0x0  }
0x10c: {  	[sflag:s17] =	ssyncadd.s32 $0xFFFFFE00  }
0x10d: {  	[tilespmem:s19], [sflag:$0x2] =	stream.indirect.gather [hbm4b:s4+s18], $0x20, s3, s18, $0xb8;
	[tilespmem:$0xE800] =	vst v63  }
0x10e: {  	_ = 	snop  }
0x10f: {  	[tilespmem:s20], [sflag:$0x2] =	stream.indirect.gather [hbm4b:s4+s18], $0x20, s18, s18, $0xb8;
	[tilespmem:$0xE800] =	vst v63  }
0x110: {  	s12 =	rddreg [dreg:$0x5]  }
0x111: {  	[tilespmem:s21], [sflag:$0x2] =	stream.indirect.gather [hbm4b:s4+s18], $0x20, s12, s18, $0xb8;
	[tilespmem:$0xE800] =	vst v63  }
0x112: {  	s24 =	rddreg [dreg:$0x6]  }
0x113: {  	[tilespmem:s22], [sflag:$0x2] =	stream.indirect.gather [hbm4b:s4+s18], $0x20, s24, s18, $0xb8;
	[tilespmem:$0xE800] =	vst v63  }
0x114: {  	_ = 	snop  }
0x115: {  	[tilespmem:s23], [sflag:$0x2] =	stream.indirect.gather [hbm4b:s4+s18], $0x20, s15, s18, $0xb8;
	[tilespmem:$0xE800] =	vst v63  }
0x116: {  	s10 =	rddreg [dreg:$0x7]  }
0x117: {  	[tilespmem:s25], [sflag:$0x2] =	stream.indirect.gather [hbm4b:s4+s18], $0x20, s10, s18, $0xb8;
	[tilespmem:$0xE800] =	vst v63  }
0x118: {  	s11 =	rddreg [dreg:$0x8]  }
0x119: {  	[tilespmem:s26], [sflag:$0x2] =	stream.indirect.gather [hbm4b:s4+s18], $0x20, s11, s18, $0xb8;
	[tilespmem:$0xE800] =	vst v63  }
0x11a: {  	_ = 	snop  }
0x11b: {  	[tilespmem:s29], [sflag:$0x2] =	stream.indirect.gather [hbm4b:s4+s18], $0x20, s28, s18, $0xb8;
	[tilespmem:$0xE800] =	vst v63  }
0x11c: {  	_ =	swait.ge [sflag:s30], $0x1000  }
0x11d: {  	[sflag:s30] =	ssyncset.done $0x0  }
0x11e: {  	[sflag:s30] =	ssyncadd.s32 $0xFFFFF000  }
0x11f: {  	_ =	swait.ge [sflag:s30], $0x1000  }
0x120: {  	[sflag:s30] =	ssyncset.done $0x0  }
0x121: {  	[sflag:s30] =	ssyncadd.s32 $0xFFFFF000  }
0x122: {  	_ =	swait.ge [sflag:s30], $0x1000  }
0x123: {  	[sflag:s30] =	ssyncset.done $0x0  }
0x124: {  	[sflag:s30] =	ssyncadd.s32 $0xFFFFF000  }
0x125: {  	_ =	swait.ge [sflag:s30], $0x1000  }
0x126: {  	[sflag:s30] =	ssyncset.done $0x0  }
0x127: {  	[sflag:s30] =	ssyncadd.s32 $0xFFFFF000  }
0x128: {  	_ =	swait.ge [sflag:s30], $0x1000  }
0x129: {  	[sflag:s30] =	ssyncset.done $0x0  }
0x12a: {  	[sflag:s30] =	ssyncadd.s32 $0xFFFFF000  }
0x12b: {  	_ =	swait.ge [sflag:s30], $0x1000  }
0x12c: {  	[sflag:s30] =	ssyncset.done $0x0  }
0x12d: {  	[sflag:s30] =	ssyncadd.s32 $0xFFFFF000  }
0x12e: {  	_ =	swait.ge [sflag:s30], $0x1000  }
0x12f: {  	[sflag:s30] =	ssyncset.done $0x0  }
0x130: {  	[sflag:s30] =	ssyncadd.s32 $0xFFFFF000  }
0x131: {  	_ =	swait.ge [sflag:s30], $0x1000  }
0x132: {  	[sflag:s30] =	ssyncset.done $0x0  }
0x133: {  	[sflag:s30] =	ssyncadd.s32 $0xFFFFF000  }
0x134: {  	[spmem:s1] =	stream.indirect.scatter.add.f32 [tilespmem:s19], [sflag:$0x3], $0x20, s14, s18, $0xb8;
	[tilespmem:$0xE800] =	vst v63  }
0x135: {  	_ = 	snop  }
0x136: {  	[spmem:s1] =	stream.indirect.scatter.add.f32 [tilespmem:s20], [sflag:$0x3], $0x20, s31, s18, $0xb8;
	[tilespmem:$0xE800] =	vst v63  }
0x137: {  	_ = 	snop  }
0x138: {  	[spmem:s1] =	stream.indirect.scatter.add.f32 [tilespmem:s21], [sflag:$0x3], $0x20, s0, s18, $0xb8;
	[tilespmem:$0xE800] =	vst v63  }
0x139: {  	_ = 	snop  }
0x13a: {  	[spmem:s1] =	stream.indirect.scatter.add.f32 [tilespmem:s22], [sflag:$0x3], $0x20, s2, s18, $0xb8;
	[tilespmem:$0xE800] =	vst v63  }
0x13b: {  	_ = 	snop  }
0x13c: {  	[spmem:s1] =	stream.indirect.scatter.add.f32 [tilespmem:s23], [sflag:$0x3], $0x20, s16, s18, $0xb8;
	[tilespmem:$0xE800] =	vst v63  }
0x13d: {  	_ = 	snop  }
0x13e: {  	[spmem:s1] =	stream.indirect.scatter.add.f32 [tilespmem:s25], [sflag:$0x3], $0x20, s5, s18, $0xb8;
	[tilespmem:$0xE800] =	vst v63  }
0x13f: {  	_ = 	snop  }
0x140: {  	[spmem:s1] =	stream.indirect.scatter.add.f32 [tilespmem:s26], [sflag:$0x3], $0x20, s7, s18, $0xb8;
	[tilespmem:$0xE800] =	vst v63  }
0x141: {  	_ = 	snop  }
0x142: {  	[spmem:s1] =	stream.indirect.scatter.add.f32 [tilespmem:s29], [sflag:$0x3], $0x20, s8, s18, $0xb8;
	[tilespmem:$0xE800] =	vst v63  }
0x143: {  	_ =	swait.ge [sflag:s9], $0x1000  }
0x144: {  	[sflag:s9] =	ssyncset.done $0x0  }
0x145: {  	[sflag:s9] =	ssyncadd.s32 $0xFFFFF000  }
0x146: {  	_ =	swait.ge [sflag:s9], $0x1000  }
0x147: {  	[sflag:s9] =	ssyncset.done $0x0  }
0x148: {  	[sflag:s9] =	ssyncadd.s32 $0xFFFFF000  }
0x149: {  	_ =	swait.ge [sflag:s9], $0x1000  }
0x14a: {  	[sflag:s9] =	ssyncset.done $0x0  }
0x14b: {  	[sflag:s9] =	ssyncadd.s32 $0xFFFFF000  }
0x14c: {  	_ =	swait.ge [sflag:s9], $0x1000  }
0x14d: {  	[sflag:s9] =	ssyncset.done $0x0  }
0x14e: {  	[sflag:s9] =	ssyncadd.s32 $0xFFFFF000  }
0x14f: {  	_ =	swait.ge [sflag:s9], $0x1000  }
0x150: {  	[sflag:s9] =	ssyncset.done $0x0  }
0x151: {  	[sflag:s9] =	ssyncadd.s32 $0xFFFFF000  }
0x152: {  	_ =	swait.ge [sflag:s9], $0x1000  }
0x153: {  	[sflag:s9] =	ssyncset.done $0x0  }
0x154: {  	[sflag:s9] =	ssyncadd.s32 $0xFFFFF000  }
0x155: {  	_ =	swait.ge [sflag:s9], $0x1000  }
0x156: {  	[sflag:s9] =	ssyncset.done $0x0  }
0x157: {  	[sflag:s9] =	ssyncadd.s32 $0xFFFFF000  }
0x158: {  	_ =	swait.ge [sflag:s9], $0x1000  }
0x159: {  	[sflag:s9] =	ssyncset.done $0x0  }
0x15a: {  	[sflag:s9] =	ssyncadd.s32 $0xFFFFF000  }
0x15b: {  	s12 =	stileid.u32;
	[bflag:$0x0] =	sbarrier.arrive $0xFFFF  }
0x15c: {  	s6 =	sshll.u32 s12, $0x6;
	s11 =	rddreg [dreg:$0xa]  }
0x15d: {  	s6 =	sor.u32 $0x1C04, s6;
	s12 =	rddreg [dreg:$0x10];
	s24 =	sshrl.u32 s11, $0x3  }
0x15e: {  	[hbm:s12], [sflag:s6] =	dma.local [spmem:s24], $0xA00  }
0x15f: {  	_ =	swait.ge [sflag:s13], $0xA00  }
0x160: {  	s12 =	rddreg [dreg:$0x11]  }
0x161: {  	s24 =	rddreg [dreg:$0xf];
	s10 =	sadd.s32 $0x1, s12  }
0x162: {  	p0 =	sne.s32 s10, s24  }
.Ltmp1:
0x163: {  	_ = 	snop;
	(pc) =	sbr.rel @p0 .LBB2_1-.Ltmp1, $3  }
0x164: {  	_ =	sdelay $0x1  }
0x165: {  	[sflag:s13] =	ssyncset.done $0x0  }
0x166: {  	[sflag:s13] =	ssyncadd.s32 $0xFFFFF600  }
0x167: {  	_ =	sfence.sel $0x180000  }
0x168: {  	[bflag:$0x0] =	sbarrier.arrive $0xFFFF  }
0x169: {  	_ =	strace $0x9000004A  }
0x16a: {  	s0 =	stileid.u32;
	[bflag:$0x2] =	sbarrier.arrive $0xFFFF  }
0x16b: {  	p0 =	sne.s32 s0, $0x0;
	s0 =	rddreg [dreg:$0x2]  }
0x16c: {  	s0 =	sadd.s32 @!p0 $0x100000, s0  }
0x16d: {  	[sflag:s0] =	ssyncadd.tile.s32 @!p0 $0x1;
	_ =	shalt  }
.Lfunc_end2:
_tile_overlayer_lowered:
.L_overlay_start_2:
0x16e: {  	(tag) =	ssettag $0x2  }
0x16f: {  	s0 =	rddreg [dreg:$0x0];
	s2 =	stileid.u32  }
0x170: {  	s1 =	rddreg [dreg:$0x1];
	p0 =	sne.s32 s2, $0x0  }
0x171: {  	s3 =	rddreg [dreg:$0x2];
	[bflag:$0x3] =	sbarrier.arrive $0xFFFF;
	s2 =	simm.s32 @!p0 $0x1C04  }
0x172: {  	[timem:s3], [sflag:s2] =	dma.local @!p0 [hbm:s0], s1  }
0x173: {  	s0 =	simm.s32 @!p0 $0x4  }
0x174: {  	_ =	swait.ge @!p0 [sflag:s0], s1  }
0x175: {  	s1 =	ssub.s32 @!p0 $0x0, s1;
	[sflag:s0] =	ssyncset.done @!p0 $0x0  }
0x176: {  	[sflag:s0] =	ssyncadd.s32 @!p0 s1  }
0x177: {  	[bflag:$0x3] =	sbarrier.arrive $0xFFFF  }
0x178: {  	_ =	shalt  }

// kernel: kernel.15.cloned.1.call-start
scs
__scs_entry_jumppad:
0x0: {  	(pc) =	sbr.rel $0x88, $3  }
0x1: {  	(tag) =	ssettag $0x0;
	lr =	simm.s32 $0x1  }
0x2: {  	[smem:$0x3F98] =	sst lr;
	_ =	strace $0xD0000000  }
0x3: {  	_ = 	snop  }
0x4: {  	_ = 	snop  }
0x5: {  	_ = 	snop  }
0x6: {  	_ = 	snop  }
0x7: {  	_ = 	snop  }
__scs_overlays_trampoline_lowered:
0x8: {  	[smem:$0x3FA7] =	sst s0  }
0x9: {  	[smem:$0x3FA8] =	sst s1  }
0xa: {  	[smem:$0x3FA9] =	sst s2  }
0xb: {  	[smem:$0x3FAA] =	sst s3  }
0xc: {  	[smem:$0x3FAB] =	sst s4  }
0xd: {  	[smem:$0x3FAC] =	sst s5  }
0xe: {  	[smem:$0x3FAD] =	sst s6  }
0xf: {  	[smem:$0x3FAE] =	sst s7  }
0x10: {  	[smem:$0x3FAF] =	sst s8  }
0x11: {  	[smem:$0x3FB0] =	sst s9;
	s0 =	simm.s32 @!p0 $0x0  }
0x12: {  	s1 =	sld [smem:$0x3F96];
	s0 =	simm.s32 @p0 $0x1  }
0x13: {  	[smem:$0x3FB1] =	sst s0;
	s0 =	simm.s32 @!p1 $0x0  }
0x14: {  	s2 =	sld [smem:$0x3F95];
	s0 =	simm.s32 @p1 $0x1  }
0x15: {  	[smem:$0x3FB2] =	sst s0;
	s0 =	simm.s32 @!p2 $0x0  }
0x16: {  	s3 =	sld [smem:$0x3FDB];
	s0 =	simm.s32 @p2 $0x1  }
0x17: {  	s4 =	simm.s32 $0x1BF5;
	[smem:$0x3FB4] =	sst s0  }
0x18: {  	s0 =	sld [smem:$0x3F97];
	_ =	swait.ge [sflag:s4], $0x0  }
0x19: {  	s7 =	sld [smem:$0x3F98]  }
0x1a: {  	s8 =	sadd.s32 $0xFFFFE003, lr  }
0x1b: {  	s9 =	sadd.s32 $0xFFFFFEF7, lr;
	s5 =	simm.s32 $0xFFFFFFFF;
	p2 =	slt.u32 s8, $0xFFFFF086  }
0x1c: {  	p1 =	slt.u32 s9, $0xF7A;
	s5 =	simm.s32 @!p2 $0x0  }
0x1d: {  	s5 =	simm.s32 @p1 $0x1;
	p0 =	seq.s32 s7, s2  }
0x1e: {  	s7 =	smul.u32 @!p0 $0xF7A, s2;
	p2 =	seq.s32 @!p0 s5, $0x0  }
0x1f: {  	s9 =	smul.u32 $0xF7A, s1;
	s8 =	simm.s32 @!p0 $0x1BF5;
	p2 =	por !p2, p0  }
0x20: {  	[sflag:s8] =	ssyncset.s32 @!p0 $0xFFFFF086;
	s6 =	sadd.s32 @!p0 s3, s7;
	s7 =	simm.s32 @!p0 $0x108  }
0x21: {  	s3 =	sadd.s32 s3, s9;
	s6 =	sadd.s32 @!p0 $0x88, s6;
	s7 =	simm.s32 @p2 $0x1082  }
0x22: {  	[simem:s7], [sflag:s8] =	dma.local @!p0 [hbm:s6], $0xF7A  }
0x23: {  	s9 =	sor.u32 $0xD0000000, s2;
	s6 =	simm.s32 $0x108;
	_ =	swait.ge @!p0 [sflag:s8], $0x0  }
0x24: {  	s3 =	sadd.s32 $0x88, s3;
	s6 =	simm.s32 @!p1 $0x1082;
	[sflag:s4] =	ssyncset.s32 $0xFFFFF086  }
0x25: {  	[simem:s6], [sflag:s4] =	dma.local [hbm:s3], $0xF7A  }
0x26: {  	[smem:$0x3F98] =	sst s1;
	(tag) =	ssettag s2;
	_ =	strace s9  }
0x27: {  	s1 =	sld [smem:$0x3FA8]  }
0x28: {  	s2 =	sld [smem:$0x3FA9]  }
0x29: {  	s4 =	sld [smem:$0x3FAB]  }
0x2a: {  	p0 =	seq.s32 s5, $0x0;
	s5 =	sld [smem:$0x3FAC]  }
0x2b: {  	s6 =	sld [smem:$0x3FAD]  }
0x2c: {  	s7 =	sld [smem:$0x3FAE]  }
0x2d: {  	s3 =	simm.s32 $0x108;
	s8 =	sld [smem:$0x3FAF]  }
0x2e: {  	s3 =	simm.s32 @!p0 $0x1082;
	s9 =	sld [smem:$0x3FB0]  }
0x2f: {  	lr =	sadd.s32 s0, s3;
	s0 =	sld [smem:$0x3FA7]  }
0x30: {  	s3 =	sld [smem:$0x3FAA]  }
0x31: {  	[smem:$0x3FB3] =	sst s10  }
0x32: {  	s10 =	sld [smem:$0x3FB1];
	_ =	sdelay $0x3  }
0x33: {  	p0 =	seq.s32 s10, $0x1;
	s10 =	sld [smem:$0x3FB3];
	_ =	sdelay $0x3  }
0x34: {  	[smem:$0x3FB3] =	sst s10  }
0x35: {  	s10 =	sld [smem:$0x3FB2];
	_ =	sdelay $0x3  }
0x36: {  	p1 =	seq.s32 s10, $0x1;
	s10 =	sld [smem:$0x3FB3];
	_ =	sdelay $0x3  }
0x37: {  	[smem:$0x3FB3] =	sst s10  }
0x38: {  	s10 =	sld [smem:$0x3FB4]  }
0x39: {  	_ = 	snop;
	(pc) =	sbr.ind lr, $3  }
0x3a: {  	_ = 	snop  }
0x3b: {  	_ = 	snop  }
0x3c: {  	p2 =	seq.s32 s10, $0x1;
	s10 =	sld [smem:$0x3FB3]  }
0x3d: {  	_ =	shalt  }
0x3e: {  	_ =	shalt  }
0x3f: {  	_ =	shalt  }
0x40: {  	_ =	shalt  }
0x41: {  	_ =	shalt  }
0x42: {  	_ =	shalt  }
0x43: {  	_ =	shalt  }
0x44: {  	_ =	shalt  }
0x45: {  	_ =	shalt  }
0x46: {  	_ =	shalt  }
0x47: {  	_ =	shalt  }
0x48: {  	_ =	shalt  }
0x49: {  	_ =	shalt  }
0x4a: {  	_ =	shalt  }
0x4b: {  	_ =	shalt  }
0x4c: {  	_ =	shalt  }
0x4d: {  	_ =	shalt  }
0x4e: {  	_ =	shalt  }
0x4f: {  	_ =	shalt  }
0x50: {  	_ =	shalt  }
0x51: {  	_ =	shalt  }
0x52: {  	_ =	shalt  }
0x53: {  	_ =	shalt  }
0x54: {  	_ =	shalt  }
0x55: {  	_ =	shalt  }
0x56: {  	_ =	shalt  }
0x57: {  	_ =	shalt  }
0x58: {  	_ =	shalt  }
0x59: {  	_ =	shalt  }
0x5a: {  	_ =	shalt  }
0x5b: {  	_ =	shalt  }
0x5c: {  	_ =	shalt  }
0x5d: {  	_ =	shalt  }
0x5e: {  	_ =	shalt  }
0x5f: {  	_ =	shalt  }
0x60: {  	_ =	shalt  }
0x61: {  	_ =	shalt  }
0x62: {  	_ =	shalt  }
0x63: {  	_ =	shalt  }
0x64: {  	_ =	shalt  }
0x65: {  	_ =	shalt  }
0x66: {  	_ =	shalt  }
0x67: {  	_ =	shalt  }
0x68: {  	_ =	shalt  }
0x69: {  	_ =	shalt  }
0x6a: {  	_ =	shalt  }
0x6b: {  	_ =	shalt  }
0x6c: {  	_ =	shalt  }
0x6d: {  	_ =	shalt  }
0x6e: {  	_ =	shalt  }
0x6f: {  	_ =	shalt  }
0x70: {  	_ =	shalt  }
0x71: {  	_ =	shalt  }
0x72: {  	_ =	shalt  }
0x73: {  	_ =	shalt  }
0x74: {  	_ =	shalt  }
0x75: {  	_ =	shalt  }
0x76: {  	_ =	shalt  }
0x77: {  	_ =	shalt  }
0x78: {  	_ =	shalt  }
0x79: {  	_ =	shalt  }
0x7a: {  	_ =	shalt  }
0x7b: {  	_ =	shalt  }
0x7c: {  	_ =	shalt  }
0x7d: {  	_ =	shalt  }
0x7e: {  	_ =	shalt  }
0x7f: {  	_ =	shalt  }
0x80: {  	_ =	shalt  }
0x81: {  	_ =	shalt  }
0x82: {  	_ =	shalt  }
0x83: {  	_ =	shalt  }
0x84: {  	_ =	shalt  }
0x85: {  	_ =	shalt  }
0x86: {  	_ =	shalt  }
0x87: {  	_ =	shalt  }
.Lfunc_end0:
.L_simem_size_0:
called_computation.2_lowered:
.L_overlay_start_0:
0x88: {  	s2 =	sld [smem:$0x3FD9]  }
0x89: {  	s3 =	sld [smem:$0x3FFE];
	_ =	sdelay $0x1  }
0x8a: {  	s1 =	srdreg.scid  }
0x8b: {  	s0 =	sand.u32 $0x1, s1  }
0x8c: {  	s16 =	sshll.u32 s0, $0xA;
	s2 =	sadd.s32 s3, s2  }
0x8d: {  	s2 =	sadd.s32 s2, s16  }
0x8e: {  	[smem:$0x3FBF] =	sst s2  }
0x8f: {  	_ = 	snop  }
0x90: {  	(tm) =	ssettm $0x1  }
0x91: {  	s17 =	sld [smem:$0x3FFB];
	_ =	sdelay $0x3  }
0x92: {  	_ =	strace s17  }
0x93: {  	s2 =	sld [smem:$0x3FFC];
	_ =	sdelay $0x3  }
0x94: {  	_ =	strace s2  }
0x95: {  	s2 =	sld [smem:$0x3FFD];
	_ =	sdelay $0x3  }
0x96: {  	_ =	strace s2  }
0x97: {  	_ =	strace $0x8FFFFFFF  }
0x98: {  	s18 =	sld [smem:$0x3FDB];
	_ =	sdelay $0x1  }
0x99: {  	s19 =	simm.s32 $_scs_section_size  }
0x9a: {  	s4 =	simm.s32 $_size__tile_overlayer_lowered;
	s5 =	simm.s32 $_tile_overlayer_lowered  }
0x9b: {  	s22 =	simm.s32 $0x1BFF;
	s21 =	sshll.u32 s5, $0x1;
	s2 =	sadd.s32 s19, s18  }
0x9c: {  	s6 =	simm.s32 $0x0;
	s20 =	sshll.u32 s4, $0x1;
	s4 =	sadd.s32 s21, s2  }
0x9d: {  	[timem:s6], [sflag:s22] =	dma.local [hbm:s4], s20  }
0x9e: {  	_ =	swait.ge [sflag:s22], s20  }
0x9f: {  	s3 =	ssub.s32 $0x0, s20;
	[sflag:s22] =	ssyncset.done $0x0  }
0xa0: {  	[sflag:s22] =	ssyncadd.s32 s3;
	_ =	sdelay $0x1  }
0xa1: {  	s23 =	simm.s32 $0x1B8B  }
0xa2: {  	_ =	swait.ge [sflag:s23], $0x1  }
0xa3: {  	[sflag:s23] =	ssyncset.done $0x0  }
0xa4: {  	s25 =	simm.s32 $0x1B8E;
	s24 =	sld [smem:$0x3FFE];
	[sflag:s23] =	ssyncadd.s32 $0xFFFFFFFF  }
0xa5: {  	s26 =	simm.s32 $execute0_lowered;
	[smem:$0x3FD2] =	sst s25  }
0xa6: {  	s4 =	sshll.u32 s26, $0x1;
	_ =	strace $0x8000004C;
	[dreg:$0x1] =	wrdreg $0xFFFFFFFF  }
0xa7: {  	s28 =	simm.s32 $_size_execute0_lowered;
	s2 =	sadd.s32 s2, s4;
	[dreg:$0x0] =	wrdreg $0x0  }
0xa8: {  	s4 =	sshll.u32 s28, $0x1;
	[dreg:$0x2] =	wrdreg s2  }
0xa9: {  	[dreg:$0x3] =	wrdreg s4  }
0xaa: {  	[dreg:$0x4] =	wrdreg $0xC0  }
0xab: {  	_ =	task [dreg:s6], $0x5FFFF  }
0xac: {  	[dreg:$0x1] =	wrdreg $0xFFFFFFFF  }
0xad: {  	[dreg:$0x0] =	wrdreg $0x60  }
0xae: {  	[dreg:$0x2] =	wrdreg s24  }
0xaf: {  	[dreg:$0x3] =	wrdreg $0xD9000  }
0xb0: {  	[dreg:$0x4] =	wrdreg $0x129000  }
0xb1: {  	[dreg:$0x5] =	wrdreg $0x12A000  }
0xb2: {  	[dreg:$0x6] =	wrdreg $0x9  }
0xb3: {  	_ =	task.clear_ibuf [dreg:s6], $0x7FFFF;
	_ =	strace $0x9000004C  }
0xb4: {  	s29 =	simm.s32 $0x9;
	_ =	strace $0x8000004E  }
0xb5: {  	_ =	swait.ge [sflag:s29], $0x1  }
0xb6: {  	[sflag:s29] =	ssyncadd.s32 $0xFFFFFFFF  }
0xb7: {  	_ =	strace $0x9000004E  }
0xb8: {  	_ =	sfence  }
0xb9: {  	s30 =	sld [smem:$0x0];
	_ =	sdelay $0x2  }
0xba: {  	s31 =	sshll.u32 s1, $0xD;
	s1 =	sshrl.u32 s1, $0x2  }
0xbb: {  	s3 =	sand.u32 $0x4000, s31;
	s1 =	sadd.s32 s1, s30  }
0xbc: {  	s0 =	sor.u32 s3, s0;
	s1 =	sshll.u32 s1, $0x11  }
0xbd: {  	s0 =	sor.u32 s1, s0  }
0xbe: {  	s0 =	sadd.s32 $0x8F2B, s0  }
0xbf: {  	[sflag:s0] =	ssyncadd.remote.s32 $0x1  }
0xc0: {  	_ =	sfence.sel $0xFFFF  }
0xc1: {  	[dreg:$0x0] =	wrdreg $0xFFFFFFFF;
	(pc) =	sbr.abs _section_cstart, $3  }
0xc2: {  	[dreg:$0x1] =	wrdreg $0xFFFFFFFF  }
0xc3: {  	_ =	task.clear_ibuf [dreg:s6], $0x2FFFF;
	_ =	strace $0x9FFFFFFF  }
0xc4: {  	(tm) =	ssettm $0x7FFFFFFF  }
0xc5: {  	_ =	shalt  }
tec
execute0_lowered:
.L_overlay_start_1:
0x0: {  	(tag) =	ssettag $0x1  }
0x1: {  	s0 =	rddreg [dreg:$0x0]  }
0x2: {  	s1 =	rddreg [dreg:$0x1]  }
0x3: {  	s16 =	rddreg [dreg:$0x2]  }
0x4: {  	s17 =	rddreg [dreg:$0x3]  }
0x5: {  	s4 =	simm.s32 $0x0;
	s2 =	srdreg.scid;
	s18 =	stileid.u32  }
0x6: {  	p2 =	por $0x0, $0x0;
	s28 =	simm.s32 $0x2;
	s29 =	simm.s32 $0x480  }
0x7: {  	[smem:$0x7FF] =	sst s4;
	s5 =	sadd.s32 $0x1800, s0;
	s3 =	sadd.s32 $0x34400, s0  }
0x8: {  	s2 =	sand.u32 $0x1, s2;
	s6 =	sadd.s32 $0x15A00, s0;
	s7 =	sshll.u32 s18, $0x7  }
0x9: {  	s11 =	smul.u32 $0x280, s18;
	p0 =	sne.s32 s18, $0x0;
	_ =	strace $0x8000004D  }
0xa: {  	s8 =	ssub.s32 $0x2, s2;
	s9 =	sshll.u32 s2, $0x9;
	s7 =	sadd.s32 s7, s0  }
0xb: {  	s15 =	sshll.u32 s2, $0x6;
	s16 =	smov.u32 @p0 s17;
	s10 =	sshrl.u32 s8, $0x1  }
0xc: {  	s9 =	sadd.s32 s9, s0;
	s12 =	sadd.s32 $0x100, s11;
	s13 =	sadd.s32 $0x180, s11  }
0xd: {  	s14 =	sadd.s32 $0x200, s11;
	s22 =	sadd.s32 s15, s7;
	s15 =	simm.s32 $0x180  }
0xe: {  	s0 =	sadd.s32 $0x15800, s0;
	[smem:$0x7FD] =	sst s16;
	s8 =	ssub.s32 s8, s10  }
0xf: {  	s10 =	sadd.s32 $0x80, s11;
	s11 =	sshrl.u32 s11, $0x3;
	[dreg:$0x8] =	wrdreg s15  }
0x10: {  	s30 =	simm.s32 $0x500;
	[dreg:$0x15] =	wrdreg s0;
	s25 =	sadd.s32 s3, s11  }
0x11: {  	s20 =	sshrl.u32 s12, $0x3;
	s11 =	sadd.s32 s6, s11;
	[dreg:$0xb] =	wrdreg s25  }
0x12: {  	s31 =	simm.s32 $0x580;
	s21 =	sadd.s32 s3, s20;
	[dreg:$0xc] =	wrdreg s11  }
0x13: {  	s24 =	sshrl.u32 s13, $0x3;
	s23 =	sadd.s32 s6, s20;
	[dreg:$0xf] =	wrdreg s21  }
0x14: {  	s26 =	sshrl.u32 s10, $0x3;
	s7 =	sadd.s32 s6, s24;
	[dreg:$0x10] =	wrdreg s23  }
0x15: {  	p1 =	seq.s32 s2, $0x0;
	s19 =	sadd.s32 s3, s26;
	[dreg:$0x12] =	wrdreg s7  }
0x16: {  	s17 =	simm.s32 $0x4800;
	s2 =	sadd.s32 s6, s26;
	[dreg:$0xd] =	wrdreg s19  }
0x17: {  	s16 =	simm.s32 $0x3800;
	s26 =	sadd.s32 s3, s24;
	[dreg:$0xe] =	wrdreg s2  }
0x18: {  	s25 =	sadd.s32 $0x16400, s22;
	s7 =	simm.s32 $0x100;
	[dreg:$0x11] =	wrdreg s26  }
0x19: {  	s11 =	sshrl.u32 s14, $0x3;
	s21 =	simm.s32 $0x300;
	[dreg:$0x5] =	wrdreg s25  }
0x1a: {  	s23 =	sshll.u32 s12, $0x5;
	s2 =	sadd.s32 $0xB800, s22;
	[dreg:$0x7] =	wrdreg s7  }
0x1b: {  	s3 =	sadd.s32 s3, s11;
	s19 =	simm.s32 $0x280;
	s20 =	sadd.s32 s6, s11  }
0x1c: {  	s22 =	sshll.u32 s10, $0x5;
	[dreg:$0xa] =	wrdreg s21;
	s25 =	sadd.s32 s23, s1  }
0x1d: {  	s26 =	smul.u32 $0x5000, s18;
	s6 =	sshll.u32 s13, $0x5;
	[dreg:$0x6] =	wrdreg s2  }
0x1e: {  	s7 =	sshll.u32 s14, $0x5;
	s21 =	sshll.u32 s13, $0x2;
	[dreg:$0x13] =	wrdreg s3  }
0x1f: {  	s23 =	sshll.u32 s14, $0x2;
	s13 =	simm.s32 $0x800;
	[dreg:$0x14] =	wrdreg s20  }
0x20: {  	s14 =	simm.s32 $0x1800;
	[dreg:$0x9] =	wrdreg s19;
	s24 =	sadd.s32 s22, s1  }
0x21: {  	[dreg:$0x17] =	wrdreg s25;
	s2 =	sadd.s32 s6, s1;
	s11 =	sadd.s32 s7, s1  }
0x22: {  	s19 =	sshll.u32 s10, $0x2;
	s20 =	sshll.u32 s12, $0x2;
	s22 =	sadd.s32 s5, s21  }
0x23: {  	s25 =	sadd.s32 $0x16000, s9;
	s10 =	simm.s32 $0x600;
	[dreg:$0x16] =	wrdreg s24  }
0x24: {  	s12 =	simm.s32 $0x80;
	s21 =	simm.s32 $0xC800;
	[dreg:$0x18] =	wrdreg s2  }
0x25: {  	s6 =	simm.s32 $0x0;
	[dreg:$0x19] =	wrdreg s11;
	s15 =	sadd.s32 s26, s1  }
0x26: {  	s0 =	sshrl.u32 s26, $0x3;
	s2 =	simm.f32 $1.000000000e+00;
	[dreg:$0x1e] =	wrdreg s22  }
0x27: {  	s24 =	sadd.s32 $0x20400, s9;
	[smem:$0x7FB] =	sst s25;
	s26 =	smax.u32 s8, $0x1  }
0x28: {  	s22 =	simm.s32 $0x4;
	s8 =	simm.s32 $0x400;
	s9 =	simm.s32 $0x200  }
0x29: {  	s11 =	simm.s32 $0x1;
	s25 =	simm.s32 $0x380;
	[dreg:$0x1a] =	wrdreg s15  }
0x2a: {  	s2 =	simm.s32 @!p1 $0x0;
	s0 =	sadd.s32 s5, s0;
	[smem:$0x7FA] =	sst s24  }
0x2b: {  	[smem:$0x7FC] =	sst s26;
	p1 =	sgt.u32 s18, $0x1;
	s15 =	simm.s32 $0x2800  }
0x2c: {  	s24 =	simm.s32 $0x6800;
	s26 =	simm.s32 $0x7800;
	s18 =	simm.s32 $0x700  }
0x2d: {  	[dreg:$0x1b] =	wrdreg s0;
	s0 =	sadd.s32 s5, s19;
	p2 =	por @!p1 p0, p0  }
0x2e: {  	s19 =	simm.s32 $0x780;
	[dreg:$0x1c] =	wrdreg s0;
	s0 =	sadd.s32 s5, s20  }
0x2f: {  	s20 =	simm.s32 $0x3;
	[dreg:$0x1d] =	wrdreg s0;
	s0 =	sadd.s32 s5, s23  }
0x30: {  	v0 =	vmov s2;
	s23 =	simm.s32 $0x5800;
	[dreg:$0x1f] =	wrdreg s0;
	s0 =	simm.s32 $0x680  }
.LBB2_1:
0x31: {  	[smem:$0x7F9] =	sst s6  }
0x32: {  	s2 =	rddreg [dreg:$0x15];
	s3 =	simm.s32 $0xC900  }
0x33: {  	[tilespmem:s3], [sflag:$0x4] =	stream.linear.gather [hbm4b:s2+s4], $0x1000, $0x38;
	[tilespmem:$0x12B00] =	vst v63  }
0x34: {  	_ =	swait.ge [sflag:s22], $0x1000  }
0x35: {  	[sflag:s22] =	ssyncset.done $0x0  }
0x36: {  	s7 =	rddreg [dreg:$0x1a];
	[sflag:s22] =	ssyncadd.s32 $0xFFFFF000  }
0x37: {  	[spmem:s7] =	stream.linear.scatter [tilespmem:s3], [sflag:$0x4], $0x1000, $0x38;
	[tilespmem:$0x12B00] =	vst v63  }
0x38: {  	_ =	swait.ge [sflag:s22], $0x1000  }
0x39: {  	[sflag:s22] =	ssyncset.done $0x0  }
0x3a: {  	s6 =	rddreg [dreg:$0x16];
	[sflag:s22] =	ssyncadd.s32 $0xFFFFF000  }
0x3b: {  	[spmem:s6] =	stream.linear.scatter [tilespmem:s3], [sflag:$0x4], $0x1000, $0x38;
	[tilespmem:$0x12B00] =	vst v63  }
0x3c: {  	_ =	swait.ge [sflag:s22], $0x1000  }
0x3d: {  	[sflag:s22] =	ssyncset.done $0x0  }
0x3e: {  	s7 =	rddreg [dreg:$0x17];
	[sflag:s22] =	ssyncadd.s32 $0xFFFFF000  }
0x3f: {  	[spmem:s7] =	stream.linear.scatter [tilespmem:s3], [sflag:$0x4], $0x1000, $0x38;
	[tilespmem:$0x12B00] =	vst v63  }
0x40: {  	_ =	swait.ge [sflag:s22], $0x1000  }
0x41: {  	[sflag:s22] =	ssyncset.done $0x0  }
0x42: {  	s6 =	rddreg [dreg:$0x18];
	[sflag:s22] =	ssyncadd.s32 $0xFFFFF000  }
0x43: {  	[spmem:s6] =	stream.linear.scatter [tilespmem:s3], [sflag:$0x4], $0x1000, $0x38;
	[tilespmem:$0x12B00] =	vst v63  }
0x44: {  	_ =	swait.ge [sflag:s22], $0x1000  }
0x45: {  	[sflag:s22] =	ssyncset.done $0x0  }
0x46: {  	s7 =	rddreg [dreg:$0x19];
	[sflag:s22] =	ssyncadd.s32 $0xFFFFF000  }
0x47: {  	[spmem:s7] =	stream.linear.scatter [tilespmem:s3], [sflag:$0x4], $0x1000, $0x38;
	[tilespmem:$0x12B00] =	vst v63  }
0x48: {  	_ =	swait.ge [sflag:s22], $0x1000  }
0x49: {  	s3 =	sld [smem:$0x7FD]  }
0x4a: {  	[sflag:s22] =	ssyncset.done $0x0  }
0x4b: {  	s2 =	simm.s32 @!p1 $0xC900;
	[sflag:s22] =	ssyncadd.s32 $0xFFFFF000  }
0x4c: {  	[spmem:s3] =	stream.linear.scatter @!p1 [tilespmem:s2], [sflag:$0x4], $0x1000, $0x38;
	[tilespmem:$0x12B00] =	vst v63  }
0x4d: {  	s2 =	simm.s32 @!p1 $0x4  }
0x4e: {  	_ =	swait.ge @!p1 [sflag:s2], $0x1000  }
0x4f: {  	[sflag:s2] =	ssyncset.done @!p1 $0x0  }
0x50: {  	[sflag:s2] =	ssyncadd.s32 @!p1 $0xFFFFF000  }
0x51: {  	[bflag:$0x0] =	sbarrier.arrive $0xFFFF  }
0x52: {  	s6 =	rddreg [dreg:$0x5]  }
0x53: {  	s7 =	rddreg [dreg:$0x6];
	s2 =	sadd.s32 $0x0, s6  }
0x54: {  	[tilespmem:s4], [sflag:$0x1] =	stream.linear.gather [hbm4b:s2+s4], $0x200, $0x38;
	[tilespmem:$0x12B00] =	vst v63  }
0x55: {  	s3 =	sadd.s32 $0x0, s7  }
0x56: {  	[tilespmem:s8], [sflag:$0x1] =	stream.linear.gather [hbm4b:s3+s4], $0x200, $0x38;
	[tilespmem:$0x12B00] =	vst v63  }
0x57: {  	s2 =	sadd.s32 $0x800, s2  }
0x58: {  	[tilespmem:s9], [sflag:$0x1] =	stream.linear.gather [hbm4b:s2+s4], $0x200, $0x38;
	[tilespmem:$0x12B00] =	vst v63  }
0x59: {  	s22 =	sadd.s32 $0x800, s3  }
0x5a: {  	[tilespmem:s10], [sflag:$0x1] =	stream.linear.gather [hbm4b:s22+s4], $0x200, $0x38;
	[tilespmem:$0x12B00] =	vst v63  }
0x5b: {  	_ =	swait.ge [sflag:s11], $0x200  }
0x5c: {  	[sflag:s11] =	ssyncset.done $0x0  }
0x5d: {  	[sflag:s11] =	ssyncadd.s32 $0xFFFFFE00  }
0x5e: {  	_ =	swait.ge [sflag:s11], $0x200  }
0x5f: {  	[sflag:s11] =	ssyncset.done $0x0  }
0x60: {  	[sflag:s11] =	ssyncadd.s32 $0xFFFFFE00  }
0x61: {  	_ =	swait.ge [sflag:s11], $0x200  }
0x62: {  	[sflag:s11] =	ssyncset.done $0x0  }
0x63: {  	[sflag:s11] =	ssyncadd.s32 $0xFFFFFE00  }
0x64: {  	_ =	swait.ge [sflag:s11], $0x200  }
0x65: {  	[sflag:s11] =	ssyncset.done $0x0  }
0x66: {  	[sflag:s11] =	ssyncadd.s32 $0xFFFFFE00  }
0x67: {  	[tilespmem:s13], [sflag:$0x2] =	stream.indirect.gather [hbm4b:s5+s12], $0x20, s4, s12, $0xb8;
	[tilespmem:$0x12B00] =	vst v63  }
0x68: {  	_ = 	snop  }
0x69: {  	[tilespmem:s14], [sflag:$0x2] =	stream.indirect.gather [hbm4b:s5+s12], $0x20, s12, s12, $0xb8;
	[tilespmem:$0x12B00] =	vst v63  }
0x6a: {  	s3 =	rddreg [dreg:$0x7]  }
0x6b: {  	[tilespmem:s15], [sflag:$0x2] =	stream.indirect.gather [hbm4b:s5+s12], $0x20, s3, s12, $0xb8;
	[tilespmem:$0x12B00] =	vst v63  }
0x6c: {  	s6 =	rddreg [dreg:$0x8]  }
0x6d: {  	[tilespmem:s16], [sflag:$0x2] =	stream.indirect.gather [hbm4b:s5+s12], $0x20, s6, s12, $0xb8;
	[tilespmem:$0x12B00] =	vst v63  }
0x6e: {  	_ = 	snop  }
0x6f: {  	[tilespmem:s17], [sflag:$0x2] =	stream.indirect.gather [hbm4b:s5+s12], $0x20, s9, s12, $0xb8;
	[tilespmem:$0x12B00] =	vst v63  }
0x70: {  	s7 =	rddreg [dreg:$0x9]  }
0x71: {  	[tilespmem:s23], [sflag:$0x2] =	stream.indirect.gather [hbm4b:s5+s12], $0x20, s7, s12, $0xb8;
	[tilespmem:$0x12B00] =	vst v63  }
0x72: {  	s22 =	rddreg [dreg:$0xa]  }
0x73: {  	[tilespmem:s24], [sflag:$0x2] =	stream.indirect.gather [hbm4b:s5+s12], $0x20, s22, s12, $0xb8;
	[tilespmem:$0x12B00] =	vst v63  }
0x74: {  	_ = 	snop  }
0x75: {  	[tilespmem:s26], [sflag:$0x2] =	stream.indirect.gather [hbm4b:s5+s12], $0x20, s25, s12, $0xb8;
	[tilespmem:$0x12B00] =	vst v63  }
0x76: {  	_ =	swait.ge [sflag:s28], $0x1000  }
0x77: {  	[sflag:s28] =	ssyncset.done $0x0  }
0x78: {  	[sflag:s28] =	ssyncadd.s32 $0xFFFFF000  }
0x79: {  	_ =	swait.ge [sflag:s28], $0x1000  }
0x7a: {  	[sflag:s28] =	ssyncset.done $0x0  }
0x7b: {  	[sflag:s28] =	ssyncadd.s32 $0xFFFFF000  }
0x7c: {  	_ =	swait.ge [sflag:s28], $0x1000  }
0x7d: {  	[sflag:s28] =	ssyncset.done $0x0  }
0x7e: {  	[sflag:s28] =	ssyncadd.s32 $0xFFFFF000  }
0x7f: {  	_ =	swait.ge [sflag:s28], $0x1000  }
0x80: {  	[sflag:s28] =	ssyncset.done $0x0  }
0x81: {  	[sflag:s28] =	ssyncadd.s32 $0xFFFFF000  }
0x82: {  	_ =	swait.ge [sflag:s28], $0x1000  }
0x83: {  	[sflag:s28] =	ssyncset.done $0x0  }
0x84: {  	[sflag:s28] =	ssyncadd.s32 $0xFFFFF000  }
0x85: {  	_ =	swait.ge [sflag:s28], $0x1000  }
0x86: {  	[sflag:s28] =	ssyncset.done $0x0  }
0x87: {  	[sflag:s28] =	ssyncadd.s32 $0xFFFFF000  }
0x88: {  	_ =	swait.ge [sflag:s28], $0x1000  }
0x89: {  	[sflag:s28] =	ssyncset.done $0x0  }
0x8a: {  	[sflag:s28] =	ssyncadd.s32 $0xFFFFF000  }
0x8b: {  	_ =	swait.ge [sflag:s28], $0x1000  }
0x8c: {  	[sflag:s28] =	ssyncset.done $0x0  }
0x8d: {  	[sflag:s28] =	ssyncadd.s32 $0xFFFFF000  }
0x8e: {  	[spmem:s1] =	stream.indirect.scatter.add.f32 [tilespmem:s13], [sflag:$0x3], $0x20, s8, s12, $0xb8;
	[tilespmem:$0x12B00] =	vst v63  }
0x8f: {  	_ = 	snop  }
0x90: {  	[spmem:s1] =	stream.indirect.scatter.add.f32 [tilespmem:s14], [sflag:$0x3], $0x20, s29, s12, $0xb8;
	[tilespmem:$0x12B00] =	vst v63  }
0x91: {  	_ = 	snop  }
0x92: {  	[spmem:s1] =	stream.indirect.scatter.add.f32 [tilespmem:s15], [sflag:$0x3], $0x20, s30, s12, $0xb8;
	[tilespmem:$0x12B00] =	vst v63  }
0x93: {  	_ = 	snop  }
0x94: {  	[spmem:s1] =	stream.indirect.scatter.add.f32 [tilespmem:s16], [sflag:$0x3], $0x20, s31, s12, $0xb8;
	[tilespmem:$0x12B00] =	vst v63  }
0x95: {  	_ = 	snop  }
0x96: {  	[spmem:s1] =	stream.indirect.scatter.add.f32 [tilespmem:s17], [sflag:$0x3], $0x20, s10, s12, $0xb8;
	[tilespmem:$0x12B00] =	vst v63  }
0x97: {  	_ = 	snop  }
0x98: {  	[spmem:s1] =	stream.indirect.scatter.add.f32 [tilespmem:s23], [sflag:$0x3], $0x20, s0, s12, $0xb8;
	[tilespmem:$0x12B00] =	vst v63  }
0x99: {  	_ = 	snop  }
0x9a: {  	[spmem:s1] =	stream.indirect.scatter.add.f32 [tilespmem:s24], [sflag:$0x3], $0x20, s18, s12, $0xb8;
	[tilespmem:$0x12B00] =	vst v63  }
0x9b: {  	_ = 	snop  }
0x9c: {  	[spmem:s1] =	stream.indirect.scatter.add.f32 [tilespmem:s26], [sflag:$0x3], $0x20, s19, s12, $0xb8;
	[tilespmem:$0x12B00] =	vst v63  }
0x9d: {  	_ =	swait.ge [sflag:s20], $0x1000  }
0x9e: {  	[sflag:s20] =	ssyncset.done $0x0  }
0x9f: {  	[sflag:s20] =	ssyncadd.s32 $0xFFFFF000  }
0xa0: {  	_ =	swait.ge [sflag:s20], $0x1000  }
0xa1: {  	[sflag:s20] =	ssyncset.done $0x0  }
0xa2: {  	[sflag:s20] =	ssyncadd.s32 $0xFFFFF000  }
0xa3: {  	_ =	swait.ge [sflag:s20], $0x1000  }
0xa4: {  	[sflag:s20] =	ssyncset.done $0x0  }
0xa5: {  	[sflag:s20] =	ssyncadd.s32 $0xFFFFF000  }
0xa6: {  	_ =	swait.ge [sflag:s20], $0x1000  }
0xa7: {  	[sflag:s20] =	ssyncset.done $0x0  }
0xa8: {  	[sflag:s20] =	ssyncadd.s32 $0xFFFFF000  }
0xa9: {  	_ =	swait.ge [sflag:s20], $0x1000  }
0xaa: {  	[sflag:s20] =	ssyncset.done $0x0  }
0xab: {  	[sflag:s20] =	ssyncadd.s32 $0xFFFFF000  }
0xac: {  	_ =	swait.ge [sflag:s20], $0x1000  }
0xad: {  	[sflag:s20] =	ssyncset.done $0x0  }
0xae: {  	[sflag:s20] =	ssyncadd.s32 $0xFFFFF000  }
0xaf: {  	_ =	swait.ge [sflag:s20], $0x1000  }
0xb0: {  	[sflag:s20] =	ssyncset.done $0x0  }
0xb1: {  	[sflag:s20] =	ssyncadd.s32 $0xFFFFF000  }
0xb2: {  	s2 =	simm.s32 $0x1000;
	_ =	swait.ge [sflag:s20], $0x1000  }
0xb3: {  	s6 =	simm.s32 $0x2000;
	s3 =	rddreg [dreg:$0x5];
	[sflag:s20] =	ssyncset.done $0x0  }
.LBB2_2:
0xb4: {  	[sflag:s20] =	ssyncadd.s32 $0xFFFFF000;
	s7 =	rddreg [dreg:$0x6];
	s3 =	sadd.s32 s2, s3  }
0xb5: {  	[tilespmem:s4], [sflag:$0x1] =	stream.linear.gather [hbm4b:s3+s4], $0x200, $0x38;
	[tilespmem:$0x12B00] =	vst v63  }
0xb6: {  	s7 =	sadd.s32 s2, s7  }
0xb7: {  	[tilespmem:s8], [sflag:$0x1] =	stream.linear.gather [hbm4b:s7+s4], $0x200, $0x38;
	[tilespmem:$0x12B00] =	vst v63  }
0xb8: {  	s22 =	smov.u32 s6;
	s3 =	sadd.s32 $0x800, s3  }
0xb9: {  	[tilespmem:s9], [sflag:$0x1] =	stream.linear.gather [hbm4b:s3+s4], $0x200, $0x38;
	[tilespmem:$0x12B00] =	vst v63  }
0xba: {  	s2 =	smov.u32 s22;
	s22 =	sadd.s32 $0x800, s7  }
0xbb: {  	[tilespmem:s10], [sflag:$0x1] =	stream.linear.gather [hbm4b:s22+s4], $0x200, $0x38;
	[tilespmem:$0x12B00] =	vst v63  }
0xbc: {  	_ =	swait.ge [sflag:s11], $0x200  }
0xbd: {  	[sflag:s11] =	ssyncset.done $0x0  }
0xbe: {  	[sflag:s11] =	ssyncadd.s32 $0xFFFFFE00  }
0xbf: {  	_ =	swait.ge [sflag:s11], $0x200  }
0xc0: {  	[sflag:s11] =	ssyncset.done $0x0  }
0xc1: {  	[sflag:s11] =	ssyncadd.s32 $0xFFFFFE00  }
0xc2: {  	_ =	swait.ge [sflag:s11], $0x200  }
0xc3: {  	[sflag:s11] =	ssyncset.done $0x0  }
0xc4: {  	[sflag:s11] =	ssyncadd.s32 $0xFFFFFE00  }
0xc5: {  	_ =	swait.ge [sflag:s11], $0x200  }
0xc6: {  	[sflag:s11] =	ssyncset.done $0x0  }
0xc7: {  	[sflag:s11] =	ssyncadd.s32 $0xFFFFFE00  }
0xc8: {  	[tilespmem:s13], [sflag:$0x2] =	stream.indirect.gather [hbm4b:s5+s12], $0x20, s4, s12, $0xb8;
	[tilespmem:$0x12B00] =	vst v63  }
0xc9: {  	_ = 	snop  }
0xca: {  	[tilespmem:s14], [sflag:$0x2] =	stream.indirect.gather [hbm4b:s5+s12], $0x20, s12, s12, $0xb8;
	[tilespmem:$0x12B00] =	vst v63  }
0xcb: {  	s7 =	rddreg [dreg:$0x7]  }
0xcc: {  	[tilespmem:s15], [sflag:$0x2] =	stream.indirect.gather [hbm4b:s5+s12], $0x20, s7, s12, $0xb8;
	[tilespmem:$0x12B00] =	vst v63  }
0xcd: {  	s22 =	rddreg [dreg:$0x8]  }
0xce: {  	[tilespmem:s16], [sflag:$0x2] =	stream.indirect.gather [hbm4b:s5+s12], $0x20, s22, s12, $0xb8;
	[tilespmem:$0x12B00] =	vst v63  }
0xcf: {  	_ = 	snop  }
0xd0: {  	[tilespmem:s17], [sflag:$0x2] =	stream.indirect.gather [hbm4b:s5+s12], $0x20, s9, s12, $0xb8;
	[tilespmem:$0x12B00] =	vst v63  }
0xd1: {  	s7 =	rddreg [dreg:$0x9]  }
0xd2: {  	[tilespmem:s23], [sflag:$0x2] =	stream.indirect.gather [hbm4b:s5+s12], $0x20, s7, s12, $0xb8;
	[tilespmem:$0x12B00] =	vst v63  }
0xd3: {  	s22 =	rddreg [dreg:$0xa]  }
0xd4: {  	[tilespmem:s24], [sflag:$0x2] =	stream.indirect.gather [hbm4b:s5+s12], $0x20, s22, s12, $0xb8;
	[tilespmem:$0x12B00] =	vst v63  }
0xd5: {  	_ = 	snop  }
0xd6: {  	[tilespmem:s26], [sflag:$0x2] =	stream.indirect.gather [hbm4b:s5+s12], $0x20, s25, s12, $0xb8;
	[tilespmem:$0x12B00] =	vst v63  }
0xd7: {  	_ =	swait.ge [sflag:s28], $0x1000  }
0xd8: {  	[sflag:s28] =	ssyncset.done $0x0  }
0xd9: {  	[sflag:s28] =	ssyncadd.s32 $0xFFFFF000  }
0xda: {  	_ =	swait.ge [sflag:s28], $0x1000  }
0xdb: {  	[sflag:s28] =	ssyncset.done $0x0  }
0xdc: {  	[sflag:s28] =	ssyncadd.s32 $0xFFFFF000  }
0xdd: {  	_ =	swait.ge [sflag:s28], $0x1000  }
0xde: {  	[sflag:s28] =	ssyncset.done $0x0  }
0xdf: {  	[sflag:s28] =	ssyncadd.s32 $0xFFFFF000  }
0xe0: {  	_ =	swait.ge [sflag:s28], $0x1000  }
0xe1: {  	[sflag:s28] =	ssyncset.done $0x0  }
0xe2: {  	[sflag:s28] =	ssyncadd.s32 $0xFFFFF000  }
0xe3: {  	_ =	swait.ge [sflag:s28], $0x1000  }
0xe4: {  	[sflag:s28] =	ssyncset.done $0x0  }
0xe5: {  	[sflag:s28] =	ssyncadd.s32 $0xFFFFF000  }
0xe6: {  	_ =	swait.ge [sflag:s28], $0x1000  }
0xe7: {  	[sflag:s28] =	ssyncset.done $0x0  }
0xe8: {  	[sflag:s28] =	ssyncadd.s32 $0xFFFFF000  }
0xe9: {  	_ =	swait.ge [sflag:s28], $0x1000  }
0xea: {  	[sflag:s28] =	ssyncset.done $0x0  }
0xeb: {  	[sflag:s28] =	ssyncadd.s32 $0xFFFFF000  }
0xec: {  	_ =	swait.ge [sflag:s28], $0x1000  }
0xed: {  	[sflag:s28] =	ssyncset.done $0x0  }
0xee: {  	[sflag:s28] =	ssyncadd.s32 $0xFFFFF000  }
0xef: {  	[spmem:s1] =	stream.indirect.scatter.add.f32 [tilespmem:s13], [sflag:$0x3], $0x20, s8, s12, $0xb8;
	[tilespmem:$0x12B00] =	vst v63  }
0xf0: {  	_ = 	snop  }
0xf1: {  	[spmem:s1] =	stream.indirect.scatter.add.f32 [tilespmem:s14], [sflag:$0x3], $0x20, s29, s12, $0xb8;
	[tilespmem:$0x12B00] =	vst v63  }
0xf2: {  	_ = 	snop  }
0xf3: {  	[spmem:s1] =	stream.indirect.scatter.add.f32 [tilespmem:s15], [sflag:$0x3], $0x20, s30, s12, $0xb8;
	[tilespmem:$0x12B00] =	vst v63  }
0xf4: {  	_ = 	snop  }
0xf5: {  	[spmem:s1] =	stream.indirect.scatter.add.f32 [tilespmem:s16], [sflag:$0x3], $0x20, s31, s12, $0xb8;
	[tilespmem:$0x12B00] =	vst v63  }
0xf6: {  	_ = 	snop  }
0xf7: {  	[spmem:s1] =	stream.indirect.scatter.add.f32 [tilespmem:s17], [sflag:$0x3], $0x20, s10, s12, $0xb8;
	[tilespmem:$0x12B00] =	vst v63  }
0xf8: {  	_ = 	snop  }
0xf9: {  	[spmem:s1] =	stream.indirect.scatter.add.f32 [tilespmem:s23], [sflag:$0x3], $0x20, s0, s12, $0xb8;
	[tilespmem:$0x12B00] =	vst v63  }
0xfa: {  	_ = 	snop  }
0xfb: {  	[spmem:s1] =	stream.indirect.scatter.add.f32 [tilespmem:s24], [sflag:$0x3], $0x20, s18, s12, $0xb8;
	[tilespmem:$0x12B00] =	vst v63  }
0xfc: {  	_ = 	snop  }
0xfd: {  	[spmem:s1] =	stream.indirect.scatter.add.f32 [tilespmem:s26], [sflag:$0x3], $0x20, s19, s12, $0xb8;
	[tilespmem:$0x12B00] =	vst v63  }
0xfe: {  	_ =	swait.ge [sflag:s20], $0x1000  }
0xff: {  	[sflag:s20] =	ssyncset.done $0x0  }
0x100: {  	[sflag:s20] =	ssyncadd.s32 $0xFFFFF000  }
0x101: {  	_ =	swait.ge [sflag:s20], $0x1000  }
0x102: {  	[sflag:s20] =	ssyncset.done $0x0  }
0x103: {  	[sflag:s20] =	ssyncadd.s32 $0xFFFFF000  }
0x104: {  	_ =	swait.ge [sflag:s20], $0x1000  }
0x105: {  	[sflag:s20] =	ssyncset.done $0x0  }
0x106: {  	[sflag:s20] =	ssyncadd.s32 $0xFFFFF000  }
0x107: {  	_ =	swait.ge [sflag:s20], $0x1000  }
0x108: {  	[sflag:s20] =	ssyncset.done $0x0  }
0x109: {  	[sflag:s20] =	ssyncadd.s32 $0xFFFFF000  }
0x10a: {  	_ =	swait.ge [sflag:s20], $0x1000  }
0x10b: {  	[sflag:s20] =	ssyncset.done $0x0  }
0x10c: {  	[sflag:s20] =	ssyncadd.s32 $0xFFFFF000  }
0x10d: {  	_ =	swait.ge [sflag:s20], $0x1000  }
0x10e: {  	[sflag:s20] =	ssyncset.done $0x0  }
0x10f: {  	p3 =	sne.s32 s6, $0x9000;
	[sflag:s20] =	ssyncadd.s32 $0xFFFFF000  }
.Ltmp0:
0x110: {  	_ =	swait.ge [sflag:s20], $0x1000;
	(pc) =	sbr.rel @p3 .LBB2_2-.Ltmp0, $4  }
0x111: {  	[sflag:s20] =	ssyncset.done $0x0  }
0x112: {  	[sflag:s20] =	ssyncadd.s32 $0xFFFFF000  }
0x113: {  	_ =	swait.ge [sflag:s20], $0x1000  }
0x114: {  	s6 =	sadd.s32 $0x1000, s6;
	s3 =	rddreg [dreg:$0x5];
	[sflag:s20] =	ssyncset.done $0x0  }
0x115: {  	s6 =	rddreg [dreg:$0x6];
	[sflag:s20] =	ssyncadd.s32 $0xFFFFF000;
	s3 =	sadd.s32 s2, s3  }
0x116: {  	[tilespmem:s4], [sflag:$0x1] =	stream.linear.gather [hbm4b:s3+s4], $0x200, $0x38;
	[tilespmem:$0x12B00] =	vst v63  }
0x117: {  	s22 =	sadd.s32 s2, s6  }
0x118: {  	[tilespmem:s8], [sflag:$0x1] =	stream.linear.gather [hbm4b:s22+s4], $0x200, $0x38;
	[tilespmem:$0x12B00] =	vst v63  }
0x119: {  	s3 =	sadd.s32 $0x800, s3  }
0x11a: {  	[tilespmem:s9], [sflag:$0x1] =	stream.linear.gather [hbm4b:s3+s4], $0x200, $0x38;
	[tilespmem:$0x12B00] =	vst v63  }
0x11b: {  	s2 =	sadd.s32 $0x800, s22  }
0x11c: {  	[tilespmem:s10], [sflag:$0x1] =	stream.linear.gather [hbm4b:s2+s4], $0x200, $0x38;
	[tilespmem:$0x12B00] =	vst v63  }
0x11d: {  	_ =	swait.ge [sflag:s11], $0x200  }
0x11e: {  	[sflag:s11] =	ssyncset.done $0x0  }
0x11f: {  	[sflag:s11] =	ssyncadd.s32 $0xFFFFFE00  }
0x120: {  	_ =	swait.ge [sflag:s11], $0x200  }
0x121: {  	[sflag:s11] =	ssyncset.done $0x0  }
0x122: {  	[sflag:s11] =	ssyncadd.s32 $0xFFFFFE00  }
0x123: {  	_ =	swait.ge [sflag:s11], $0x200  }
0x124: {  	[sflag:s11] =	ssyncset.done $0x0  }
0x125: {  	[sflag:s11] =	ssyncadd.s32 $0xFFFFFE00  }
0x126: {  	_ =	swait.ge [sflag:s11], $0x200  }
0x127: {  	[sflag:s11] =	ssyncset.done $0x0  }
0x128: {  	[sflag:s11] =	ssyncadd.s32 $0xFFFFFE00  }
0x129: {  	[tilespmem:s13], [sflag:$0x2] =	stream.indirect.gather [hbm4b:s5+s12], $0x20, s4, s12, $0xb8;
	[tilespmem:$0x12B00] =	vst v63  }
0x12a: {  	_ = 	snop  }
0x12b: {  	[tilespmem:s14], [sflag:$0x2] =	stream.indirect.gather [hbm4b:s5+s12], $0x20, s12, s12, $0xb8;
	[tilespmem:$0x12B00] =	vst v63  }
0x12c: {  	s3 =	rddreg [dreg:$0x7]  }
0x12d: {  	[tilespmem:s15], [sflag:$0x2] =	stream.indirect.gather [hbm4b:s5+s12], $0x20, s3, s12, $0xb8;
	[tilespmem:$0x12B00] =	vst v63  }
0x12e: {  	s6 =	rddreg [dreg:$0x8]  }
0x12f: {  	[tilespmem:s16], [sflag:$0x2] =	stream.indirect.gather [hbm4b:s5+s12], $0x20, s6, s12, $0xb8;
	[tilespmem:$0x12B00] =	vst v63  }
0x130: {  	_ = 	snop  }
0x131: {  	[tilespmem:s17], [sflag:$0x2] =	stream.indirect.gather [hbm4b:s5+s12], $0x20, s9, s12, $0xb8;
	[tilespmem:$0x12B00] =	vst v63  }
0x132: {  	s7 =	rddreg [dreg:$0x9]  }
0x133: {  	[tilespmem:s23], [sflag:$0x2] =	stream.indirect.gather [hbm4b:s5+s12], $0x20, s7, s12, $0xb8;
	[tilespmem:$0x12B00] =	vst v63  }
0x134: {  	s22 =	rddreg [dreg:$0xa]  }
0x135: {  	[tilespmem:s24], [sflag:$0x2] =	stream.indirect.gather [hbm4b:s5+s12], $0x20, s22, s12, $0xb8;
	[tilespmem:$0x12B00] =	vst v63  }
0x136: {  	_ = 	snop  }
0x137: {  	[tilespmem:s26], [sflag:$0x2] =	stream.indirect.gather [hbm4b:s5+s12], $0x20, s25, s12, $0xb8;
	[tilespmem:$0x12B00] =	vst v63  }
0x138: {  	_ =	swait.ge [sflag:s28], $0x1000  }
0x139: {  	[sflag:s28] =	ssyncset.done $0x0  }
0x13a: {  	[sflag:s28] =	ssyncadd.s32 $0xFFFFF000  }
0x13b: {  	_ =	swait.ge [sflag:s28], $0x1000  }
0x13c: {  	[sflag:s28] =	ssyncset.done $0x0  }
0x13d: {  	[sflag:s28] =	ssyncadd.s32 $0xFFFFF000  }
0x13e: {  	_ =	swait.ge [sflag:s28], $0x1000  }
0x13f: {  	[sflag:s28] =	ssyncset.done $0x0  }
0x140: {  	[sflag:s28] =	ssyncadd.s32 $0xFFFFF000  }
0x141: {  	_ =	swait.ge [sflag:s28], $0x1000  }
0x142: {  	[sflag:s28] =	ssyncset.done $0x0  }
0x143: {  	[sflag:s28] =	ssyncadd.s32 $0xFFFFF000  }
0x144: {  	_ =	swait.ge [sflag:s28], $0x1000  }
0x145: {  	[sflag:s28] =	ssyncset.done $0x0  }
0x146: {  	[sflag:s28] =	ssyncadd.s32 $0xFFFFF000  }
0x147: {  	_ =	swait.ge [sflag:s28], $0x1000  }
0x148: {  	[sflag:s28] =	ssyncset.done $0x0  }
0x149: {  	[sflag:s28] =	ssyncadd.s32 $0xFFFFF000  }
0x14a: {  	_ =	swait.ge [sflag:s28], $0x1000  }
0x14b: {  	[sflag:s28] =	ssyncset.done $0x0  }
0x14c: {  	[sflag:s28] =	ssyncadd.s32 $0xFFFFF000  }
0x14d: {  	_ =	swait.ge [sflag:s28], $0x1000  }
0x14e: {  	[sflag:s28] =	ssyncset.done $0x0  }
0x14f: {  	[sflag:s28] =	ssyncadd.s32 $0xFFFFF000  }
0x150: {  	[spmem:s1] =	stream.indirect.scatter.add.f32 [tilespmem:s13], [sflag:$0x3], $0x20, s8, s12, $0xb8;
	[tilespmem:$0x12B00] =	vst v63  }
0x151: {  	_ = 	snop  }
0x152: {  	[spmem:s1] =	stream.indirect.scatter.add.f32 [tilespmem:s14], [sflag:$0x3], $0x20, s29, s12, $0xb8;
	[tilespmem:$0x12B00] =	vst v63  }
0x153: {  	_ = 	snop  }
0x154: {  	[spmem:s1] =	stream.indirect.scatter.add.f32 [tilespmem:s15], [sflag:$0x3], $0x20, s30, s12, $0xb8;
	[tilespmem:$0x12B00] =	vst v63  }
0x155: {  	_ = 	snop  }
0x156: {  	[spmem:s1] =	stream.indirect.scatter.add.f32 [tilespmem:s16], [sflag:$0x3], $0x20, s31, s12, $0xb8;
	[tilespmem:$0x12B00] =	vst v63  }
0x157: {  	_ = 	snop  }
0x158: {  	[spmem:s1] =	stream.indirect.scatter.add.f32 [tilespmem:s17], [sflag:$0x3], $0x20, s10, s12, $0xb8;
	[tilespmem:$0x12B00] =	vst v63  }
0x159: {  	_ = 	snop  }
0x15a: {  	[spmem:s1] =	stream.indirect.scatter.add.f32 [tilespmem:s23], [sflag:$0x3], $0x20, s0, s12, $0xb8;
	[tilespmem:$0x12B00] =	vst v63  }
0x15b: {  	_ = 	snop  }
0x15c: {  	[spmem:s1] =	stream.indirect.scatter.add.f32 [tilespmem:s24], [sflag:$0x3], $0x20, s18, s12, $0xb8;
	[tilespmem:$0x12B00] =	vst v63  }
0x15d: {  	_ = 	snop  }
0x15e: {  	[spmem:s1] =	stream.indirect.scatter.add.f32 [tilespmem:s26], [sflag:$0x3], $0x20, s19, s12, $0xb8;
	[tilespmem:$0x12B00] =	vst v63  }
0x15f: {  	_ =	swait.ge [sflag:s20], $0x1000  }
0x160: {  	[sflag:s20] =	ssyncset.done $0x0  }
0x161: {  	[sflag:s20] =	ssyncadd.s32 $0xFFFFF000  }
0x162: {  	_ =	swait.ge [sflag:s20], $0x1000  }
0x163: {  	[sflag:s20] =	ssyncset.done $0x0  }
0x164: {  	[sflag:s20] =	ssyncadd.s32 $0xFFFFF000  }
0x165: {  	_ =	swait.ge [sflag:s20], $0x1000  }
0x166: {  	[sflag:s20] =	ssyncset.done $0x0  }
0x167: {  	[sflag:s20] =	ssyncadd.s32 $0xFFFFF000  }
0x168: {  	_ =	swait.ge [sflag:s20], $0x1000  }
0x169: {  	[sflag:s20] =	ssyncset.done $0x0  }
0x16a: {  	[sflag:s20] =	ssyncadd.s32 $0xFFFFF000  }
0x16b: {  	_ =	swait.ge [sflag:s20], $0x1000  }
0x16c: {  	[sflag:s20] =	ssyncset.done $0x0  }
0x16d: {  	[sflag:s20] =	ssyncadd.s32 $0xFFFFF000  }
0x16e: {  	_ =	swait.ge [sflag:s20], $0x1000  }
0x16f: {  	[sflag:s20] =	ssyncset.done $0x0  }
0x170: {  	[sflag:s20] =	ssyncadd.s32 $0xFFFFF000  }
0x171: {  	_ =	swait.ge [sflag:s20], $0x1000  }
0x172: {  	[sflag:s20] =	ssyncset.done $0x0  }
0x173: {  	[sflag:s20] =	ssyncadd.s32 $0xFFFFF000  }
0x174: {  	_ =	swait.ge [sflag:s20], $0x1000  }
0x175: {  	[sflag:s20] =	ssyncset.done $0x0  }
0x176: {  	[sflag:s20] =	ssyncadd.s32 $0xFFFFF000  }
0x177: {  	s2 =	simm.s32 $0x80;
	s3 =	simm.s32 $0x0;
	[bflag:$0x0] =	sbarrier.arrive $0xFFFF  }
.LBB2_4:
0x178: {  	p3 =	sne.s32 s2, $0x3F80;
	[tilespmem:s3+$0xB800] =	vst v0;
	s6 =	smov.u32 s2;
	s2 =	sadd.s32 $0x80, s2  }
.Ltmp1:
0x179: {  	[tilespmem:s3+$0xB810] =	vst v0;
	(pc) =	sbr.rel @p3 .LBB2_4-.Ltmp1, $2  }
0x17a: {  	_ =	sdelay $0x2  }
0x17b: {  	s3 =	sshra.s32 s6, $0x2  }
0x17c: {  	[tilespmem:s3+$0xB800] =	vst v0  }
0x17d: {  	[tilespmem:s3+$0xB810] =	vst v0;
	s2 =	rddreg [dreg:$0x1a];
	s7 =	simm.s32 $0x8800;
	s6 =	simm.s32 $0x4  }
0x17e: {  	[tilespmem:s7], [sflag:$0x4] =	stream.linear.gather [spmem:s2], $0x1000, $0x38;
	[tilespmem:$0x12B00] =	vst v63  }
0x17f: {  	_ =	swait.ge [sflag:s6], $0x1000  }
0x180: {  	s3 =	simm.s32 $0x0;
	[sflag:s6] =	ssyncset.done $0x0  }
0x181: {  	s7 =	simm.s32 $0x9800;
	s22 =	rddreg [dreg:$0x1b];
	[sflag:s6] =	ssyncadd.s32 $0xFFFFF000  }
0x182: {  	[tilespmem:s7], [sflag:$0x4] =	stream.linear.gather [hbm4b:s22+s3], $0x1000, $0x38;
	[tilespmem:$0x12B00] =	vst v63  }
0x183: {  	_ =	swait.ge [sflag:s6], $0x1000  }
0x184: {  	[sflag:s6] =	ssyncset.done $0x0  }
0x185: {  	s22 =	rddreg [dreg:$0xb];
	[sflag:s6] =	ssyncadd.s32 $0xFFFFF000  }
0x186: {  	[tilespmem:s21], [sflag:$0x4] =	stream.linear.gather [hbm4b:s22+s3], $0x80, $0x38;
	[tilespmem:$0x12B00] =	vst v63  }
0x187: {  	_ =	swait.ge [sflag:s6], $0x80  }
0x188: {  	[sflag:s6] =	ssyncset.done $0x0  }
0x189: {  	s22 =	simm.s32 $0xC880;
	s7 =	rddreg [dreg:$0xc];
	[sflag:s6] =	ssyncadd.s32 $0xFFFFFF80  }
0x18a: {  	[tilespmem:s22], [sflag:$0x4] =	stream.linear.gather [hbm4b:s7+s3], $0x80, $0x38;
	[tilespmem:$0x12B00] =	vst v63  }
0x18b: {  	_ =	swait.ge [sflag:s6], $0x80  }
0x18c: {  	[sflag:s6] =	ssyncset.done $0x0  }
0x18d: {  	s2 =	simm.s32 $0x9810;
	v1 =	vmov s3;
	[sflag:s6] =	ssyncadd.s32 $0xFFFFFF80  }
0x18e: {  	v2 =	vld [tilespmem:s2+$0xFFFFFFF0]  }
0x18f: {  	s3 =	simm.s32 $0x8810  }
0x190: {  	v3 =	vld [tilespmem:s3+$0xFFFFFFF0];
	_ =	sdelay $0x1  }
0x191: {  	v4 =	vld.idx.msk [tilespmem:v1+s21+$0x0], $0xffff  }
0x192: {  	v1 =	vmul.f32 v2, v0;
	_ =	sdelay $0x1  }
0x193: {  	v1 =	vadd.f32 v1, v3;
	_ =	sdelay $0x1  }
0x194: {  	v1 =	vmul.f32 v1, v4  }
0x195: {  	s6 =	simm.s32 $0xA810  }
0x196: {  	[tilespmem:s6+$0xFFFFFFF0] =	vst v1  }
0x197: {  	v1 =	vld [tilespmem:s2+$0x0];
	_ =	sdelay $0x1  }
0x198: {  	v2 =	vld [tilespmem:s3+$0x0];
	_ =	sdelay $0x2  }
0x199: {  	v1 =	vmul.f32 v1, v0;
	_ =	sdelay $0x1  }
0x19a: {  	v2 =	vadd.f32 v1, v2  }
0x19b: {  	s22 =	simm.s32 $0x1  }
0x19c: {  	v1 =	vmov s22;
	v2 =	vmul.f32 v2, v4  }
0x19d: {  	s22 =	simm.s32 $0x2  }
.LBB2_6:
0x19e: {  	p3 =	sne.s32 s22, $0x7F;
	[tilespmem:s6+$0x0] =	vst v2;
	s2 =	sadd.s32 $0x20, s2  }
0x19f: {  	s3 =	sadd.s32 $0x20, s3;
	v2 =	vld [tilespmem:s2+$0xFFFFFFF0]  }
0x1a0: {  	v3 =	vld [tilespmem:s3+$0xFFFFFFF0]  }
0x1a1: {  	v4 =	vld.idx.msk [tilespmem:v1+s21+$0x0], $0xffff;
	_ =	sdelay $0x2  }
0x1a2: {  	v1 =	vmul.f32 v2, v0;
	_ =	sdelay $0x1  }
0x1a3: {  	v1 =	vadd.f32 v1, v3;
	_ =	sdelay $0x1  }
0x1a4: {  	v1 =	vmul.f32 v1, v4  }
0x1a5: {  	s6 =	sadd.s32 $0x20, s6  }
0x1a6: {  	[tilespmem:s6+$0xFFFFFFF0] =	vst v1  }
0x1a7: {  	v1 =	vld [tilespmem:s2+$0x0]  }
0x1a8: {  	v2 =	vld [tilespmem:s3+$0x0];
	_ =	sdelay $0x3  }
0x1a9: {  	v1 =	vmul.f32 v1, v0  }
.Ltmp2:
0x1aa: {  	(pc) =	sbr.rel @p3 .LBB2_6-.Ltmp2, $3  }
0x1ab: {  	v2 =	vadd.f32 v1, v2;
	_ =	sdelay $0x1  }
0x1ac: {  	v1 =	vmov s22;
	v2 =	vmul.f32 v2, v4  }
0x1ad: {  	s22 =	sadd.s32 $0x1, s22  }
0x1ae: {  	[tilespmem:s6+$0x0] =	vst v2;
	s2 =	sadd.s32 $0x20, s2  }
0x1af: {  	v2 =	vld [tilespmem:s2+$0xFFFFFFF0]  }
0x1b0: {  	s3 =	sadd.s32 $0x20, s3  }
0x1b1: {  	v3 =	vld [tilespmem:s3+$0xFFFFFFF0];
	_ =	sdelay $0x1  }
0x1b2: {  	v1 =	vld.idx.msk [tilespmem:v1+s21+$0x0], $0xffff  }
0x1b3: {  	v2 =	vmul.f32 v2, v0;
	_ =	sdelay $0x1  }
0x1b4: {  	v2 =	vadd.f32 v2, v3;
	_ =	sdelay $0x1  }
0x1b5: {  	v2 =	vmul.f32 v2, v1  }
0x1b6: {  	s22 =	sadd.s32 $0x20, s6  }
0x1b7: {  	[tilespmem:s22+$0xFFFFFFF0] =	vst v2  }
0x1b8: {  	v2 =	vld [tilespmem:s2+$0x0];
	_ =	sdelay $0x1  }
0x1b9: {  	v3 =	vld [tilespmem:s3+$0x0];
	_ =	sdelay $0x2  }
0x1ba: {  	v2 =	vmul.f32 v2, v0;
	_ =	sdelay $0x1  }
0x1bb: {  	v2 =	vadd.f32 v2, v3;
	_ =	sdelay $0x1  }
0x1bc: {  	v1 =	vmul.f32 v2, v1;
	_ =	sdelay $0x1  }
0x1bd: {  	s6 =	rddreg [dreg:$0x2];
	s7 =	simm.s32 $0xA800;
	[tilespmem:s22+$0x0] =	vst v1;
	s22 =	simm.s32 $0xC880  }
0x1be: {  	[spmem:s6] =	stream.indirect.scatter.add.f32 [tilespmem:s7], [sflag:$0x4], $0x20, s22, s12, $0xb8;
	[tilespmem:$0x12B00] =	vst v63  }
0x1bf: {  	s6 =	simm.s32 $0x4  }
0x1c0: {  	_ =	swait.ge [sflag:s6], $0x1000  }
0x1c1: {  	[sflag:s6] =	ssyncset.done $0x0  }
0x1c2: {  	[sflag:s6] =	ssyncadd.s32 $0xFFFFF000  }
0x1c3: {  	s7 =	simm.s32 $0xB800;
	s3 =	rddreg [dreg:$0x3]  }
0x1c4: {  	[spmem:s3] =	stream.indirect.scatter.add.f32 [tilespmem:s7], [sflag:$0x4], $0x20, s22, s12, $0xb8;
	[tilespmem:$0x12B00] =	vst v63  }
0x1c5: {  	_ =	swait.ge [sflag:s6], $0x1000  }
0x1c6: {  	[sflag:s6] =	ssyncset.done $0x0  }
0x1c7: {  	s7 =	simm.s32 $0x8800;
	s3 =	rddreg [dreg:$0x16];
	[sflag:s6] =	ssyncadd.s32 $0xFFFFF000  }
0x1c8: {  	[tilespmem:s7], [sflag:$0x4] =	stream.linear.gather [spmem:s3], $0x1000, $0x38;
	[tilespmem:$0x12B00] =	vst v63  }
0x1c9: {  	_ =	swait.ge [sflag:s6], $0x1000  }
0x1ca: {  	s3 =	simm.s32 $0x0;
	[sflag:s6] =	ssyncset.done $0x0  }
0x1cb: {  	s7 =	simm.s32 $0x9800;
	s2 =	rddreg [dreg:$0x1c];
	[sflag:s6] =	ssyncadd.s32 $0xFFFFF000  }
0x1cc: {  	[tilespmem:s7], [sflag:$0x4] =	stream.linear.gather [hbm4b:s2+s3], $0x1000, $0x38;
	[tilespmem:$0x12B00] =	vst v63  }
0x1cd: {  	_ =	swait.ge [sflag:s6], $0x1000  }
0x1ce: {  	[sflag:s6] =	ssyncset.done $0x0  }
0x1cf: {  	s7 =	rddreg [dreg:$0xd];
	[sflag:s6] =	ssyncadd.s32 $0xFFFFF000  }
0x1d0: {  	[tilespmem:s21], [sflag:$0x4] =	stream.linear.gather [hbm4b:s7+s3], $0x80, $0x38;
	[tilespmem:$0x12B00] =	vst v63  }
0x1d1: {  	_ =	swait.ge [sflag:s6], $0x80  }
0x1d2: {  	[sflag:s6] =	ssyncset.done $0x0  }
0x1d3: {  	s7 =	rddreg [dreg:$0xe];
	[sflag:s6] =	ssyncadd.s32 $0xFFFFFF80  }
0x1d4: {  	[tilespmem:s22], [sflag:$0x4] =	stream.linear.gather [hbm4b:s7+s3], $0x80, $0x38;
	[tilespmem:$0x12B00] =	vst v63  }
0x1d5: {  	_ =	swait.ge [sflag:s6], $0x80  }
0x1d6: {  	[sflag:s6] =	ssyncset.done $0x0  }
0x1d7: {  	v1 =	vmov s3;
	s2 =	simm.s32 $0x9810;
	[sflag:s6] =	ssyncadd.s32 $0xFFFFFF80  }
0x1d8: {  	v2 =	vld [tilespmem:s2+$0xFFFFFFF0]  }
0x1d9: {  	s6 =	simm.s32 $0x8810  }
0x1da: {  	v3 =	vld [tilespmem:s6+$0xFFFFFFF0];
	_ =	sdelay $0x1  }
0x1db: {  	v4 =	vld.idx.msk [tilespmem:v1+s21+$0x0], $0xffff  }
0x1dc: {  	v1 =	vmul.f32 v2, v0;
	_ =	sdelay $0x1  }
0x1dd: {  	v1 =	vadd.f32 v1, v3;
	_ =	sdelay $0x1  }
0x1de: {  	v1 =	vmul.f32 v1, v4  }
0x1df: {  	s3 =	simm.s32 $0xA810  }
0x1e0: {  	[tilespmem:s3+$0xFFFFFFF0] =	vst v1  }
0x1e1: {  	v1 =	vld [tilespmem:s2+$0x0];
	_ =	sdelay $0x1  }
0x1e2: {  	v2 =	vld [tilespmem:s6+$0x0];
	_ =	sdelay $0x2  }
0x1e3: {  	v1 =	vmul.f32 v1, v0;
	_ =	sdelay $0x1  }
0x1e4: {  	v2 =	vadd.f32 v1, v2  }
0x1e5: {  	s22 =	simm.s32 $0x1  }
0x1e6: {  	v1 =	vmov s22;
	v2 =	vmul.f32 v2, v4  }
0x1e7: {  	s22 =	simm.s32 $0x2  }
.LBB2_8:
0x1e8: {  	p3 =	sne.s32 s22, $0x7F;
	[tilespmem:s3+$0x0] =	vst v2;
	s2 =	sadd.s32 $0x20, s2  }
0x1e9: {  	s6 =	sadd.s32 $0x20, s6;
	v2 =	vld [tilespmem:s2+$0xFFFFFFF0]  }
0x1ea: {  	v3 =	vld [tilespmem:s6+$0xFFFFFFF0]  }
0x1eb: {  	v4 =	vld.idx.msk [tilespmem:v1+s21+$0x0], $0xffff;
	_ =	sdelay $0x2  }
0x1ec: {  	v1 =	vmul.f32 v2, v0;
	_ =	sdelay $0x1  }
0x1ed: {  	v1 =	vadd.f32 v1, v3;
	_ =	sdelay $0x1  }
0x1ee: {  	v1 =	vmul.f32 v1, v4  }
0x1ef: {  	s3 =	sadd.s32 $0x20, s3  }
0x1f0: {  	[tilespmem:s3+$0xFFFFFFF0] =	vst v1  }
0x1f1: {  	v1 =	vld [tilespmem:s2+$0x0]  }
0x1f2: {  	v2 =	vld [tilespmem:s6+$0x0];
	_ =	sdelay $0x3  }
0x1f3: {  	v1 =	vmul.f32 v1, v0  }
.Ltmp3:
0x1f4: {  	(pc) =	sbr.rel @p3 .LBB2_8-.Ltmp3, $3  }
0x1f5: {  	v2 =	vadd.f32 v1, v2;
	_ =	sdelay $0x1  }
0x1f6: {  	v1 =	vmov s22;
	v2 =	vmul.f32 v2, v4  }
0x1f7: {  	s22 =	sadd.s32 $0x1, s22  }
0x1f8: {  	[tilespmem:s3+$0x0] =	vst v2;
	s2 =	sadd.s32 $0x20, s2  }
0x1f9: {  	v2 =	vld [tilespmem:s2+$0xFFFFFFF0]  }
0x1fa: {  	s6 =	sadd.s32 $0x20, s6  }
0x1fb: {  	v3 =	vld [tilespmem:s6+$0xFFFFFFF0];
	_ =	sdelay $0x1  }
0x1fc: {  	v1 =	vld.idx.msk [tilespmem:v1+s21+$0x0], $0xffff  }
0x1fd: {  	v2 =	vmul.f32 v2, v0;
	_ =	sdelay $0x1  }
0x1fe: {  	v2 =	vadd.f32 v2, v3;
	_ =	sdelay $0x1  }
0x1ff: {  	v2 =	vmul.f32 v2, v1  }
0x200: {  	s22 =	sadd.s32 $0x20, s3  }
0x201: {  	[tilespmem:s22+$0xFFFFFFF0] =	vst v2  }
0x202: {  	v2 =	vld [tilespmem:s2+$0x0];
	_ =	sdelay $0x1  }
0x203: {  	v3 =	vld [tilespmem:s6+$0x0];
	_ =	sdelay $0x2  }
0x204: {  	v2 =	vmul.f32 v2, v0;
	_ =	sdelay $0x1  }
0x205: {  	v2 =	vadd.f32 v2, v3;
	_ =	sdelay $0x1  }
0x206: {  	v1 =	vmul.f32 v2, v1;
	_ =	sdelay $0x1  }
0x207: {  	s7 =	simm.s32 $0xA800;
	s6 =	rddreg [dreg:$0x2];
	[tilespmem:s22+$0x0] =	vst v1;
	s22 =	simm.s32 $0xC880  }
0x208: {  	[spmem:s6] =	stream.indirect.scatter.add.f32 [tilespmem:s7], [sflag:$0x4], $0x20, s22, s12, $0xb8;
	[tilespmem:$0x12B00] =	vst v63  }
0x209: {  	s6 =	simm.s32 $0x4  }
0x20a: {  	_ =	swait.ge [sflag:s6], $0x1000  }
0x20b: {  	[sflag:s6] =	ssyncset.done $0x0  }
0x20c: {  	[sflag:s6] =	ssyncadd.s32 $0xFFFFF000  }
0x20d: {  	s7 =	simm.s32 $0xB800;
	s3 =	rddreg [dreg:$0x3]  }
0x20e: {  	[spmem:s3] =	stream.indirect.scatter.add.f32 [tilespmem:s7], [sflag:$0x4], $0x20, s22, s12, $0xb8;
	[tilespmem:$0x12B00] =	vst v63  }
0x20f: {  	_ =	swait.ge [sflag:s6], $0x1000  }
0x210: {  	[sflag:s6] =	ssyncset.done $0x0  }
0x211: {  	s7 =	simm.s32 $0x8800;
	s3 =	rddreg [dreg:$0x17];
	[sflag:s6] =	ssyncadd.s32 $0xFFFFF000  }
0x212: {  	[tilespmem:s7], [sflag:$0x4] =	stream.linear.gather [spmem:s3], $0x1000, $0x38;
	[tilespmem:$0x12B00] =	vst v63  }
0x213: {  	_ =	swait.ge [sflag:s6], $0x1000  }
0x214: {  	s3 =	simm.s32 $0x0;
	[sflag:s6] =	ssyncset.done $0x0  }
0x215: {  	s7 =	simm.s32 $0x9800;
	s2 =	rddreg [dreg:$0x1d];
	[sflag:s6] =	ssyncadd.s32 $0xFFFFF000  }
0x216: {  	[tilespmem:s7], [sflag:$0x4] =	stream.linear.gather [hbm4b:s2+s3], $0x1000, $0x38;
	[tilespmem:$0x12B00] =	vst v63  }
0x217: {  	_ =	swait.ge [sflag:s6], $0x1000  }
0x218: {  	[sflag:s6] =	ssyncset.done $0x0  }
0x219: {  	s7 =	rddreg [dreg:$0xf];
	[sflag:s6] =	ssyncadd.s32 $0xFFFFF000  }
0x21a: {  	[tilespmem:s21], [sflag:$0x4] =	stream.linear.gather [hbm4b:s7+s3], $0x80, $0x38;
	[tilespmem:$0x12B00] =	vst v63  }
0x21b: {  	_ =	swait.ge [sflag:s6], $0x80  }
0x21c: {  	[sflag:s6] =	ssyncset.done $0x0  }
0x21d: {  	s7 =	rddreg [dreg:$0x10];
	[sflag:s6] =	ssyncadd.s32 $0xFFFFFF80  }
0x21e: {  	[tilespmem:s22], [sflag:$0x4] =	stream.linear.gather [hbm4b:s7+s3], $0x80, $0x38;
	[tilespmem:$0x12B00] =	vst v63  }
0x21f: {  	_ =	swait.ge [sflag:s6], $0x80  }
0x220: {  	[sflag:s6] =	ssyncset.done $0x0  }
0x221: {  	v1 =	vmov s3;
	s2 =	simm.s32 $0x9810;
	[sflag:s6] =	ssyncadd.s32 $0xFFFFFF80  }
0x222: {  	v2 =	vld [tilespmem:s2+$0xFFFFFFF0]  }
0x223: {  	s6 =	simm.s32 $0x8810  }
0x224: {  	v3 =	vld [tilespmem:s6+$0xFFFFFFF0];
	_ =	sdelay $0x1  }
0x225: {  	v4 =	vld.idx.msk [tilespmem:v1+s21+$0x0], $0xffff  }
0x226: {  	v1 =	vmul.f32 v2, v0;
	_ =	sdelay $0x1  }
0x227: {  	v1 =	vadd.f32 v1, v3;
	_ =	sdelay $0x1  }
0x228: {  	v1 =	vmul.f32 v1, v4  }
0x229: {  	s3 =	simm.s32 $0xA810  }
0x22a: {  	[tilespmem:s3+$0xFFFFFFF0] =	vst v1  }
0x22b: {  	v1 =	vld [tilespmem:s2+$0x0];
	_ =	sdelay $0x1  }
0x22c: {  	v2 =	vld [tilespmem:s6+$0x0];
	_ =	sdelay $0x2  }
0x22d: {  	v1 =	vmul.f32 v1, v0;
	_ =	sdelay $0x1  }
0x22e: {  	v2 =	vadd.f32 v1, v2  }
0x22f: {  	s22 =	simm.s32 $0x1  }
0x230: {  	v1 =	vmov s22;
	v2 =	vmul.f32 v2, v4  }
0x231: {  	s22 =	simm.s32 $0x2  }
.LBB2_10:
0x232: {  	p3 =	sne.s32 s22, $0x7F;
	[tilespmem:s3+$0x0] =	vst v2;
	s2 =	sadd.s32 $0x20, s2  }
0x233: {  	s6 =	sadd.s32 $0x20, s6;
	v2 =	vld [tilespmem:s2+$0xFFFFFFF0]  }
0x234: {  	v3 =	vld [tilespmem:s6+$0xFFFFFFF0]  }
0x235: {  	v4 =	vld.idx.msk [tilespmem:v1+s21+$0x0], $0xffff;
	_ =	sdelay $0x2  }
0x236: {  	v1 =	vmul.f32 v2, v0;
	_ =	sdelay $0x1  }
0x237: {  	v1 =	vadd.f32 v1, v3;
	_ =	sdelay $0x1  }
0x238: {  	v1 =	vmul.f32 v1, v4  }
0x239: {  	s3 =	sadd.s32 $0x20, s3  }
0x23a: {  	[tilespmem:s3+$0xFFFFFFF0] =	vst v1  }
0x23b: {  	v1 =	vld [tilespmem:s2+$0x0]  }
0x23c: {  	v2 =	vld [tilespmem:s6+$0x0];
	_ =	sdelay $0x3  }
0x23d: {  	v1 =	vmul.f32 v1, v0  }
.Ltmp4:
0x23e: {  	(pc) =	sbr.rel @p3 .LBB2_10-.Ltmp4, $3  }
0x23f: {  	v2 =	vadd.f32 v1, v2;
	_ =	sdelay $0x1  }
0x240: {  	v1 =	vmov s22;
	v2 =	vmul.f32 v2, v4  }
0x241: {  	s22 =	sadd.s32 $0x1, s22  }
0x242: {  	[tilespmem:s3+$0x0] =	vst v2;
	s2 =	sadd.s32 $0x20, s2  }
0x243: {  	v2 =	vld [tilespmem:s2+$0xFFFFFFF0]  }
0x244: {  	s6 =	sadd.s32 $0x20, s6  }
0x245: {  	v3 =	vld [tilespmem:s6+$0xFFFFFFF0];
	_ =	sdelay $0x1  }
0x246: {  	v1 =	vld.idx.msk [tilespmem:v1+s21+$0x0], $0xffff  }
0x247: {  	v2 =	vmul.f32 v2, v0;
	_ =	sdelay $0x1  }
0x248: {  	v2 =	vadd.f32 v2, v3;
	_ =	sdelay $0x1  }
0x249: {  	v2 =	vmul.f32 v2, v1  }
0x24a: {  	s22 =	sadd.s32 $0x20, s3  }
0x24b: {  	[tilespmem:s22+$0xFFFFFFF0] =	vst v2  }
0x24c: {  	v2 =	vld [tilespmem:s2+$0x0];
	_ =	sdelay $0x1  }
0x24d: {  	v3 =	vld [tilespmem:s6+$0x0];
	_ =	sdelay $0x2  }
0x24e: {  	v2 =	vmul.f32 v2, v0;
	_ =	sdelay $0x1  }
0x24f: {  	v2 =	vadd.f32 v2, v3;
	_ =	sdelay $0x1  }
0x250: {  	v1 =	vmul.f32 v2, v1;
	_ =	sdelay $0x1  }
0x251: {  	s7 =	simm.s32 $0xA800;
	s6 =	rddreg [dreg:$0x2];
	[tilespmem:s22+$0x0] =	vst v1;
	s22 =	simm.s32 $0xC880  }
0x252: {  	[spmem:s6] =	stream.indirect.scatter.add.f32 [tilespmem:s7], [sflag:$0x4], $0x20, s22, s12, $0xb8;
	[tilespmem:$0x12B00] =	vst v63  }
0x253: {  	s6 =	simm.s32 $0x4  }
0x254: {  	_ =	swait.ge [sflag:s6], $0x1000  }
0x255: {  	[sflag:s6] =	ssyncset.done $0x0  }
0x256: {  	[sflag:s6] =	ssyncadd.s32 $0xFFFFF000  }
0x257: {  	s7 =	simm.s32 $0xB800;
	s3 =	rddreg [dreg:$0x3]  }
0x258: {  	[spmem:s3] =	stream.indirect.scatter.add.f32 [tilespmem:s7], [sflag:$0x4], $0x20, s22, s12, $0xb8;
	[tilespmem:$0x12B00] =	vst v63  }
0x259: {  	_ =	swait.ge [sflag:s6], $0x1000  }
0x25a: {  	[sflag:s6] =	ssyncset.done $0x0  }
0x25b: {  	s7 =	simm.s32 $0x8800;
	s3 =	rddreg [dreg:$0x18];
	[sflag:s6] =	ssyncadd.s32 $0xFFFFF000  }
0x25c: {  	[tilespmem:s7], [sflag:$0x4] =	stream.linear.gather [spmem:s3], $0x1000, $0x38;
	[tilespmem:$0x12B00] =	vst v63  }
0x25d: {  	_ =	swait.ge [sflag:s6], $0x1000  }
0x25e: {  	s3 =	simm.s32 $0x0;
	[sflag:s6] =	ssyncset.done $0x0  }
0x25f: {  	s7 =	simm.s32 $0x9800;
	s2 =	rddreg [dreg:$0x1e];
	[sflag:s6] =	ssyncadd.s32 $0xFFFFF000  }
0x260: {  	[tilespmem:s7], [sflag:$0x4] =	stream.linear.gather [hbm4b:s2+s3], $0x1000, $0x38;
	[tilespmem:$0x12B00] =	vst v63  }
0x261: {  	_ =	swait.ge [sflag:s6], $0x1000  }
0x262: {  	[sflag:s6] =	ssyncset.done $0x0  }
0x263: {  	s7 =	rddreg [dreg:$0x11];
	[sflag:s6] =	ssyncadd.s32 $0xFFFFF000  }
0x264: {  	[tilespmem:s21], [sflag:$0x4] =	stream.linear.gather [hbm4b:s7+s3], $0x80, $0x38;
	[tilespmem:$0x12B00] =	vst v63  }
0x265: {  	_ =	swait.ge [sflag:s6], $0x80  }
0x266: {  	[sflag:s6] =	ssyncset.done $0x0  }
0x267: {  	s7 =	rddreg [dreg:$0x12];
	[sflag:s6] =	ssyncadd.s32 $0xFFFFFF80  }
0x268: {  	[tilespmem:s22], [sflag:$0x4] =	stream.linear.gather [hbm4b:s7+s3], $0x80, $0x38;
	[tilespmem:$0x12B00] =	vst v63  }
0x269: {  	_ =	swait.ge [sflag:s6], $0x80  }
0x26a: {  	[sflag:s6] =	ssyncset.done $0x0  }
0x26b: {  	v1 =	vmov s3;
	s2 =	simm.s32 $0x9810;
	[sflag:s6] =	ssyncadd.s32 $0xFFFFFF80  }
0x26c: {  	v2 =	vld [tilespmem:s2+$0xFFFFFFF0]  }
0x26d: {  	s6 =	simm.s32 $0x8810  }
0x26e: {  	v3 =	vld [tilespmem:s6+$0xFFFFFFF0];
	_ =	sdelay $0x1  }
0x26f: {  	v4 =	vld.idx.msk [tilespmem:v1+s21+$0x0], $0xffff  }
0x270: {  	v1 =	vmul.f32 v2, v0;
	_ =	sdelay $0x1  }
0x271: {  	v1 =	vadd.f32 v1, v3;
	_ =	sdelay $0x1  }
0x272: {  	v1 =	vmul.f32 v1, v4  }
0x273: {  	s3 =	simm.s32 $0xA810  }
0x274: {  	[tilespmem:s3+$0xFFFFFFF0] =	vst v1  }
0x275: {  	v1 =	vld [tilespmem:s2+$0x0];
	_ =	sdelay $0x1  }
0x276: {  	v2 =	vld [tilespmem:s6+$0x0];
	_ =	sdelay $0x2  }
0x277: {  	v1 =	vmul.f32 v1, v0;
	_ =	sdelay $0x1  }
0x278: {  	v2 =	vadd.f32 v1, v2  }
0x279: {  	s22 =	simm.s32 $0x1  }
0x27a: {  	v1 =	vmov s22;
	v2 =	vmul.f32 v2, v4  }
0x27b: {  	s22 =	simm.s32 $0x2  }
.LBB2_12:
0x27c: {  	p3 =	sne.s32 s22, $0x7F;
	[tilespmem:s3+$0x0] =	vst v2;
	s2 =	sadd.s32 $0x20, s2  }
0x27d: {  	s6 =	sadd.s32 $0x20, s6;
	v2 =	vld [tilespmem:s2+$0xFFFFFFF0]  }
0x27e: {  	v3 =	vld [tilespmem:s6+$0xFFFFFFF0]  }
0x27f: {  	v4 =	vld.idx.msk [tilespmem:v1+s21+$0x0], $0xffff;
	_ =	sdelay $0x2  }
0x280: {  	v1 =	vmul.f32 v2, v0;
	_ =	sdelay $0x1  }
0x281: {  	v1 =	vadd.f32 v1, v3;
	_ =	sdelay $0x1  }
0x282: {  	v1 =	vmul.f32 v1, v4  }
0x283: {  	s3 =	sadd.s32 $0x20, s3  }
0x284: {  	[tilespmem:s3+$0xFFFFFFF0] =	vst v1  }
0x285: {  	v1 =	vld [tilespmem:s2+$0x0]  }
0x286: {  	v2 =	vld [tilespmem:s6+$0x0];
	_ =	sdelay $0x3  }
0x287: {  	v1 =	vmul.f32 v1, v0  }
.Ltmp5:
0x288: {  	(pc) =	sbr.rel @p3 .LBB2_12-.Ltmp5, $3  }
0x289: {  	v2 =	vadd.f32 v1, v2;
	_ =	sdelay $0x1  }
0x28a: {  	v1 =	vmov s22;
	v2 =	vmul.f32 v2, v4  }
0x28b: {  	s22 =	sadd.s32 $0x1, s22  }
0x28c: {  	[tilespmem:s3+$0x0] =	vst v2;
	s2 =	sadd.s32 $0x20, s2  }
0x28d: {  	v2 =	vld [tilespmem:s2+$0xFFFFFFF0]  }
0x28e: {  	s6 =	sadd.s32 $0x20, s6  }
0x28f: {  	v3 =	vld [tilespmem:s6+$0xFFFFFFF0];
	_ =	sdelay $0x1  }
0x290: {  	v1 =	vld.idx.msk [tilespmem:v1+s21+$0x0], $0xffff  }
0x291: {  	v2 =	vmul.f32 v2, v0;
	_ =	sdelay $0x1  }
0x292: {  	v2 =	vadd.f32 v2, v3;
	_ =	sdelay $0x1  }
0x293: {  	v2 =	vmul.f32 v2, v1  }
0x294: {  	s22 =	sadd.s32 $0x20, s3  }
0x295: {  	[tilespmem:s22+$0xFFFFFFF0] =	vst v2  }
0x296: {  	v2 =	vld [tilespmem:s2+$0x0];
	_ =	sdelay $0x1  }
0x297: {  	v3 =	vld [tilespmem:s6+$0x0];
	_ =	sdelay $0x2  }
0x298: {  	v2 =	vmul.f32 v2, v0;
	_ =	sdelay $0x1  }
0x299: {  	v2 =	vadd.f32 v2, v3;
	_ =	sdelay $0x1  }
0x29a: {  	v1 =	vmul.f32 v2, v1;
	_ =	sdelay $0x1  }
0x29b: {  	s7 =	simm.s32 $0xA800;
	s6 =	rddreg [dreg:$0x2];
	[tilespmem:s22+$0x0] =	vst v1;
	s22 =	simm.s32 $0xC880  }
0x29c: {  	[spmem:s6] =	stream.indirect.scatter.add.f32 [tilespmem:s7], [sflag:$0x4], $0x20, s22, s12, $0xb8;
	[tilespmem:$0x12B00] =	vst v63  }
0x29d: {  	s6 =	simm.s32 $0x4  }
0x29e: {  	_ =	swait.ge [sflag:s6], $0x1000  }
0x29f: {  	[sflag:s6] =	ssyncset.done $0x0  }
0x2a0: {  	[sflag:s6] =	ssyncadd.s32 $0xFFFFF000  }
0x2a1: {  	s7 =	simm.s32 $0xB800;
	s3 =	rddreg [dreg:$0x3]  }
0x2a2: {  	[spmem:s3] =	stream.indirect.scatter.add.f32 [tilespmem:s7], [sflag:$0x4], $0x20, s22, s12, $0xb8;
	[tilespmem:$0x12B00] =	vst v63  }
0x2a3: {  	_ =	swait.ge [sflag:s6], $0x1000  }
0x2a4: {  	[sflag:s6] =	ssyncset.done $0x0  }
0x2a5: {  	s7 =	simm.s32 $0x8800;
	s3 =	rddreg [dreg:$0x19];
	[sflag:s6] =	ssyncadd.s32 $0xFFFFF000  }
0x2a6: {  	[tilespmem:s7], [sflag:$0x4] =	stream.linear.gather [spmem:s3], $0x1000, $0x38;
	[tilespmem:$0x12B00] =	vst v63  }
0x2a7: {  	_ =	swait.ge [sflag:s6], $0x1000  }
0x2a8: {  	s3 =	simm.s32 $0x0;
	[sflag:s6] =	ssyncset.done $0x0  }
0x2a9: {  	s7 =	simm.s32 $0x9800;
	s2 =	rddreg [dreg:$0x1f];
	[sflag:s6] =	ssyncadd.s32 $0xFFFFF000  }
0x2aa: {  	[tilespmem:s7], [sflag:$0x4] =	stream.linear.gather [hbm4b:s2+s3], $0x1000, $0x38;
	[tilespmem:$0x12B00] =	vst v63  }
0x2ab: {  	_ =	swait.ge [sflag:s6], $0x1000  }
0x2ac: {  	[sflag:s6] =	ssyncset.done $0x0  }
0x2ad: {  	s7 =	rddreg [dreg:$0x13];
	[sflag:s6] =	ssyncadd.s32 $0xFFFFF000  }
0x2ae: {  	[tilespmem:s21], [sflag:$0x4] =	stream.linear.gather [hbm4b:s7+s3], $0x80, $0x38;
	[tilespmem:$0x12B00] =	vst v63  }
0x2af: {  	_ =	swait.ge [sflag:s6], $0x80  }
0x2b0: {  	[sflag:s6] =	ssyncset.done $0x0  }
0x2b1: {  	s7 =	rddreg [dreg:$0x14];
	[sflag:s6] =	ssyncadd.s32 $0xFFFFFF80  }
0x2b2: {  	[tilespmem:s22], [sflag:$0x4] =	stream.linear.gather [hbm4b:s7+s3], $0x80, $0x38;
	[tilespmem:$0x12B00] =	vst v63  }
0x2b3: {  	_ =	swait.ge [sflag:s6], $0x80  }
0x2b4: {  	[sflag:s6] =	ssyncset.done $0x0  }
0x2b5: {  	v1 =	vmov s3;
	s2 =	simm.s32 $0x9810;
	[sflag:s6] =	ssyncadd.s32 $0xFFFFFF80  }
0x2b6: {  	v2 =	vld [tilespmem:s2+$0xFFFFFFF0]  }
0x2b7: {  	s6 =	simm.s32 $0x8810  }
0x2b8: {  	v3 =	vld [tilespmem:s6+$0xFFFFFFF0];
	_ =	sdelay $0x1  }
0x2b9: {  	v4 =	vld.idx.msk [tilespmem:v1+s21+$0x0], $0xffff  }
0x2ba: {  	v1 =	vmul.f32 v2, v0;
	_ =	sdelay $0x1  }
0x2bb: {  	v1 =	vadd.f32 v1, v3;
	_ =	sdelay $0x1  }
0x2bc: {  	v1 =	vmul.f32 v1, v4  }
0x2bd: {  	s3 =	simm.s32 $0xA810  }
0x2be: {  	[tilespmem:s3+$0xFFFFFFF0] =	vst v1  }
0x2bf: {  	v1 =	vld [tilespmem:s2+$0x0];
	_ =	sdelay $0x1  }
0x2c0: {  	v2 =	vld [tilespmem:s6+$0x0];
	_ =	sdelay $0x2  }
0x2c1: {  	v1 =	vmul.f32 v1, v0;
	_ =	sdelay $0x1  }
0x2c2: {  	v2 =	vadd.f32 v1, v2  }
0x2c3: {  	s22 =	simm.s32 $0x1  }
0x2c4: {  	v1 =	vmov s22;
	v2 =	vmul.f32 v2, v4  }
0x2c5: {  	s22 =	simm.s32 $0x2  }
.LBB2_14:
0x2c6: {  	p3 =	sne.s32 s22, $0x7F;
	[tilespmem:s3+$0x0] =	vst v2;
	s2 =	sadd.s32 $0x20, s2  }
0x2c7: {  	s6 =	sadd.s32 $0x20, s6;
	v2 =	vld [tilespmem:s2+$0xFFFFFFF0]  }
0x2c8: {  	v3 =	vld [tilespmem:s6+$0xFFFFFFF0]  }
0x2c9: {  	v4 =	vld.idx.msk [tilespmem:v1+s21+$0x0], $0xffff;
	_ =	sdelay $0x2  }
0x2ca: {  	v1 =	vmul.f32 v2, v0;
	_ =	sdelay $0x1  }
0x2cb: {  	v1 =	vadd.f32 v1, v3;
	_ =	sdelay $0x1  }
0x2cc: {  	v1 =	vmul.f32 v1, v4  }
0x2cd: {  	s3 =	sadd.s32 $0x20, s3  }
0x2ce: {  	[tilespmem:s3+$0xFFFFFFF0] =	vst v1  }
0x2cf: {  	v1 =	vld [tilespmem:s2+$0x0]  }
0x2d0: {  	v2 =	vld [tilespmem:s6+$0x0];
	_ =	sdelay $0x3  }
0x2d1: {  	v1 =	vmul.f32 v1, v0  }
.Ltmp6:
0x2d2: {  	(pc) =	sbr.rel @p3 .LBB2_14-.Ltmp6, $3  }
0x2d3: {  	v2 =	vadd.f32 v1, v2;
	_ =	sdelay $0x1  }
0x2d4: {  	v1 =	vmov s22;
	v2 =	vmul.f32 v2, v4  }
0x2d5: {  	s22 =	sadd.s32 $0x1, s22  }
0x2d6: {  	[tilespmem:s3+$0x0] =	vst v2;
	s2 =	sadd.s32 $0x20, s2  }
0x2d7: {  	v2 =	vld [tilespmem:s2+$0xFFFFFFF0]  }
0x2d8: {  	s6 =	sadd.s32 $0x20, s6  }
0x2d9: {  	v3 =	vld [tilespmem:s6+$0xFFFFFFF0];
	_ =	sdelay $0x1  }
0x2da: {  	v1 =	vld.idx.msk [tilespmem:v1+s21+$0x0], $0xffff  }
0x2db: {  	v2 =	vmul.f32 v2, v0;
	_ =	sdelay $0x1  }
0x2dc: {  	v2 =	vadd.f32 v2, v3;
	_ =	sdelay $0x1  }
0x2dd: {  	v2 =	vmul.f32 v2, v1  }
0x2de: {  	s7 =	sadd.s32 $0x20, s3  }
0x2df: {  	[tilespmem:s7+$0xFFFFFFF0] =	vst v2  }
0x2e0: {  	v2 =	vld [tilespmem:s2+$0x0];
	_ =	sdelay $0x1  }
0x2e1: {  	v3 =	vld [tilespmem:s6+$0x0];
	_ =	sdelay $0x2  }
0x2e2: {  	v2 =	vmul.f32 v2, v0;
	_ =	sdelay $0x1  }
0x2e3: {  	v2 =	vadd.f32 v2, v3;
	_ =	sdelay $0x1  }
0x2e4: {  	v1 =	vmul.f32 v2, v1;
	_ =	sdelay $0x1  }
0x2e5: {  	s22 =	simm.s32 $0xA800;
	s2 =	rddreg [dreg:$0x2];
	[tilespmem:s7+$0x0] =	vst v1;
	s7 =	simm.s32 $0xC880  }
0x2e6: {  	[spmem:s2] =	stream.indirect.scatter.add.f32 [tilespmem:s22], [sflag:$0x4], $0x20, s7, s12, $0xb8;
	[tilespmem:$0x12B00] =	vst v63  }
0x2e7: {  	s22 =	simm.s32 $0x4  }
0x2e8: {  	_ =	swait.ge [sflag:s22], $0x1000  }
0x2e9: {  	[sflag:s22] =	ssyncset.done $0x0  }
0x2ea: {  	[sflag:s22] =	ssyncadd.s32 $0xFFFFF000  }
0x2eb: {  	s3 =	simm.s32 $0xB800;
	s6 =	rddreg [dreg:$0x3]  }
0x2ec: {  	[spmem:s6] =	stream.indirect.scatter.add.f32 [tilespmem:s3], [sflag:$0x4], $0x20, s7, s12, $0xb8;
	[tilespmem:$0x12B00] =	vst v63  }
0x2ed: {  	_ =	swait.ge [sflag:s22], $0x1000  }
0x2ee: {  	[sflag:s22] =	ssyncset.done $0x0  }
0x2ef: {  	[sflag:s22] =	ssyncadd.s32 $0xFFFFF000  }
0x2f0: {  	[bflag:$0x0] =	sbarrier.arrive $0xFFFF  }
0x2f1: {  	s7 =	sld [smem:$0x7FA];
	_ =	sdelay $0x1  }
0x2f2: {  	s2 =	sshrl.u32 @!p0 s2, $0x3;
	s3 =	simm.s32 @!p0 $0x1C04  }
0x2f3: {  	[hbm:s7], [sflag:s3] =	dma.local @!p0 [spmem:s2], $0x200  }
0x2f4: {  	s2 =	simm.s32 @!p0 $0x4  }
0x2f5: {  	_ =	swait.ge @!p0 [sflag:s2], $0x200  }
0x2f6: {  	s3 =	stileid.u32;
	[sflag:s2] =	ssyncset.done @!p0 $0x0  }
0x2f7: {  	s3 =	sshll.u32 @p2 s3, $0x6;
	[sflag:s2] =	ssyncadd.s32 @!p0 $0xFFFFFE00  }
0x2f8: {  	s2 =	sor.u32 @p2 $0x1C04, s3;
	s3 =	sshrl.u32 @p2 s6, $0x3;
	s6 =	sld [smem:$0x7FB]  }
0x2f9: {  	_ =	sdelay $0x1  }
0x2fa: {  	[hbm:s6], [sflag:s2] =	dma.local @p2 [spmem:s3], $0x200  }
0x2fb: {  	s2 =	simm.s32 @p2 $0x4  }
0x2fc: {  	_ =	swait.ge @p2 [sflag:s2], $0x200  }
0x2fd: {  	s3 =	sld [smem:$0x7F9]  }
0x2fe: {  	s7 =	sld [smem:$0x7FC];
	_ =	sdelay $0x1  }
0x2ff: {  	s6 =	sadd.s32 $0x1, s3  }
0x300: {  	p3 =	sne.s32 s6, s7  }
.Ltmp7:
0x301: {  	_ = 	snop;
	(pc) =	sbr.rel @p3 .LBB2_1-.Ltmp7, $3  }
0x302: {  	_ =	sdelay $0x1  }
0x303: {  	[sflag:s2] =	ssyncset.done @p2 $0x0  }
0x304: {  	[sflag:s2] =	ssyncadd.s32 @p2 $0xFFFFFE00  }
0x305: {  	_ =	sfence.sel $0x180000  }
0x306: {  	[bflag:$0x0] =	sbarrier.arrive $0xFFFF  }
0x307: {  	_ =	strace $0x9000004D  }
0x308: {  	[bflag:$0x2] =	sbarrier.arrive $0xFFFF  }
0x309: {  	s0 =	rddreg [dreg:$0x4]  }
0x30a: {  	s0 =	sadd.s32 @!p0 $0x100000, s0  }
0x30b: {  	[sflag:s0] =	ssyncadd.tile.s32 @!p0 $0x1;
	_ =	shalt  }
.Lfunc_end2:
_tile_overlayer_lowered:
.L_overlay_start_2:
0x30c: {  	(tag) =	ssettag $0x2  }
0x30d: {  	s0 =	rddreg [dreg:$0x0];
	s2 =	stileid.u32  }
0x30e: {  	s1 =	rddreg [dreg:$0x1];
	p0 =	sne.s32 s2, $0x0  }
0x30f: {  	s3 =	rddreg [dreg:$0x2];
	[bflag:$0x3] =	sbarrier.arrive $0xFFFF;
	s2 =	simm.s32 @!p0 $0x1C04  }
0x310: {  	[timem:s3], [sflag:s2] =	dma.local @!p0 [hbm:s0], s1  }
0x311: {  	s0 =	simm.s32 @!p0 $0x4  }
0x312: {  	_ =	swait.ge @!p0 [sflag:s0], s1  }
0x313: {  	s1 =	ssub.s32 @!p0 $0x0, s1;
	[sflag:s0] =	ssyncset.done @!p0 $0x0  }
0x314: {  	[sflag:s0] =	ssyncadd.s32 @!p0 s1  }
0x315: {  	[bflag:$0x3] =	sbarrier.arrive $0xFFFF  }
0x316: {  	_ =	shalt  }

// kernel: kernel.9.cloned.1.call-start
scs
__scs_entry_jumppad:
0x0: {  	(pc) =	sbr.rel $0x88, $3  }
0x1: {  	(tag) =	ssettag $0x0;
	lr =	simm.s32 $0x1  }
0x2: {  	[smem:$0x3F98] =	sst lr;
	_ =	strace $0xD0000000  }
0x3: {  	_ = 	snop  }
0x4: {  	_ = 	snop  }
0x5: {  	_ = 	snop  }
0x6: {  	_ = 	snop  }
0x7: {  	_ = 	snop  }
__scs_overlays_trampoline_lowered:
0x8: {  	[smem:$0x3FA7] =	sst s0  }
0x9: {  	[smem:$0x3FA8] =	sst s1  }
0xa: {  	[smem:$0x3FA9] =	sst s2  }
0xb: {  	[smem:$0x3FAA] =	sst s3  }
0xc: {  	[smem:$0x3FAB] =	sst s4  }
0xd: {  	[smem:$0x3FAC] =	sst s5  }
0xe: {  	[smem:$0x3FAD] =	sst s6  }
0xf: {  	[smem:$0x3FAE] =	sst s7  }
0x10: {  	[smem:$0x3FAF] =	sst s8  }
0x11: {  	[smem:$0x3FB0] =	sst s9;
	s0 =	simm.s32 @!p0 $0x0  }
0x12: {  	s1 =	sld [smem:$0x3F96];
	s0 =	simm.s32 @p0 $0x1  }
0x13: {  	[smem:$0x3FB1] =	sst s0;
	s0 =	simm.s32 @!p1 $0x0  }
0x14: {  	s2 =	sld [smem:$0x3F95];
	s0 =	simm.s32 @p1 $0x1  }
0x15: {  	[smem:$0x3FB2] =	sst s0;
	s0 =	simm.s32 @!p2 $0x0  }
0x16: {  	s3 =	sld [smem:$0x3FDB];
	s0 =	simm.s32 @p2 $0x1  }
0x17: {  	s4 =	simm.s32 $0x1BF5;
	[smem:$0x3FB4] =	sst s0  }
0x18: {  	s0 =	sld [smem:$0x3F97];
	_ =	swait.ge [sflag:s4], $0x0  }
0x19: {  	s7 =	sld [smem:$0x3F98]  }
0x1a: {  	s8 =	sadd.s32 $0xFFFFE003, lr  }
0x1b: {  	s9 =	sadd.s32 $0xFFFFFEF7, lr;
	s5 =	simm.s32 $0xFFFFFFFF;
	p2 =	slt.u32 s8, $0xFFFFF086  }
0x1c: {  	p1 =	slt.u32 s9, $0xF7A;
	s5 =	simm.s32 @!p2 $0x0  }
0x1d: {  	s5 =	simm.s32 @p1 $0x1;
	p0 =	seq.s32 s7, s2  }
0x1e: {  	s7 =	smul.u32 @!p0 $0xF7A, s2;
	p2 =	seq.s32 @!p0 s5, $0x0  }
0x1f: {  	s9 =	smul.u32 $0xF7A, s1;
	s8 =	simm.s32 @!p0 $0x1BF5;
	p2 =	por !p2, p0  }
0x20: {  	[sflag:s8] =	ssyncset.s32 @!p0 $0xFFFFF086;
	s6 =	sadd.s32 @!p0 s3, s7;
	s7 =	simm.s32 @!p0 $0x108  }
0x21: {  	s3 =	sadd.s32 s3, s9;
	s6 =	sadd.s32 @!p0 $0x88, s6;
	s7 =	simm.s32 @p2 $0x1082  }
0x22: {  	[simem:s7], [sflag:s8] =	dma.local @!p0 [hbm:s6], $0xF7A  }
0x23: {  	s9 =	sor.u32 $0xD0000000, s2;
	s6 =	simm.s32 $0x108;
	_ =	swait.ge @!p0 [sflag:s8], $0x0  }
0x24: {  	s3 =	sadd.s32 $0x88, s3;
	s6 =	simm.s32 @!p1 $0x1082;
	[sflag:s4] =	ssyncset.s32 $0xFFFFF086  }
0x25: {  	[simem:s6], [sflag:s4] =	dma.local [hbm:s3], $0xF7A  }
0x26: {  	[smem:$0x3F98] =	sst s1;
	(tag) =	ssettag s2;
	_ =	strace s9  }
0x27: {  	s1 =	sld [smem:$0x3FA8]  }
0x28: {  	s2 =	sld [smem:$0x3FA9]  }
0x29: {  	s4 =	sld [smem:$0x3FAB]  }
0x2a: {  	p0 =	seq.s32 s5, $0x0;
	s5 =	sld [smem:$0x3FAC]  }
0x2b: {  	s6 =	sld [smem:$0x3FAD]  }
0x2c: {  	s7 =	sld [smem:$0x3FAE]  }
0x2d: {  	s3 =	simm.s32 $0x108;
	s8 =	sld [smem:$0x3FAF]  }
0x2e: {  	s3 =	simm.s32 @!p0 $0x1082;
	s9 =	sld [smem:$0x3FB0]  }
0x2f: {  	lr =	sadd.s32 s0, s3;
	s0 =	sld [smem:$0x3FA7]  }
0x30: {  	s3 =	sld [smem:$0x3FAA]  }
0x31: {  	[smem:$0x3FB3] =	sst s10  }
0x32: {  	s10 =	sld [smem:$0x3FB1];
	_ =	sdelay $0x3  }
0x33: {  	p0 =	seq.s32 s10, $0x1;
	s10 =	sld [smem:$0x3FB3];
	_ =	sdelay $0x3  }
0x34: {  	[smem:$0x3FB3] =	sst s10  }
0x35: {  	s10 =	sld [smem:$0x3FB2];
	_ =	sdelay $0x3  }
0x36: {  	p1 =	seq.s32 s10, $0x1;
	s10 =	sld [smem:$0x3FB3];
	_ =	sdelay $0x3  }
0x37: {  	[smem:$0x3FB3] =	sst s10  }
0x38: {  	s10 =	sld [smem:$0x3FB4]  }
0x39: {  	_ = 	snop;
	(pc) =	sbr.ind lr, $3  }
0x3a: {  	_ = 	snop  }
0x3b: {  	_ = 	snop  }
0x3c: {  	p2 =	seq.s32 s10, $0x1;
	s10 =	sld [smem:$0x3FB3]  }
0x3d: {  	_ =	shalt  }
0x3e: {  	_ =	shalt  }
0x3f: {  	_ =	shalt  }
0x40: {  	_ =	shalt  }
0x41: {  	_ =	shalt  }
0x42: {  	_ =	shalt  }
0x43: {  	_ =	shalt  }
0x44: {  	_ =	shalt  }
0x45: {  	_ =	shalt  }
0x46: {  	_ =	shalt  }
0x47: {  	_ =	shalt  }
0x48: {  	_ =	shalt  }
0x49: {  	_ =	shalt  }
0x4a: {  	_ =	shalt  }
0x4b: {  	_ =	shalt  }
0x4c: {  	_ =	shalt  }
0x4d: {  	_ =	shalt  }
0x4e: {  	_ =	shalt  }
0x4f: {  	_ =	shalt  }
0x50: {  	_ =	shalt  }
0x51: {  	_ =	shalt  }
0x52: {  	_ =	shalt  }
0x53: {  	_ =	shalt  }
0x54: {  	_ =	shalt  }
0x55: {  	_ =	shalt  }
0x56: {  	_ =	shalt  }
0x57: {  	_ =	shalt  }
0x58: {  	_ =	shalt  }
0x59: {  	_ =	shalt  }
0x5a: {  	_ =	shalt  }
0x5b: {  	_ =	shalt  }
0x5c: {  	_ =	shalt  }
0x5d: {  	_ =	shalt  }
0x5e: {  	_ =	shalt  }
0x5f: {  	_ =	shalt  }
0x60: {  	_ =	shalt  }
0x61: {  	_ =	shalt  }
0x62: {  	_ =	shalt  }
0x63: {  	_ =	shalt  }
0x64: {  	_ =	shalt  }
0x65: {  	_ =	shalt  }
0x66: {  	_ =	shalt  }
0x67: {  	_ =	shalt  }
0x68: {  	_ =	shalt  }
0x69: {  	_ =	shalt  }
0x6a: {  	_ =	shalt  }
0x6b: {  	_ =	shalt  }
0x6c: {  	_ =	shalt  }
0x6d: {  	_ =	shalt  }
0x6e: {  	_ =	shalt  }
0x6f: {  	_ =	shalt  }
0x70: {  	_ =	shalt  }
0x71: {  	_ =	shalt  }
0x72: {  	_ =	shalt  }
0x73: {  	_ =	shalt  }
0x74: {  	_ =	shalt  }
0x75: {  	_ =	shalt  }
0x76: {  	_ =	shalt  }
0x77: {  	_ =	shalt  }
0x78: {  	_ =	shalt  }
0x79: {  	_ =	shalt  }
0x7a: {  	_ =	shalt  }
0x7b: {  	_ =	shalt  }
0x7c: {  	_ =	shalt  }
0x7d: {  	_ =	shalt  }
0x7e: {  	_ =	shalt  }
0x7f: {  	_ =	shalt  }
0x80: {  	_ =	shalt  }
0x81: {  	_ =	shalt  }
0x82: {  	_ =	shalt  }
0x83: {  	_ =	shalt  }
0x84: {  	_ =	shalt  }
0x85: {  	_ =	shalt  }
0x86: {  	_ =	shalt  }
0x87: {  	_ =	shalt  }
.Lfunc_end0:
.L_simem_size_0:
called_computation_lowered:
.L_overlay_start_0:
0x88: {  	s2 =	sld [smem:$0x3FD9]  }
0x89: {  	s3 =	sld [smem:$0x3FFE];
	_ =	sdelay $0x1  }
0x8a: {  	s1 =	srdreg.scid  }
0x8b: {  	s0 =	sand.u32 $0x1, s1  }
0x8c: {  	s16 =	sshll.u32 s0, $0xA;
	s2 =	sadd.s32 s3, s2  }
0x8d: {  	s2 =	sadd.s32 s2, s16  }
0x8e: {  	[smem:$0x3FBF] =	sst s2  }
0x8f: {  	_ = 	snop  }
0x90: {  	(tm) =	ssettm $0x1  }
0x91: {  	s17 =	sld [smem:$0x3FFB];
	_ =	sdelay $0x3  }
0x92: {  	_ =	strace s17  }
0x93: {  	s2 =	sld [smem:$0x3FFC];
	_ =	sdelay $0x3  }
0x94: {  	_ =	strace s2  }
0x95: {  	s2 =	sld [smem:$0x3FFD];
	_ =	sdelay $0x3  }
0x96: {  	_ =	strace s2  }
0x97: {  	_ =	strace $0x8FFFFFFF  }
0x98: {  	s18 =	sld [smem:$0x3FDB];
	_ =	sdelay $0x1  }
0x99: {  	s19 =	simm.s32 $_scs_section_size  }
0x9a: {  	s4 =	simm.s32 $_size__tile_overlayer_lowered;
	s5 =	simm.s32 $_tile_overlayer_lowered  }
0x9b: {  	s22 =	simm.s32 $0x1BFF;
	s21 =	sshll.u32 s5, $0x1;
	s2 =	sadd.s32 s19, s18  }
0x9c: {  	s6 =	simm.s32 $0x0;
	s20 =	sshll.u32 s4, $0x1;
	s4 =	sadd.s32 s21, s2  }
0x9d: {  	[timem:s6], [sflag:s22] =	dma.local [hbm:s4], s20  }
0x9e: {  	_ =	swait.ge [sflag:s22], s20  }
0x9f: {  	s3 =	ssub.s32 $0x0, s20;
	[sflag:s22] =	ssyncset.done $0x0  }
0xa0: {  	[sflag:s22] =	ssyncadd.s32 s3;
	_ =	sdelay $0x1  }
0xa1: {  	s23 =	simm.s32 $0x1B8B  }
0xa2: {  	_ =	swait.ge [sflag:s23], $0x1  }
0xa3: {  	[sflag:s23] =	ssyncset.done $0x0  }
0xa4: {  	s25 =	simm.s32 $0x1B8E;
	s24 =	sld [smem:$0x3FFE];
	[sflag:s23] =	ssyncadd.s32 $0xFFFFFFFF  }
0xa5: {  	s26 =	simm.s32 $execute0_lowered;
	[smem:$0x3FD2] =	sst s25  }
0xa6: {  	s4 =	sshll.u32 s26, $0x1;
	_ =	strace $0x80000046;
	[dreg:$0x1] =	wrdreg $0xFFFFFFFF  }
0xa7: {  	s28 =	simm.s32 $_size_execute0_lowered;
	s2 =	sadd.s32 s2, s4;
	[dreg:$0x0] =	wrdreg $0x0  }
0xa8: {  	s4 =	sshll.u32 s28, $0x1;
	[dreg:$0x2] =	wrdreg s2  }
0xa9: {  	[dreg:$0x3] =	wrdreg s4  }
0xaa: {  	[dreg:$0x4] =	wrdreg $0xC0  }
0xab: {  	_ =	task [dreg:s6], $0x5FFFF  }
0xac: {  	[dreg:$0x1] =	wrdreg $0xFFFFFFFF  }
0xad: {  	[dreg:$0x0] =	wrdreg $0x60  }
0xae: {  	[dreg:$0x2] =	wrdreg s24  }
0xaf: {  	[dreg:$0x3] =	wrdreg $0x7000  }
0xb0: {  	[dreg:$0x4] =	wrdreg $0x9  }
0xb1: {  	_ =	task.clear_ibuf [dreg:s6], $0x5FFFF;
	_ =	strace $0x90000046  }
0xb2: {  	s29 =	simm.s32 $0x9;
	_ =	strace $0x80000048  }
0xb3: {  	_ =	swait.ge [sflag:s29], $0x1  }
0xb4: {  	[sflag:s29] =	ssyncadd.s32 $0xFFFFFFFF  }
0xb5: {  	_ =	strace $0x90000048  }
0xb6: {  	_ =	sfence  }
0xb7: {  	s30 =	sld [smem:$0x0];
	_ =	sdelay $0x2  }
0xb8: {  	s31 =	sshll.u32 s1, $0xD;
	s1 =	sshrl.u32 s1, $0x2  }
0xb9: {  	s3 =	sand.u32 $0x4000, s31;
	s1 =	sadd.s32 s1, s30  }
0xba: {  	s0 =	sor.u32 s3, s0;
	s1 =	sshll.u32 s1, $0x11  }
0xbb: {  	s0 =	sor.u32 s1, s0  }
0xbc: {  	s0 =	sadd.s32 $0x8F2B, s0  }
0xbd: {  	[sflag:s0] =	ssyncadd.remote.s32 $0x1  }
0xbe: {  	_ =	sfence.sel $0xFFFF  }
0xbf: {  	[dreg:$0x0] =	wrdreg $0xFFFFFFFF;
	(pc) =	sbr.abs _section_cstart, $3  }
0xc0: {  	[dreg:$0x1] =	wrdreg $0xFFFFFFFF  }
0xc1: {  	_ =	task.clear_ibuf [dreg:s6], $0x2FFFF;
	_ =	strace $0x9FFFFFFF  }
0xc2: {  	(tm) =	ssettm $0x7FFFFFFF  }
0xc3: {  	_ =	shalt  }
tec
execute0_lowered:
.L_overlay_start_1:
0x0: {  	(tag) =	ssettag $0x1  }
0x1: {  	s5 =	rddreg [dreg:$0x0]  }
0x2: {  	s2 =	rddreg [dreg:$0x1]  }
0x3: {  	s0 =	rddreg [dreg:$0x2]  }
0x4: {  	s3 =	simm.s32 $0x0;
	s1 =	stileid.u32;
	s6 =	srdreg.scid  }
0x5: {  	s11 =	simm.s32 $0x1;
	s12 =	simm.s32 $0x80;
	s13 =	simm.s32 $0x400  }
0x6: {  	s14 =	simm.s32 $0x100;
	s15 =	simm.s32 $0x180;
	s16 =	simm.s32 $0x280  }
0x7: {  	s17 =	simm.s32 $0x300;
	s18 =	simm.s32 $0x380;
	s19 =	simm.s32 $0x2  }
0x8: {  	s23 =	simm.s32 $0x20;
	s24 =	simm.s32 $0x10;
	s25 =	simm.s32 $0x0  }
0x9: {  	[smem:$0x7FF] =	sst s3;
	s4 =	sshll.u32 s1, $0x7;
	s8 =	smul.u32 $0xA00, s1  }
0xa: {  	s6 =	sand.u32 $0x1, s6;
	s21 =	smul.u32 $0xA0, s1;
	s22 =	sshll.u32 s1, $0x6  }
0xb: {  	_ =	strace $0x80000047;
	s7 =	sadd.s32 s4, s5;
	s4 =	sadd.s32 $0x15800, s5  }
0xc: {  	s9 =	sshll.u32 s6, $0x4;
	s10 =	ssub.s32 $0x2, s6;
	s6 =	sshll.u32 s6, $0x6  }
0xd: {  	s9 =	sadd.s32 s9, s5;
	s31 =	sshrl.u32 s10, $0x1;
	s8 =	sshrl.u32 s8, $0x2  }
0xe: {  	s7 =	sadd.s32 s6, s7;
	s10 =	ssub.s32 s10, s31;
	s5 =	sadd.s32 s8, s2  }
0xf: {  	s20 =	sadd.s32 $0x15A00, s9;
	s7 =	sadd.s32 $0x1800, s7;
	s8 =	simm.s32 $0x480  }
0x10: {  	s9 =	simm.s32 $0x3;
	s6 =	smax.u32 s10, $0x1;
	s10 =	simm.s32 $0x200  }
0x11: {  	v0 =	vimm.f32 $1.000000000e+00;
	s20 =	sadd.s32 s21, s20;
	s21 =	sor.u32 $0x1C03, s22;
	s22 =	sshrl.u32 s5, $0x3  }
.LBB2_1:
0x12: {  	[tilespmem:$0x400] =	vst v0  }
0x13: {  	[tilespmem:$0x410] =	vst v0  }
0x14: {  	[tilespmem:$0x420] =	vst v0  }
0x15: {  	[tilespmem:$0x430] =	vst v0  }
0x16: {  	[tilespmem:$0x440] =	vst v0  }
0x17: {  	[tilespmem:$0x450] =	vst v0  }
0x18: {  	[tilespmem:$0x460] =	vst v0  }
0x19: {  	[tilespmem:$0x470] =	vst v0  }
0x1a: {  	[tilespmem:s8], [sflag:$0x3] =	stream.linear.gather [hbm4b:s4+s3], $0x280, $0x38;
	[tilespmem:$0x980] =	vst v63  }
0x1b: {  	_ =	swait.ge [sflag:s9], $0x280  }
0x1c: {  	[sflag:s9] =	ssyncset.done $0x0  }
0x1d: {  	[sflag:s9] =	ssyncadd.s32 $0xFFFFFD80  }
0x1e: {  	[spmem:s5] =	stream.linear.scatter [tilespmem:s8], [sflag:$0x3], $0x280, $0x38;
	[tilespmem:$0x980] =	vst v63  }
0x1f: {  	_ =	swait.ge [sflag:s9], $0x280  }
0x20: {  	[sflag:s9] =	ssyncset.done $0x0  }
0x21: {  	[sflag:s9] =	ssyncadd.s32 $0xFFFFFD80  }
0x22: {  	s26 =	sadd.s32 $0x0, s7;
	[bflag:$0x0] =	sbarrier.arrive $0xFFFF  }
0x23: {  	[tilespmem:s3], [sflag:$0x1] =	stream.linear.gather [hbm4b:s26+s3], $0x200, $0x38;
	[tilespmem:$0x980] =	vst v63  }
0x24: {  	s26 =	sadd.s32 $0x800, s26  }
0x25: {  	[tilespmem:s10], [sflag:$0x1] =	stream.linear.gather [hbm4b:s26+s3], $0x200, $0x38;
	[tilespmem:$0x980] =	vst v63  }
0x26: {  	_ =	swait.ge [sflag:s11], $0x200  }
0x27: {  	[sflag:s11] =	ssyncset.done $0x0  }
0x28: {  	[sflag:s11] =	ssyncadd.s32 $0xFFFFFE00  }
0x29: {  	_ =	swait.ge [sflag:s11], $0x200  }
0x2a: {  	[sflag:s11] =	ssyncset.done $0x0  }
0x2b: {  	[sflag:s11] =	ssyncadd.s32 $0xFFFFFE00  }
0x2c: {  	[spmem:s2] =	stream.indirect.scatter.add.f32 [tilespmem:s13], [sflag:$0x2], $0x1, s3, s12, $0xb8;
	[tilespmem:$0x980] =	vst v63  }
0x2d: {  	_ = 	snop  }
0x2e: {  	[spmem:s2] =	stream.indirect.scatter.add.f32 [tilespmem:s13], [sflag:$0x2], $0x1, s12, s12, $0xb8;
	[tilespmem:$0x980] =	vst v63  }
0x2f: {  	_ = 	snop  }
0x30: {  	[spmem:s2] =	stream.indirect.scatter.add.f32 [tilespmem:s13], [sflag:$0x2], $0x1, s14, s12, $0xb8;
	[tilespmem:$0x980] =	vst v63  }
0x31: {  	_ = 	snop  }
0x32: {  	[spmem:s2] =	stream.indirect.scatter.add.f32 [tilespmem:s13], [sflag:$0x2], $0x1, s15, s12, $0xb8;
	[tilespmem:$0x980] =	vst v63  }
0x33: {  	_ = 	snop  }
0x34: {  	[spmem:s2] =	stream.indirect.scatter.add.f32 [tilespmem:s13], [sflag:$0x2], $0x1, s10, s12, $0xb8;
	[tilespmem:$0x980] =	vst v63  }
0x35: {  	_ = 	snop  }
0x36: {  	[spmem:s2] =	stream.indirect.scatter.add.f32 [tilespmem:s13], [sflag:$0x2], $0x1, s16, s12, $0xb8;
	[tilespmem:$0x980] =	vst v63  }
0x37: {  	_ = 	snop  }
0x38: {  	[spmem:s2] =	stream.indirect.scatter.add.f32 [tilespmem:s13], [sflag:$0x2], $0x1, s17, s12, $0xb8;
	[tilespmem:$0x980] =	vst v63  }
0x39: {  	_ = 	snop  }
0x3a: {  	[spmem:s2] =	stream.indirect.scatter.add.f32 [tilespmem:s13], [sflag:$0x2], $0x1, s18, s12, $0xb8;
	[tilespmem:$0x980] =	vst v63  }
0x3b: {  	_ =	swait.ge [sflag:s19], $0x80  }
0x3c: {  	[sflag:s19] =	ssyncset.done $0x0  }
0x3d: {  	[sflag:s19] =	ssyncadd.s32 $0xFFFFFF80  }
0x3e: {  	_ =	swait.ge [sflag:s19], $0x80  }
0x3f: {  	[sflag:s19] =	ssyncset.done $0x0  }
0x40: {  	[sflag:s19] =	ssyncadd.s32 $0xFFFFFF80  }
0x41: {  	_ =	swait.ge [sflag:s19], $0x80  }
0x42: {  	[sflag:s19] =	ssyncset.done $0x0  }
0x43: {  	[sflag:s19] =	ssyncadd.s32 $0xFFFFFF80  }
0x44: {  	_ =	swait.ge [sflag:s19], $0x80  }
0x45: {  	[sflag:s19] =	ssyncset.done $0x0  }
0x46: {  	[sflag:s19] =	ssyncadd.s32 $0xFFFFFF80  }
0x47: {  	_ =	swait.ge [sflag:s19], $0x80  }
0x48: {  	[sflag:s19] =	ssyncset.done $0x0  }
0x49: {  	[sflag:s19] =	ssyncadd.s32 $0xFFFFFF80  }
0x4a: {  	_ =	swait.ge [sflag:s19], $0x80  }
0x4b: {  	[sflag:s19] =	ssyncset.done $0x0  }
0x4c: {  	[sflag:s19] =	ssyncadd.s32 $0xFFFFFF80  }
0x4d: {  	_ =	swait.ge [sflag:s19], $0x80  }
0x4e: {  	[sflag:s19] =	ssyncset.done $0x0  }
0x4f: {  	[sflag:s19] =	ssyncadd.s32 $0xFFFFFF80  }
0x50: {  	_ =	swait.ge [sflag:s19], $0x80  }
0x51: {  	s29 =	simm.s32 $0x2000;
	s26 =	simm.s32 $0x1000;
	[sflag:s19] =	ssyncset.done $0x0  }
.LBB2_2:
0x52: {  	s30 =	sadd.s32 s26, s7  }
0x53: {  	[sflag:s19] =	ssyncadd.s32 $0xFFFFFF80;
	s26 =	smov.u32 s29;
	s28 =	sadd.s32 $0x1000, s29  }
0x54: {  	[tilespmem:s3], [sflag:$0x1] =	stream.linear.gather [hbm4b:s30+s3], $0x200, $0x38;
	[tilespmem:$0x980] =	vst v63  }
0x55: {  	p0 =	sne.s32 s29, $0x9000;
	s29 =	sadd.s32 $0x800, s30  }
0x56: {  	[tilespmem:s10], [sflag:$0x1] =	stream.linear.gather [hbm4b:s29+s3], $0x200, $0x38;
	[tilespmem:$0x980] =	vst v63  }
0x57: {  	_ =	swait.ge [sflag:s11], $0x200  }
0x58: {  	[sflag:s11] =	ssyncset.done $0x0  }
0x59: {  	[sflag:s11] =	ssyncadd.s32 $0xFFFFFE00  }
0x5a: {  	_ =	swait.ge [sflag:s11], $0x200  }
0x5b: {  	[sflag:s11] =	ssyncset.done $0x0  }
0x5c: {  	[sflag:s11] =	ssyncadd.s32 $0xFFFFFE00  }
0x5d: {  	[spmem:s2] =	stream.indirect.scatter.add.f32 [tilespmem:s13], [sflag:$0x2], $0x1, s3, s12, $0xb8;
	[tilespmem:$0x980] =	vst v63  }
0x5e: {  	_ = 	snop  }
0x5f: {  	[spmem:s2] =	stream.indirect.scatter.add.f32 [tilespmem:s13], [sflag:$0x2], $0x1, s12, s12, $0xb8;
	[tilespmem:$0x980] =	vst v63  }
0x60: {  	_ = 	snop  }
0x61: {  	[spmem:s2] =	stream.indirect.scatter.add.f32 [tilespmem:s13], [sflag:$0x2], $0x1, s14, s12, $0xb8;
	[tilespmem:$0x980] =	vst v63  }
0x62: {  	_ = 	snop  }
0x63: {  	[spmem:s2] =	stream.indirect.scatter.add.f32 [tilespmem:s13], [sflag:$0x2], $0x1, s15, s12, $0xb8;
	[tilespmem:$0x980] =	vst v63  }
0x64: {  	_ = 	snop  }
0x65: {  	[spmem:s2] =	stream.indirect.scatter.add.f32 [tilespmem:s13], [sflag:$0x2], $0x1, s10, s12, $0xb8;
	[tilespmem:$0x980] =	vst v63  }
0x66: {  	_ = 	snop  }
0x67: {  	[spmem:s2] =	stream.indirect.scatter.add.f32 [tilespmem:s13], [sflag:$0x2], $0x1, s16, s12, $0xb8;
	[tilespmem:$0x980] =	vst v63  }
0x68: {  	_ = 	snop  }
0x69: {  	[spmem:s2] =	stream.indirect.scatter.add.f32 [tilespmem:s13], [sflag:$0x2], $0x1, s17, s12, $0xb8;
	[tilespmem:$0x980] =	vst v63  }
0x6a: {  	_ = 	snop  }
0x6b: {  	[spmem:s2] =	stream.indirect.scatter.add.f32 [tilespmem:s13], [sflag:$0x2], $0x1, s18, s12, $0xb8;
	[tilespmem:$0x980] =	vst v63  }
0x6c: {  	_ =	swait.ge [sflag:s19], $0x80  }
0x6d: {  	[sflag:s19] =	ssyncset.done $0x0  }
0x6e: {  	[sflag:s19] =	ssyncadd.s32 $0xFFFFFF80  }
0x6f: {  	_ =	swait.ge [sflag:s19], $0x80  }
0x70: {  	[sflag:s19] =	ssyncset.done $0x0  }
0x71: {  	[sflag:s19] =	ssyncadd.s32 $0xFFFFFF80  }
0x72: {  	_ =	swait.ge [sflag:s19], $0x80  }
0x73: {  	[sflag:s19] =	ssyncset.done $0x0  }
0x74: {  	[sflag:s19] =	ssyncadd.s32 $0xFFFFFF80  }
0x75: {  	_ =	swait.ge [sflag:s19], $0x80  }
0x76: {  	[sflag:s19] =	ssyncset.done $0x0  }
0x77: {  	[sflag:s19] =	ssyncadd.s32 $0xFFFFFF80  }
0x78: {  	_ =	swait.ge [sflag:s19], $0x80  }
0x79: {  	[sflag:s19] =	ssyncset.done $0x0  }
0x7a: {  	[sflag:s19] =	ssyncadd.s32 $0xFFFFFF80  }
0x7b: {  	_ =	swait.ge [sflag:s19], $0x80  }
0x7c: {  	[sflag:s19] =	ssyncset.done $0x0  }
0x7d: {  	[sflag:s19] =	ssyncadd.s32 $0xFFFFFF80  }
.Ltmp0:
0x7e: {  	_ =	swait.ge [sflag:s19], $0x80;
	(pc) =	sbr.rel @p0 .LBB2_2-.Ltmp0, $4  }
0x7f: {  	[sflag:s19] =	ssyncset.done $0x0  }
0x80: {  	[sflag:s19] =	ssyncadd.s32 $0xFFFFFF80  }
0x81: {  	_ =	swait.ge [sflag:s19], $0x80  }
0x82: {  	s29 =	smov.u32 s28;
	[sflag:s19] =	ssyncset.done $0x0  }
0x83: {  	s26 =	sadd.s32 s26, s7;
	[sflag:s19] =	ssyncadd.s32 $0xFFFFFF80  }
0x84: {  	[tilespmem:s3], [sflag:$0x1] =	stream.linear.gather [hbm4b:s26+s3], $0x200, $0x38;
	[tilespmem:$0x980] =	vst v63  }
0x85: {  	s26 =	sadd.s32 $0x800, s26  }
0x86: {  	[tilespmem:s10], [sflag:$0x1] =	stream.linear.gather [hbm4b:s26+s3], $0x200, $0x38;
	[tilespmem:$0x980] =	vst v63  }
0x87: {  	_ =	swait.ge [sflag:s11], $0x200  }
0x88: {  	[sflag:s11] =	ssyncset.done $0x0  }
0x89: {  	[sflag:s11] =	ssyncadd.s32 $0xFFFFFE00  }
0x8a: {  	_ =	swait.ge [sflag:s11], $0x200  }
0x8b: {  	[sflag:s11] =	ssyncset.done $0x0  }
0x8c: {  	[sflag:s11] =	ssyncadd.s32 $0xFFFFFE00  }
0x8d: {  	[spmem:s2] =	stream.indirect.scatter.add.f32 [tilespmem:s13], [sflag:$0x2], $0x1, s3, s12, $0xb8;
	[tilespmem:$0x980] =	vst v63  }
0x8e: {  	_ = 	snop  }
0x8f: {  	[spmem:s2] =	stream.indirect.scatter.add.f32 [tilespmem:s13], [sflag:$0x2], $0x1, s12, s12, $0xb8;
	[tilespmem:$0x980] =	vst v63  }
0x90: {  	_ = 	snop  }
0x91: {  	[spmem:s2] =	stream.indirect.scatter.add.f32 [tilespmem:s13], [sflag:$0x2], $0x1, s14, s12, $0xb8;
	[tilespmem:$0x980] =	vst v63  }
0x92: {  	_ = 	snop  }
0x93: {  	[spmem:s2] =	stream.indirect.scatter.add.f32 [tilespmem:s13], [sflag:$0x2], $0x1, s15, s12, $0xb8;
	[tilespmem:$0x980] =	vst v63  }
0x94: {  	_ = 	snop  }
0x95: {  	[spmem:s2] =	stream.indirect.scatter.add.f32 [tilespmem:s13], [sflag:$0x2], $0x1, s10, s12, $0xb8;
	[tilespmem:$0x980] =	vst v63  }
0x96: {  	_ = 	snop  }
0x97: {  	[spmem:s2] =	stream.indirect.scatter.add.f32 [tilespmem:s13], [sflag:$0x2], $0x1, s16, s12, $0xb8;
	[tilespmem:$0x980] =	vst v63  }
0x98: {  	_ = 	snop  }
0x99: {  	[spmem:s2] =	stream.indirect.scatter.add.f32 [tilespmem:s13], [sflag:$0x2], $0x1, s17, s12, $0xb8;
	[tilespmem:$0x980] =	vst v63  }
0x9a: {  	_ = 	snop  }
0x9b: {  	[spmem:s2] =	stream.indirect.scatter.add.f32 [tilespmem:s13], [sflag:$0x2], $0x1, s18, s12, $0xb8;
	[tilespmem:$0x980] =	vst v63  }
0x9c: {  	_ =	swait.ge [sflag:s19], $0x80  }
0x9d: {  	[sflag:s19] =	ssyncset.done $0x0  }
0x9e: {  	[sflag:s19] =	ssyncadd.s32 $0xFFFFFF80  }
0x9f: {  	_ =	swait.ge [sflag:s19], $0x80  }
0xa0: {  	[sflag:s19] =	ssyncset.done $0x0  }
0xa1: {  	[sflag:s19] =	ssyncadd.s32 $0xFFFFFF80  }
0xa2: {  	_ =	swait.ge [sflag:s19], $0x80  }
0xa3: {  	[sflag:s19] =	ssyncset.done $0x0  }
0xa4: {  	[sflag:s19] =	ssyncadd.s32 $0xFFFFFF80  }
0xa5: {  	_ =	swait.ge [sflag:s19], $0x80  }
0xa6: {  	[sflag:s19] =	ssyncset.done $0x0  }
0xa7: {  	[sflag:s19] =	ssyncadd.s32 $0xFFFFFF80  }
0xa8: {  	_ =	swait.ge [sflag:s19], $0x80  }
0xa9: {  	[sflag:s19] =	ssyncset.done $0x0  }
0xaa: {  	[sflag:s19] =	ssyncadd.s32 $0xFFFFFF80  }
0xab: {  	_ =	swait.ge [sflag:s19], $0x80  }
0xac: {  	[sflag:s19] =	ssyncset.done $0x0  }
0xad: {  	[sflag:s19] =	ssyncadd.s32 $0xFFFFFF80  }
0xae: {  	_ =	swait.ge [sflag:s19], $0x80  }
0xaf: {  	[sflag:s19] =	ssyncset.done $0x0  }
0xb0: {  	[sflag:s19] =	ssyncadd.s32 $0xFFFFFF80  }
0xb1: {  	_ =	swait.ge [sflag:s19], $0x80  }
0xb2: {  	s25 =	sadd.s32 $0x1, s25;
	[sflag:s19] =	ssyncset.done $0x0  }
0xb3: {  	p0 =	sne.s32 s25, s6;
	[sflag:s19] =	ssyncadd.s32 $0xFFFFFF80  }
.Ltmp1:
0xb4: {  	[bflag:$0x0] =	sbarrier.arrive $0xFFFF;
	(pc) =	sbr.rel @p0 .LBB2_1-.Ltmp1, $4  }
0xb5: {  	[hbm:s20@s23], [sflag:s21] =	dma.strided [spmem:s22@s24], $0x50, s11, $0x10   }
0xb6: {  	_ =	swait.ge [sflag:s9], $0x50  }
0xb7: {  	[sflag:s9] =	ssyncset.done $0x0  }
0xb8: {  	[sflag:s9] =	ssyncadd.s32 $0xFFFFFFB0  }
0xb9: {  	_ =	sfence.sel $0x180000  }
0xba: {  	[bflag:$0x0] =	sbarrier.arrive $0xFFFF  }
0xbb: {  	p0 =	sne.s32 s1, $0x0;
	_ =	strace $0x90000047  }
0xbc: {  	s0 =	sadd.s32 @!p0 $0x100000, s0;
	[bflag:$0x2] =	sbarrier.arrive $0xFFFF  }
0xbd: {  	[sflag:s0] =	ssyncadd.tile.s32 @!p0 $0x1;
	_ =	shalt  }
.Lfunc_end2:
_tile_overlayer_lowered:
.L_overlay_start_2:
0xbe: {  	(tag) =	ssettag $0x2  }
0xbf: {  	s0 =	rddreg [dreg:$0x0];
	s2 =	stileid.u32  }
0xc0: {  	s1 =	rddreg [dreg:$0x1];
	p0 =	sne.s32 s2, $0x0  }
0xc1: {  	s3 =	rddreg [dreg:$0x2];
	[bflag:$0x3] =	sbarrier.arrive $0xFFFF;
	s2 =	simm.s32 @!p0 $0x1C03  }
0xc2: {  	[timem:s3], [sflag:s2] =	dma.local @!p0 [hbm:s0], s1  }
0xc3: {  	s0 =	simm.s32 @!p0 $0x3  }
0xc4: {  	_ =	swait.ge @!p0 [sflag:s0], s1  }
0xc5: {  	s1 =	ssub.s32 @!p0 $0x0, s1;
	[sflag:s0] =	ssyncset.done @!p0 $0x0  }
0xc6: {  	[sflag:s0] =	ssyncadd.s32 @!p0 s1  }
0xc7: {  	[bflag:$0x3] =	sbarrier.arrive $0xFFFF  }
0xc8: {  	_ =	shalt  }

</sc_bundles>
